<compile_context>
chip_gen: v7x
topology: tpu7x:2x2x1
jax: 0.10.2.dev20260603
libtpu: 0.0.44.dev20260713+nightly
codegen_flags: <defaults>
</compile_context>

<pallas_src>
import functools

import jax
import jax.numpy as jnp
from jax import lax
from jax.experimental import pallas as pl
from jax.experimental.pallas import tpu as pltpu
from jax.experimental.pallas import tpu_sc as plsc

NUM_LEVELS = 5
C = 8
LEVELS = (16, 32, 64, 128, 256)
B = 1048576
NCORES = 2
NSUB = 16
NW = NCORES * NSUB
NPW = B // NW
NC = 512
NCHUNKS = NPW // NC
OUTW = NUM_LEVELS * C
PW = 2 * C


def _tec_body(x_h, y_h, z_h, t0, t1, t2, t3, t4, out,
              x_b, y_b, z_b, u_b, v_b, valid_b,
              fp0, fp1, fp2, fp3, fp4, fq0, fq1, fq2, fq3, fq4,
              face_b, i0, i1, i2, i3, i4, j0, j1, j2, j3, j4,
              gt0, gt1, gt2, gt3, gt4, gb0, gb1, gb2, gb3, gb4, outc,
              st0, st1, st2, st3, st4, sb0, sb1, sb2, sb3, sb4):
    tabs = (t0, t1, t2, t3, t4)
    fps = (fp0, fp1, fp2, fp3, fp4)
    fqs = (fq0, fq1, fq2, fq3, fq4)
    ibs = (i0, i1, i2, i3, i4)
    jbs = (j0, j1, j2, j3, j4)
    gts = (gt0, gt1, gt2, gt3, gt4)
    gbs = (gb0, gb1, gb2, gb3, gb4)
    sts = (st0, st1, st2, st3, st4)
    sbs = (sb0, sb1, sb2, sb3, sb4)
    wid = lax.axis_index("s") * NCORES + lax.axis_index("c")
    base = wid * NPW

    iota = lax.iota(jnp.int32, 16)
    hif = (iota >> 3).astype(jnp.float32)
    sgn = 1.0 - 2.0 * hif
    rot = (iota ^ 8).reshape(16, 1)
    rot_dnums = lax.GatherDimensionNumbers(
        offset_dims=(), collapsed_slice_dims=(0,), start_index_map=(0,))

    def chunk_body(ci, carry):
        cb = base + ci * NC
        pltpu.sync_copy(x_h.at[pl.ds(cb, NC)], x_b)
        pltpu.sync_copy(y_h.at[pl.ds(cb, NC)], y_b)
        pltpu.sync_copy(z_h.at[pl.ds(cb, NC)], z_b)

        def pass_a(j, c):
            s = j * 16
            x = x_b[pl.ds(s, 16)]
            y = y_b[pl.ds(s, 16)]
            z = z_b[pl.ds(s, 16)]
            ax, ay, az = jnp.abs(x), jnp.abs(y), jnp.abs(z)
            ma = jnp.maximum(jnp.maximum(ax, ay), az)
            gxy = jnp.where(ax >= ay, 1.0, 0.0)
            gxz = jnp.where(ax >= az, 1.0, 0.0)
            gyz = jnp.where(ay >= az, 1.0, 0.0)
            xp = jnp.where(x > 0.0, 1.0, 0.0)
            yp = jnp.where(y > 0.0, 1.0, 0.0)
            zp = jnp.where(z > 0.0, 1.0, 0.0)
            fx = gxy * gxz
            fy = (1.0 - fx) * gyz
            fz = 1.0 - fx - fy
            face_f = fx * (1.0 - xp) + fy * (3.0 - yp) + fz * (5.0 - zp)
            sc = fx * z * (1.0 - 2.0 * xp) + fy * x + fz * x * (2.0 * zp - 1.0)
            tc = fy * z * (2.0 * yp - 1.0) - (1.0 - fy) * y
            vm = jnp.where(ma > 0.0, 1.0, 0.0)
            inv = 1.0 / (ma + (1.0 - vm))
            u_b[pl.ds(s, 16)] = 0.5 * (sc * inv + 1.0)
            v_b[pl.ds(s, 16)] = 0.5 * (tc * inv + 1.0)
            face_b[pl.ds(s, 16)] = face_f.astype(jnp.int32)
            valid_b[pl.ds(s, 16)] = vm
            return c

        lax.fori_loop(0, NC // 16, pass_a, 0)

        copies = []
        for lvl in range(NUM_LEVELS):
            L = LEVELS[lvl]
            fvrow = 6 * L * L

            def pass_b(j, c, lvl=lvl, L=L, fvrow=fvrow):
                s = j * 16
                face = face_b[pl.ds(s, 16)]
                vm = valid_b[pl.ds(s, 16)]
                p = u_b[pl.ds(s, 16)] * float(L) - 0.5
                q = v_b[pl.ds(s, 16)] * float(L) - 0.5
                p0 = (p + 1.0).astype(jnp.int32) - 1
                q0 = (q + 1.0).astype(jnp.int32) - 1
                xb = jnp.maximum(jnp.minimum(p0, L - 2), 0)
                yb = jnp.maximum(jnp.minimum(q0, L - 2), 0)
                fp = p - xb.astype(jnp.float32)
                fq = q - yb.astype(jnp.float32)
                fps[lvl][pl.ds(s, 16)] = jnp.maximum(jnp.minimum(fp, 1.0), 0.0)
                fqs[lvl][pl.ds(s, 16)] = jnp.maximum(jnp.minimum(fq, 1.0), 0.0)
                r0 = face * (L * L) + yb * L + xb
                rt = jnp.where(vm > 0.5, r0, fvrow)
                ibs[lvl][pl.ds(s, 16)] = rt
                jbs[lvl][pl.ds(s, 16)] = rt + L
                return c

            lax.fori_loop(0, NC // 16, pass_b, 0)
            copies.append(
                pltpu.async_copy(tabs[lvl].at[ibs[lvl]], gts[lvl], sts[lvl]))
            copies.append(
                pltpu.async_copy(tabs[lvl].at[jbs[lvl]], gbs[lvl], sbs[lvl]))

        for lvl in range(NUM_LEVELS):
            copies[2 * lvl].wait()
            copies[2 * lvl + 1].wait()
            gt = gts[lvl]
            gb = gbs[lvl]

            def pass_c(jo, c, lvl=lvl, gt=gt, gb=gb):
                s = jo * 16
                wp16 = fps[lvl][pl.ds(s, 16)]
                wq16 = fqs[lvl][pl.ds(s, 16)]
                for jj in range(16):
                    j = s + jj
                    tv = gt[j, pl.ds(0, 16)]
                    bv = gb[j, pl.ds(0, 16)]
                    wq = jnp.broadcast_to(wq16[jj], (16,))
                    t = tv + (bv - tv) * wq
                    r = lax.gather(
                        t, rot, rot_dnums, slice_sizes=(1,),
                        mode=lax.GatherScatterMode.PROMISE_IN_BOUNDS)
                    a = jnp.broadcast_to(wp16[jj], (16,))
                    wb = hif + sgn * a
                    o = t + (r - t) * wb
                    outc[j, pl.ds(lvl * C, 16)] = o
                return c

            lax.fori_loop(0, NC // 16, pass_c, 0)

        pltpu.sync_copy(outc.at[:, pl.ds(0, OUTW)],
                        out.at[pl.ds(cb, NC), :])
        return carry

    lax.fori_loop(0, NCHUNKS, chunk_body, 0)


def kernel(inputs, params0, params1, params2, params3, params4, fail_value):
    xt = inputs.T
    x_h, y_h, z_h = xt[0], xt[1], xt[2]
    tabs = []
    for prm, L in zip((params0, params1, params2, params3, params4), LEVELS):
        F, Ch, _, _ = prm.shape
        d = jnp.transpose(prm, (0, 2, 3, 1)).reshape(F * L * L, Ch)
        pair = jnp.concatenate([d, jnp.roll(d, -1, axis=0)], axis=1)
        pad = jnp.tile(jnp.concatenate([fail_value, fail_value])[None, :],
                       (L + 2, 1))
        tabs.append(jnp.concatenate([pair, pad], axis=0))

    mesh = plsc.VectorSubcoreMesh(core_axis_name="c", subcore_axis_name="s")
    run = functools.partial(
        pl.kernel,
        mesh=mesh,
        compiler_params=pltpu.CompilerParams(use_tc_tiling_on_sc=False),
        out_type=jax.ShapeDtypeStruct((B, OUTW), jnp.float32),
        scratch_types=[
            pltpu.VMEM((NC,), jnp.float32),
            pltpu.VMEM((NC,), jnp.float32),
            pltpu.VMEM((NC,), jnp.float32),
            pltpu.VMEM((NC,), jnp.float32),
            pltpu.VMEM((NC,), jnp.float32),
            pltpu.VMEM((NC,), jnp.float32),
        ] + [pltpu.VMEM((NC,), jnp.float32) for _ in range(NUM_LEVELS)]
          + [pltpu.VMEM((NC,), jnp.float32) for _ in range(NUM_LEVELS)]
          + [pltpu.VMEM((NC,), jnp.int32)]
          + [pltpu.VMEM((NC,), jnp.int32) for _ in range(NUM_LEVELS)]
          + [pltpu.VMEM((NC,), jnp.int32) for _ in range(NUM_LEVELS)]
          + [pltpu.VMEM((NC, PW), jnp.float32) for _ in range(NUM_LEVELS)]
          + [pltpu.VMEM((NC, PW), jnp.float32) for _ in range(NUM_LEVELS)]
          + [pltpu.VMEM((NC, OUTW + C), jnp.float32)]
          + [pltpu.SemaphoreType.DMA for _ in range(2 * NUM_LEVELS)],
    )(_tec_body)
    return run(x_h, y_h, z_h, tabs[0], tabs[1], tabs[2], tabs[3], tabs[4])

# --- scband reference (transcript-rebuilt; emitter-appended) ---
"""Pipeline reference for scband-mip-cubemap-encoder-85074712199702 (READ-ONLY COPY).

The authoritative reference and input builder live on the scoring server;
editing this copy changes nothing except your own understanding.
"""

import jax, jax.numpy as jnp
import numpy as np

NUM_LEVELS = 5
LEVEL_DIM = 8
BASE_RES = 16
PER_LEVEL_SCALE = 2
B = 1048576


def _level_res():
    res = []
    L = float(BASE_RES)
    for _ in range(NUM_LEVELS):
        res.append(int(np.ceil(L)))
        L = L * PER_LEVEL_SCALE
    return res


def _cubemap_encode_level(inputs, emb, fail_value):
    # inputs: [B,3], emb: [6,C,L,L], fail_value: [C] -> out [B,C]
    F, C, L, _ = emb.shape
    x, y, z = inputs[:, 0], inputs[:, 1], inputs[:, 2]
    ax, ay, az = jnp.abs(x), jnp.abs(y), jnp.abs(z)
    ma = jnp.maximum(jnp.maximum(ax, ay), az)
    is_x = (ax >= ay) & (ax >= az)
    is_y = (~is_x) & (ay >= az)
    face = jnp.where(is_x, jnp.where(x > 0, 0, 1),
                     jnp.where(is_y, jnp.where(y > 0, 2, 3),
                               jnp.where(z > 0, 4, 5))).astype(jnp.int32)
    sc = jnp.where(is_x, jnp.where(x > 0, -z, z),
                   jnp.where(is_y, x, jnp.where(z > 0, x, -x)))
    tc = jnp.where(is_x, -y, jnp.where(is_y, jnp.where(y > 0, z, -z), -y))
    ma_safe = jnp.where(ma > 0, ma, 1.0)
    u = 0.5 * (sc / ma_safe + 1.0)
    v = 0.5 * (tc / ma_safe + 1.0)
    # bilinear interpolation with texel centers, edge-clamped
    p = u * L - 0.5
    q = v * L - 0.5
    p0 = jnp.floor(p)
    q0 = jnp.floor(q)
    fp = p - p0
    fq = q - q0
    x0 = jnp.clip(p0, 0, L - 1).astype(jnp.int32)
    x1 = jnp.clip(p0 + 1, 0, L - 1).astype(jnp.int32)
    y0 = jnp.clip(q0, 0, L - 1).astype(jnp.int32)
    y1 = jnp.clip(q0 + 1, 0, L - 1).astype(jnp.int32)
    emb_t = jnp.transpose(emb, (0, 2, 3, 1)).reshape(F * L * L, C)
    base = face * (L * L)

    def g(yy, xx):
        return jnp.take(emb_t, base + yy * L + xx, axis=0)

    w00 = ((1 - fp) * (1 - fq))[:, None]
    w10 = (fp * (1 - fq))[:, None]
    w01 = ((1 - fp) * fq)[:, None]
    w11 = (fp * fq)[:, None]
    out = g(y0, x0) * w00 + g(y0, x1) * w10 + g(y1, x0) * w01 + g(y1, x1) * w11
    valid = (ma > 0)[:, None]
    out = jnp.where(valid, out, fail_value[None, :])
    return out


def setup_inputs(seed: int = 0) -> dict:
    key = jax.random.key(seed)
    ks = jax.random.split(key, NUM_LEVELS + 2)
    inputs = jax.random.normal(ks[0], (B, 3), dtype=jnp.float32)
    d = {"inputs": inputs}
    std = 1e-4
    for i, L in enumerate(_level_res()):
        d[f"params{i}"] = jax.random.uniform(ks[i + 1], (6, LEVEL_DIM, L, L),
                                               dtype=jnp.float32, minval=-std, maxval=std)
    d["fail_value"] = jnp.zeros((LEVEL_DIM,), dtype=jnp.float32)
    return d


def reference(inputs, params0, params1, params2, params3, params4, fail_value):
    params = [params0, params1, params2, params3, params4]
    outs = [_cubemap_encode_level(inputs, p, fail_value) for p in params]
    # torch: cat over channel dim then permute -> [B, num_levels*C]
    return jnp.concatenate(outs, axis=1)

if __name__ == "__main__":
    import jax
    _d = setup_inputs()
    print(jax.jit(kernel)(*tuple(_d.values())))

</pallas_src>

<mosaic_0001>
#map = affine_map<(d0, d1) -> (0)>
#map1 = affine_map<(d0, d1) -> (0, 0)>
module attributes {stable_mosaic.version = 14 : i64} {
  func.func @_tec_body(%arg0: i32, %arg1: i32, %arg2: memref<1048576xf32, #tpu.memory_space<hbm>>, %arg3: memref<1048576xf32, #tpu.memory_space<hbm>>, %arg4: memref<1048576xf32, #tpu.memory_space<hbm>>, %arg5: memref<1554x16xf32, #tpu.memory_space<hbm>>, %arg6: memref<6178x16xf32, #tpu.memory_space<hbm>>, %arg7: memref<24642x16xf32, #tpu.memory_space<hbm>>, %arg8: memref<98434x16xf32, #tpu.memory_space<hbm>>, %arg9: memref<393474x16xf32, #tpu.memory_space<hbm>>, %arg10: memref<1048576x40xf32, #tpu.memory_space<hbm>>, %arg11: memref<512xf32, #tpu.memory_space<vmem>>, %arg12: memref<512xf32, #tpu.memory_space<vmem>>, %arg13: memref<512xf32, #tpu.memory_space<vmem>>, %arg14: memref<512xf32, #tpu.memory_space<vmem>>, %arg15: memref<512xf32, #tpu.memory_space<vmem>>, %arg16: memref<512xf32, #tpu.memory_space<vmem>>, %arg17: memref<512xf32, #tpu.memory_space<vmem>>, %arg18: memref<512xf32, #tpu.memory_space<vmem>>, %arg19: memref<512xf32, #tpu.memory_space<vmem>>, %arg20: memref<512xf32, #tpu.memory_space<vmem>>, %arg21: memref<512xf32, #tpu.memory_space<vmem>>, %arg22: memref<512xf32, #tpu.memory_space<vmem>>, %arg23: memref<512xf32, #tpu.memory_space<vmem>>, %arg24: memref<512xf32, #tpu.memory_space<vmem>>, %arg25: memref<512xf32, #tpu.memory_space<vmem>>, %arg26: memref<512xf32, #tpu.memory_space<vmem>>, %arg27: memref<512xi32, #tpu.memory_space<vmem>>, %arg28: memref<512xi32, #tpu.memory_space<vmem>>, %arg29: memref<512xi32, #tpu.memory_space<vmem>>, %arg30: memref<512xi32, #tpu.memory_space<vmem>>, %arg31: memref<512xi32, #tpu.memory_space<vmem>>, %arg32: memref<512xi32, #tpu.memory_space<vmem>>, %arg33: memref<512xi32, #tpu.memory_space<vmem>>, %arg34: memref<512xi32, #tpu.memory_space<vmem>>, %arg35: memref<512xi32, #tpu.memory_space<vmem>>, %arg36: memref<512xi32, #tpu.memory_space<vmem>>, %arg37: memref<512xi32, #tpu.memory_space<vmem>>, %arg38: memref<512x16xf32, #tpu.memory_space<vmem>>, %arg39: memref<512x16xf32, #tpu.memory_space<vmem>>, %arg40: memref<512x16xf32, #tpu.memory_space<vmem>>, %arg41: memref<512x16xf32, #tpu.memory_space<vmem>>, %arg42: memref<512x16xf32, #tpu.memory_space<vmem>>, %arg43: memref<512x16xf32, #tpu.memory_space<vmem>>, %arg44: memref<512x16xf32, #tpu.memory_space<vmem>>, %arg45: memref<512x16xf32, #tpu.memory_space<vmem>>, %arg46: memref<512x16xf32, #tpu.memory_space<vmem>>, %arg47: memref<512x16xf32, #tpu.memory_space<vmem>>, %arg48: memref<512x48xf32, #tpu.memory_space<vmem>>, %arg49: memref<!tpu.dma_semaphore, #tpu.memory_space<semaphore_mem>>, %arg50: memref<!tpu.dma_semaphore, #tpu.memory_space<semaphore_mem>>, %arg51: memref<!tpu.dma_semaphore, #tpu.memory_space<semaphore_mem>>, %arg52: memref<!tpu.dma_semaphore, #tpu.memory_space<semaphore_mem>>, %arg53: memref<!tpu.dma_semaphore, #tpu.memory_space<semaphore_mem>>, %arg54: memref<!tpu.dma_semaphore, #tpu.memory_space<semaphore_mem>>, %arg55: memref<!tpu.dma_semaphore, #tpu.memory_space<semaphore_mem>>, %arg56: memref<!tpu.dma_semaphore, #tpu.memory_space<semaphore_mem>>, %arg57: memref<!tpu.dma_semaphore, #tpu.memory_space<semaphore_mem>>, %arg58: memref<!tpu.dma_semaphore, #tpu.memory_space<semaphore_mem>>) attributes {dimension_semantics = [#tpu.dimension_semantics<core_parallel>, #tpu.dimension_semantics<subcore_parallel>], iteration_bounds = array<i64: 2, 16>, scalar_prefetch = 0 : i64, scratch_operands = 48 : i64, tpu.core_type = #tpu.core_type<sc_vector_subcore>, window_params = [{transform_indices = #map}, {transform_indices = #map}, {transform_indices = #map}, {transform_indices = #map1}, {transform_indices = #map1}, {transform_indices = #map1}, {transform_indices = #map1}, {transform_indices = #map1}, {transform_indices = #map1}]} {
    %mul3A = arith.constant 2 : i32
    %mul3A_0 = arith.muli %arg1, %mul3A : i32
    %add3A = arith.addi %mul3A_0, %arg0 : i32
    %mul3A_1 = arith.constant 32768 : i32
    %mul3A_2 = arith.muli %add3A, %mul3A_1 : i32
    %iota3A = tpu.iota {dimensions = array<i32: 0>} : vector<16xi32>
    %shift_right_arithmetic3A = arith.constant 3 : i32
    %shift_right_arithmetic3A_3 = vector.broadcast %shift_right_arithmetic3A : i32 to vector<16xi32>
    %shift_right_arithmetic3A_4 = arith.shrsi %iota3A, %shift_right_arithmetic3A_3 : vector<16xi32>
    %convert_element_type3A = arith.sitofp %shift_right_arithmetic3A_4 : vector<16xi32> to vector<16xf32>
    %mul3A_5 = arith.constant 2.000000e+00 : f32
    %mul3A_6 = vector.broadcast %mul3A_5 : f32 to vector<16xf32>
    %mul3A_7 = arith.mulf %mul3A_6, %convert_element_type3A : vector<16xf32>
    %sub3A = arith.constant 1.000000e+00 : f32
    %sub3A_8 = vector.broadcast %sub3A : f32 to vector<16xf32>
    %sub3A_9 = arith.subf %sub3A_8, %mul3A_7 : vector<16xf32>
    %xor3A = arith.constant 8 : i32
    %xor3A_10 = vector.broadcast %xor3A : i32 to vector<16xi32>
    %xor3A_11 = arith.xori %iota3A, %xor3A_10 : vector<16xi32>
    %reshape3A = vector.shape_cast %xor3A_11 : vector<16xi32> to vector<16x1xi32>
    %scan3A = arith.constant 0 : i32
    %scan3A_12 = arith.constant 0 : i32
    %scan3A_13 = arith.constant 64 : i32
    %scan3A_14 = arith.addi %scan3A_12, %scan3A_13 : i32
    %scan3A_15 = arith.constant 1 : i32
    scf.for %scan3A_17 = %scan3A_12 to %scan3A_14 step %scan3A_15  : i32 {
      %mul3A_18 = arith.constant 512 : i32
      %mul3A_19 = arith.muli %scan3A_17, %mul3A_18 : i32
      %add3A_20 = arith.addi %mul3A_2, %mul3A_19 : i32
      "tpu.region"() ({
        %run_scoped3A = tpu.sem_alloc : memref<!tpu.dma_semaphore, #tpu.memory_space<semaphore_mem>>
        %dma_start3A_145 = tpu.memref_slice %arg2[%add3A_20] : memref<1048576xf32, #tpu.memory_space<hbm>> -> memref<512xf32, #tpu.memory_space<hbm>>
        %dma_start3A_146 = tpu.memref_slice %arg2[%add3A_20] : memref<1048576xf32, #tpu.memory_space<hbm>> -> memref<512xf32, #tpu.memory_space<hbm>>
        tpu.enqueue_dma source(%dma_start3A_146 : memref<512xf32, #tpu.memory_space<hbm>>) target(%arg11 : memref<512xf32, #tpu.memory_space<vmem>>) target_semaphore(%run_scoped3A : memref<!tpu.dma_semaphore, #tpu.memory_space<semaphore_mem>>)
        %dma_wait3A_147 = tpu.memref_slice %arg2[%add3A_20] : memref<1048576xf32, #tpu.memory_space<hbm>> -> memref<512xf32, #tpu.memory_space<hbm>>
        %dma_wait3A_148 = tpu.memref_slice %arg2[%add3A_20] : memref<1048576xf32, #tpu.memory_space<hbm>> -> memref<512xf32, #tpu.memory_space<hbm>>
        tpu.wait_dma2 semaphore(%run_scoped3A : memref<!tpu.dma_semaphore, #tpu.memory_space<semaphore_mem>>) src(%dma_wait3A_148 : memref<512xf32, #tpu.memory_space<hbm>>) dst(%arg11 : memref<512xf32, #tpu.memory_space<vmem>>)
        tpu.yield
      }) : () -> ()
      "tpu.region"() ({
        %run_scoped3A = tpu.sem_alloc : memref<!tpu.dma_semaphore, #tpu.memory_space<semaphore_mem>>
        %dma_start3A_145 = tpu.memref_slice %arg3[%add3A_20] : memref<1048576xf32, #tpu.memory_space<hbm>> -> memref<512xf32, #tpu.memory_space<hbm>>
        %dma_start3A_146 = tpu.memref_slice %arg3[%add3A_20] : memref<1048576xf32, #tpu.memory_space<hbm>> -> memref<512xf32, #tpu.memory_space<hbm>>
        tpu.enqueue_dma source(%dma_start3A_146 : memref<512xf32, #tpu.memory_space<hbm>>) target(%arg12 : memref<512xf32, #tpu.memory_space<vmem>>) target_semaphore(%run_scoped3A : memref<!tpu.dma_semaphore, #tpu.memory_space<semaphore_mem>>)
        %dma_wait3A_147 = tpu.memref_slice %arg3[%add3A_20] : memref<1048576xf32, #tpu.memory_space<hbm>> -> memref<512xf32, #tpu.memory_space<hbm>>
        %dma_wait3A_148 = tpu.memref_slice %arg3[%add3A_20] : memref<1048576xf32, #tpu.memory_space<hbm>> -> memref<512xf32, #tpu.memory_space<hbm>>
        tpu.wait_dma2 semaphore(%run_scoped3A : memref<!tpu.dma_semaphore, #tpu.memory_space<semaphore_mem>>) src(%dma_wait3A_148 : memref<512xf32, #tpu.memory_space<hbm>>) dst(%arg12 : memref<512xf32, #tpu.memory_space<vmem>>)
        tpu.yield
      }) : () -> ()
      "tpu.region"() ({
        %run_scoped3A = tpu.sem_alloc : memref<!tpu.dma_semaphore, #tpu.memory_space<semaphore_mem>>
        %dma_start3A_145 = tpu.memref_slice %arg4[%add3A_20] : memref<1048576xf32, #tpu.memory_space<hbm>> -> memref<512xf32, #tpu.memory_space<hbm>>
        %dma_start3A_146 = tpu.memref_slice %arg4[%add3A_20] : memref<1048576xf32, #tpu.memory_space<hbm>> -> memref<512xf32, #tpu.memory_space<hbm>>
        tpu.enqueue_dma source(%dma_start3A_146 : memref<512xf32, #tpu.memory_space<hbm>>) target(%arg13 : memref<512xf32, #tpu.memory_space<vmem>>) target_semaphore(%run_scoped3A : memref<!tpu.dma_semaphore, #tpu.memory_space<semaphore_mem>>)
        %dma_wait3A_147 = tpu.memref_slice %arg4[%add3A_20] : memref<1048576xf32, #tpu.memory_space<hbm>> -> memref<512xf32, #tpu.memory_space<hbm>>
        %dma_wait3A_148 = tpu.memref_slice %arg4[%add3A_20] : memref<1048576xf32, #tpu.memory_space<hbm>> -> memref<512xf32, #tpu.memory_space<hbm>>
        tpu.wait_dma2 semaphore(%run_scoped3A : memref<!tpu.dma_semaphore, #tpu.memory_space<semaphore_mem>>) src(%dma_wait3A_148 : memref<512xf32, #tpu.memory_space<hbm>>) dst(%arg13 : memref<512xf32, #tpu.memory_space<vmem>>)
        tpu.yield
      }) : () -> ()
      %scan3A_21 = arith.constant 0 : i32
      %scan3A_22 = arith.constant 0 : i32
      %scan3A_23 = arith.constant 32 : i32
      %scan3A_24 = arith.addi %scan3A_22, %scan3A_23 : i32
      %scan3A_25 = arith.constant 1 : i32
      scf.for %scan3A_145 = %scan3A_22 to %scan3A_24 step %scan3A_25  : i32 {
        %mul3A_146 = arith.constant 16 : i32
        %mul3A_147 = arith.muli %scan3A_145, %mul3A_146 : i32
        %get3A = arith.index_cast %mul3A_147 : i32 to index
        %get3A_148 = tpu.vector_load %arg11[%get3A] {strides = array<i32>} : memref<512xf32, #tpu.memory_space<vmem>>, vector<16xf32>,
        %get3A_149 = vector.shape_cast %get3A_148 : vector<16xf32> to vector<16xf32>
        %get3A_150 = arith.index_cast %mul3A_147 : i32 to index
        %get3A_151 = tpu.vector_load %arg12[%get3A_150] {strides = array<i32>} : memref<512xf32, #tpu.memory_space<vmem>>, vector<16xf32>,
        %get3A_152 = vector.shape_cast %get3A_151 : vector<16xf32> to vector<16xf32>
        %get3A_153 = arith.index_cast %mul3A_147 : i32 to index
        %get3A_154 = tpu.vector_load %arg13[%get3A_153] {strides = array<i32>} : memref<512xf32, #tpu.memory_space<vmem>>, vector<16xf32>,
        %get3A_155 = vector.shape_cast %get3A_154 : vector<16xf32> to vector<16xf32>
        %abs3A = math.absf %get3A_149 : vector<16xf32>
        %abs3A_156 = math.absf %get3A_152 : vector<16xf32>
        %abs3A_157 = math.absf %get3A_155 : vector<16xf32>
        %max3A = arith.maximumf %abs3A, %abs3A_156 : vector<16xf32>
        %max3A_158 = arith.maximumf %max3A, %abs3A_157 : vector<16xf32>
        %ge3A = arith.cmpf oge, %abs3A, %abs3A_156 : vector<16xf32>
        %jit3A = arith.constant 1.000000e+00 : f32
        %jit3A_159 = arith.constant 0.000000e+00 : f32
        %broadcast_in_dim3A = vector.broadcast %jit3A : f32 to vector<16xf32>
        %broadcast_in_dim3A_160 = vector.broadcast %jit3A_159 : f32 to vector<16xf32>
        %select_n3A = arith.select %ge3A, %broadcast_in_dim3A, %broadcast_in_dim3A_160 : vector<16xi1>, vector<16xf32>
        %ge3A_161 = arith.cmpf oge, %abs3A, %abs3A_157 : vector<16xf32>
        %jit3A_162 = arith.constant 1.000000e+00 : f32
        %jit3A_163 = arith.constant 0.000000e+00 : f32
        %broadcast_in_dim3A_164 = vector.broadcast %jit3A_162 : f32 to vector<16xf32>
        %broadcast_in_dim3A_165 = vector.broadcast %jit3A_163 : f32 to vector<16xf32>
        %select_n3A_166 = arith.select %ge3A_161, %broadcast_in_dim3A_164, %broadcast_in_dim3A_165 : vector<16xi1>, vector<16xf32>
        %ge3A_167 = arith.cmpf oge, %abs3A_156, %abs3A_157 : vector<16xf32>
        %jit3A_168 = arith.constant 1.000000e+00 : f32
        %jit3A_169 = arith.constant 0.000000e+00 : f32
        %broadcast_in_dim3A_170 = vector.broadcast %jit3A_168 : f32 to vector<16xf32>
        %broadcast_in_dim3A_171 = vector.broadcast %jit3A_169 : f32 to vector<16xf32>
        %select_n3A_172 = arith.select %ge3A_167, %broadcast_in_dim3A_170, %broadcast_in_dim3A_171 : vector<16xi1>, vector<16xf32>
        %gt3A = arith.constant 0.000000e+00 : f32
        %gt3A_173 = vector.broadcast %gt3A : f32 to vector<16xf32>
        %gt3A_174 = arith.cmpf ogt, %get3A_149, %gt3A_173 : vector<16xf32>
        %jit3A_175 = arith.constant 1.000000e+00 : f32
        %jit3A_176 = arith.constant 0.000000e+00 : f32
        %broadcast_in_dim3A_177 = vector.broadcast %jit3A_175 : f32 to vector<16xf32>
        %broadcast_in_dim3A_178 = vector.broadcast %jit3A_176 : f32 to vector<16xf32>
        %select_n3A_179 = arith.select %gt3A_174, %broadcast_in_dim3A_177, %broadcast_in_dim3A_178 : vector<16xi1>, vector<16xf32>
        %gt3A_180 = arith.constant 0.000000e+00 : f32
        %gt3A_181 = vector.broadcast %gt3A_180 : f32 to vector<16xf32>
        %gt3A_182 = arith.cmpf ogt, %get3A_152, %gt3A_181 : vector<16xf32>
        %jit3A_183 = arith.constant 1.000000e+00 : f32
        %jit3A_184 = arith.constant 0.000000e+00 : f32
        %broadcast_in_dim3A_185 = vector.broadcast %jit3A_183 : f32 to vector<16xf32>
        %broadcast_in_dim3A_186 = vector.broadcast %jit3A_184 : f32 to vector<16xf32>
        %select_n3A_187 = arith.select %gt3A_182, %broadcast_in_dim3A_185, %broadcast_in_dim3A_186 : vector<16xi1>, vector<16xf32>
        %gt3A_188 = arith.constant 0.000000e+00 : f32
        %gt3A_189 = vector.broadcast %gt3A_188 : f32 to vector<16xf32>
        %gt3A_190 = arith.cmpf ogt, %get3A_155, %gt3A_189 : vector<16xf32>
        %jit3A_191 = arith.constant 1.000000e+00 : f32
        %jit3A_192 = arith.constant 0.000000e+00 : f32
        %broadcast_in_dim3A_193 = vector.broadcast %jit3A_191 : f32 to vector<16xf32>
        %broadcast_in_dim3A_194 = vector.broadcast %jit3A_192 : f32 to vector<16xf32>
        %select_n3A_195 = arith.select %gt3A_190, %broadcast_in_dim3A_193, %broadcast_in_dim3A_194 : vector<16xi1>, vector<16xf32>
        %mul3A_196 = arith.mulf %select_n3A, %select_n3A_166 : vector<16xf32>
        %sub3A_197 = arith.constant 1.000000e+00 : f32
        %sub3A_198 = vector.broadcast %sub3A_197 : f32 to vector<16xf32>
        %sub3A_199 = arith.subf %sub3A_198, %mul3A_196 : vector<16xf32>
        %mul3A_200 = arith.mulf %sub3A_199, %select_n3A_172 : vector<16xf32>
        %sub3A_201 = arith.constant 1.000000e+00 : f32
        %sub3A_202 = vector.broadcast %sub3A_201 : f32 to vector<16xf32>
        %sub3A_203 = arith.subf %sub3A_202, %mul3A_196 : vector<16xf32>
        %sub3A_204 = arith.subf %sub3A_203, %mul3A_200 : vector<16xf32>
        %sub3A_205 = arith.constant 1.000000e+00 : f32
        %sub3A_206 = vector.broadcast %sub3A_205 : f32 to vector<16xf32>
        %sub3A_207 = arith.subf %sub3A_206, %select_n3A_179 : vector<16xf32>
        %mul3A_208 = arith.mulf %mul3A_196, %sub3A_207 : vector<16xf32>
        %sub3A_209 = arith.constant 3.000000e+00 : f32
        %sub3A_210 = vector.broadcast %sub3A_209 : f32 to vector<16xf32>
        %sub3A_211 = arith.subf %sub3A_210, %select_n3A_187 : vector<16xf32>
        %mul3A_212 = arith.mulf %mul3A_200, %sub3A_211 : vector<16xf32>
        %add3A_213 = arith.addf %mul3A_208, %mul3A_212 : vector<16xf32>
        %sub3A_214 = arith.constant 5.000000e+00 : f32
        %sub3A_215 = vector.broadcast %sub3A_214 : f32 to vector<16xf32>
        %sub3A_216 = arith.subf %sub3A_215, %select_n3A_195 : vector<16xf32>
        %mul3A_217 = arith.mulf %sub3A_204, %sub3A_216 : vector<16xf32>
        %add3A_218 = arith.addf %add3A_213, %mul3A_217 : vector<16xf32>
        %mul3A_219 = arith.mulf %mul3A_196, %get3A_155 : vector<16xf32>
        %mul3A_220 = arith.constant 2.000000e+00 : f32
        %mul3A_221 = vector.broadcast %mul3A_220 : f32 to vector<16xf32>
        %mul3A_222 = arith.mulf %mul3A_221, %select_n3A_179 : vector<16xf32>
        %sub3A_223 = arith.constant 1.000000e+00 : f32
        %sub3A_224 = vector.broadcast %sub3A_223 : f32 to vector<16xf32>
        %sub3A_225 = arith.subf %sub3A_224, %mul3A_222 : vector<16xf32>
        %mul3A_226 = arith.mulf %mul3A_219, %sub3A_225 : vector<16xf32>
        %mul3A_227 = arith.mulf %mul3A_200, %get3A_149 : vector<16xf32>
        %add3A_228 = arith.addf %mul3A_226, %mul3A_227 : vector<16xf32>
        %mul3A_229 = arith.mulf %sub3A_204, %get3A_149 : vector<16xf32>
        %mul3A_230 = arith.constant 2.000000e+00 : f32
        %mul3A_231 = vector.broadcast %mul3A_230 : f32 to vector<16xf32>
        %mul3A_232 = arith.mulf %mul3A_231, %select_n3A_195 : vector<16xf32>
        %sub3A_233 = arith.constant 1.000000e+00 : f32
        %sub3A_234 = vector.broadcast %sub3A_233 : f32 to vector<16xf32>
        %sub3A_235 = arith.subf %mul3A_232, %sub3A_234 : vector<16xf32>
        %mul3A_236 = arith.mulf %mul3A_229, %sub3A_235 : vector<16xf32>
        %add3A_237 = arith.addf %add3A_228, %mul3A_236 : vector<16xf32>
        %mul3A_238 = arith.mulf %mul3A_200, %get3A_155 : vector<16xf32>
        %mul3A_239 = arith.constant 2.000000e+00 : f32
        %mul3A_240 = vector.broadcast %mul3A_239 : f32 to vector<16xf32>
        %mul3A_241 = arith.mulf %mul3A_240, %select_n3A_187 : vector<16xf32>
        %sub3A_242 = arith.constant 1.000000e+00 : f32
        %sub3A_243 = vector.broadcast %sub3A_242 : f32 to vector<16xf32>
        %sub3A_244 = arith.subf %mul3A_241, %sub3A_243 : vector<16xf32>
        %mul3A_245 = arith.mulf %mul3A_238, %sub3A_244 : vector<16xf32>
        %sub3A_246 = arith.constant 1.000000e+00 : f32
        %sub3A_247 = vector.broadcast %sub3A_246 : f32 to vector<16xf32>
        %sub3A_248 = arith.subf %sub3A_247, %mul3A_200 : vector<16xf32>
        %mul3A_249 = arith.mulf %sub3A_248, %get3A_152 : vector<16xf32>
        %sub3A_250 = arith.subf %mul3A_245, %mul3A_249 : vector<16xf32>
        %gt3A_251 = arith.constant 0.000000e+00 : f32
        %gt3A_252 = vector.broadcast %gt3A_251 : f32 to vector<16xf32>
        %gt3A_253 = arith.cmpf ogt, %max3A_158, %gt3A_252 : vector<16xf32>
        %jit3A_254 = arith.constant 1.000000e+00 : f32
        %jit3A_255 = arith.constant 0.000000e+00 : f32
        %broadcast_in_dim3A_256 = vector.broadcast %jit3A_254 : f32 to vector<16xf32>
        %broadcast_in_dim3A_257 = vector.broadcast %jit3A_255 : f32 to vector<16xf32>
        %select_n3A_258 = arith.select %gt3A_253, %broadcast_in_dim3A_256, %broadcast_in_dim3A_257 : vector<16xi1>, vector<16xf32>
        %sub3A_259 = arith.constant 1.000000e+00 : f32
        %sub3A_260 = vector.broadcast %sub3A_259 : f32 to vector<16xf32>
        %sub3A_261 = arith.subf %sub3A_260, %select_n3A_258 : vector<16xf32>
        %add3A_262 = arith.addf %max3A_158, %sub3A_261 : vector<16xf32>
        %div3A = arith.constant 1.000000e+00 : f32
        %div3A_263 = vector.broadcast %div3A : f32 to vector<16xf32>
        %div3A_264 = arith.divf %div3A_263, %add3A_262 : vector<16xf32>
        %mul3A_265 = arith.mulf %add3A_237, %div3A_264 : vector<16xf32>
        %add3A_266 = arith.constant 1.000000e+00 : f32
        %add3A_267 = vector.broadcast %add3A_266 : f32 to vector<16xf32>
        %add3A_268 = arith.addf %mul3A_265, %add3A_267 : vector<16xf32>
        %mul3A_269 = arith.constant 5.000000e-01 : f32
        %mul3A_270 = vector.broadcast %mul3A_269 : f32 to vector<16xf32>
        %mul3A_271 = arith.mulf %mul3A_270, %add3A_268 : vector<16xf32>
        %swap3A = arith.index_cast %mul3A_147 : i32 to index
        %swap3A_272 = tpu.vector_load %arg14[%swap3A] {strides = array<i32>} : memref<512xf32, #tpu.memory_space<vmem>>, vector<16xf32>,
        %swap3A_273 = vector.shape_cast %swap3A_272 : vector<16xf32> to vector<16xf32>
        %swap3A_274 = vector.shape_cast %mul3A_271 : vector<16xf32> to vector<16xf32>
        tpu.vector_store %arg14[%swap3A], %swap3A_274 {strides = array<i32>} : memref<512xf32, #tpu.memory_space<vmem>>, vector<16xf32>,
        %mul3A_275 = arith.mulf %sub3A_250, %div3A_264 : vector<16xf32>
        %add3A_276 = arith.constant 1.000000e+00 : f32
        %add3A_277 = vector.broadcast %add3A_276 : f32 to vector<16xf32>
        %add3A_278 = arith.addf %mul3A_275, %add3A_277 : vector<16xf32>
        %mul3A_279 = arith.constant 5.000000e-01 : f32
        %mul3A_280 = vector.broadcast %mul3A_279 : f32 to vector<16xf32>
        %mul3A_281 = arith.mulf %mul3A_280, %add3A_278 : vector<16xf32>
        %swap3A_282 = arith.index_cast %mul3A_147 : i32 to index
        %swap3A_283 = tpu.vector_load %arg15[%swap3A_282] {strides = array<i32>} : memref<512xf32, #tpu.memory_space<vmem>>, vector<16xf32>,
        %swap3A_284 = vector.shape_cast %swap3A_283 : vector<16xf32> to vector<16xf32>
        %swap3A_285 = vector.shape_cast %mul3A_281 : vector<16xf32> to vector<16xf32>
        tpu.vector_store %arg15[%swap3A_282], %swap3A_285 {strides = array<i32>} : memref<512xf32, #tpu.memory_space<vmem>>, vector<16xf32>,
        %convert_element_type3A_286 = arith.fptosi %add3A_218 : vector<16xf32> to vector<16xi32>
        %swap3A_287 = arith.index_cast %mul3A_147 : i32 to index
        %swap3A_288 = tpu.vector_load %arg27[%swap3A_287] {strides = array<i32>} : memref<512xi32, #tpu.memory_space<vmem>>, vector<16xi32>,
        %swap3A_289 = vector.shape_cast %swap3A_288 : vector<16xi32> to vector<16xi32>
        %swap3A_290 = vector.shape_cast %convert_element_type3A_286 : vector<16xi32> to vector<16xi32>
        tpu.vector_store %arg27[%swap3A_287], %swap3A_290 {strides = array<i32>} : memref<512xi32, #tpu.memory_space<vmem>>, vector<16xi32>,
        %swap3A_291 = arith.index_cast %mul3A_147 : i32 to index
        %swap3A_292 = tpu.vector_load %arg16[%swap3A_291] {strides = array<i32>} : memref<512xf32, #tpu.memory_space<vmem>>, vector<16xf32>,
        %swap3A_293 = vector.shape_cast %swap3A_292 : vector<16xf32> to vector<16xf32>
        %swap3A_294 = vector.shape_cast %select_n3A_258 : vector<16xf32> to vector<16xf32>
        tpu.vector_store %arg16[%swap3A_291], %swap3A_294 {strides = array<i32>} : memref<512xf32, #tpu.memory_space<vmem>>, vector<16xf32>,
      }
      %scan3A_26 = arith.constant 32 : i32
      %scan3A_27 = arith.constant 0 : i32
      %scan3A_28 = arith.constant 0 : i32
      %scan3A_29 = arith.constant 32 : i32
      %scan3A_30 = arith.addi %scan3A_28, %scan3A_29 : i32
      %scan3A_31 = arith.constant 1 : i32
      scf.for %scan3A_145 = %scan3A_28 to %scan3A_30 step %scan3A_31  : i32 {
        %mul3A_146 = arith.constant 16 : i32
        %mul3A_147 = arith.muli %scan3A_145, %mul3A_146 : i32
        %get3A = arith.index_cast %mul3A_147 : i32 to index
        %get3A_148 = tpu.vector_load %arg27[%get3A] {strides = array<i32>} : memref<512xi32, #tpu.memory_space<vmem>>, vector<16xi32>,
        %get3A_149 = vector.shape_cast %get3A_148 : vector<16xi32> to vector<16xi32>
        %get3A_150 = arith.index_cast %mul3A_147 : i32 to index
        %get3A_151 = tpu.vector_load %arg16[%get3A_150] {strides = array<i32>} : memref<512xf32, #tpu.memory_space<vmem>>, vector<16xf32>,
        %get3A_152 = vector.shape_cast %get3A_151 : vector<16xf32> to vector<16xf32>
        %get3A_153 = arith.index_cast %mul3A_147 : i32 to index
        %get3A_154 = tpu.vector_load %arg14[%get3A_153] {strides = array<i32>} : memref<512xf32, #tpu.memory_space<vmem>>, vector<16xf32>,
        %get3A_155 = vector.shape_cast %get3A_154 : vector<16xf32> to vector<16xf32>
        %mul3A_156 = arith.constant 1.600000e+01 : f32
        %mul3A_157 = vector.broadcast %mul3A_156 : f32 to vector<16xf32>
        %mul3A_158 = arith.mulf %get3A_155, %mul3A_157 : vector<16xf32>
        %sub3A_159 = arith.constant 5.000000e-01 : f32
        %sub3A_160 = vector.broadcast %sub3A_159 : f32 to vector<16xf32>
        %sub3A_161 = arith.subf %mul3A_158, %sub3A_160 : vector<16xf32>
        %get3A_162 = arith.index_cast %mul3A_147 : i32 to index
        %get3A_163 = tpu.vector_load %arg15[%get3A_162] {strides = array<i32>} : memref<512xf32, #tpu.memory_space<vmem>>, vector<16xf32>,
        %get3A_164 = vector.shape_cast %get3A_163 : vector<16xf32> to vector<16xf32>
        %mul3A_165 = arith.constant 1.600000e+01 : f32
        %mul3A_166 = vector.broadcast %mul3A_165 : f32 to vector<16xf32>
        %mul3A_167 = arith.mulf %get3A_164, %mul3A_166 : vector<16xf32>
        %sub3A_168 = arith.constant 5.000000e-01 : f32
        %sub3A_169 = vector.broadcast %sub3A_168 : f32 to vector<16xf32>
        %sub3A_170 = arith.subf %mul3A_167, %sub3A_169 : vector<16xf32>
        %add3A_171 = arith.constant 1.000000e+00 : f32
        %add3A_172 = vector.broadcast %add3A_171 : f32 to vector<16xf32>
        %add3A_173 = arith.addf %sub3A_161, %add3A_172 : vector<16xf32>
        %convert_element_type3A_174 = arith.fptosi %add3A_173 : vector<16xf32> to vector<16xi32>
        %sub3A_175 = arith.constant 1 : i32
        %sub3A_176 = vector.broadcast %sub3A_175 : i32 to vector<16xi32>
        %sub3A_177 = arith.subi %convert_element_type3A_174, %sub3A_176 : vector<16xi32>
        %add3A_178 = arith.constant 1.000000e+00 : f32
        %add3A_179 = vector.broadcast %add3A_178 : f32 to vector<16xf32>
        %add3A_180 = arith.addf %sub3A_170, %add3A_179 : vector<16xf32>
        %convert_element_type3A_181 = arith.fptosi %add3A_180 : vector<16xf32> to vector<16xi32>
        %sub3A_182 = arith.constant 1 : i32
        %sub3A_183 = vector.broadcast %sub3A_182 : i32 to vector<16xi32>
        %sub3A_184 = arith.subi %convert_element_type3A_181, %sub3A_183 : vector<16xi32>
        %min3A = arith.constant 14 : i32
        %min3A_185 = vector.broadcast %min3A : i32 to vector<16xi32>
        %min3A_186 = arith.minsi %sub3A_177, %min3A_185 : vector<16xi32>
        %max3A = arith.constant 0 : i32
        %max3A_187 = vector.broadcast %max3A : i32 to vector<16xi32>
        %max3A_188 = arith.maxsi %min3A_186, %max3A_187 : vector<16xi32>
        %min3A_189 = arith.constant 14 : i32
        %min3A_190 = vector.broadcast %min3A_189 : i32 to vector<16xi32>
        %min3A_191 = arith.minsi %sub3A_184, %min3A_190 : vector<16xi32>
        %max3A_192 = arith.constant 0 : i32
        %max3A_193 = vector.broadcast %max3A_192 : i32 to vector<16xi32>
        %max3A_194 = arith.maxsi %min3A_191, %max3A_193 : vector<16xi32>
        %convert_element_type3A_195 = arith.sitofp %max3A_188 : vector<16xi32> to vector<16xf32>
        %sub3A_196 = arith.subf %sub3A_161, %convert_element_type3A_195 : vector<16xf32>
        %convert_element_type3A_197 = arith.sitofp %max3A_194 : vector<16xi32> to vector<16xf32>
        %sub3A_198 = arith.subf %sub3A_170, %convert_element_type3A_197 : vector<16xf32>
        %min3A_199 = arith.constant 1.000000e+00 : f32
        %min3A_200 = vector.broadcast %min3A_199 : f32 to vector<16xf32>
        %min3A_201 = arith.minimumf %sub3A_196, %min3A_200 : vector<16xf32>
        %max3A_202 = arith.constant 0.000000e+00 : f32
        %max3A_203 = vector.broadcast %max3A_202 : f32 to vector<16xf32>
        %max3A_204 = arith.maximumf %min3A_201, %max3A_203 : vector<16xf32>
        %swap3A = arith.index_cast %mul3A_147 : i32 to index
        %swap3A_205 = tpu.vector_load %arg17[%swap3A] {strides = array<i32>} : memref<512xf32, #tpu.memory_space<vmem>>, vector<16xf32>,
        %swap3A_206 = vector.shape_cast %swap3A_205 : vector<16xf32> to vector<16xf32>
        %swap3A_207 = vector.shape_cast %max3A_204 : vector<16xf32> to vector<16xf32>
        tpu.vector_store %arg17[%swap3A], %swap3A_207 {strides = array<i32>} : memref<512xf32, #tpu.memory_space<vmem>>, vector<16xf32>,
        %min3A_208 = arith.constant 1.000000e+00 : f32
        %min3A_209 = vector.broadcast %min3A_208 : f32 to vector<16xf32>
        %min3A_210 = arith.minimumf %sub3A_198, %min3A_209 : vector<16xf32>
        %max3A_211 = arith.constant 0.000000e+00 : f32
        %max3A_212 = vector.broadcast %max3A_211 : f32 to vector<16xf32>
        %max3A_213 = arith.maximumf %min3A_210, %max3A_212 : vector<16xf32>
        %swap3A_214 = arith.index_cast %mul3A_147 : i32 to index
        %swap3A_215 = tpu.vector_load %arg22[%swap3A_214] {strides = array<i32>} : memref<512xf32, #tpu.memory_space<vmem>>, vector<16xf32>,
        %swap3A_216 = vector.shape_cast %swap3A_215 : vector<16xf32> to vector<16xf32>
        %swap3A_217 = vector.shape_cast %max3A_213 : vector<16xf32> to vector<16xf32>
        tpu.vector_store %arg22[%swap3A_214], %swap3A_217 {strides = array<i32>} : memref<512xf32, #tpu.memory_space<vmem>>, vector<16xf32>,
        %mul3A_218 = arith.constant 256 : i32
        %mul3A_219 = vector.broadcast %mul3A_218 : i32 to vector<16xi32>
        %mul3A_220 = arith.muli %get3A_149, %mul3A_219 : vector<16xi32>
        %mul3A_221 = arith.constant 16 : i32
        %mul3A_222 = vector.broadcast %mul3A_221 : i32 to vector<16xi32>
        %mul3A_223 = arith.muli %max3A_194, %mul3A_222 : vector<16xi32>
        %add3A_224 = arith.addi %mul3A_220, %mul3A_223 : vector<16xi32>
        %add3A_225 = arith.addi %add3A_224, %max3A_188 : vector<16xi32>
        %gt3A = arith.constant 5.000000e-01 : f32
        %gt3A_226 = vector.broadcast %gt3A : f32 to vector<16xf32>
        %gt3A_227 = arith.cmpf ogt, %get3A_152, %gt3A_226 : vector<16xf32>
        %jit3A = arith.constant 1536 : i32
        %broadcast_in_dim3A = vector.broadcast %jit3A : i32 to vector<16xi32>
        %select_n3A = arith.select %gt3A_227, %add3A_225, %broadcast_in_dim3A : vector<16xi1>, vector<16xi32>
        %swap3A_228 = arith.index_cast %mul3A_147 : i32 to index
        %swap3A_229 = tpu.vector_load %arg28[%swap3A_228] {strides = array<i32>} : memref<512xi32, #tpu.memory_space<vmem>>, vector<16xi32>,
        %swap3A_230 = vector.shape_cast %swap3A_229 : vector<16xi32> to vector<16xi32>
        %swap3A_231 = vector.shape_cast %select_n3A : vector<16xi32> to vector<16xi32>
        tpu.vector_store %arg28[%swap3A_228], %swap3A_231 {strides = array<i32>} : memref<512xi32, #tpu.memory_space<vmem>>, vector<16xi32>,
        %add3A_232 = arith.constant 16 : i32
        %add3A_233 = vector.broadcast %add3A_232 : i32 to vector<16xi32>
        %add3A_234 = arith.addi %select_n3A, %add3A_233 : vector<16xi32>
        %swap3A_235 = arith.index_cast %mul3A_147 : i32 to index
        %swap3A_236 = tpu.vector_load %arg33[%swap3A_235] {strides = array<i32>} : memref<512xi32, #tpu.memory_space<vmem>>, vector<16xi32>,
        %swap3A_237 = vector.shape_cast %swap3A_236 : vector<16xi32> to vector<16xi32>
        %swap3A_238 = vector.shape_cast %add3A_234 : vector<16xi32> to vector<16xi32>
        tpu.vector_store %arg33[%swap3A_235], %swap3A_238 {strides = array<i32>} : memref<512xi32, #tpu.memory_space<vmem>>, vector<16xi32>,
      }
      %scan3A_32 = arith.constant 32 : i32
      %dma_start3A = arith.constant 0 : i32
      %dma_start3A_33 = arith.constant 0 : i32
      %dma_start3A_34 = tpu.memref_slice %arg5[%dma_start3A, %dma_start3A_33] : memref<1554x16xf32, #tpu.memory_space<hbm>> -> memref<1554x16xf32, #tpu.memory_space<hbm>>
      tpu.enqueue_indirect_dma source(%dma_start3A_34 : memref<1554x16xf32, #tpu.memory_space<hbm>>) target(%arg38 : memref<512x16xf32, #tpu.memory_space<vmem>>) offsets(%arg28 : memref<512xi32, #tpu.memory_space<vmem>>) semaphore(%arg49 : memref<!tpu.dma_semaphore, #tpu.memory_space<semaphore_mem>>)
      %dma_start3A_35 = arith.constant 0 : i32
      %dma_start3A_36 = arith.constant 0 : i32
      %dma_start3A_37 = tpu.memref_slice %arg5[%dma_start3A_35, %dma_start3A_36] : memref<1554x16xf32, #tpu.memory_space<hbm>> -> memref<1554x16xf32, #tpu.memory_space<hbm>>
      tpu.enqueue_indirect_dma source(%dma_start3A_37 : memref<1554x16xf32, #tpu.memory_space<hbm>>) target(%arg43 : memref<512x16xf32, #tpu.memory_space<vmem>>) offsets(%arg33 : memref<512xi32, #tpu.memory_space<vmem>>) semaphore(%arg54 : memref<!tpu.dma_semaphore, #tpu.memory_space<semaphore_mem>>)
      %scan3A_38 = arith.constant 0 : i32
      %scan3A_39 = arith.constant 0 : i32
      %scan3A_40 = arith.constant 32 : i32
      %scan3A_41 = arith.addi %scan3A_39, %scan3A_40 : i32
      %scan3A_42 = arith.constant 1 : i32
      scf.for %scan3A_145 = %scan3A_39 to %scan3A_41 step %scan3A_42  : i32 {
        %mul3A_146 = arith.constant 16 : i32
        %mul3A_147 = arith.muli %scan3A_145, %mul3A_146 : i32
        %get3A = arith.index_cast %mul3A_147 : i32 to index
        %get3A_148 = tpu.vector_load %arg27[%get3A] {strides = array<i32>} : memref<512xi32, #tpu.memory_space<vmem>>, vector<16xi32>,
        %get3A_149 = vector.shape_cast %get3A_148 : vector<16xi32> to vector<16xi32>
        %get3A_150 = arith.index_cast %mul3A_147 : i32 to index
        %get3A_151 = tpu.vector_load %arg16[%get3A_150] {strides = array<i32>} : memref<512xf32, #tpu.memory_space<vmem>>, vector<16xf32>,
        %get3A_152 = vector.shape_cast %get3A_151 : vector<16xf32> to vector<16xf32>
        %get3A_153 = arith.index_cast %mul3A_147 : i32 to index
        %get3A_154 = tpu.vector_load %arg14[%get3A_153] {strides = array<i32>} : memref<512xf32, #tpu.memory_space<vmem>>, vector<16xf32>,
        %get3A_155 = vector.shape_cast %get3A_154 : vector<16xf32> to vector<16xf32>
        %mul3A_156 = arith.constant 3.200000e+01 : f32
        %mul3A_157 = vector.broadcast %mul3A_156 : f32 to vector<16xf32>
        %mul3A_158 = arith.mulf %get3A_155, %mul3A_157 : vector<16xf32>
        %sub3A_159 = arith.constant 5.000000e-01 : f32
        %sub3A_160 = vector.broadcast %sub3A_159 : f32 to vector<16xf32>
        %sub3A_161 = arith.subf %mul3A_158, %sub3A_160 : vector<16xf32>
        %get3A_162 = arith.index_cast %mul3A_147 : i32 to index
        %get3A_163 = tpu.vector_load %arg15[%get3A_162] {strides = array<i32>} : memref<512xf32, #tpu.memory_space<vmem>>, vector<16xf32>,
        %get3A_164 = vector.shape_cast %get3A_163 : vector<16xf32> to vector<16xf32>
        %mul3A_165 = arith.constant 3.200000e+01 : f32
        %mul3A_166 = vector.broadcast %mul3A_165 : f32 to vector<16xf32>
        %mul3A_167 = arith.mulf %get3A_164, %mul3A_166 : vector<16xf32>
        %sub3A_168 = arith.constant 5.000000e-01 : f32
        %sub3A_169 = vector.broadcast %sub3A_168 : f32 to vector<16xf32>
        %sub3A_170 = arith.subf %mul3A_167, %sub3A_169 : vector<16xf32>
        %add3A_171 = arith.constant 1.000000e+00 : f32
        %add3A_172 = vector.broadcast %add3A_171 : f32 to vector<16xf32>
        %add3A_173 = arith.addf %sub3A_161, %add3A_172 : vector<16xf32>
        %convert_element_type3A_174 = arith.fptosi %add3A_173 : vector<16xf32> to vector<16xi32>
        %sub3A_175 = arith.constant 1 : i32
        %sub3A_176 = vector.broadcast %sub3A_175 : i32 to vector<16xi32>
        %sub3A_177 = arith.subi %convert_element_type3A_174, %sub3A_176 : vector<16xi32>
        %add3A_178 = arith.constant 1.000000e+00 : f32
        %add3A_179 = vector.broadcast %add3A_178 : f32 to vector<16xf32>
        %add3A_180 = arith.addf %sub3A_170, %add3A_179 : vector<16xf32>
        %convert_element_type3A_181 = arith.fptosi %add3A_180 : vector<16xf32> to vector<16xi32>
        %sub3A_182 = arith.constant 1 : i32
        %sub3A_183 = vector.broadcast %sub3A_182 : i32 to vector<16xi32>
        %sub3A_184 = arith.subi %convert_element_type3A_181, %sub3A_183 : vector<16xi32>
        %min3A = arith.constant 30 : i32
        %min3A_185 = vector.broadcast %min3A : i32 to vector<16xi32>
        %min3A_186 = arith.minsi %sub3A_177, %min3A_185 : vector<16xi32>
        %max3A = arith.constant 0 : i32
        %max3A_187 = vector.broadcast %max3A : i32 to vector<16xi32>
        %max3A_188 = arith.maxsi %min3A_186, %max3A_187 : vector<16xi32>
        %min3A_189 = arith.constant 30 : i32
        %min3A_190 = vector.broadcast %min3A_189 : i32 to vector<16xi32>
        %min3A_191 = arith.minsi %sub3A_184, %min3A_190 : vector<16xi32>
        %max3A_192 = arith.constant 0 : i32
        %max3A_193 = vector.broadcast %max3A_192 : i32 to vector<16xi32>
        %max3A_194 = arith.maxsi %min3A_191, %max3A_193 : vector<16xi32>
        %convert_element_type3A_195 = arith.sitofp %max3A_188 : vector<16xi32> to vector<16xf32>
        %sub3A_196 = arith.subf %sub3A_161, %convert_element_type3A_195 : vector<16xf32>
        %convert_element_type3A_197 = arith.sitofp %max3A_194 : vector<16xi32> to vector<16xf32>
        %sub3A_198 = arith.subf %sub3A_170, %convert_element_type3A_197 : vector<16xf32>
        %min3A_199 = arith.constant 1.000000e+00 : f32
        %min3A_200 = vector.broadcast %min3A_199 : f32 to vector<16xf32>
        %min3A_201 = arith.minimumf %sub3A_196, %min3A_200 : vector<16xf32>
        %max3A_202 = arith.constant 0.000000e+00 : f32
        %max3A_203 = vector.broadcast %max3A_202 : f32 to vector<16xf32>
        %max3A_204 = arith.maximumf %min3A_201, %max3A_203 : vector<16xf32>
        %swap3A = arith.index_cast %mul3A_147 : i32 to index
        %swap3A_205 = tpu.vector_load %arg18[%swap3A] {strides = array<i32>} : memref<512xf32, #tpu.memory_space<vmem>>, vector<16xf32>,
        %swap3A_206 = vector.shape_cast %swap3A_205 : vector<16xf32> to vector<16xf32>
        %swap3A_207 = vector.shape_cast %max3A_204 : vector<16xf32> to vector<16xf32>
        tpu.vector_store %arg18[%swap3A], %swap3A_207 {strides = array<i32>} : memref<512xf32, #tpu.memory_space<vmem>>, vector<16xf32>,
        %min3A_208 = arith.constant 1.000000e+00 : f32
        %min3A_209 = vector.broadcast %min3A_208 : f32 to vector<16xf32>
        %min3A_210 = arith.minimumf %sub3A_198, %min3A_209 : vector<16xf32>
        %max3A_211 = arith.constant 0.000000e+00 : f32
        %max3A_212 = vector.broadcast %max3A_211 : f32 to vector<16xf32>
        %max3A_213 = arith.maximumf %min3A_210, %max3A_212 : vector<16xf32>
        %swap3A_214 = arith.index_cast %mul3A_147 : i32 to index
        %swap3A_215 = tpu.vector_load %arg23[%swap3A_214] {strides = array<i32>} : memref<512xf32, #tpu.memory_space<vmem>>, vector<16xf32>,
        %swap3A_216 = vector.shape_cast %swap3A_215 : vector<16xf32> to vector<16xf32>
        %swap3A_217 = vector.shape_cast %max3A_213 : vector<16xf32> to vector<16xf32>
        tpu.vector_store %arg23[%swap3A_214], %swap3A_217 {strides = array<i32>} : memref<512xf32, #tpu.memory_space<vmem>>, vector<16xf32>,
        %mul3A_218 = arith.constant 1024 : i32
        %mul3A_219 = vector.broadcast %mul3A_218 : i32 to vector<16xi32>
        %mul3A_220 = arith.muli %get3A_149, %mul3A_219 : vector<16xi32>
        %mul3A_221 = arith.constant 32 : i32
        %mul3A_222 = vector.broadcast %mul3A_221 : i32 to vector<16xi32>
        %mul3A_223 = arith.muli %max3A_194, %mul3A_222 : vector<16xi32>
        %add3A_224 = arith.addi %mul3A_220, %mul3A_223 : vector<16xi32>
        %add3A_225 = arith.addi %add3A_224, %max3A_188 : vector<16xi32>
        %gt3A = arith.constant 5.000000e-01 : f32
        %gt3A_226 = vector.broadcast %gt3A : f32 to vector<16xf32>
        %gt3A_227 = arith.cmpf ogt, %get3A_152, %gt3A_226 : vector<16xf32>
        %jit3A = arith.constant 6144 : i32
        %broadcast_in_dim3A = vector.broadcast %jit3A : i32 to vector<16xi32>
        %select_n3A = arith.select %gt3A_227, %add3A_225, %broadcast_in_dim3A : vector<16xi1>, vector<16xi32>
        %swap3A_228 = arith.index_cast %mul3A_147 : i32 to index
        %swap3A_229 = tpu.vector_load %arg29[%swap3A_228] {strides = array<i32>} : memref<512xi32, #tpu.memory_space<vmem>>, vector<16xi32>,
        %swap3A_230 = vector.shape_cast %swap3A_229 : vector<16xi32> to vector<16xi32>
        %swap3A_231 = vector.shape_cast %select_n3A : vector<16xi32> to vector<16xi32>
        tpu.vector_store %arg29[%swap3A_228], %swap3A_231 {strides = array<i32>} : memref<512xi32, #tpu.memory_space<vmem>>, vector<16xi32>,
        %add3A_232 = arith.constant 32 : i32
        %add3A_233 = vector.broadcast %add3A_232 : i32 to vector<16xi32>
        %add3A_234 = arith.addi %select_n3A, %add3A_233 : vector<16xi32>
        %swap3A_235 = arith.index_cast %mul3A_147 : i32 to index
        %swap3A_236 = tpu.vector_load %arg34[%swap3A_235] {strides = array<i32>} : memref<512xi32, #tpu.memory_space<vmem>>, vector<16xi32>,
        %swap3A_237 = vector.shape_cast %swap3A_236 : vector<16xi32> to vector<16xi32>
        %swap3A_238 = vector.shape_cast %add3A_234 : vector<16xi32> to vector<16xi32>
        tpu.vector_store %arg34[%swap3A_235], %swap3A_238 {strides = array<i32>} : memref<512xi32, #tpu.memory_space<vmem>>, vector<16xi32>,
      }
      %scan3A_43 = arith.constant 32 : i32
      %dma_start3A_44 = arith.constant 0 : i32
      %dma_start3A_45 = arith.constant 0 : i32
      %dma_start3A_46 = tpu.memref_slice %arg6[%dma_start3A_44, %dma_start3A_45] : memref<6178x16xf32, #tpu.memory_space<hbm>> -> memref<6178x16xf32, #tpu.memory_space<hbm>>
      tpu.enqueue_indirect_dma source(%dma_start3A_46 : memref<6178x16xf32, #tpu.memory_space<hbm>>) target(%arg39 : memref<512x16xf32, #tpu.memory_space<vmem>>) offsets(%arg29 : memref<512xi32, #tpu.memory_space<vmem>>) semaphore(%arg50 : memref<!tpu.dma_semaphore, #tpu.memory_space<semaphore_mem>>)
      %dma_start3A_47 = arith.constant 0 : i32
      %dma_start3A_48 = arith.constant 0 : i32
      %dma_start3A_49 = tpu.memref_slice %arg6[%dma_start3A_47, %dma_start3A_48] : memref<6178x16xf32, #tpu.memory_space<hbm>> -> memref<6178x16xf32, #tpu.memory_space<hbm>>
      tpu.enqueue_indirect_dma source(%dma_start3A_49 : memref<6178x16xf32, #tpu.memory_space<hbm>>) target(%arg44 : memref<512x16xf32, #tpu.memory_space<vmem>>) offsets(%arg34 : memref<512xi32, #tpu.memory_space<vmem>>) semaphore(%arg55 : memref<!tpu.dma_semaphore, #tpu.memory_space<semaphore_mem>>)
      %scan3A_50 = arith.constant 0 : i32
      %scan3A_51 = arith.constant 0 : i32
      %scan3A_52 = arith.constant 32 : i32
      %scan3A_53 = arith.addi %scan3A_51, %scan3A_52 : i32
      %scan3A_54 = arith.constant 1 : i32
      scf.for %scan3A_145 = %scan3A_51 to %scan3A_53 step %scan3A_54  : i32 {
        %mul3A_146 = arith.constant 16 : i32
        %mul3A_147 = arith.muli %scan3A_145, %mul3A_146 : i32
        %get3A = arith.index_cast %mul3A_147 : i32 to index
        %get3A_148 = tpu.vector_load %arg27[%get3A] {strides = array<i32>} : memref<512xi32, #tpu.memory_space<vmem>>, vector<16xi32>,
        %get3A_149 = vector.shape_cast %get3A_148 : vector<16xi32> to vector<16xi32>
        %get3A_150 = arith.index_cast %mul3A_147 : i32 to index
        %get3A_151 = tpu.vector_load %arg16[%get3A_150] {strides = array<i32>} : memref<512xf32, #tpu.memory_space<vmem>>, vector<16xf32>,
        %get3A_152 = vector.shape_cast %get3A_151 : vector<16xf32> to vector<16xf32>
        %get3A_153 = arith.index_cast %mul3A_147 : i32 to index
        %get3A_154 = tpu.vector_load %arg14[%get3A_153] {strides = array<i32>} : memref<512xf32, #tpu.memory_space<vmem>>, vector<16xf32>,
        %get3A_155 = vector.shape_cast %get3A_154 : vector<16xf32> to vector<16xf32>
        %mul3A_156 = arith.constant 6.400000e+01 : f32
        %mul3A_157 = vector.broadcast %mul3A_156 : f32 to vector<16xf32>
        %mul3A_158 = arith.mulf %get3A_155, %mul3A_157 : vector<16xf32>
        %sub3A_159 = arith.constant 5.000000e-01 : f32
        %sub3A_160 = vector.broadcast %sub3A_159 : f32 to vector<16xf32>
        %sub3A_161 = arith.subf %mul3A_158, %sub3A_160 : vector<16xf32>
        %get3A_162 = arith.index_cast %mul3A_147 : i32 to index
        %get3A_163 = tpu.vector_load %arg15[%get3A_162] {strides = array<i32>} : memref<512xf32, #tpu.memory_space<vmem>>, vector<16xf32>,
        %get3A_164 = vector.shape_cast %get3A_163 : vector<16xf32> to vector<16xf32>
        %mul3A_165 = arith.constant 6.400000e+01 : f32
        %mul3A_166 = vector.broadcast %mul3A_165 : f32 to vector<16xf32>
        %mul3A_167 = arith.mulf %get3A_164, %mul3A_166 : vector<16xf32>
        %sub3A_168 = arith.constant 5.000000e-01 : f32
        %sub3A_169 = vector.broadcast %sub3A_168 : f32 to vector<16xf32>
        %sub3A_170 = arith.subf %mul3A_167, %sub3A_169 : vector<16xf32>
        %add3A_171 = arith.constant 1.000000e+00 : f32
        %add3A_172 = vector.broadcast %add3A_171 : f32 to vector<16xf32>
        %add3A_173 = arith.addf %sub3A_161, %add3A_172 : vector<16xf32>
        %convert_element_type3A_174 = arith.fptosi %add3A_173 : vector<16xf32> to vector<16xi32>
        %sub3A_175 = arith.constant 1 : i32
        %sub3A_176 = vector.broadcast %sub3A_175 : i32 to vector<16xi32>
        %sub3A_177 = arith.subi %convert_element_type3A_174, %sub3A_176 : vector<16xi32>
        %add3A_178 = arith.constant 1.000000e+00 : f32
        %add3A_179 = vector.broadcast %add3A_178 : f32 to vector<16xf32>
        %add3A_180 = arith.addf %sub3A_170, %add3A_179 : vector<16xf32>
        %convert_element_type3A_181 = arith.fptosi %add3A_180 : vector<16xf32> to vector<16xi32>
        %sub3A_182 = arith.constant 1 : i32
        %sub3A_183 = vector.broadcast %sub3A_182 : i32 to vector<16xi32>
        %sub3A_184 = arith.subi %convert_element_type3A_181, %sub3A_183 : vector<16xi32>
        %min3A = arith.constant 62 : i32
        %min3A_185 = vector.broadcast %min3A : i32 to vector<16xi32>
        %min3A_186 = arith.minsi %sub3A_177, %min3A_185 : vector<16xi32>
        %max3A = arith.constant 0 : i32
        %max3A_187 = vector.broadcast %max3A : i32 to vector<16xi32>
        %max3A_188 = arith.maxsi %min3A_186, %max3A_187 : vector<16xi32>
        %min3A_189 = arith.constant 62 : i32
        %min3A_190 = vector.broadcast %min3A_189 : i32 to vector<16xi32>
        %min3A_191 = arith.minsi %sub3A_184, %min3A_190 : vector<16xi32>
        %max3A_192 = arith.constant 0 : i32
        %max3A_193 = vector.broadcast %max3A_192 : i32 to vector<16xi32>
        %max3A_194 = arith.maxsi %min3A_191, %max3A_193 : vector<16xi32>
        %convert_element_type3A_195 = arith.sitofp %max3A_188 : vector<16xi32> to vector<16xf32>
        %sub3A_196 = arith.subf %sub3A_161, %convert_element_type3A_195 : vector<16xf32>
        %convert_element_type3A_197 = arith.sitofp %max3A_194 : vector<16xi32> to vector<16xf32>
        %sub3A_198 = arith.subf %sub3A_170, %convert_element_type3A_197 : vector<16xf32>
        %min3A_199 = arith.constant 1.000000e+00 : f32
        %min3A_200 = vector.broadcast %min3A_199 : f32 to vector<16xf32>
        %min3A_201 = arith.minimumf %sub3A_196, %min3A_200 : vector<16xf32>
        %max3A_202 = arith.constant 0.000000e+00 : f32
        %max3A_203 = vector.broadcast %max3A_202 : f32 to vector<16xf32>
        %max3A_204 = arith.maximumf %min3A_201, %max3A_203 : vector<16xf32>
        %swap3A = arith.index_cast %mul3A_147 : i32 to index
        %swap3A_205 = tpu.vector_load %arg19[%swap3A] {strides = array<i32>} : memref<512xf32, #tpu.memory_space<vmem>>, vector<16xf32>,
        %swap3A_206 = vector.shape_cast %swap3A_205 : vector<16xf32> to vector<16xf32>
        %swap3A_207 = vector.shape_cast %max3A_204 : vector<16xf32> to vector<16xf32>
        tpu.vector_store %arg19[%swap3A], %swap3A_207 {strides = array<i32>} : memref<512xf32, #tpu.memory_space<vmem>>, vector<16xf32>,
        %min3A_208 = arith.constant 1.000000e+00 : f32
        %min3A_209 = vector.broadcast %min3A_208 : f32 to vector<16xf32>
        %min3A_210 = arith.minimumf %sub3A_198, %min3A_209 : vector<16xf32>
        %max3A_211 = arith.constant 0.000000e+00 : f32
        %max3A_212 = vector.broadcast %max3A_211 : f32 to vector<16xf32>
        %max3A_213 = arith.maximumf %min3A_210, %max3A_212 : vector<16xf32>
        %swap3A_214 = arith.index_cast %mul3A_147 : i32 to index
        %swap3A_215 = tpu.vector_load %arg24[%swap3A_214] {strides = array<i32>} : memref<512xf32, #tpu.memory_space<vmem>>, vector<16xf32>,
        %swap3A_216 = vector.shape_cast %swap3A_215 : vector<16xf32> to vector<16xf32>
        %swap3A_217 = vector.shape_cast %max3A_213 : vector<16xf32> to vector<16xf32>
        tpu.vector_store %arg24[%swap3A_214], %swap3A_217 {strides = array<i32>} : memref<512xf32, #tpu.memory_space<vmem>>, vector<16xf32>,
        %mul3A_218 = arith.constant 4096 : i32
        %mul3A_219 = vector.broadcast %mul3A_218 : i32 to vector<16xi32>
        %mul3A_220 = arith.muli %get3A_149, %mul3A_219 : vector<16xi32>
        %mul3A_221 = arith.constant 64 : i32
        %mul3A_222 = vector.broadcast %mul3A_221 : i32 to vector<16xi32>
        %mul3A_223 = arith.muli %max3A_194, %mul3A_222 : vector<16xi32>
        %add3A_224 = arith.addi %mul3A_220, %mul3A_223 : vector<16xi32>
        %add3A_225 = arith.addi %add3A_224, %max3A_188 : vector<16xi32>
        %gt3A = arith.constant 5.000000e-01 : f32
        %gt3A_226 = vector.broadcast %gt3A : f32 to vector<16xf32>
        %gt3A_227 = arith.cmpf ogt, %get3A_152, %gt3A_226 : vector<16xf32>
        %jit3A = arith.constant 24576 : i32
        %broadcast_in_dim3A = vector.broadcast %jit3A : i32 to vector<16xi32>
        %select_n3A = arith.select %gt3A_227, %add3A_225, %broadcast_in_dim3A : vector<16xi1>, vector<16xi32>
        %swap3A_228 = arith.index_cast %mul3A_147 : i32 to index
        %swap3A_229 = tpu.vector_load %arg30[%swap3A_228] {strides = array<i32>} : memref<512xi32, #tpu.memory_space<vmem>>, vector<16xi32>,
        %swap3A_230 = vector.shape_cast %swap3A_229 : vector<16xi32> to vector<16xi32>
        %swap3A_231 = vector.shape_cast %select_n3A : vector<16xi32> to vector<16xi32>
        tpu.vector_store %arg30[%swap3A_228], %swap3A_231 {strides = array<i32>} : memref<512xi32, #tpu.memory_space<vmem>>, vector<16xi32>,
        %add3A_232 = arith.constant 64 : i32
        %add3A_233 = vector.broadcast %add3A_232 : i32 to vector<16xi32>
        %add3A_234 = arith.addi %select_n3A, %add3A_233 : vector<16xi32>
        %swap3A_235 = arith.index_cast %mul3A_147 : i32 to index
        %swap3A_236 = tpu.vector_load %arg35[%swap3A_235] {strides = array<i32>} : memref<512xi32, #tpu.memory_space<vmem>>, vector<16xi32>,
        %swap3A_237 = vector.shape_cast %swap3A_236 : vector<16xi32> to vector<16xi32>
        %swap3A_238 = vector.shape_cast %add3A_234 : vector<16xi32> to vector<16xi32>
        tpu.vector_store %arg35[%swap3A_235], %swap3A_238 {strides = array<i32>} : memref<512xi32, #tpu.memory_space<vmem>>, vector<16xi32>,
      }
      %scan3A_55 = arith.constant 32 : i32
      %dma_start3A_56 = arith.constant 0 : i32
      %dma_start3A_57 = arith.constant 0 : i32
      %dma_start3A_58 = tpu.memref_slice %arg7[%dma_start3A_56, %dma_start3A_57] : memref<24642x16xf32, #tpu.memory_space<hbm>> -> memref<24642x16xf32, #tpu.memory_space<hbm>>
      tpu.enqueue_indirect_dma source(%dma_start3A_58 : memref<24642x16xf32, #tpu.memory_space<hbm>>) target(%arg40 : memref<512x16xf32, #tpu.memory_space<vmem>>) offsets(%arg30 : memref<512xi32, #tpu.memory_space<vmem>>) semaphore(%arg51 : memref<!tpu.dma_semaphore, #tpu.memory_space<semaphore_mem>>)
      %dma_start3A_59 = arith.constant 0 : i32
      %dma_start3A_60 = arith.constant 0 : i32
      %dma_start3A_61 = tpu.memref_slice %arg7[%dma_start3A_59, %dma_start3A_60] : memref<24642x16xf32, #tpu.memory_space<hbm>> -> memref<24642x16xf32, #tpu.memory_space<hbm>>
      tpu.enqueue_indirect_dma source(%dma_start3A_61 : memref<24642x16xf32, #tpu.memory_space<hbm>>) target(%arg45 : memref<512x16xf32, #tpu.memory_space<vmem>>) offsets(%arg35 : memref<512xi32, #tpu.memory_space<vmem>>) semaphore(%arg56 : memref<!tpu.dma_semaphore, #tpu.memory_space<semaphore_mem>>)
      %scan3A_62 = arith.constant 0 : i32
      %scan3A_63 = arith.constant 0 : i32
      %scan3A_64 = arith.constant 32 : i32
      %scan3A_65 = arith.addi %scan3A_63, %scan3A_64 : i32
      %scan3A_66 = arith.constant 1 : i32
      scf.for %scan3A_145 = %scan3A_63 to %scan3A_65 step %scan3A_66  : i32 {
        %mul3A_146 = arith.constant 16 : i32
        %mul3A_147 = arith.muli %scan3A_145, %mul3A_146 : i32
        %get3A = arith.index_cast %mul3A_147 : i32 to index
        %get3A_148 = tpu.vector_load %arg27[%get3A] {strides = array<i32>} : memref<512xi32, #tpu.memory_space<vmem>>, vector<16xi32>,
        %get3A_149 = vector.shape_cast %get3A_148 : vector<16xi32> to vector<16xi32>
        %get3A_150 = arith.index_cast %mul3A_147 : i32 to index
        %get3A_151 = tpu.vector_load %arg16[%get3A_150] {strides = array<i32>} : memref<512xf32, #tpu.memory_space<vmem>>, vector<16xf32>,
        %get3A_152 = vector.shape_cast %get3A_151 : vector<16xf32> to vector<16xf32>
        %get3A_153 = arith.index_cast %mul3A_147 : i32 to index
        %get3A_154 = tpu.vector_load %arg14[%get3A_153] {strides = array<i32>} : memref<512xf32, #tpu.memory_space<vmem>>, vector<16xf32>,
        %get3A_155 = vector.shape_cast %get3A_154 : vector<16xf32> to vector<16xf32>
        %mul3A_156 = arith.constant 1.280000e+02 : f32
        %mul3A_157 = vector.broadcast %mul3A_156 : f32 to vector<16xf32>
        %mul3A_158 = arith.mulf %get3A_155, %mul3A_157 : vector<16xf32>
        %sub3A_159 = arith.constant 5.000000e-01 : f32
        %sub3A_160 = vector.broadcast %sub3A_159 : f32 to vector<16xf32>
        %sub3A_161 = arith.subf %mul3A_158, %sub3A_160 : vector<16xf32>
        %get3A_162 = arith.index_cast %mul3A_147 : i32 to index
        %get3A_163 = tpu.vector_load %arg15[%get3A_162] {strides = array<i32>} : memref<512xf32, #tpu.memory_space<vmem>>, vector<16xf32>,
        %get3A_164 = vector.shape_cast %get3A_163 : vector<16xf32> to vector<16xf32>
        %mul3A_165 = arith.constant 1.280000e+02 : f32
        %mul3A_166 = vector.broadcast %mul3A_165 : f32 to vector<16xf32>
        %mul3A_167 = arith.mulf %get3A_164, %mul3A_166 : vector<16xf32>
        %sub3A_168 = arith.constant 5.000000e-01 : f32
        %sub3A_169 = vector.broadcast %sub3A_168 : f32 to vector<16xf32>
        %sub3A_170 = arith.subf %mul3A_167, %sub3A_169 : vector<16xf32>
        %add3A_171 = arith.constant 1.000000e+00 : f32
        %add3A_172 = vector.broadcast %add3A_171 : f32 to vector<16xf32>
        %add3A_173 = arith.addf %sub3A_161, %add3A_172 : vector<16xf32>
        %convert_element_type3A_174 = arith.fptosi %add3A_173 : vector<16xf32> to vector<16xi32>
        %sub3A_175 = arith.constant 1 : i32
        %sub3A_176 = vector.broadcast %sub3A_175 : i32 to vector<16xi32>
        %sub3A_177 = arith.subi %convert_element_type3A_174, %sub3A_176 : vector<16xi32>
        %add3A_178 = arith.constant 1.000000e+00 : f32
        %add3A_179 = vector.broadcast %add3A_178 : f32 to vector<16xf32>
        %add3A_180 = arith.addf %sub3A_170, %add3A_179 : vector<16xf32>
        %convert_element_type3A_181 = arith.fptosi %add3A_180 : vector<16xf32> to vector<16xi32>
        %sub3A_182 = arith.constant 1 : i32
        %sub3A_183 = vector.broadcast %sub3A_182 : i32 to vector<16xi32>
        %sub3A_184 = arith.subi %convert_element_type3A_181, %sub3A_183 : vector<16xi32>
        %min3A = arith.constant 126 : i32
        %min3A_185 = vector.broadcast %min3A : i32 to vector<16xi32>
        %min3A_186 = arith.minsi %sub3A_177, %min3A_185 : vector<16xi32>
        %max3A = arith.constant 0 : i32
        %max3A_187 = vector.broadcast %max3A : i32 to vector<16xi32>
        %max3A_188 = arith.maxsi %min3A_186, %max3A_187 : vector<16xi32>
        %min3A_189 = arith.constant 126 : i32
        %min3A_190 = vector.broadcast %min3A_189 : i32 to vector<16xi32>
        %min3A_191 = arith.minsi %sub3A_184, %min3A_190 : vector<16xi32>
        %max3A_192 = arith.constant 0 : i32
        %max3A_193 = vector.broadcast %max3A_192 : i32 to vector<16xi32>
        %max3A_194 = arith.maxsi %min3A_191, %max3A_193 : vector<16xi32>
        %convert_element_type3A_195 = arith.sitofp %max3A_188 : vector<16xi32> to vector<16xf32>
        %sub3A_196 = arith.subf %sub3A_161, %convert_element_type3A_195 : vector<16xf32>
        %convert_element_type3A_197 = arith.sitofp %max3A_194 : vector<16xi32> to vector<16xf32>
        %sub3A_198 = arith.subf %sub3A_170, %convert_element_type3A_197 : vector<16xf32>
        %min3A_199 = arith.constant 1.000000e+00 : f32
        %min3A_200 = vector.broadcast %min3A_199 : f32 to vector<16xf32>
        %min3A_201 = arith.minimumf %sub3A_196, %min3A_200 : vector<16xf32>
        %max3A_202 = arith.constant 0.000000e+00 : f32
        %max3A_203 = vector.broadcast %max3A_202 : f32 to vector<16xf32>
        %max3A_204 = arith.maximumf %min3A_201, %max3A_203 : vector<16xf32>
        %swap3A = arith.index_cast %mul3A_147 : i32 to index
        %swap3A_205 = tpu.vector_load %arg20[%swap3A] {strides = array<i32>} : memref<512xf32, #tpu.memory_space<vmem>>, vector<16xf32>,
        %swap3A_206 = vector.shape_cast %swap3A_205 : vector<16xf32> to vector<16xf32>
        %swap3A_207 = vector.shape_cast %max3A_204 : vector<16xf32> to vector<16xf32>
        tpu.vector_store %arg20[%swap3A], %swap3A_207 {strides = array<i32>} : memref<512xf32, #tpu.memory_space<vmem>>, vector<16xf32>,
        %min3A_208 = arith.constant 1.000000e+00 : f32
        %min3A_209 = vector.broadcast %min3A_208 : f32 to vector<16xf32>
        %min3A_210 = arith.minimumf %sub3A_198, %min3A_209 : vector<16xf32>
        %max3A_211 = arith.constant 0.000000e+00 : f32
        %max3A_212 = vector.broadcast %max3A_211 : f32 to vector<16xf32>
        %max3A_213 = arith.maximumf %min3A_210, %max3A_212 : vector<16xf32>
        %swap3A_214 = arith.index_cast %mul3A_147 : i32 to index
        %swap3A_215 = tpu.vector_load %arg25[%swap3A_214] {strides = array<i32>} : memref<512xf32, #tpu.memory_space<vmem>>, vector<16xf32>,
        %swap3A_216 = vector.shape_cast %swap3A_215 : vector<16xf32> to vector<16xf32>
        %swap3A_217 = vector.shape_cast %max3A_213 : vector<16xf32> to vector<16xf32>
        tpu.vector_store %arg25[%swap3A_214], %swap3A_217 {strides = array<i32>} : memref<512xf32, #tpu.memory_space<vmem>>, vector<16xf32>,
        %mul3A_218 = arith.constant 16384 : i32
        %mul3A_219 = vector.broadcast %mul3A_218 : i32 to vector<16xi32>
        %mul3A_220 = arith.muli %get3A_149, %mul3A_219 : vector<16xi32>
        %mul3A_221 = arith.constant 128 : i32
        %mul3A_222 = vector.broadcast %mul3A_221 : i32 to vector<16xi32>
        %mul3A_223 = arith.muli %max3A_194, %mul3A_222 : vector<16xi32>
        %add3A_224 = arith.addi %mul3A_220, %mul3A_223 : vector<16xi32>
        %add3A_225 = arith.addi %add3A_224, %max3A_188 : vector<16xi32>
        %gt3A = arith.constant 5.000000e-01 : f32
        %gt3A_226 = vector.broadcast %gt3A : f32 to vector<16xf32>
        %gt3A_227 = arith.cmpf ogt, %get3A_152, %gt3A_226 : vector<16xf32>
        %jit3A = arith.constant 98304 : i32
        %broadcast_in_dim3A = vector.broadcast %jit3A : i32 to vector<16xi32>
        %select_n3A = arith.select %gt3A_227, %add3A_225, %broadcast_in_dim3A : vector<16xi1>, vector<16xi32>
        %swap3A_228 = arith.index_cast %mul3A_147 : i32 to index
        %swap3A_229 = tpu.vector_load %arg31[%swap3A_228] {strides = array<i32>} : memref<512xi32, #tpu.memory_space<vmem>>, vector<16xi32>,
        %swap3A_230 = vector.shape_cast %swap3A_229 : vector<16xi32> to vector<16xi32>
        %swap3A_231 = vector.shape_cast %select_n3A : vector<16xi32> to vector<16xi32>
        tpu.vector_store %arg31[%swap3A_228], %swap3A_231 {strides = array<i32>} : memref<512xi32, #tpu.memory_space<vmem>>, vector<16xi32>,
        %add3A_232 = arith.constant 128 : i32
        %add3A_233 = vector.broadcast %add3A_232 : i32 to vector<16xi32>
        %add3A_234 = arith.addi %select_n3A, %add3A_233 : vector<16xi32>
        %swap3A_235 = arith.index_cast %mul3A_147 : i32 to index
        %swap3A_236 = tpu.vector_load %arg36[%swap3A_235] {strides = array<i32>} : memref<512xi32, #tpu.memory_space<vmem>>, vector<16xi32>,
        %swap3A_237 = vector.shape_cast %swap3A_236 : vector<16xi32> to vector<16xi32>
        %swap3A_238 = vector.shape_cast %add3A_234 : vector<16xi32> to vector<16xi32>
        tpu.vector_store %arg36[%swap3A_235], %swap3A_238 {strides = array<i32>} : memref<512xi32, #tpu.memory_space<vmem>>, vector<16xi32>,
      }
      %scan3A_67 = arith.constant 32 : i32
      %dma_start3A_68 = arith.constant 0 : i32
      %dma_start3A_69 = arith.constant 0 : i32
      %dma_start3A_70 = tpu.memref_slice %arg8[%dma_start3A_68, %dma_start3A_69] : memref<98434x16xf32, #tpu.memory_space<hbm>> -> memref<98434x16xf32, #tpu.memory_space<hbm>>
      tpu.enqueue_indirect_dma source(%dma_start3A_70 : memref<98434x16xf32, #tpu.memory_space<hbm>>) target(%arg41 : memref<512x16xf32, #tpu.memory_space<vmem>>) offsets(%arg31 : memref<512xi32, #tpu.memory_space<vmem>>) semaphore(%arg52 : memref<!tpu.dma_semaphore, #tpu.memory_space<semaphore_mem>>)
      %dma_start3A_71 = arith.constant 0 : i32
      %dma_start3A_72 = arith.constant 0 : i32
      %dma_start3A_73 = tpu.memref_slice %arg8[%dma_start3A_71, %dma_start3A_72] : memref<98434x16xf32, #tpu.memory_space<hbm>> -> memref<98434x16xf32, #tpu.memory_space<hbm>>
      tpu.enqueue_indirect_dma source(%dma_start3A_73 : memref<98434x16xf32, #tpu.memory_space<hbm>>) target(%arg46 : memref<512x16xf32, #tpu.memory_space<vmem>>) offsets(%arg36 : memref<512xi32, #tpu.memory_space<vmem>>) semaphore(%arg57 : memref<!tpu.dma_semaphore, #tpu.memory_space<semaphore_mem>>)
      %scan3A_74 = arith.constant 0 : i32
      %scan3A_75 = arith.constant 0 : i32
      %scan3A_76 = arith.constant 32 : i32
      %scan3A_77 = arith.addi %scan3A_75, %scan3A_76 : i32
      %scan3A_78 = arith.constant 1 : i32
      scf.for %scan3A_145 = %scan3A_75 to %scan3A_77 step %scan3A_78  : i32 {
        %mul3A_146 = arith.constant 16 : i32
        %mul3A_147 = arith.muli %scan3A_145, %mul3A_146 : i32
        %get3A = arith.index_cast %mul3A_147 : i32 to index
        %get3A_148 = tpu.vector_load %arg27[%get3A] {strides = array<i32>} : memref<512xi32, #tpu.memory_space<vmem>>, vector<16xi32>,
        %get3A_149 = vector.shape_cast %get3A_148 : vector<16xi32> to vector<16xi32>
        %get3A_150 = arith.index_cast %mul3A_147 : i32 to index
        %get3A_151 = tpu.vector_load %arg16[%get3A_150] {strides = array<i32>} : memref<512xf32, #tpu.memory_space<vmem>>, vector<16xf32>,
        %get3A_152 = vector.shape_cast %get3A_151 : vector<16xf32> to vector<16xf32>
        %get3A_153 = arith.index_cast %mul3A_147 : i32 to index
        %get3A_154 = tpu.vector_load %arg14[%get3A_153] {strides = array<i32>} : memref<512xf32, #tpu.memory_space<vmem>>, vector<16xf32>,
        %get3A_155 = vector.shape_cast %get3A_154 : vector<16xf32> to vector<16xf32>
        %mul3A_156 = arith.constant 2.560000e+02 : f32
        %mul3A_157 = vector.broadcast %mul3A_156 : f32 to vector<16xf32>
        %mul3A_158 = arith.mulf %get3A_155, %mul3A_157 : vector<16xf32>
        %sub3A_159 = arith.constant 5.000000e-01 : f32
        %sub3A_160 = vector.broadcast %sub3A_159 : f32 to vector<16xf32>
        %sub3A_161 = arith.subf %mul3A_158, %sub3A_160 : vector<16xf32>
        %get3A_162 = arith.index_cast %mul3A_147 : i32 to index
        %get3A_163 = tpu.vector_load %arg15[%get3A_162] {strides = array<i32>} : memref<512xf32, #tpu.memory_space<vmem>>, vector<16xf32>,
        %get3A_164 = vector.shape_cast %get3A_163 : vector<16xf32> to vector<16xf32>
        %mul3A_165 = arith.constant 2.560000e+02 : f32
        %mul3A_166 = vector.broadcast %mul3A_165 : f32 to vector<16xf32>
        %mul3A_167 = arith.mulf %get3A_164, %mul3A_166 : vector<16xf32>
        %sub3A_168 = arith.constant 5.000000e-01 : f32
        %sub3A_169 = vector.broadcast %sub3A_168 : f32 to vector<16xf32>
        %sub3A_170 = arith.subf %mul3A_167, %sub3A_169 : vector<16xf32>
        %add3A_171 = arith.constant 1.000000e+00 : f32
        %add3A_172 = vector.broadcast %add3A_171 : f32 to vector<16xf32>
        %add3A_173 = arith.addf %sub3A_161, %add3A_172 : vector<16xf32>
        %convert_element_type3A_174 = arith.fptosi %add3A_173 : vector<16xf32> to vector<16xi32>
        %sub3A_175 = arith.constant 1 : i32
        %sub3A_176 = vector.broadcast %sub3A_175 : i32 to vector<16xi32>
        %sub3A_177 = arith.subi %convert_element_type3A_174, %sub3A_176 : vector<16xi32>
        %add3A_178 = arith.constant 1.000000e+00 : f32
        %add3A_179 = vector.broadcast %add3A_178 : f32 to vector<16xf32>
        %add3A_180 = arith.addf %sub3A_170, %add3A_179 : vector<16xf32>
        %convert_element_type3A_181 = arith.fptosi %add3A_180 : vector<16xf32> to vector<16xi32>
        %sub3A_182 = arith.constant 1 : i32
        %sub3A_183 = vector.broadcast %sub3A_182 : i32 to vector<16xi32>
        %sub3A_184 = arith.subi %convert_element_type3A_181, %sub3A_183 : vector<16xi32>
        %min3A = arith.constant 254 : i32
        %min3A_185 = vector.broadcast %min3A : i32 to vector<16xi32>
        %min3A_186 = arith.minsi %sub3A_177, %min3A_185 : vector<16xi32>
        %max3A = arith.constant 0 : i32
        %max3A_187 = vector.broadcast %max3A : i32 to vector<16xi32>
        %max3A_188 = arith.maxsi %min3A_186, %max3A_187 : vector<16xi32>
        %min3A_189 = arith.constant 254 : i32
        %min3A_190 = vector.broadcast %min3A_189 : i32 to vector<16xi32>
        %min3A_191 = arith.minsi %sub3A_184, %min3A_190 : vector<16xi32>
        %max3A_192 = arith.constant 0 : i32
        %max3A_193 = vector.broadcast %max3A_192 : i32 to vector<16xi32>
        %max3A_194 = arith.maxsi %min3A_191, %max3A_193 : vector<16xi32>
        %convert_element_type3A_195 = arith.sitofp %max3A_188 : vector<16xi32> to vector<16xf32>
        %sub3A_196 = arith.subf %sub3A_161, %convert_element_type3A_195 : vector<16xf32>
        %convert_element_type3A_197 = arith.sitofp %max3A_194 : vector<16xi32> to vector<16xf32>
        %sub3A_198 = arith.subf %sub3A_170, %convert_element_type3A_197 : vector<16xf32>
        %min3A_199 = arith.constant 1.000000e+00 : f32
        %min3A_200 = vector.broadcast %min3A_199 : f32 to vector<16xf32>
        %min3A_201 = arith.minimumf %sub3A_196, %min3A_200 : vector<16xf32>
        %max3A_202 = arith.constant 0.000000e+00 : f32
        %max3A_203 = vector.broadcast %max3A_202 : f32 to vector<16xf32>
        %max3A_204 = arith.maximumf %min3A_201, %max3A_203 : vector<16xf32>
        %swap3A = arith.index_cast %mul3A_147 : i32 to index
        %swap3A_205 = tpu.vector_load %arg21[%swap3A] {strides = array<i32>} : memref<512xf32, #tpu.memory_space<vmem>>, vector<16xf32>,
        %swap3A_206 = vector.shape_cast %swap3A_205 : vector<16xf32> to vector<16xf32>
        %swap3A_207 = vector.shape_cast %max3A_204 : vector<16xf32> to vector<16xf32>
        tpu.vector_store %arg21[%swap3A], %swap3A_207 {strides = array<i32>} : memref<512xf32, #tpu.memory_space<vmem>>, vector<16xf32>,
        %min3A_208 = arith.constant 1.000000e+00 : f32
        %min3A_209 = vector.broadcast %min3A_208 : f32 to vector<16xf32>
        %min3A_210 = arith.minimumf %sub3A_198, %min3A_209 : vector<16xf32>
        %max3A_211 = arith.constant 0.000000e+00 : f32
        %max3A_212 = vector.broadcast %max3A_211 : f32 to vector<16xf32>
        %max3A_213 = arith.maximumf %min3A_210, %max3A_212 : vector<16xf32>
        %swap3A_214 = arith.index_cast %mul3A_147 : i32 to index
        %swap3A_215 = tpu.vector_load %arg26[%swap3A_214] {strides = array<i32>} : memref<512xf32, #tpu.memory_space<vmem>>, vector<16xf32>,
        %swap3A_216 = vector.shape_cast %swap3A_215 : vector<16xf32> to vector<16xf32>
        %swap3A_217 = vector.shape_cast %max3A_213 : vector<16xf32> to vector<16xf32>
        tpu.vector_store %arg26[%swap3A_214], %swap3A_217 {strides = array<i32>} : memref<512xf32, #tpu.memory_space<vmem>>, vector<16xf32>,
        %mul3A_218 = arith.constant 65536 : i32
        %mul3A_219 = vector.broadcast %mul3A_218 : i32 to vector<16xi32>
        %mul3A_220 = arith.muli %get3A_149, %mul3A_219 : vector<16xi32>
        %mul3A_221 = arith.constant 256 : i32
        %mul3A_222 = vector.broadcast %mul3A_221 : i32 to vector<16xi32>
        %mul3A_223 = arith.muli %max3A_194, %mul3A_222 : vector<16xi32>
        %add3A_224 = arith.addi %mul3A_220, %mul3A_223 : vector<16xi32>
        %add3A_225 = arith.addi %add3A_224, %max3A_188 : vector<16xi32>
        %gt3A = arith.constant 5.000000e-01 : f32
        %gt3A_226 = vector.broadcast %gt3A : f32 to vector<16xf32>
        %gt3A_227 = arith.cmpf ogt, %get3A_152, %gt3A_226 : vector<16xf32>
        %jit3A = arith.constant 393216 : i32
        %broadcast_in_dim3A = vector.broadcast %jit3A : i32 to vector<16xi32>
        %select_n3A = arith.select %gt3A_227, %add3A_225, %broadcast_in_dim3A : vector<16xi1>, vector<16xi32>
        %swap3A_228 = arith.index_cast %mul3A_147 : i32 to index
        %swap3A_229 = tpu.vector_load %arg32[%swap3A_228] {strides = array<i32>} : memref<512xi32, #tpu.memory_space<vmem>>, vector<16xi32>,
        %swap3A_230 = vector.shape_cast %swap3A_229 : vector<16xi32> to vector<16xi32>
        %swap3A_231 = vector.shape_cast %select_n3A : vector<16xi32> to vector<16xi32>
        tpu.vector_store %arg32[%swap3A_228], %swap3A_231 {strides = array<i32>} : memref<512xi32, #tpu.memory_space<vmem>>, vector<16xi32>,
        %add3A_232 = arith.constant 256 : i32
        %add3A_233 = vector.broadcast %add3A_232 : i32 to vector<16xi32>
        %add3A_234 = arith.addi %select_n3A, %add3A_233 : vector<16xi32>
        %swap3A_235 = arith.index_cast %mul3A_147 : i32 to index
        %swap3A_236 = tpu.vector_load %arg37[%swap3A_235] {strides = array<i32>} : memref<512xi32, #tpu.memory_space<vmem>>, vector<16xi32>,
        %swap3A_237 = vector.shape_cast %swap3A_236 : vector<16xi32> to vector<16xi32>
        %swap3A_238 = vector.shape_cast %add3A_234 : vector<16xi32> to vector<16xi32>
        tpu.vector_store %arg37[%swap3A_235], %swap3A_238 {strides = array<i32>} : memref<512xi32, #tpu.memory_space<vmem>>, vector<16xi32>,
      }
      %scan3A_79 = arith.constant 32 : i32
      %dma_start3A_80 = arith.constant 0 : i32
      %dma_start3A_81 = arith.constant 0 : i32
      %dma_start3A_82 = tpu.memref_slice %arg9[%dma_start3A_80, %dma_start3A_81] : memref<393474x16xf32, #tpu.memory_space<hbm>> -> memref<393474x16xf32, #tpu.memory_space<hbm>>
      tpu.enqueue_indirect_dma source(%dma_start3A_82 : memref<393474x16xf32, #tpu.memory_space<hbm>>) target(%arg42 : memref<512x16xf32, #tpu.memory_space<vmem>>) offsets(%arg32 : memref<512xi32, #tpu.memory_space<vmem>>) semaphore(%arg53 : memref<!tpu.dma_semaphore, #tpu.memory_space<semaphore_mem>>)
      %dma_start3A_83 = arith.constant 0 : i32
      %dma_start3A_84 = arith.constant 0 : i32
      %dma_start3A_85 = tpu.memref_slice %arg9[%dma_start3A_83, %dma_start3A_84] : memref<393474x16xf32, #tpu.memory_space<hbm>> -> memref<393474x16xf32, #tpu.memory_space<hbm>>
      tpu.enqueue_indirect_dma source(%dma_start3A_85 : memref<393474x16xf32, #tpu.memory_space<hbm>>) target(%arg47 : memref<512x16xf32, #tpu.memory_space<vmem>>) offsets(%arg37 : memref<512xi32, #tpu.memory_space<vmem>>) semaphore(%arg58 : memref<!tpu.dma_semaphore, #tpu.memory_space<semaphore_mem>>)
      %dma_wait3A = arith.constant 0 : i32
      %dma_wait3A_86 = arith.constant 0 : i32
      %dma_wait3A_87 = tpu.memref_slice %arg5[%dma_wait3A, %dma_wait3A_86] : memref<1554x16xf32, #tpu.memory_space<hbm>> -> memref<1554x16xf32, #tpu.memory_space<hbm>>
      tpu.wait_indirect_dma semaphore(%arg49 : memref<!tpu.dma_semaphore, #tpu.memory_space<semaphore_mem>>) src(%dma_wait3A_87 : memref<1554x16xf32, #tpu.memory_space<hbm>>) dst(%arg38 : memref<512x16xf32, #tpu.memory_space<vmem>>)
      %dma_wait3A_88 = arith.constant 0 : i32
      %dma_wait3A_89 = arith.constant 0 : i32
      %dma_wait3A_90 = tpu.memref_slice %arg5[%dma_wait3A_88, %dma_wait3A_89] : memref<1554x16xf32, #tpu.memory_space<hbm>> -> memref<1554x16xf32, #tpu.memory_space<hbm>>
      tpu.wait_indirect_dma semaphore(%arg54 : memref<!tpu.dma_semaphore, #tpu.memory_space<semaphore_mem>>) src(%dma_wait3A_90 : memref<1554x16xf32, #tpu.memory_space<hbm>>) dst(%arg43 : memref<512x16xf32, #tpu.memory_space<vmem>>)
      %scan3A_91 = arith.constant 0 : i32
      %scan3A_92 = arith.constant 0 : i32
      %scan3A_93 = arith.constant 32 : i32
      %scan3A_94 = arith.addi %scan3A_92, %scan3A_93 : i32
      %scan3A_95 = arith.constant 1 : i32
      scf.for %scan3A_145 = %scan3A_92 to %scan3A_94 step %scan3A_95  : i32 {
        %mul3A_146 = arith.constant 16 : i32
        %mul3A_147 = arith.muli %scan3A_145, %mul3A_146 : i32
        %get3A = arith.index_cast %mul3A_147 : i32 to index
        %get3A_148 = tpu.vector_load %arg17[%get3A] {strides = array<i32>} : memref<512xf32, #tpu.memory_space<vmem>>, vector<16xf32>,
        %get3A_149 = vector.shape_cast %get3A_148 : vector<16xf32> to vector<16xf32>
        %get3A_150 = arith.index_cast %mul3A_147 : i32 to index
        %get3A_151 = tpu.vector_load %arg22[%get3A_150] {strides = array<i32>} : memref<512xf32, #tpu.memory_space<vmem>>, vector<16xf32>,
        %get3A_152 = vector.shape_cast %get3A_151 : vector<16xf32> to vector<16xf32>
        %add3A_153 = arith.constant 0 : i32
        %add3A_154 = arith.addi %mul3A_147, %add3A_153 : i32
        %get3A_155 = arith.index_cast %add3A_154 : i32 to index
        %get3A_156 = arith.constant 0 : index
        %get3A_157 = tpu.vector_load %arg38[%get3A_155, %get3A_156] {strides = array<i32>} : memref<512x16xf32, #tpu.memory_space<vmem>>, vector<1x16xf32>,
        %get3A_158 = vector.shape_cast %get3A_157 : vector<1x16xf32> to vector<16xf32>
        %get3A_159 = arith.index_cast %add3A_154 : i32 to index
        %get3A_160 = arith.constant 0 : index
        %get3A_161 = tpu.vector_load %arg43[%get3A_159, %get3A_160] {strides = array<i32>} : memref<512x16xf32, #tpu.memory_space<vmem>>, vector<1x16xf32>,
        %get3A_162 = vector.shape_cast %get3A_161 : vector<1x16xf32> to vector<16xf32>
        %slice3A = vector.extract_strided_slice %get3A_152 {offsets = [0], sizes = [1], strides = [1]} : vector<16xf32> to vector<1xf32>
        %squeeze3A = vector.extract %slice3A[0] : f32 from vector<1xf32>
        %broadcast_in_dim3A = vector.broadcast %squeeze3A : f32 to vector<16xf32>
        %sub3A_163 = arith.subf %get3A_162, %get3A_158 : vector<16xf32>
        %mul3A_164 = arith.mulf %sub3A_163, %broadcast_in_dim3A : vector<16xf32>
        %add3A_165 = arith.addf %get3A_158, %mul3A_164 : vector<16xf32>
        %gather3A = vector.shape_cast %reshape3A : vector<16x1xi32> to vector<16xi32>
        %gather3A_166 = tpu.dynamic_gather %add3A_165[%gather3A] in [0] : vector<16xf32>, vector<16xi32> -> vector<16xf32>
        %slice3A_167 = vector.extract_strided_slice %get3A_149 {offsets = [0], sizes = [1], strides = [1]} : vector<16xf32> to vector<1xf32>
        %squeeze3A_168 = vector.extract %slice3A_167[0] : f32 from vector<1xf32>
        %broadcast_in_dim3A_169 = vector.broadcast %squeeze3A_168 : f32 to vector<16xf32>
        %mul3A_170 = arith.mulf %sub3A_9, %broadcast_in_dim3A_169 : vector<16xf32>
        %add3A_171 = arith.addf %convert_element_type3A, %mul3A_170 : vector<16xf32>
        %sub3A_172 = arith.subf %gather3A_166, %add3A_165 : vector<16xf32>
        %mul3A_173 = arith.mulf %sub3A_172, %add3A_171 : vector<16xf32>
        %add3A_174 = arith.addf %add3A_165, %mul3A_173 : vector<16xf32>
        %swap3A = arith.index_cast %add3A_154 : i32 to index
        %swap3A_175 = arith.constant 0 : index
        %swap3A_176 = tpu.vector_load %arg48[%swap3A, %swap3A_175] {strides = array<i32>} : memref<512x48xf32, #tpu.memory_space<vmem>>, vector<1x16xf32>,
        %swap3A_177 = vector.shape_cast %swap3A_176 : vector<1x16xf32> to vector<16xf32>
        %swap3A_178 = vector.shape_cast %add3A_174 : vector<16xf32> to vector<1x16xf32>
        tpu.vector_store %arg48[%swap3A, %swap3A_175], %swap3A_178 {strides = array<i32>} : memref<512x48xf32, #tpu.memory_space<vmem>>, vector<1x16xf32>,
        %add3A_179 = arith.constant 1 : i32
        %add3A_180 = arith.addi %mul3A_147, %add3A_179 : i32
        %get3A_181 = arith.index_cast %add3A_180 : i32 to index
        %get3A_182 = arith.constant 0 : index
        %get3A_183 = tpu.vector_load %arg38[%get3A_181, %get3A_182] {strides = array<i32>} : memref<512x16xf32, #tpu.memory_space<vmem>>, vector<1x16xf32>,
        %get3A_184 = vector.shape_cast %get3A_183 : vector<1x16xf32> to vector<16xf32>
        %get3A_185 = arith.index_cast %add3A_180 : i32 to index
        %get3A_186 = arith.constant 0 : index
        %get3A_187 = tpu.vector_load %arg43[%get3A_185, %get3A_186] {strides = array<i32>} : memref<512x16xf32, #tpu.memory_space<vmem>>, vector<1x16xf32>,
        %get3A_188 = vector.shape_cast %get3A_187 : vector<1x16xf32> to vector<16xf32>
        %slice3A_189 = vector.extract_strided_slice %get3A_152 {offsets = [1], sizes = [1], strides = [1]} : vector<16xf32> to vector<1xf32>
        %squeeze3A_190 = vector.extract %slice3A_189[0] : f32 from vector<1xf32>
        %broadcast_in_dim3A_191 = vector.broadcast %squeeze3A_190 : f32 to vector<16xf32>
        %sub3A_192 = arith.subf %get3A_188, %get3A_184 : vector<16xf32>
        %mul3A_193 = arith.mulf %sub3A_192, %broadcast_in_dim3A_191 : vector<16xf32>
        %add3A_194 = arith.addf %get3A_184, %mul3A_193 : vector<16xf32>
        %gather3A_195 = vector.shape_cast %reshape3A : vector<16x1xi32> to vector<16xi32>
        %gather3A_196 = tpu.dynamic_gather %add3A_194[%gather3A_195] in [0] : vector<16xf32>, vector<16xi32> -> vector<16xf32>
        %slice3A_197 = vector.extract_strided_slice %get3A_149 {offsets = [1], sizes = [1], strides = [1]} : vector<16xf32> to vector<1xf32>
        %squeeze3A_198 = vector.extract %slice3A_197[0] : f32 from vector<1xf32>
        %broadcast_in_dim3A_199 = vector.broadcast %squeeze3A_198 : f32 to vector<16xf32>
        %mul3A_200 = arith.mulf %sub3A_9, %broadcast_in_dim3A_199 : vector<16xf32>
        %add3A_201 = arith.addf %convert_element_type3A, %mul3A_200 : vector<16xf32>
        %sub3A_202 = arith.subf %gather3A_196, %add3A_194 : vector<16xf32>
        %mul3A_203 = arith.mulf %sub3A_202, %add3A_201 : vector<16xf32>
        %add3A_204 = arith.addf %add3A_194, %mul3A_203 : vector<16xf32>
        %swap3A_205 = arith.index_cast %add3A_180 : i32 to index
        %swap3A_206 = arith.constant 0 : index
        %swap3A_207 = tpu.vector_load %arg48[%swap3A_205, %swap3A_206] {strides = array<i32>} : memref<512x48xf32, #tpu.memory_space<vmem>>, vector<1x16xf32>,
        %swap3A_208 = vector.shape_cast %swap3A_207 : vector<1x16xf32> to vector<16xf32>
        %swap3A_209 = vector.shape_cast %add3A_204 : vector<16xf32> to vector<1x16xf32>
        tpu.vector_store %arg48[%swap3A_205, %swap3A_206], %swap3A_209 {strides = array<i32>} : memref<512x48xf32, #tpu.memory_space<vmem>>, vector<1x16xf32>,
        %add3A_210 = arith.constant 2 : i32
        %add3A_211 = arith.addi %mul3A_147, %add3A_210 : i32
        %get3A_212 = arith.index_cast %add3A_211 : i32 to index
        %get3A_213 = arith.constant 0 : index
        %get3A_214 = tpu.vector_load %arg38[%get3A_212, %get3A_213] {strides = array<i32>} : memref<512x16xf32, #tpu.memory_space<vmem>>, vector<1x16xf32>,
        %get3A_215 = vector.shape_cast %get3A_214 : vector<1x16xf32> to vector<16xf32>
        %get3A_216 = arith.index_cast %add3A_211 : i32 to index
        %get3A_217 = arith.constant 0 : index
        %get3A_218 = tpu.vector_load %arg43[%get3A_216, %get3A_217] {strides = array<i32>} : memref<512x16xf32, #tpu.memory_space<vmem>>, vector<1x16xf32>,
        %get3A_219 = vector.shape_cast %get3A_218 : vector<1x16xf32> to vector<16xf32>
        %slice3A_220 = vector.extract_strided_slice %get3A_152 {offsets = [2], sizes = [1], strides = [1]} : vector<16xf32> to vector<1xf32>
        %squeeze3A_221 = vector.extract %slice3A_220[0] : f32 from vector<1xf32>
        %broadcast_in_dim3A_222 = vector.broadcast %squeeze3A_221 : f32 to vector<16xf32>
        %sub3A_223 = arith.subf %get3A_219, %get3A_215 : vector<16xf32>
        %mul3A_224 = arith.mulf %sub3A_223, %broadcast_in_dim3A_222 : vector<16xf32>
        %add3A_225 = arith.addf %get3A_215, %mul3A_224 : vector<16xf32>
        %gather3A_226 = vector.shape_cast %reshape3A : vector<16x1xi32> to vector<16xi32>
        %gather3A_227 = tpu.dynamic_gather %add3A_225[%gather3A_226] in [0] : vector<16xf32>, vector<16xi32> -> vector<16xf32>
        %slice3A_228 = vector.extract_strided_slice %get3A_149 {offsets = [2], sizes = [1], strides = [1]} : vector<16xf32> to vector<1xf32>
        %squeeze3A_229 = vector.extract %slice3A_228[0] : f32 from vector<1xf32>
        %broadcast_in_dim3A_230 = vector.broadcast %squeeze3A_229 : f32 to vector<16xf32>
        %mul3A_231 = arith.mulf %sub3A_9, %broadcast_in_dim3A_230 : vector<16xf32>
        %add3A_232 = arith.addf %convert_element_type3A, %mul3A_231 : vector<16xf32>
        %sub3A_233 = arith.subf %gather3A_227, %add3A_225 : vector<16xf32>
        %mul3A_234 = arith.mulf %sub3A_233, %add3A_232 : vector<16xf32>
        %add3A_235 = arith.addf %add3A_225, %mul3A_234 : vector<16xf32>
        %swap3A_236 = arith.index_cast %add3A_211 : i32 to index
        %swap3A_237 = arith.constant 0 : index
        %swap3A_238 = tpu.vector_load %arg48[%swap3A_236, %swap3A_237] {strides = array<i32>} : memref<512x48xf32, #tpu.memory_space<vmem>>, vector<1x16xf32>,
        %swap3A_239 = vector.shape_cast %swap3A_238 : vector<1x16xf32> to vector<16xf32>
        %swap3A_240 = vector.shape_cast %add3A_235 : vector<16xf32> to vector<1x16xf32>
        tpu.vector_store %arg48[%swap3A_236, %swap3A_237], %swap3A_240 {strides = array<i32>} : memref<512x48xf32, #tpu.memory_space<vmem>>, vector<1x16xf32>,
        %add3A_241 = arith.constant 3 : i32
        %add3A_242 = arith.addi %mul3A_147, %add3A_241 : i32
        %get3A_243 = arith.index_cast %add3A_242 : i32 to index
        %get3A_244 = arith.constant 0 : index
        %get3A_245 = tpu.vector_load %arg38[%get3A_243, %get3A_244] {strides = array<i32>} : memref<512x16xf32, #tpu.memory_space<vmem>>, vector<1x16xf32>,
        %get3A_246 = vector.shape_cast %get3A_245 : vector<1x16xf32> to vector<16xf32>
        %get3A_247 = arith.index_cast %add3A_242 : i32 to index
        %get3A_248 = arith.constant 0 : index
        %get3A_249 = tpu.vector_load %arg43[%get3A_247, %get3A_248] {strides = array<i32>} : memref<512x16xf32, #tpu.memory_space<vmem>>, vector<1x16xf32>,
        %get3A_250 = vector.shape_cast %get3A_249 : vector<1x16xf32> to vector<16xf32>
        %slice3A_251 = vector.extract_strided_slice %get3A_152 {offsets = [3], sizes = [1], strides = [1]} : vector<16xf32> to vector<1xf32>
        %squeeze3A_252 = vector.extract %slice3A_251[0] : f32 from vector<1xf32>
        %broadcast_in_dim3A_253 = vector.broadcast %squeeze3A_252 : f32 to vector<16xf32>
        %sub3A_254 = arith.subf %get3A_250, %get3A_246 : vector<16xf32>
        %mul3A_255 = arith.mulf %sub3A_254, %broadcast_in_dim3A_253 : vector<16xf32>
        %add3A_256 = arith.addf %get3A_246, %mul3A_255 : vector<16xf32>
        %gather3A_257 = vector.shape_cast %reshape3A : vector<16x1xi32> to vector<16xi32>
        %gather3A_258 = tpu.dynamic_gather %add3A_256[%gather3A_257] in [0] : vector<16xf32>, vector<16xi32> -> vector<16xf32>
        %slice3A_259 = vector.extract_strided_slice %get3A_149 {offsets = [3], sizes = [1], strides = [1]} : vector<16xf32> to vector<1xf32>
        %squeeze3A_260 = vector.extract %slice3A_259[0] : f32 from vector<1xf32>
        %broadcast_in_dim3A_261 = vector.broadcast %squeeze3A_260 : f32 to vector<16xf32>
        %mul3A_262 = arith.mulf %sub3A_9, %broadcast_in_dim3A_261 : vector<16xf32>
        %add3A_263 = arith.addf %convert_element_type3A, %mul3A_262 : vector<16xf32>
        %sub3A_264 = arith.subf %gather3A_258, %add3A_256 : vector<16xf32>
        %mul3A_265 = arith.mulf %sub3A_264, %add3A_263 : vector<16xf32>
        %add3A_266 = arith.addf %add3A_256, %mul3A_265 : vector<16xf32>
        %swap3A_267 = arith.index_cast %add3A_242 : i32 to index
        %swap3A_268 = arith.constant 0 : index
        %swap3A_269 = tpu.vector_load %arg48[%swap3A_267, %swap3A_268] {strides = array<i32>} : memref<512x48xf32, #tpu.memory_space<vmem>>, vector<1x16xf32>,
        %swap3A_270 = vector.shape_cast %swap3A_269 : vector<1x16xf32> to vector<16xf32>
        %swap3A_271 = vector.shape_cast %add3A_266 : vector<16xf32> to vector<1x16xf32>
        tpu.vector_store %arg48[%swap3A_267, %swap3A_268], %swap3A_271 {strides = array<i32>} : memref<512x48xf32, #tpu.memory_space<vmem>>, vector<1x16xf32>,
        %add3A_272 = arith.constant 4 : i32
        %add3A_273 = arith.addi %mul3A_147, %add3A_272 : i32
        %get3A_274 = arith.index_cast %add3A_273 : i32 to index
        %get3A_275 = arith.constant 0 : index
        %get3A_276 = tpu.vector_load %arg38[%get3A_274, %get3A_275] {strides = array<i32>} : memref<512x16xf32, #tpu.memory_space<vmem>>, vector<1x16xf32>,
        %get3A_277 = vector.shape_cast %get3A_276 : vector<1x16xf32> to vector<16xf32>
        %get3A_278 = arith.index_cast %add3A_273 : i32 to index
        %get3A_279 = arith.constant 0 : index
        %get3A_280 = tpu.vector_load %arg43[%get3A_278, %get3A_279] {strides = array<i32>} : memref<512x16xf32, #tpu.memory_space<vmem>>, vector<1x16xf32>,
        %get3A_281 = vector.shape_cast %get3A_280 : vector<1x16xf32> to vector<16xf32>
        %slice3A_282 = vector.extract_strided_slice %get3A_152 {offsets = [4], sizes = [1], strides = [1]} : vector<16xf32> to vector<1xf32>
        %squeeze3A_283 = vector.extract %slice3A_282[0] : f32 from vector<1xf32>
        %broadcast_in_dim3A_284 = vector.broadcast %squeeze3A_283 : f32 to vector<16xf32>
        %sub3A_285 = arith.subf %get3A_281, %get3A_277 : vector<16xf32>
        %mul3A_286 = arith.mulf %sub3A_285, %broadcast_in_dim3A_284 : vector<16xf32>
        %add3A_287 = arith.addf %get3A_277, %mul3A_286 : vector<16xf32>
        %gather3A_288 = vector.shape_cast %reshape3A : vector<16x1xi32> to vector<16xi32>
        %gather3A_289 = tpu.dynamic_gather %add3A_287[%gather3A_288] in [0] : vector<16xf32>, vector<16xi32> -> vector<16xf32>
        %slice3A_290 = vector.extract_strided_slice %get3A_149 {offsets = [4], sizes = [1], strides = [1]} : vector<16xf32> to vector<1xf32>
        %squeeze3A_291 = vector.extract %slice3A_290[0] : f32 from vector<1xf32>
        %broadcast_in_dim3A_292 = vector.broadcast %squeeze3A_291 : f32 to vector<16xf32>
        %mul3A_293 = arith.mulf %sub3A_9, %broadcast_in_dim3A_292 : vector<16xf32>
        %add3A_294 = arith.addf %convert_element_type3A, %mul3A_293 : vector<16xf32>
        %sub3A_295 = arith.subf %gather3A_289, %add3A_287 : vector<16xf32>
        %mul3A_296 = arith.mulf %sub3A_295, %add3A_294 : vector<16xf32>
        %add3A_297 = arith.addf %add3A_287, %mul3A_296 : vector<16xf32>
        %swap3A_298 = arith.index_cast %add3A_273 : i32 to index
        %swap3A_299 = arith.constant 0 : index
        %swap3A_300 = tpu.vector_load %arg48[%swap3A_298, %swap3A_299] {strides = array<i32>} : memref<512x48xf32, #tpu.memory_space<vmem>>, vector<1x16xf32>,
        %swap3A_301 = vector.shape_cast %swap3A_300 : vector<1x16xf32> to vector<16xf32>
        %swap3A_302 = vector.shape_cast %add3A_297 : vector<16xf32> to vector<1x16xf32>
        tpu.vector_store %arg48[%swap3A_298, %swap3A_299], %swap3A_302 {strides = array<i32>} : memref<512x48xf32, #tpu.memory_space<vmem>>, vector<1x16xf32>,
        %add3A_303 = arith.constant 5 : i32
        %add3A_304 = arith.addi %mul3A_147, %add3A_303 : i32
        %get3A_305 = arith.index_cast %add3A_304 : i32 to index
        %get3A_306 = arith.constant 0 : index
        %get3A_307 = tpu.vector_load %arg38[%get3A_305, %get3A_306] {strides = array<i32>} : memref<512x16xf32, #tpu.memory_space<vmem>>, vector<1x16xf32>,
        %get3A_308 = vector.shape_cast %get3A_307 : vector<1x16xf32> to vector<16xf32>
        %get3A_309 = arith.index_cast %add3A_304 : i32 to index
        %get3A_310 = arith.constant 0 : index
        %get3A_311 = tpu.vector_load %arg43[%get3A_309, %get3A_310] {strides = array<i32>} : memref<512x16xf32, #tpu.memory_space<vmem>>, vector<1x16xf32>,
        %get3A_312 = vector.shape_cast %get3A_311 : vector<1x16xf32> to vector<16xf32>
        %slice3A_313 = vector.extract_strided_slice %get3A_152 {offsets = [5], sizes = [1], strides = [1]} : vector<16xf32> to vector<1xf32>
        %squeeze3A_314 = vector.extract %slice3A_313[0] : f32 from vector<1xf32>
        %broadcast_in_dim3A_315 = vector.broadcast %squeeze3A_314 : f32 to vector<16xf32>
        %sub3A_316 = arith.subf %get3A_312, %get3A_308 : vector<16xf32>
        %mul3A_317 = arith.mulf %sub3A_316, %broadcast_in_dim3A_315 : vector<16xf32>
        %add3A_318 = arith.addf %get3A_308, %mul3A_317 : vector<16xf32>
        %gather3A_319 = vector.shape_cast %reshape3A : vector<16x1xi32> to vector<16xi32>
        %gather3A_320 = tpu.dynamic_gather %add3A_318[%gather3A_319] in [0] : vector<16xf32>, vector<16xi32> -> vector<16xf32>
        %slice3A_321 = vector.extract_strided_slice %get3A_149 {offsets = [5], sizes = [1], strides = [1]} : vector<16xf32> to vector<1xf32>
        %squeeze3A_322 = vector.extract %slice3A_321[0] : f32 from vector<1xf32>
        %broadcast_in_dim3A_323 = vector.broadcast %squeeze3A_322 : f32 to vector<16xf32>
        %mul3A_324 = arith.mulf %sub3A_9, %broadcast_in_dim3A_323 : vector<16xf32>
        %add3A_325 = arith.addf %convert_element_type3A, %mul3A_324 : vector<16xf32>
        %sub3A_326 = arith.subf %gather3A_320, %add3A_318 : vector<16xf32>
        %mul3A_327 = arith.mulf %sub3A_326, %add3A_325 : vector<16xf32>
        %add3A_328 = arith.addf %add3A_318, %mul3A_327 : vector<16xf32>
        %swap3A_329 = arith.index_cast %add3A_304 : i32 to index
        %swap3A_330 = arith.constant 0 : index
        %swap3A_331 = tpu.vector_load %arg48[%swap3A_329, %swap3A_330] {strides = array<i32>} : memref<512x48xf32, #tpu.memory_space<vmem>>, vector<1x16xf32>,
        %swap3A_332 = vector.shape_cast %swap3A_331 : vector<1x16xf32> to vector<16xf32>
        %swap3A_333 = vector.shape_cast %add3A_328 : vector<16xf32> to vector<1x16xf32>
        tpu.vector_store %arg48[%swap3A_329, %swap3A_330], %swap3A_333 {strides = array<i32>} : memref<512x48xf32, #tpu.memory_space<vmem>>, vector<1x16xf32>,
        %add3A_334 = arith.constant 6 : i32
        %add3A_335 = arith.addi %mul3A_147, %add3A_334 : i32
        %get3A_336 = arith.index_cast %add3A_335 : i32 to index
        %get3A_337 = arith.constant 0 : index
        %get3A_338 = tpu.vector_load %arg38[%get3A_336, %get3A_337] {strides = array<i32>} : memref<512x16xf32, #tpu.memory_space<vmem>>, vector<1x16xf32>,
        %get3A_339 = vector.shape_cast %get3A_338 : vector<1x16xf32> to vector<16xf32>
        %get3A_340 = arith.index_cast %add3A_335 : i32 to index
        %get3A_341 = arith.constant 0 : index
        %get3A_342 = tpu.vector_load %arg43[%get3A_340, %get3A_341] {strides = array<i32>} : memref<512x16xf32, #tpu.memory_space<vmem>>, vector<1x16xf32>,
        %get3A_343 = vector.shape_cast %get3A_342 : vector<1x16xf32> to vector<16xf32>
        %slice3A_344 = vector.extract_strided_slice %get3A_152 {offsets = [6], sizes = [1], strides = [1]} : vector<16xf32> to vector<1xf32>
        %squeeze3A_345 = vector.extract %slice3A_344[0] : f32 from vector<1xf32>
        %broadcast_in_dim3A_346 = vector.broadcast %squeeze3A_345 : f32 to vector<16xf32>
        %sub3A_347 = arith.subf %get3A_343, %get3A_339 : vector<16xf32>
        %mul3A_348 = arith.mulf %sub3A_347, %broadcast_in_dim3A_346 : vector<16xf32>
        %add3A_349 = arith.addf %get3A_339, %mul3A_348 : vector<16xf32>
        %gather3A_350 = vector.shape_cast %reshape3A : vector<16x1xi32> to vector<16xi32>
        %gather3A_351 = tpu.dynamic_gather %add3A_349[%gather3A_350] in [0] : vector<16xf32>, vector<16xi32> -> vector<16xf32>
        %slice3A_352 = vector.extract_strided_slice %get3A_149 {offsets = [6], sizes = [1], strides = [1]} : vector<16xf32> to vector<1xf32>
        %squeeze3A_353 = vector.extract %slice3A_352[0] : f32 from vector<1xf32>
        %broadcast_in_dim3A_354 = vector.broadcast %squeeze3A_353 : f32 to vector<16xf32>
        %mul3A_355 = arith.mulf %sub3A_9, %broadcast_in_dim3A_354 : vector<16xf32>
        %add3A_356 = arith.addf %convert_element_type3A, %mul3A_355 : vector<16xf32>
        %sub3A_357 = arith.subf %gather3A_351, %add3A_349 : vector<16xf32>
        %mul3A_358 = arith.mulf %sub3A_357, %add3A_356 : vector<16xf32>
        %add3A_359 = arith.addf %add3A_349, %mul3A_358 : vector<16xf32>
        %swap3A_360 = arith.index_cast %add3A_335 : i32 to index
        %swap3A_361 = arith.constant 0 : index
        %swap3A_362 = tpu.vector_load %arg48[%swap3A_360, %swap3A_361] {strides = array<i32>} : memref<512x48xf32, #tpu.memory_space<vmem>>, vector<1x16xf32>,
        %swap3A_363 = vector.shape_cast %swap3A_362 : vector<1x16xf32> to vector<16xf32>
        %swap3A_364 = vector.shape_cast %add3A_359 : vector<16xf32> to vector<1x16xf32>
        tpu.vector_store %arg48[%swap3A_360, %swap3A_361], %swap3A_364 {strides = array<i32>} : memref<512x48xf32, #tpu.memory_space<vmem>>, vector<1x16xf32>,
        %add3A_365 = arith.constant 7 : i32
        %add3A_366 = arith.addi %mul3A_147, %add3A_365 : i32
        %get3A_367 = arith.index_cast %add3A_366 : i32 to index
        %get3A_368 = arith.constant 0 : index
        %get3A_369 = tpu.vector_load %arg38[%get3A_367, %get3A_368] {strides = array<i32>} : memref<512x16xf32, #tpu.memory_space<vmem>>, vector<1x16xf32>,
        %get3A_370 = vector.shape_cast %get3A_369 : vector<1x16xf32> to vector<16xf32>
        %get3A_371 = arith.index_cast %add3A_366 : i32 to index
        %get3A_372 = arith.constant 0 : index
        %get3A_373 = tpu.vector_load %arg43[%get3A_371, %get3A_372] {strides = array<i32>} : memref<512x16xf32, #tpu.memory_space<vmem>>, vector<1x16xf32>,
        %get3A_374 = vector.shape_cast %get3A_373 : vector<1x16xf32> to vector<16xf32>
        %slice3A_375 = vector.extract_strided_slice %get3A_152 {offsets = [7], sizes = [1], strides = [1]} : vector<16xf32> to vector<1xf32>
        %squeeze3A_376 = vector.extract %slice3A_375[0] : f32 from vector<1xf32>
        %broadcast_in_dim3A_377 = vector.broadcast %squeeze3A_376 : f32 to vector<16xf32>
        %sub3A_378 = arith.subf %get3A_374, %get3A_370 : vector<16xf32>
        %mul3A_379 = arith.mulf %sub3A_378, %broadcast_in_dim3A_377 : vector<16xf32>
        %add3A_380 = arith.addf %get3A_370, %mul3A_379 : vector<16xf32>
        %gather3A_381 = vector.shape_cast %reshape3A : vector<16x1xi32> to vector<16xi32>
        %gather3A_382 = tpu.dynamic_gather %add3A_380[%gather3A_381] in [0] : vector<16xf32>, vector<16xi32> -> vector<16xf32>
        %slice3A_383 = vector.extract_strided_slice %get3A_149 {offsets = [7], sizes = [1], strides = [1]} : vector<16xf32> to vector<1xf32>
        %squeeze3A_384 = vector.extract %slice3A_383[0] : f32 from vector<1xf32>
        %broadcast_in_dim3A_385 = vector.broadcast %squeeze3A_384 : f32 to vector<16xf32>
        %mul3A_386 = arith.mulf %sub3A_9, %broadcast_in_dim3A_385 : vector<16xf32>
        %add3A_387 = arith.addf %convert_element_type3A, %mul3A_386 : vector<16xf32>
        %sub3A_388 = arith.subf %gather3A_382, %add3A_380 : vector<16xf32>
        %mul3A_389 = arith.mulf %sub3A_388, %add3A_387 : vector<16xf32>
        %add3A_390 = arith.addf %add3A_380, %mul3A_389 : vector<16xf32>
        %swap3A_391 = arith.index_cast %add3A_366 : i32 to index
        %swap3A_392 = arith.constant 0 : index
        %swap3A_393 = tpu.vector_load %arg48[%swap3A_391, %swap3A_392] {strides = array<i32>} : memref<512x48xf32, #tpu.memory_space<vmem>>, vector<1x16xf32>,
        %swap3A_394 = vector.shape_cast %swap3A_393 : vector<1x16xf32> to vector<16xf32>
        %swap3A_395 = vector.shape_cast %add3A_390 : vector<16xf32> to vector<1x16xf32>
        tpu.vector_store %arg48[%swap3A_391, %swap3A_392], %swap3A_395 {strides = array<i32>} : memref<512x48xf32, #tpu.memory_space<vmem>>, vector<1x16xf32>,
        %add3A_396 = arith.constant 8 : i32
        %add3A_397 = arith.addi %mul3A_147, %add3A_396 : i32
        %get3A_398 = arith.index_cast %add3A_397 : i32 to index
        %get3A_399 = arith.constant 0 : index
        %get3A_400 = tpu.vector_load %arg38[%get3A_398, %get3A_399] {strides = array<i32>} : memref<512x16xf32, #tpu.memory_space<vmem>>, vector<1x16xf32>,
        %get3A_401 = vector.shape_cast %get3A_400 : vector<1x16xf32> to vector<16xf32>
        %get3A_402 = arith.index_cast %add3A_397 : i32 to index
        %get3A_403 = arith.constant 0 : index
        %get3A_404 = tpu.vector_load %arg43[%get3A_402, %get3A_403] {strides = array<i32>} : memref<512x16xf32, #tpu.memory_space<vmem>>, vector<1x16xf32>,
        %get3A_405 = vector.shape_cast %get3A_404 : vector<1x16xf32> to vector<16xf32>
        %slice3A_406 = vector.extract_strided_slice %get3A_152 {offsets = [8], sizes = [1], strides = [1]} : vector<16xf32> to vector<1xf32>
        %squeeze3A_407 = vector.extract %slice3A_406[0] : f32 from vector<1xf32>
        %broadcast_in_dim3A_408 = vector.broadcast %squeeze3A_407 : f32 to vector<16xf32>
        %sub3A_409 = arith.subf %get3A_405, %get3A_401 : vector<16xf32>
        %mul3A_410 = arith.mulf %sub3A_409, %broadcast_in_dim3A_408 : vector<16xf32>
        %add3A_411 = arith.addf %get3A_401, %mul3A_410 : vector<16xf32>
        %gather3A_412 = vector.shape_cast %reshape3A : vector<16x1xi32> to vector<16xi32>
        %gather3A_413 = tpu.dynamic_gather %add3A_411[%gather3A_412] in [0] : vector<16xf32>, vector<16xi32> -> vector<16xf32>
        %slice3A_414 = vector.extract_strided_slice %get3A_149 {offsets = [8], sizes = [1], strides = [1]} : vector<16xf32> to vector<1xf32>
        %squeeze3A_415 = vector.extract %slice3A_414[0] : f32 from vector<1xf32>
        %broadcast_in_dim3A_416 = vector.broadcast %squeeze3A_415 : f32 to vector<16xf32>
        %mul3A_417 = arith.mulf %sub3A_9, %broadcast_in_dim3A_416 : vector<16xf32>
        %add3A_418 = arith.addf %convert_element_type3A, %mul3A_417 : vector<16xf32>
        %sub3A_419 = arith.subf %gather3A_413, %add3A_411 : vector<16xf32>
        %mul3A_420 = arith.mulf %sub3A_419, %add3A_418 : vector<16xf32>
        %add3A_421 = arith.addf %add3A_411, %mul3A_420 : vector<16xf32>
        %swap3A_422 = arith.index_cast %add3A_397 : i32 to index
        %swap3A_423 = arith.constant 0 : index
        %swap3A_424 = tpu.vector_load %arg48[%swap3A_422, %swap3A_423] {strides = array<i32>} : memref<512x48xf32, #tpu.memory_space<vmem>>, vector<1x16xf32>,
        %swap3A_425 = vector.shape_cast %swap3A_424 : vector<1x16xf32> to vector<16xf32>
        %swap3A_426 = vector.shape_cast %add3A_421 : vector<16xf32> to vector<1x16xf32>
        tpu.vector_store %arg48[%swap3A_422, %swap3A_423], %swap3A_426 {strides = array<i32>} : memref<512x48xf32, #tpu.memory_space<vmem>>, vector<1x16xf32>,
        %add3A_427 = arith.constant 9 : i32
        %add3A_428 = arith.addi %mul3A_147, %add3A_427 : i32
        %get3A_429 = arith.index_cast %add3A_428 : i32 to index
        %get3A_430 = arith.constant 0 : index
        %get3A_431 = tpu.vector_load %arg38[%get3A_429, %get3A_430] {strides = array<i32>} : memref<512x16xf32, #tpu.memory_space<vmem>>, vector<1x16xf32>,
        %get3A_432 = vector.shape_cast %get3A_431 : vector<1x16xf32> to vector<16xf32>
        %get3A_433 = arith.index_cast %add3A_428 : i32 to index
        %get3A_434 = arith.constant 0 : index
        %get3A_435 = tpu.vector_load %arg43[%get3A_433, %get3A_434] {strides = array<i32>} : memref<512x16xf32, #tpu.memory_space<vmem>>, vector<1x16xf32>,
        %get3A_436 = vector.shape_cast %get3A_435 : vector<1x16xf32> to vector<16xf32>
        %slice3A_437 = vector.extract_strided_slice %get3A_152 {offsets = [9], sizes = [1], strides = [1]} : vector<16xf32> to vector<1xf32>
        %squeeze3A_438 = vector.extract %slice3A_437[0] : f32 from vector<1xf32>
        %broadcast_in_dim3A_439 = vector.broadcast %squeeze3A_438 : f32 to vector<16xf32>
        %sub3A_440 = arith.subf %get3A_436, %get3A_432 : vector<16xf32>
        %mul3A_441 = arith.mulf %sub3A_440, %broadcast_in_dim3A_439 : vector<16xf32>
        %add3A_442 = arith.addf %get3A_432, %mul3A_441 : vector<16xf32>
        %gather3A_443 = vector.shape_cast %reshape3A : vector<16x1xi32> to vector<16xi32>
        %gather3A_444 = tpu.dynamic_gather %add3A_442[%gather3A_443] in [0] : vector<16xf32>, vector<16xi32> -> vector<16xf32>
        %slice3A_445 = vector.extract_strided_slice %get3A_149 {offsets = [9], sizes = [1], strides = [1]} : vector<16xf32> to vector<1xf32>
        %squeeze3A_446 = vector.extract %slice3A_445[0] : f32 from vector<1xf32>
        %broadcast_in_dim3A_447 = vector.broadcast %squeeze3A_446 : f32 to vector<16xf32>
        %mul3A_448 = arith.mulf %sub3A_9, %broadcast_in_dim3A_447 : vector<16xf32>
        %add3A_449 = arith.addf %convert_element_type3A, %mul3A_448 : vector<16xf32>
        %sub3A_450 = arith.subf %gather3A_444, %add3A_442 : vector<16xf32>
        %mul3A_451 = arith.mulf %sub3A_450, %add3A_449 : vector<16xf32>
        %add3A_452 = arith.addf %add3A_442, %mul3A_451 : vector<16xf32>
        %swap3A_453 = arith.index_cast %add3A_428 : i32 to index
        %swap3A_454 = arith.constant 0 : index
        %swap3A_455 = tpu.vector_load %arg48[%swap3A_453, %swap3A_454] {strides = array<i32>} : memref<512x48xf32, #tpu.memory_space<vmem>>, vector<1x16xf32>,
        %swap3A_456 = vector.shape_cast %swap3A_455 : vector<1x16xf32> to vector<16xf32>
        %swap3A_457 = vector.shape_cast %add3A_452 : vector<16xf32> to vector<1x16xf32>
        tpu.vector_store %arg48[%swap3A_453, %swap3A_454], %swap3A_457 {strides = array<i32>} : memref<512x48xf32, #tpu.memory_space<vmem>>, vector<1x16xf32>,
        %add3A_458 = arith.constant 10 : i32
        %add3A_459 = arith.addi %mul3A_147, %add3A_458 : i32
        %get3A_460 = arith.index_cast %add3A_459 : i32 to index
        %get3A_461 = arith.constant 0 : index
        %get3A_462 = tpu.vector_load %arg38[%get3A_460, %get3A_461] {strides = array<i32>} : memref<512x16xf32, #tpu.memory_space<vmem>>, vector<1x16xf32>,
        %get3A_463 = vector.shape_cast %get3A_462 : vector<1x16xf32> to vector<16xf32>
        %get3A_464 = arith.index_cast %add3A_459 : i32 to index
        %get3A_465 = arith.constant 0 : index
        %get3A_466 = tpu.vector_load %arg43[%get3A_464, %get3A_465] {strides = array<i32>} : memref<512x16xf32, #tpu.memory_space<vmem>>, vector<1x16xf32>,
        %get3A_467 = vector.shape_cast %get3A_466 : vector<1x16xf32> to vector<16xf32>
        %slice3A_468 = vector.extract_strided_slice %get3A_152 {offsets = [10], sizes = [1], strides = [1]} : vector<16xf32> to vector<1xf32>
        %squeeze3A_469 = vector.extract %slice3A_468[0] : f32 from vector<1xf32>
        %broadcast_in_dim3A_470 = vector.broadcast %squeeze3A_469 : f32 to vector<16xf32>
        %sub3A_471 = arith.subf %get3A_467, %get3A_463 : vector<16xf32>
        %mul3A_472 = arith.mulf %sub3A_471, %broadcast_in_dim3A_470 : vector<16xf32>
        %add3A_473 = arith.addf %get3A_463, %mul3A_472 : vector<16xf32>
        %gather3A_474 = vector.shape_cast %reshape3A : vector<16x1xi32> to vector<16xi32>
        %gather3A_475 = tpu.dynamic_gather %add3A_473[%gather3A_474] in [0] : vector<16xf32>, vector<16xi32> -> vector<16xf32>
        %slice3A_476 = vector.extract_strided_slice %get3A_149 {offsets = [10], sizes = [1], strides = [1]} : vector<16xf32> to vector<1xf32>
        %squeeze3A_477 = vector.extract %slice3A_476[0] : f32 from vector<1xf32>
        %broadcast_in_dim3A_478 = vector.broadcast %squeeze3A_477 : f32 to vector<16xf32>
        %mul3A_479 = arith.mulf %sub3A_9, %broadcast_in_dim3A_478 : vector<16xf32>
        %add3A_480 = arith.addf %convert_element_type3A, %mul3A_479 : vector<16xf32>
        %sub3A_481 = arith.subf %gather3A_475, %add3A_473 : vector<16xf32>
        %mul3A_482 = arith.mulf %sub3A_481, %add3A_480 : vector<16xf32>
        %add3A_483 = arith.addf %add3A_473, %mul3A_482 : vector<16xf32>
        %swap3A_484 = arith.index_cast %add3A_459 : i32 to index
        %swap3A_485 = arith.constant 0 : index
        %swap3A_486 = tpu.vector_load %arg48[%swap3A_484, %swap3A_485] {strides = array<i32>} : memref<512x48xf32, #tpu.memory_space<vmem>>, vector<1x16xf32>,
        %swap3A_487 = vector.shape_cast %swap3A_486 : vector<1x16xf32> to vector<16xf32>
        %swap3A_488 = vector.shape_cast %add3A_483 : vector<16xf32> to vector<1x16xf32>
        tpu.vector_store %arg48[%swap3A_484, %swap3A_485], %swap3A_488 {strides = array<i32>} : memref<512x48xf32, #tpu.memory_space<vmem>>, vector<1x16xf32>,
        %add3A_489 = arith.constant 11 : i32
        %add3A_490 = arith.addi %mul3A_147, %add3A_489 : i32
        %get3A_491 = arith.index_cast %add3A_490 : i32 to index
        %get3A_492 = arith.constant 0 : index
        %get3A_493 = tpu.vector_load %arg38[%get3A_491, %get3A_492] {strides = array<i32>} : memref<512x16xf32, #tpu.memory_space<vmem>>, vector<1x16xf32>,
        %get3A_494 = vector.shape_cast %get3A_493 : vector<1x16xf32> to vector<16xf32>
        %get3A_495 = arith.index_cast %add3A_490 : i32 to index
        %get3A_496 = arith.constant 0 : index
        %get3A_497 = tpu.vector_load %arg43[%get3A_495, %get3A_496] {strides = array<i32>} : memref<512x16xf32, #tpu.memory_space<vmem>>, vector<1x16xf32>,
        %get3A_498 = vector.shape_cast %get3A_497 : vector<1x16xf32> to vector<16xf32>
        %slice3A_499 = vector.extract_strided_slice %get3A_152 {offsets = [11], sizes = [1], strides = [1]} : vector<16xf32> to vector<1xf32>
        %squeeze3A_500 = vector.extract %slice3A_499[0] : f32 from vector<1xf32>
        %broadcast_in_dim3A_501 = vector.broadcast %squeeze3A_500 : f32 to vector<16xf32>
        %sub3A_502 = arith.subf %get3A_498, %get3A_494 : vector<16xf32>
        %mul3A_503 = arith.mulf %sub3A_502, %broadcast_in_dim3A_501 : vector<16xf32>
        %add3A_504 = arith.addf %get3A_494, %mul3A_503 : vector<16xf32>
        %gather3A_505 = vector.shape_cast %reshape3A : vector<16x1xi32> to vector<16xi32>
        %gather3A_506 = tpu.dynamic_gather %add3A_504[%gather3A_505] in [0] : vector<16xf32>, vector<16xi32> -> vector<16xf32>
        %slice3A_507 = vector.extract_strided_slice %get3A_149 {offsets = [11], sizes = [1], strides = [1]} : vector<16xf32> to vector<1xf32>
        %squeeze3A_508 = vector.extract %slice3A_507[0] : f32 from vector<1xf32>
        %broadcast_in_dim3A_509 = vector.broadcast %squeeze3A_508 : f32 to vector<16xf32>
        %mul3A_510 = arith.mulf %sub3A_9, %broadcast_in_dim3A_509 : vector<16xf32>
        %add3A_511 = arith.addf %convert_element_type3A, %mul3A_510 : vector<16xf32>
        %sub3A_512 = arith.subf %gather3A_506, %add3A_504 : vector<16xf32>
        %mul3A_513 = arith.mulf %sub3A_512, %add3A_511 : vector<16xf32>
        %add3A_514 = arith.addf %add3A_504, %mul3A_513 : vector<16xf32>
        %swap3A_515 = arith.index_cast %add3A_490 : i32 to index
        %swap3A_516 = arith.constant 0 : index
        %swap3A_517 = tpu.vector_load %arg48[%swap3A_515, %swap3A_516] {strides = array<i32>} : memref<512x48xf32, #tpu.memory_space<vmem>>, vector<1x16xf32>,
        %swap3A_518 = vector.shape_cast %swap3A_517 : vector<1x16xf32> to vector<16xf32>
        %swap3A_519 = vector.shape_cast %add3A_514 : vector<16xf32> to vector<1x16xf32>
        tpu.vector_store %arg48[%swap3A_515, %swap3A_516], %swap3A_519 {strides = array<i32>} : memref<512x48xf32, #tpu.memory_space<vmem>>, vector<1x16xf32>,
        %add3A_520 = arith.constant 12 : i32
        %add3A_521 = arith.addi %mul3A_147, %add3A_520 : i32
        %get3A_522 = arith.index_cast %add3A_521 : i32 to index
        %get3A_523 = arith.constant 0 : index
        %get3A_524 = tpu.vector_load %arg38[%get3A_522, %get3A_523] {strides = array<i32>} : memref<512x16xf32, #tpu.memory_space<vmem>>, vector<1x16xf32>,
        %get3A_525 = vector.shape_cast %get3A_524 : vector<1x16xf32> to vector<16xf32>
        %get3A_526 = arith.index_cast %add3A_521 : i32 to index
        %get3A_527 = arith.constant 0 : index
        %get3A_528 = tpu.vector_load %arg43[%get3A_526, %get3A_527] {strides = array<i32>} : memref<512x16xf32, #tpu.memory_space<vmem>>, vector<1x16xf32>,
        %get3A_529 = vector.shape_cast %get3A_528 : vector<1x16xf32> to vector<16xf32>
        %slice3A_530 = vector.extract_strided_slice %get3A_152 {offsets = [12], sizes = [1], strides = [1]} : vector<16xf32> to vector<1xf32>
        %squeeze3A_531 = vector.extract %slice3A_530[0] : f32 from vector<1xf32>
        %broadcast_in_dim3A_532 = vector.broadcast %squeeze3A_531 : f32 to vector<16xf32>
        %sub3A_533 = arith.subf %get3A_529, %get3A_525 : vector<16xf32>
        %mul3A_534 = arith.mulf %sub3A_533, %broadcast_in_dim3A_532 : vector<16xf32>
        %add3A_535 = arith.addf %get3A_525, %mul3A_534 : vector<16xf32>
        %gather3A_536 = vector.shape_cast %reshape3A : vector<16x1xi32> to vector<16xi32>
        %gather3A_537 = tpu.dynamic_gather %add3A_535[%gather3A_536] in [0] : vector<16xf32>, vector<16xi32> -> vector<16xf32>
        %slice3A_538 = vector.extract_strided_slice %get3A_149 {offsets = [12], sizes = [1], strides = [1]} : vector<16xf32> to vector<1xf32>
        %squeeze3A_539 = vector.extract %slice3A_538[0] : f32 from vector<1xf32>
        %broadcast_in_dim3A_540 = vector.broadcast %squeeze3A_539 : f32 to vector<16xf32>
        %mul3A_541 = arith.mulf %sub3A_9, %broadcast_in_dim3A_540 : vector<16xf32>
        %add3A_542 = arith.addf %convert_element_type3A, %mul3A_541 : vector<16xf32>
        %sub3A_543 = arith.subf %gather3A_537, %add3A_535 : vector<16xf32>
        %mul3A_544 = arith.mulf %sub3A_543, %add3A_542 : vector<16xf32>
        %add3A_545 = arith.addf %add3A_535, %mul3A_544 : vector<16xf32>
        %swap3A_546 = arith.index_cast %add3A_521 : i32 to index
        %swap3A_547 = arith.constant 0 : index
        %swap3A_548 = tpu.vector_load %arg48[%swap3A_546, %swap3A_547] {strides = array<i32>} : memref<512x48xf32, #tpu.memory_space<vmem>>, vector<1x16xf32>,
        %swap3A_549 = vector.shape_cast %swap3A_548 : vector<1x16xf32> to vector<16xf32>
        %swap3A_550 = vector.shape_cast %add3A_545 : vector<16xf32> to vector<1x16xf32>
        tpu.vector_store %arg48[%swap3A_546, %swap3A_547], %swap3A_550 {strides = array<i32>} : memref<512x48xf32, #tpu.memory_space<vmem>>, vector<1x16xf32>,
        %add3A_551 = arith.constant 13 : i32
        %add3A_552 = arith.addi %mul3A_147, %add3A_551 : i32
        %get3A_553 = arith.index_cast %add3A_552 : i32 to index
        %get3A_554 = arith.constant 0 : index
        %get3A_555 = tpu.vector_load %arg38[%get3A_553, %get3A_554] {strides = array<i32>} : memref<512x16xf32, #tpu.memory_space<vmem>>, vector<1x16xf32>,
        %get3A_556 = vector.shape_cast %get3A_555 : vector<1x16xf32> to vector<16xf32>
        %get3A_557 = arith.index_cast %add3A_552 : i32 to index
        %get3A_558 = arith.constant 0 : index
        %get3A_559 = tpu.vector_load %arg43[%get3A_557, %get3A_558] {strides = array<i32>} : memref<512x16xf32, #tpu.memory_space<vmem>>, vector<1x16xf32>,
        %get3A_560 = vector.shape_cast %get3A_559 : vector<1x16xf32> to vector<16xf32>
        %slice3A_561 = vector.extract_strided_slice %get3A_152 {offsets = [13], sizes = [1], strides = [1]} : vector<16xf32> to vector<1xf32>
        %squeeze3A_562 = vector.extract %slice3A_561[0] : f32 from vector<1xf32>
        %broadcast_in_dim3A_563 = vector.broadcast %squeeze3A_562 : f32 to vector<16xf32>
        %sub3A_564 = arith.subf %get3A_560, %get3A_556 : vector<16xf32>
        %mul3A_565 = arith.mulf %sub3A_564, %broadcast_in_dim3A_563 : vector<16xf32>
        %add3A_566 = arith.addf %get3A_556, %mul3A_565 : vector<16xf32>
        %gather3A_567 = vector.shape_cast %reshape3A : vector<16x1xi32> to vector<16xi32>
        %gather3A_568 = tpu.dynamic_gather %add3A_566[%gather3A_567] in [0] : vector<16xf32>, vector<16xi32> -> vector<16xf32>
        %slice3A_569 = vector.extract_strided_slice %get3A_149 {offsets = [13], sizes = [1], strides = [1]} : vector<16xf32> to vector<1xf32>
        %squeeze3A_570 = vector.extract %slice3A_569[0] : f32 from vector<1xf32>
        %broadcast_in_dim3A_571 = vector.broadcast %squeeze3A_570 : f32 to vector<16xf32>
        %mul3A_572 = arith.mulf %sub3A_9, %broadcast_in_dim3A_571 : vector<16xf32>
        %add3A_573 = arith.addf %convert_element_type3A, %mul3A_572 : vector<16xf32>
        %sub3A_574 = arith.subf %gather3A_568, %add3A_566 : vector<16xf32>
        %mul3A_575 = arith.mulf %sub3A_574, %add3A_573 : vector<16xf32>
        %add3A_576 = arith.addf %add3A_566, %mul3A_575 : vector<16xf32>
        %swap3A_577 = arith.index_cast %add3A_552 : i32 to index
        %swap3A_578 = arith.constant 0 : index
        %swap3A_579 = tpu.vector_load %arg48[%swap3A_577, %swap3A_578] {strides = array<i32>} : memref<512x48xf32, #tpu.memory_space<vmem>>, vector<1x16xf32>,
        %swap3A_580 = vector.shape_cast %swap3A_579 : vector<1x16xf32> to vector<16xf32>
        %swap3A_581 = vector.shape_cast %add3A_576 : vector<16xf32> to vector<1x16xf32>
        tpu.vector_store %arg48[%swap3A_577, %swap3A_578], %swap3A_581 {strides = array<i32>} : memref<512x48xf32, #tpu.memory_space<vmem>>, vector<1x16xf32>,
        %add3A_582 = arith.constant 14 : i32
        %add3A_583 = arith.addi %mul3A_147, %add3A_582 : i32
        %get3A_584 = arith.index_cast %add3A_583 : i32 to index
        %get3A_585 = arith.constant 0 : index
        %get3A_586 = tpu.vector_load %arg38[%get3A_584, %get3A_585] {strides = array<i32>} : memref<512x16xf32, #tpu.memory_space<vmem>>, vector<1x16xf32>,
        %get3A_587 = vector.shape_cast %get3A_586 : vector<1x16xf32> to vector<16xf32>
        %get3A_588 = arith.index_cast %add3A_583 : i32 to index
        %get3A_589 = arith.constant 0 : index
        %get3A_590 = tpu.vector_load %arg43[%get3A_588, %get3A_589] {strides = array<i32>} : memref<512x16xf32, #tpu.memory_space<vmem>>, vector<1x16xf32>,
        %get3A_591 = vector.shape_cast %get3A_590 : vector<1x16xf32> to vector<16xf32>
        %slice3A_592 = vector.extract_strided_slice %get3A_152 {offsets = [14], sizes = [1], strides = [1]} : vector<16xf32> to vector<1xf32>
        %squeeze3A_593 = vector.extract %slice3A_592[0] : f32 from vector<1xf32>
        %broadcast_in_dim3A_594 = vector.broadcast %squeeze3A_593 : f32 to vector<16xf32>
        %sub3A_595 = arith.subf %get3A_591, %get3A_587 : vector<16xf32>
        %mul3A_596 = arith.mulf %sub3A_595, %broadcast_in_dim3A_594 : vector<16xf32>
        %add3A_597 = arith.addf %get3A_587, %mul3A_596 : vector<16xf32>
        %gather3A_598 = vector.shape_cast %reshape3A : vector<16x1xi32> to vector<16xi32>
        %gather3A_599 = tpu.dynamic_gather %add3A_597[%gather3A_598] in [0] : vector<16xf32>, vector<16xi32> -> vector<16xf32>
        %slice3A_600 = vector.extract_strided_slice %get3A_149 {offsets = [14], sizes = [1], strides = [1]} : vector<16xf32> to vector<1xf32>
        %squeeze3A_601 = vector.extract %slice3A_600[0] : f32 from vector<1xf32>
        %broadcast_in_dim3A_602 = vector.broadcast %squeeze3A_601 : f32 to vector<16xf32>
        %mul3A_603 = arith.mulf %sub3A_9, %broadcast_in_dim3A_602 : vector<16xf32>
        %add3A_604 = arith.addf %convert_element_type3A, %mul3A_603 : vector<16xf32>
        %sub3A_605 = arith.subf %gather3A_599, %add3A_597 : vector<16xf32>
        %mul3A_606 = arith.mulf %sub3A_605, %add3A_604 : vector<16xf32>
        %add3A_607 = arith.addf %add3A_597, %mul3A_606 : vector<16xf32>
        %swap3A_608 = arith.index_cast %add3A_583 : i32 to index
        %swap3A_609 = arith.constant 0 : index
        %swap3A_610 = tpu.vector_load %arg48[%swap3A_608, %swap3A_609] {strides = array<i32>} : memref<512x48xf32, #tpu.memory_space<vmem>>, vector<1x16xf32>,
        %swap3A_611 = vector.shape_cast %swap3A_610 : vector<1x16xf32> to vector<16xf32>
        %swap3A_612 = vector.shape_cast %add3A_607 : vector<16xf32> to vector<1x16xf32>
        tpu.vector_store %arg48[%swap3A_608, %swap3A_609], %swap3A_612 {strides = array<i32>} : memref<512x48xf32, #tpu.memory_space<vmem>>, vector<1x16xf32>,
        %add3A_613 = arith.constant 15 : i32
        %add3A_614 = arith.addi %mul3A_147, %add3A_613 : i32
        %get3A_615 = arith.index_cast %add3A_614 : i32 to index
        %get3A_616 = arith.constant 0 : index
        %get3A_617 = tpu.vector_load %arg38[%get3A_615, %get3A_616] {strides = array<i32>} : memref<512x16xf32, #tpu.memory_space<vmem>>, vector<1x16xf32>,
        %get3A_618 = vector.shape_cast %get3A_617 : vector<1x16xf32> to vector<16xf32>
        %get3A_619 = arith.index_cast %add3A_614 : i32 to index
        %get3A_620 = arith.constant 0 : index
        %get3A_621 = tpu.vector_load %arg43[%get3A_619, %get3A_620] {strides = array<i32>} : memref<512x16xf32, #tpu.memory_space<vmem>>, vector<1x16xf32>,
        %get3A_622 = vector.shape_cast %get3A_621 : vector<1x16xf32> to vector<16xf32>
        %slice3A_623 = vector.extract_strided_slice %get3A_152 {offsets = [15], sizes = [1], strides = [1]} : vector<16xf32> to vector<1xf32>
        %squeeze3A_624 = vector.extract %slice3A_623[0] : f32 from vector<1xf32>
        %broadcast_in_dim3A_625 = vector.broadcast %squeeze3A_624 : f32 to vector<16xf32>
        %sub3A_626 = arith.subf %get3A_622, %get3A_618 : vector<16xf32>
        %mul3A_627 = arith.mulf %sub3A_626, %broadcast_in_dim3A_625 : vector<16xf32>
        %add3A_628 = arith.addf %get3A_618, %mul3A_627 : vector<16xf32>
        %gather3A_629 = vector.shape_cast %reshape3A : vector<16x1xi32> to vector<16xi32>
        %gather3A_630 = tpu.dynamic_gather %add3A_628[%gather3A_629] in [0] : vector<16xf32>, vector<16xi32> -> vector<16xf32>
        %slice3A_631 = vector.extract_strided_slice %get3A_149 {offsets = [15], sizes = [1], strides = [1]} : vector<16xf32> to vector<1xf32>
        %squeeze3A_632 = vector.extract %slice3A_631[0] : f32 from vector<1xf32>
        %broadcast_in_dim3A_633 = vector.broadcast %squeeze3A_632 : f32 to vector<16xf32>
        %mul3A_634 = arith.mulf %sub3A_9, %broadcast_in_dim3A_633 : vector<16xf32>
        %add3A_635 = arith.addf %convert_element_type3A, %mul3A_634 : vector<16xf32>
        %sub3A_636 = arith.subf %gather3A_630, %add3A_628 : vector<16xf32>
        %mul3A_637 = arith.mulf %sub3A_636, %add3A_635 : vector<16xf32>
        %add3A_638 = arith.addf %add3A_628, %mul3A_637 : vector<16xf32>
        %swap3A_639 = arith.index_cast %add3A_614 : i32 to index
        %swap3A_640 = arith.constant 0 : index
        %swap3A_641 = tpu.vector_load %arg48[%swap3A_639, %swap3A_640] {strides = array<i32>} : memref<512x48xf32, #tpu.memory_space<vmem>>, vector<1x16xf32>,
        %swap3A_642 = vector.shape_cast %swap3A_641 : vector<1x16xf32> to vector<16xf32>
        %swap3A_643 = vector.shape_cast %add3A_638 : vector<16xf32> to vector<1x16xf32>
        tpu.vector_store %arg48[%swap3A_639, %swap3A_640], %swap3A_643 {strides = array<i32>} : memref<512x48xf32, #tpu.memory_space<vmem>>, vector<1x16xf32>,
      }
      %scan3A_96 = arith.constant 32 : i32
      %dma_wait3A_97 = arith.constant 0 : i32
      %dma_wait3A_98 = arith.constant 0 : i32
      %dma_wait3A_99 = tpu.memref_slice %arg6[%dma_wait3A_97, %dma_wait3A_98] : memref<6178x16xf32, #tpu.memory_space<hbm>> -> memref<6178x16xf32, #tpu.memory_space<hbm>>
      tpu.wait_indirect_dma semaphore(%arg50 : memref<!tpu.dma_semaphore, #tpu.memory_space<semaphore_mem>>) src(%dma_wait3A_99 : memref<6178x16xf32, #tpu.memory_space<hbm>>) dst(%arg39 : memref<512x16xf32, #tpu.memory_space<vmem>>)
      %dma_wait3A_100 = arith.constant 0 : i32
      %dma_wait3A_101 = arith.constant 0 : i32
      %dma_wait3A_102 = tpu.memref_slice %arg6[%dma_wait3A_100, %dma_wait3A_101] : memref<6178x16xf32, #tpu.memory_space<hbm>> -> memref<6178x16xf32, #tpu.memory_space<hbm>>
      tpu.wait_indirect_dma semaphore(%arg55 : memref<!tpu.dma_semaphore, #tpu.memory_space<semaphore_mem>>) src(%dma_wait3A_102 : memref<6178x16xf32, #tpu.memory_space<hbm>>) dst(%arg44 : memref<512x16xf32, #tpu.memory_space<vmem>>)
      %scan3A_103 = arith.constant 0 : i32
      %scan3A_104 = arith.constant 0 : i32
      %scan3A_105 = arith.constant 32 : i32
      %scan3A_106 = arith.addi %scan3A_104, %scan3A_105 : i32
      %scan3A_107 = arith.constant 1 : i32
      scf.for %scan3A_145 = %scan3A_104 to %scan3A_106 step %scan3A_107  : i32 {
        %mul3A_146 = arith.constant 16 : i32
        %mul3A_147 = arith.muli %scan3A_145, %mul3A_146 : i32
        %get3A = arith.index_cast %mul3A_147 : i32 to index
        %get3A_148 = tpu.vector_load %arg18[%get3A] {strides = array<i32>} : memref<512xf32, #tpu.memory_space<vmem>>, vector<16xf32>,
        %get3A_149 = vector.shape_cast %get3A_148 : vector<16xf32> to vector<16xf32>
        %get3A_150 = arith.index_cast %mul3A_147 : i32 to index
        %get3A_151 = tpu.vector_load %arg23[%get3A_150] {strides = array<i32>} : memref<512xf32, #tpu.memory_space<vmem>>, vector<16xf32>,
        %get3A_152 = vector.shape_cast %get3A_151 : vector<16xf32> to vector<16xf32>
        %add3A_153 = arith.constant 0 : i32
        %add3A_154 = arith.addi %mul3A_147, %add3A_153 : i32
        %get3A_155 = arith.index_cast %add3A_154 : i32 to index
        %get3A_156 = arith.constant 0 : index
        %get3A_157 = tpu.vector_load %arg39[%get3A_155, %get3A_156] {strides = array<i32>} : memref<512x16xf32, #tpu.memory_space<vmem>>, vector<1x16xf32>,
        %get3A_158 = vector.shape_cast %get3A_157 : vector<1x16xf32> to vector<16xf32>
        %get3A_159 = arith.index_cast %add3A_154 : i32 to index
        %get3A_160 = arith.constant 0 : index
        %get3A_161 = tpu.vector_load %arg44[%get3A_159, %get3A_160] {strides = array<i32>} : memref<512x16xf32, #tpu.memory_space<vmem>>, vector<1x16xf32>,
        %get3A_162 = vector.shape_cast %get3A_161 : vector<1x16xf32> to vector<16xf32>
        %slice3A = vector.extract_strided_slice %get3A_152 {offsets = [0], sizes = [1], strides = [1]} : vector<16xf32> to vector<1xf32>
        %squeeze3A = vector.extract %slice3A[0] : f32 from vector<1xf32>
        %broadcast_in_dim3A = vector.broadcast %squeeze3A : f32 to vector<16xf32>
        %sub3A_163 = arith.subf %get3A_162, %get3A_158 : vector<16xf32>
        %mul3A_164 = arith.mulf %sub3A_163, %broadcast_in_dim3A : vector<16xf32>
        %add3A_165 = arith.addf %get3A_158, %mul3A_164 : vector<16xf32>
        %gather3A = vector.shape_cast %reshape3A : vector<16x1xi32> to vector<16xi32>
        %gather3A_166 = tpu.dynamic_gather %add3A_165[%gather3A] in [0] : vector<16xf32>, vector<16xi32> -> vector<16xf32>
        %slice3A_167 = vector.extract_strided_slice %get3A_149 {offsets = [0], sizes = [1], strides = [1]} : vector<16xf32> to vector<1xf32>
        %squeeze3A_168 = vector.extract %slice3A_167[0] : f32 from vector<1xf32>
        %broadcast_in_dim3A_169 = vector.broadcast %squeeze3A_168 : f32 to vector<16xf32>
        %mul3A_170 = arith.mulf %sub3A_9, %broadcast_in_dim3A_169 : vector<16xf32>
        %add3A_171 = arith.addf %convert_element_type3A, %mul3A_170 : vector<16xf32>
        %sub3A_172 = arith.subf %gather3A_166, %add3A_165 : vector<16xf32>
        %mul3A_173 = arith.mulf %sub3A_172, %add3A_171 : vector<16xf32>
        %add3A_174 = arith.addf %add3A_165, %mul3A_173 : vector<16xf32>
        %swap3A = arith.index_cast %add3A_154 : i32 to index
        %swap3A_175 = arith.constant 8 : index
        %swap3A_176 = tpu.vector_load %arg48[%swap3A, %swap3A_175] {strides = array<i32>} : memref<512x48xf32, #tpu.memory_space<vmem>>, vector<1x16xf32>,
        %swap3A_177 = vector.shape_cast %swap3A_176 : vector<1x16xf32> to vector<16xf32>
        %swap3A_178 = vector.shape_cast %add3A_174 : vector<16xf32> to vector<1x16xf32>
        tpu.vector_store %arg48[%swap3A, %swap3A_175], %swap3A_178 {strides = array<i32>} : memref<512x48xf32, #tpu.memory_space<vmem>>, vector<1x16xf32>,
        %add3A_179 = arith.constant 1 : i32
        %add3A_180 = arith.addi %mul3A_147, %add3A_179 : i32
        %get3A_181 = arith.index_cast %add3A_180 : i32 to index
        %get3A_182 = arith.constant 0 : index
        %get3A_183 = tpu.vector_load %arg39[%get3A_181, %get3A_182] {strides = array<i32>} : memref<512x16xf32, #tpu.memory_space<vmem>>, vector<1x16xf32>,
        %get3A_184 = vector.shape_cast %get3A_183 : vector<1x16xf32> to vector<16xf32>
        %get3A_185 = arith.index_cast %add3A_180 : i32 to index
        %get3A_186 = arith.constant 0 : index
        %get3A_187 = tpu.vector_load %arg44[%get3A_185, %get3A_186] {strides = array<i32>} : memref<512x16xf32, #tpu.memory_space<vmem>>, vector<1x16xf32>,
        %get3A_188 = vector.shape_cast %get3A_187 : vector<1x16xf32> to vector<16xf32>
        %slice3A_189 = vector.extract_strided_slice %get3A_152 {offsets = [1], sizes = [1], strides = [1]} : vector<16xf32> to vector<1xf32>
        %squeeze3A_190 = vector.extract %slice3A_189[0] : f32 from vector<1xf32>
        %broadcast_in_dim3A_191 = vector.broadcast %squeeze3A_190 : f32 to vector<16xf32>
        %sub3A_192 = arith.subf %get3A_188, %get3A_184 : vector<16xf32>
        %mul3A_193 = arith.mulf %sub3A_192, %broadcast_in_dim3A_191 : vector<16xf32>
        %add3A_194 = arith.addf %get3A_184, %mul3A_193 : vector<16xf32>
        %gather3A_195 = vector.shape_cast %reshape3A : vector<16x1xi32> to vector<16xi32>
        %gather3A_196 = tpu.dynamic_gather %add3A_194[%gather3A_195] in [0] : vector<16xf32>, vector<16xi32> -> vector<16xf32>
        %slice3A_197 = vector.extract_strided_slice %get3A_149 {offsets = [1], sizes = [1], strides = [1]} : vector<16xf32> to vector<1xf32>
        %squeeze3A_198 = vector.extract %slice3A_197[0] : f32 from vector<1xf32>
        %broadcast_in_dim3A_199 = vector.broadcast %squeeze3A_198 : f32 to vector<16xf32>
        %mul3A_200 = arith.mulf %sub3A_9, %broadcast_in_dim3A_199 : vector<16xf32>
        %add3A_201 = arith.addf %convert_element_type3A, %mul3A_200 : vector<16xf32>
        %sub3A_202 = arith.subf %gather3A_196, %add3A_194 : vector<16xf32>
        %mul3A_203 = arith.mulf %sub3A_202, %add3A_201 : vector<16xf32>
        %add3A_204 = arith.addf %add3A_194, %mul3A_203 : vector<16xf32>
        %swap3A_205 = arith.index_cast %add3A_180 : i32 to index
        %swap3A_206 = arith.constant 8 : index
        %swap3A_207 = tpu.vector_load %arg48[%swap3A_205, %swap3A_206] {strides = array<i32>} : memref<512x48xf32, #tpu.memory_space<vmem>>, vector<1x16xf32>,
        %swap3A_208 = vector.shape_cast %swap3A_207 : vector<1x16xf32> to vector<16xf32>
        %swap3A_209 = vector.shape_cast %add3A_204 : vector<16xf32> to vector<1x16xf32>
        tpu.vector_store %arg48[%swap3A_205, %swap3A_206], %swap3A_209 {strides = array<i32>} : memref<512x48xf32, #tpu.memory_space<vmem>>, vector<1x16xf32>,
        %add3A_210 = arith.constant 2 : i32
        %add3A_211 = arith.addi %mul3A_147, %add3A_210 : i32
        %get3A_212 = arith.index_cast %add3A_211 : i32 to index
        %get3A_213 = arith.constant 0 : index
        %get3A_214 = tpu.vector_load %arg39[%get3A_212, %get3A_213] {strides = array<i32>} : memref<512x16xf32, #tpu.memory_space<vmem>>, vector<1x16xf32>,
        %get3A_215 = vector.shape_cast %get3A_214 : vector<1x16xf32> to vector<16xf32>
        %get3A_216 = arith.index_cast %add3A_211 : i32 to index
        %get3A_217 = arith.constant 0 : index
        %get3A_218 = tpu.vector_load %arg44[%get3A_216, %get3A_217] {strides = array<i32>} : memref<512x16xf32, #tpu.memory_space<vmem>>, vector<1x16xf32>,
        %get3A_219 = vector.shape_cast %get3A_218 : vector<1x16xf32> to vector<16xf32>
        %slice3A_220 = vector.extract_strided_slice %get3A_152 {offsets = [2], sizes = [1], strides = [1]} : vector<16xf32> to vector<1xf32>
        %squeeze3A_221 = vector.extract %slice3A_220[0] : f32 from vector<1xf32>
        %broadcast_in_dim3A_222 = vector.broadcast %squeeze3A_221 : f32 to vector<16xf32>
        %sub3A_223 = arith.subf %get3A_219, %get3A_215 : vector<16xf32>
        %mul3A_224 = arith.mulf %sub3A_223, %broadcast_in_dim3A_222 : vector<16xf32>
        %add3A_225 = arith.addf %get3A_215, %mul3A_224 : vector<16xf32>
        %gather3A_226 = vector.shape_cast %reshape3A : vector<16x1xi32> to vector<16xi32>
        %gather3A_227 = tpu.dynamic_gather %add3A_225[%gather3A_226] in [0] : vector<16xf32>, vector<16xi32> -> vector<16xf32>
        %slice3A_228 = vector.extract_strided_slice %get3A_149 {offsets = [2], sizes = [1], strides = [1]} : vector<16xf32> to vector<1xf32>
        %squeeze3A_229 = vector.extract %slice3A_228[0] : f32 from vector<1xf32>
        %broadcast_in_dim3A_230 = vector.broadcast %squeeze3A_229 : f32 to vector<16xf32>
        %mul3A_231 = arith.mulf %sub3A_9, %broadcast_in_dim3A_230 : vector<16xf32>
        %add3A_232 = arith.addf %convert_element_type3A, %mul3A_231 : vector<16xf32>
        %sub3A_233 = arith.subf %gather3A_227, %add3A_225 : vector<16xf32>
        %mul3A_234 = arith.mulf %sub3A_233, %add3A_232 : vector<16xf32>
        %add3A_235 = arith.addf %add3A_225, %mul3A_234 : vector<16xf32>
        %swap3A_236 = arith.index_cast %add3A_211 : i32 to index
        %swap3A_237 = arith.constant 8 : index
        %swap3A_238 = tpu.vector_load %arg48[%swap3A_236, %swap3A_237] {strides = array<i32>} : memref<512x48xf32, #tpu.memory_space<vmem>>, vector<1x16xf32>,
        %swap3A_239 = vector.shape_cast %swap3A_238 : vector<1x16xf32> to vector<16xf32>
        %swap3A_240 = vector.shape_cast %add3A_235 : vector<16xf32> to vector<1x16xf32>
        tpu.vector_store %arg48[%swap3A_236, %swap3A_237], %swap3A_240 {strides = array<i32>} : memref<512x48xf32, #tpu.memory_space<vmem>>, vector<1x16xf32>,
        %add3A_241 = arith.constant 3 : i32
        %add3A_242 = arith.addi %mul3A_147, %add3A_241 : i32
        %get3A_243 = arith.index_cast %add3A_242 : i32 to index
        %get3A_244 = arith.constant 0 : index
        %get3A_245 = tpu.vector_load %arg39[%get3A_243, %get3A_244] {strides = array<i32>} : memref<512x16xf32, #tpu.memory_space<vmem>>, vector<1x16xf32>,
        %get3A_246 = vector.shape_cast %get3A_245 : vector<1x16xf32> to vector<16xf32>
        %get3A_247 = arith.index_cast %add3A_242 : i32 to index
        %get3A_248 = arith.constant 0 : index
        %get3A_249 = tpu.vector_load %arg44[%get3A_247, %get3A_248] {strides = array<i32>} : memref<512x16xf32, #tpu.memory_space<vmem>>, vector<1x16xf32>,
        %get3A_250 = vector.shape_cast %get3A_249 : vector<1x16xf32> to vector<16xf32>
        %slice3A_251 = vector.extract_strided_slice %get3A_152 {offsets = [3], sizes = [1], strides = [1]} : vector<16xf32> to vector<1xf32>
        %squeeze3A_252 = vector.extract %slice3A_251[0] : f32 from vector<1xf32>
        %broadcast_in_dim3A_253 = vector.broadcast %squeeze3A_252 : f32 to vector<16xf32>
        %sub3A_254 = arith.subf %get3A_250, %get3A_246 : vector<16xf32>
        %mul3A_255 = arith.mulf %sub3A_254, %broadcast_in_dim3A_253 : vector<16xf32>
        %add3A_256 = arith.addf %get3A_246, %mul3A_255 : vector<16xf32>
        %gather3A_257 = vector.shape_cast %reshape3A : vector<16x1xi32> to vector<16xi32>
        %gather3A_258 = tpu.dynamic_gather %add3A_256[%gather3A_257] in [0] : vector<16xf32>, vector<16xi32> -> vector<16xf32>
        %slice3A_259 = vector.extract_strided_slice %get3A_149 {offsets = [3], sizes = [1], strides = [1]} : vector<16xf32> to vector<1xf32>
        %squeeze3A_260 = vector.extract %slice3A_259[0] : f32 from vector<1xf32>
        %broadcast_in_dim3A_261 = vector.broadcast %squeeze3A_260 : f32 to vector<16xf32>
        %mul3A_262 = arith.mulf %sub3A_9, %broadcast_in_dim3A_261 : vector<16xf32>
        %add3A_263 = arith.addf %convert_element_type3A, %mul3A_262 : vector<16xf32>
        %sub3A_264 = arith.subf %gather3A_258, %add3A_256 : vector<16xf32>
        %mul3A_265 = arith.mulf %sub3A_264, %add3A_263 : vector<16xf32>
        %add3A_266 = arith.addf %add3A_256, %mul3A_265 : vector<16xf32>
        %swap3A_267 = arith.index_cast %add3A_242 : i32 to index
        %swap3A_268 = arith.constant 8 : index
        %swap3A_269 = tpu.vector_load %arg48[%swap3A_267, %swap3A_268] {strides = array<i32>} : memref<512x48xf32, #tpu.memory_space<vmem>>, vector<1x16xf32>,
        %swap3A_270 = vector.shape_cast %swap3A_269 : vector<1x16xf32> to vector<16xf32>
        %swap3A_271 = vector.shape_cast %add3A_266 : vector<16xf32> to vector<1x16xf32>
        tpu.vector_store %arg48[%swap3A_267, %swap3A_268], %swap3A_271 {strides = array<i32>} : memref<512x48xf32, #tpu.memory_space<vmem>>, vector<1x16xf32>,
        %add3A_272 = arith.constant 4 : i32
        %add3A_273 = arith.addi %mul3A_147, %add3A_272 : i32
        %get3A_274 = arith.index_cast %add3A_273 : i32 to index
        %get3A_275 = arith.constant 0 : index
        %get3A_276 = tpu.vector_load %arg39[%get3A_274, %get3A_275] {strides = array<i32>} : memref<512x16xf32, #tpu.memory_space<vmem>>, vector<1x16xf32>,
        %get3A_277 = vector.shape_cast %get3A_276 : vector<1x16xf32> to vector<16xf32>
        %get3A_278 = arith.index_cast %add3A_273 : i32 to index
        %get3A_279 = arith.constant 0 : index
        %get3A_280 = tpu.vector_load %arg44[%get3A_278, %get3A_279] {strides = array<i32>} : memref<512x16xf32, #tpu.memory_space<vmem>>, vector<1x16xf32>,
        %get3A_281 = vector.shape_cast %get3A_280 : vector<1x16xf32> to vector<16xf32>
        %slice3A_282 = vector.extract_strided_slice %get3A_152 {offsets = [4], sizes = [1], strides = [1]} : vector<16xf32> to vector<1xf32>
        %squeeze3A_283 = vector.extract %slice3A_282[0] : f32 from vector<1xf32>
        %broadcast_in_dim3A_284 = vector.broadcast %squeeze3A_283 : f32 to vector<16xf32>
        %sub3A_285 = arith.subf %get3A_281, %get3A_277 : vector<16xf32>
        %mul3A_286 = arith.mulf %sub3A_285, %broadcast_in_dim3A_284 : vector<16xf32>
        %add3A_287 = arith.addf %get3A_277, %mul3A_286 : vector<16xf32>
        %gather3A_288 = vector.shape_cast %reshape3A : vector<16x1xi32> to vector<16xi32>
        %gather3A_289 = tpu.dynamic_gather %add3A_287[%gather3A_288] in [0] : vector<16xf32>, vector<16xi32> -> vector<16xf32>
        %slice3A_290 = vector.extract_strided_slice %get3A_149 {offsets = [4], sizes = [1], strides = [1]} : vector<16xf32> to vector<1xf32>
        %squeeze3A_291 = vector.extract %slice3A_290[0] : f32 from vector<1xf32>
        %broadcast_in_dim3A_292 = vector.broadcast %squeeze3A_291 : f32 to vector<16xf32>
        %mul3A_293 = arith.mulf %sub3A_9, %broadcast_in_dim3A_292 : vector<16xf32>
        %add3A_294 = arith.addf %convert_element_type3A, %mul3A_293 : vector<16xf32>
        %sub3A_295 = arith.subf %gather3A_289, %add3A_287 : vector<16xf32>
        %mul3A_296 = arith.mulf %sub3A_295, %add3A_294 : vector<16xf32>
        %add3A_297 = arith.addf %add3A_287, %mul3A_296 : vector<16xf32>
        %swap3A_298 = arith.index_cast %add3A_273 : i32 to index
        %swap3A_299 = arith.constant 8 : index
        %swap3A_300 = tpu.vector_load %arg48[%swap3A_298, %swap3A_299] {strides = array<i32>} : memref<512x48xf32, #tpu.memory_space<vmem>>, vector<1x16xf32>,
        %swap3A_301 = vector.shape_cast %swap3A_300 : vector<1x16xf32> to vector<16xf32>
        %swap3A_302 = vector.shape_cast %add3A_297 : vector<16xf32> to vector<1x16xf32>
        tpu.vector_store %arg48[%swap3A_298, %swap3A_299], %swap3A_302 {strides = array<i32>} : memref<512x48xf32, #tpu.memory_space<vmem>>, vector<1x16xf32>,
        %add3A_303 = arith.constant 5 : i32
        %add3A_304 = arith.addi %mul3A_147, %add3A_303 : i32
        %get3A_305 = arith.index_cast %add3A_304 : i32 to index
        %get3A_306 = arith.constant 0 : index
        %get3A_307 = tpu.vector_load %arg39[%get3A_305, %get3A_306] {strides = array<i32>} : memref<512x16xf32, #tpu.memory_space<vmem>>, vector<1x16xf32>,
        %get3A_308 = vector.shape_cast %get3A_307 : vector<1x16xf32> to vector<16xf32>
        %get3A_309 = arith.index_cast %add3A_304 : i32 to index
        %get3A_310 = arith.constant 0 : index
        %get3A_311 = tpu.vector_load %arg44[%get3A_309, %get3A_310] {strides = array<i32>} : memref<512x16xf32, #tpu.memory_space<vmem>>, vector<1x16xf32>,
        %get3A_312 = vector.shape_cast %get3A_311 : vector<1x16xf32> to vector<16xf32>
        %slice3A_313 = vector.extract_strided_slice %get3A_152 {offsets = [5], sizes = [1], strides = [1]} : vector<16xf32> to vector<1xf32>
        %squeeze3A_314 = vector.extract %slice3A_313[0] : f32 from vector<1xf32>
        %broadcast_in_dim3A_315 = vector.broadcast %squeeze3A_314 : f32 to vector<16xf32>
        %sub3A_316 = arith.subf %get3A_312, %get3A_308 : vector<16xf32>
        %mul3A_317 = arith.mulf %sub3A_316, %broadcast_in_dim3A_315 : vector<16xf32>
        %add3A_318 = arith.addf %get3A_308, %mul3A_317 : vector<16xf32>
        %gather3A_319 = vector.shape_cast %reshape3A : vector<16x1xi32> to vector<16xi32>
        %gather3A_320 = tpu.dynamic_gather %add3A_318[%gather3A_319] in [0] : vector<16xf32>, vector<16xi32> -> vector<16xf32>
        %slice3A_321 = vector.extract_strided_slice %get3A_149 {offsets = [5], sizes = [1], strides = [1]} : vector<16xf32> to vector<1xf32>
        %squeeze3A_322 = vector.extract %slice3A_321[0] : f32 from vector<1xf32>
        %broadcast_in_dim3A_323 = vector.broadcast %squeeze3A_322 : f32 to vector<16xf32>
        %mul3A_324 = arith.mulf %sub3A_9, %broadcast_in_dim3A_323 : vector<16xf32>
        %add3A_325 = arith.addf %convert_element_type3A, %mul3A_324 : vector<16xf32>
        %sub3A_326 = arith.subf %gather3A_320, %add3A_318 : vector<16xf32>
        %mul3A_327 = arith.mulf %sub3A_326, %add3A_325 : vector<16xf32>
        %add3A_328 = arith.addf %add3A_318, %mul3A_327 : vector<16xf32>
        %swap3A_329 = arith.index_cast %add3A_304 : i32 to index
        %swap3A_330 = arith.constant 8 : index
        %swap3A_331 = tpu.vector_load %arg48[%swap3A_329, %swap3A_330] {strides = array<i32>} : memref<512x48xf32, #tpu.memory_space<vmem>>, vector<1x16xf32>,
        %swap3A_332 = vector.shape_cast %swap3A_331 : vector<1x16xf32> to vector<16xf32>
        %swap3A_333 = vector.shape_cast %add3A_328 : vector<16xf32> to vector<1x16xf32>
        tpu.vector_store %arg48[%swap3A_329, %swap3A_330], %swap3A_333 {strides = array<i32>} : memref<512x48xf32, #tpu.memory_space<vmem>>, vector<1x16xf32>,
        %add3A_334 = arith.constant 6 : i32
        %add3A_335 = arith.addi %mul3A_147, %add3A_334 : i32
        %get3A_336 = arith.index_cast %add3A_335 : i32 to index
        %get3A_337 = arith.constant 0 : index
        %get3A_338 = tpu.vector_load %arg39[%get3A_336, %get3A_337] {strides = array<i32>} : memref<512x16xf32, #tpu.memory_space<vmem>>, vector<1x16xf32>,
        %get3A_339 = vector.shape_cast %get3A_338 : vector<1x16xf32> to vector<16xf32>
        %get3A_340 = arith.index_cast %add3A_335 : i32 to index
        %get3A_341 = arith.constant 0 : index
        %get3A_342 = tpu.vector_load %arg44[%get3A_340, %get3A_341] {strides = array<i32>} : memref<512x16xf32, #tpu.memory_space<vmem>>, vector<1x16xf32>,
        %get3A_343 = vector.shape_cast %get3A_342 : vector<1x16xf32> to vector<16xf32>
        %slice3A_344 = vector.extract_strided_slice %get3A_152 {offsets = [6], sizes = [1], strides = [1]} : vector<16xf32> to vector<1xf32>
        %squeeze3A_345 = vector.extract %slice3A_344[0] : f32 from vector<1xf32>
        %broadcast_in_dim3A_346 = vector.broadcast %squeeze3A_345 : f32 to vector<16xf32>
        %sub3A_347 = arith.subf %get3A_343, %get3A_339 : vector<16xf32>
        %mul3A_348 = arith.mulf %sub3A_347, %broadcast_in_dim3A_346 : vector<16xf32>
        %add3A_349 = arith.addf %get3A_339, %mul3A_348 : vector<16xf32>
        %gather3A_350 = vector.shape_cast %reshape3A : vector<16x1xi32> to vector<16xi32>
        %gather3A_351 = tpu.dynamic_gather %add3A_349[%gather3A_350] in [0] : vector<16xf32>, vector<16xi32> -> vector<16xf32>
        %slice3A_352 = vector.extract_strided_slice %get3A_149 {offsets = [6], sizes = [1], strides = [1]} : vector<16xf32> to vector<1xf32>
        %squeeze3A_353 = vector.extract %slice3A_352[0] : f32 from vector<1xf32>
        %broadcast_in_dim3A_354 = vector.broadcast %squeeze3A_353 : f32 to vector<16xf32>
        %mul3A_355 = arith.mulf %sub3A_9, %broadcast_in_dim3A_354 : vector<16xf32>
        %add3A_356 = arith.addf %convert_element_type3A, %mul3A_355 : vector<16xf32>
        %sub3A_357 = arith.subf %gather3A_351, %add3A_349 : vector<16xf32>
        %mul3A_358 = arith.mulf %sub3A_357, %add3A_356 : vector<16xf32>
        %add3A_359 = arith.addf %add3A_349, %mul3A_358 : vector<16xf32>
        %swap3A_360 = arith.index_cast %add3A_335 : i32 to index
        %swap3A_361 = arith.constant 8 : index
        %swap3A_362 = tpu.vector_load %arg48[%swap3A_360, %swap3A_361] {strides = array<i32>} : memref<512x48xf32, #tpu.memory_space<vmem>>, vector<1x16xf32>,
        %swap3A_363 = vector.shape_cast %swap3A_362 : vector<1x16xf32> to vector<16xf32>
        %swap3A_364 = vector.shape_cast %add3A_359 : vector<16xf32> to vector<1x16xf32>
        tpu.vector_store %arg48[%swap3A_360, %swap3A_361], %swap3A_364 {strides = array<i32>} : memref<512x48xf32, #tpu.memory_space<vmem>>, vector<1x16xf32>,
        %add3A_365 = arith.constant 7 : i32
        %add3A_366 = arith.addi %mul3A_147, %add3A_365 : i32
        %get3A_367 = arith.index_cast %add3A_366 : i32 to index
        %get3A_368 = arith.constant 0 : index
        %get3A_369 = tpu.vector_load %arg39[%get3A_367, %get3A_368] {strides = array<i32>} : memref<512x16xf32, #tpu.memory_space<vmem>>, vector<1x16xf32>,
        %get3A_370 = vector.shape_cast %get3A_369 : vector<1x16xf32> to vector<16xf32>
        %get3A_371 = arith.index_cast %add3A_366 : i32 to index
        %get3A_372 = arith.constant 0 : index
        %get3A_373 = tpu.vector_load %arg44[%get3A_371, %get3A_372] {strides = array<i32>} : memref<512x16xf32, #tpu.memory_space<vmem>>, vector<1x16xf32>,
        %get3A_374 = vector.shape_cast %get3A_373 : vector<1x16xf32> to vector<16xf32>
        %slice3A_375 = vector.extract_strided_slice %get3A_152 {offsets = [7], sizes = [1], strides = [1]} : vector<16xf32> to vector<1xf32>
        %squeeze3A_376 = vector.extract %slice3A_375[0] : f32 from vector<1xf32>
        %broadcast_in_dim3A_377 = vector.broadcast %squeeze3A_376 : f32 to vector<16xf32>
        %sub3A_378 = arith.subf %get3A_374, %get3A_370 : vector<16xf32>
        %mul3A_379 = arith.mulf %sub3A_378, %broadcast_in_dim3A_377 : vector<16xf32>
        %add3A_380 = arith.addf %get3A_370, %mul3A_379 : vector<16xf32>
        %gather3A_381 = vector.shape_cast %reshape3A : vector<16x1xi32> to vector<16xi32>
        %gather3A_382 = tpu.dynamic_gather %add3A_380[%gather3A_381] in [0] : vector<16xf32>, vector<16xi32> -> vector<16xf32>
        %slice3A_383 = vector.extract_strided_slice %get3A_149 {offsets = [7], sizes = [1], strides = [1]} : vector<16xf32> to vector<1xf32>
        %squeeze3A_384 = vector.extract %slice3A_383[0] : f32 from vector<1xf32>
        %broadcast_in_dim3A_385 = vector.broadcast %squeeze3A_384 : f32 to vector<16xf32>
        %mul3A_386 = arith.mulf %sub3A_9, %broadcast_in_dim3A_385 : vector<16xf32>
        %add3A_387 = arith.addf %convert_element_type3A, %mul3A_386 : vector<16xf32>
        %sub3A_388 = arith.subf %gather3A_382, %add3A_380 : vector<16xf32>
        %mul3A_389 = arith.mulf %sub3A_388, %add3A_387 : vector<16xf32>
        %add3A_390 = arith.addf %add3A_380, %mul3A_389 : vector<16xf32>
        %swap3A_391 = arith.index_cast %add3A_366 : i32 to index
        %swap3A_392 = arith.constant 8 : index
        %swap3A_393 = tpu.vector_load %arg48[%swap3A_391, %swap3A_392] {strides = array<i32>} : memref<512x48xf32, #tpu.memory_space<vmem>>, vector<1x16xf32>,
        %swap3A_394 = vector.shape_cast %swap3A_393 : vector<1x16xf32> to vector<16xf32>
        %swap3A_395 = vector.shape_cast %add3A_390 : vector<16xf32> to vector<1x16xf32>
        tpu.vector_store %arg48[%swap3A_391, %swap3A_392], %swap3A_395 {strides = array<i32>} : memref<512x48xf32, #tpu.memory_space<vmem>>, vector<1x16xf32>,
        %add3A_396 = arith.constant 8 : i32
        %add3A_397 = arith.addi %mul3A_147, %add3A_396 : i32
        %get3A_398 = arith.index_cast %add3A_397 : i32 to index
        %get3A_399 = arith.constant 0 : index
        %get3A_400 = tpu.vector_load %arg39[%get3A_398, %get3A_399] {strides = array<i32>} : memref<512x16xf32, #tpu.memory_space<vmem>>, vector<1x16xf32>,
        %get3A_401 = vector.shape_cast %get3A_400 : vector<1x16xf32> to vector<16xf32>
        %get3A_402 = arith.index_cast %add3A_397 : i32 to index
        %get3A_403 = arith.constant 0 : index
        %get3A_404 = tpu.vector_load %arg44[%get3A_402, %get3A_403] {strides = array<i32>} : memref<512x16xf32, #tpu.memory_space<vmem>>, vector<1x16xf32>,
        %get3A_405 = vector.shape_cast %get3A_404 : vector<1x16xf32> to vector<16xf32>
        %slice3A_406 = vector.extract_strided_slice %get3A_152 {offsets = [8], sizes = [1], strides = [1]} : vector<16xf32> to vector<1xf32>
        %squeeze3A_407 = vector.extract %slice3A_406[0] : f32 from vector<1xf32>
        %broadcast_in_dim3A_408 = vector.broadcast %squeeze3A_407 : f32 to vector<16xf32>
        %sub3A_409 = arith.subf %get3A_405, %get3A_401 : vector<16xf32>
        %mul3A_410 = arith.mulf %sub3A_409, %broadcast_in_dim3A_408 : vector<16xf32>
        %add3A_411 = arith.addf %get3A_401, %mul3A_410 : vector<16xf32>
        %gather3A_412 = vector.shape_cast %reshape3A : vector<16x1xi32> to vector<16xi32>
        %gather3A_413 = tpu.dynamic_gather %add3A_411[%gather3A_412] in [0] : vector<16xf32>, vector<16xi32> -> vector<16xf32>
        %slice3A_414 = vector.extract_strided_slice %get3A_149 {offsets = [8], sizes = [1], strides = [1]} : vector<16xf32> to vector<1xf32>
        %squeeze3A_415 = vector.extract %slice3A_414[0] : f32 from vector<1xf32>
        %broadcast_in_dim3A_416 = vector.broadcast %squeeze3A_415 : f32 to vector<16xf32>
        %mul3A_417 = arith.mulf %sub3A_9, %broadcast_in_dim3A_416 : vector<16xf32>
        %add3A_418 = arith.addf %convert_element_type3A, %mul3A_417 : vector<16xf32>
        %sub3A_419 = arith.subf %gather3A_413, %add3A_411 : vector<16xf32>
        %mul3A_420 = arith.mulf %sub3A_419, %add3A_418 : vector<16xf32>
        %add3A_421 = arith.addf %add3A_411, %mul3A_420 : vector<16xf32>
        %swap3A_422 = arith.index_cast %add3A_397 : i32 to index
        %swap3A_423 = arith.constant 8 : index
        %swap3A_424 = tpu.vector_load %arg48[%swap3A_422, %swap3A_423] {strides = array<i32>} : memref<512x48xf32, #tpu.memory_space<vmem>>, vector<1x16xf32>,
        %swap3A_425 = vector.shape_cast %swap3A_424 : vector<1x16xf32> to vector<16xf32>
        %swap3A_426 = vector.shape_cast %add3A_421 : vector<16xf32> to vector<1x16xf32>
        tpu.vector_store %arg48[%swap3A_422, %swap3A_423], %swap3A_426 {strides = array<i32>} : memref<512x48xf32, #tpu.memory_space<vmem>>, vector<1x16xf32>,
        %add3A_427 = arith.constant 9 : i32
        %add3A_428 = arith.addi %mul3A_147, %add3A_427 : i32
        %get3A_429 = arith.index_cast %add3A_428 : i32 to index
        %get3A_430 = arith.constant 0 : index
        %get3A_431 = tpu.vector_load %arg39[%get3A_429, %get3A_430] {strides = array<i32>} : memref<512x16xf32, #tpu.memory_space<vmem>>, vector<1x16xf32>,
        %get3A_432 = vector.shape_cast %get3A_431 : vector<1x16xf32> to vector<16xf32>
        %get3A_433 = arith.index_cast %add3A_428 : i32 to index
        %get3A_434 = arith.constant 0 : index
        %get3A_435 = tpu.vector_load %arg44[%get3A_433, %get3A_434] {strides = array<i32>} : memref<512x16xf32, #tpu.memory_space<vmem>>, vector<1x16xf32>,
        %get3A_436 = vector.shape_cast %get3A_435 : vector<1x16xf32> to vector<16xf32>
        %slice3A_437 = vector.extract_strided_slice %get3A_152 {offsets = [9], sizes = [1], strides = [1]} : vector<16xf32> to vector<1xf32>
        %squeeze3A_438 = vector.extract %slice3A_437[0] : f32 from vector<1xf32>
        %broadcast_in_dim3A_439 = vector.broadcast %squeeze3A_438 : f32 to vector<16xf32>
        %sub3A_440 = arith.subf %get3A_436, %get3A_432 : vector<16xf32>
        %mul3A_441 = arith.mulf %sub3A_440, %broadcast_in_dim3A_439 : vector<16xf32>
        %add3A_442 = arith.addf %get3A_432, %mul3A_441 : vector<16xf32>
        %gather3A_443 = vector.shape_cast %reshape3A : vector<16x1xi32> to vector<16xi32>
        %gather3A_444 = tpu.dynamic_gather %add3A_442[%gather3A_443] in [0] : vector<16xf32>, vector<16xi32> -> vector<16xf32>
        %slice3A_445 = vector.extract_strided_slice %get3A_149 {offsets = [9], sizes = [1], strides = [1]} : vector<16xf32> to vector<1xf32>
        %squeeze3A_446 = vector.extract %slice3A_445[0] : f32 from vector<1xf32>
        %broadcast_in_dim3A_447 = vector.broadcast %squeeze3A_446 : f32 to vector<16xf32>
        %mul3A_448 = arith.mulf %sub3A_9, %broadcast_in_dim3A_447 : vector<16xf32>
        %add3A_449 = arith.addf %convert_element_type3A, %mul3A_448 : vector<16xf32>
        %sub3A_450 = arith.subf %gather3A_444, %add3A_442 : vector<16xf32>
        %mul3A_451 = arith.mulf %sub3A_450, %add3A_449 : vector<16xf32>
        %add3A_452 = arith.addf %add3A_442, %mul3A_451 : vector<16xf32>
        %swap3A_453 = arith.index_cast %add3A_428 : i32 to index
        %swap3A_454 = arith.constant 8 : index
        %swap3A_455 = tpu.vector_load %arg48[%swap3A_453, %swap3A_454] {strides = array<i32>} : memref<512x48xf32, #tpu.memory_space<vmem>>, vector<1x16xf32>,
        %swap3A_456 = vector.shape_cast %swap3A_455 : vector<1x16xf32> to vector<16xf32>
        %swap3A_457 = vector.shape_cast %add3A_452 : vector<16xf32> to vector<1x16xf32>
        tpu.vector_store %arg48[%swap3A_453, %swap3A_454], %swap3A_457 {strides = array<i32>} : memref<512x48xf32, #tpu.memory_space<vmem>>, vector<1x16xf32>,
        %add3A_458 = arith.constant 10 : i32
        %add3A_459 = arith.addi %mul3A_147, %add3A_458 : i32
        %get3A_460 = arith.index_cast %add3A_459 : i32 to index
        %get3A_461 = arith.constant 0 : index
        %get3A_462 = tpu.vector_load %arg39[%get3A_460, %get3A_461] {strides = array<i32>} : memref<512x16xf32, #tpu.memory_space<vmem>>, vector<1x16xf32>,
        %get3A_463 = vector.shape_cast %get3A_462 : vector<1x16xf32> to vector<16xf32>
        %get3A_464 = arith.index_cast %add3A_459 : i32 to index
        %get3A_465 = arith.constant 0 : index
        %get3A_466 = tpu.vector_load %arg44[%get3A_464, %get3A_465] {strides = array<i32>} : memref<512x16xf32, #tpu.memory_space<vmem>>, vector<1x16xf32>,
        %get3A_467 = vector.shape_cast %get3A_466 : vector<1x16xf32> to vector<16xf32>
        %slice3A_468 = vector.extract_strided_slice %get3A_152 {offsets = [10], sizes = [1], strides = [1]} : vector<16xf32> to vector<1xf32>
        %squeeze3A_469 = vector.extract %slice3A_468[0] : f32 from vector<1xf32>
        %broadcast_in_dim3A_470 = vector.broadcast %squeeze3A_469 : f32 to vector<16xf32>
        %sub3A_471 = arith.subf %get3A_467, %get3A_463 : vector<16xf32>
        %mul3A_472 = arith.mulf %sub3A_471, %broadcast_in_dim3A_470 : vector<16xf32>
        %add3A_473 = arith.addf %get3A_463, %mul3A_472 : vector<16xf32>
        %gather3A_474 = vector.shape_cast %reshape3A : vector<16x1xi32> to vector<16xi32>
        %gather3A_475 = tpu.dynamic_gather %add3A_473[%gather3A_474] in [0] : vector<16xf32>, vector<16xi32> -> vector<16xf32>
        %slice3A_476 = vector.extract_strided_slice %get3A_149 {offsets = [10], sizes = [1], strides = [1]} : vector<16xf32> to vector<1xf32>
        %squeeze3A_477 = vector.extract %slice3A_476[0] : f32 from vector<1xf32>
        %broadcast_in_dim3A_478 = vector.broadcast %squeeze3A_477 : f32 to vector<16xf32>
        %mul3A_479 = arith.mulf %sub3A_9, %broadcast_in_dim3A_478 : vector<16xf32>
        %add3A_480 = arith.addf %convert_element_type3A, %mul3A_479 : vector<16xf32>
        %sub3A_481 = arith.subf %gather3A_475, %add3A_473 : vector<16xf32>
        %mul3A_482 = arith.mulf %sub3A_481, %add3A_480 : vector<16xf32>
        %add3A_483 = arith.addf %add3A_473, %mul3A_482 : vector<16xf32>
        %swap3A_484 = arith.index_cast %add3A_459 : i32 to index
        %swap3A_485 = arith.constant 8 : index
        %swap3A_486 = tpu.vector_load %arg48[%swap3A_484, %swap3A_485] {strides = array<i32>} : memref<512x48xf32, #tpu.memory_space<vmem>>, vector<1x16xf32>,
        %swap3A_487 = vector.shape_cast %swap3A_486 : vector<1x16xf32> to vector<16xf32>
        %swap3A_488 = vector.shape_cast %add3A_483 : vector<16xf32> to vector<1x16xf32>
        tpu.vector_store %arg48[%swap3A_484, %swap3A_485], %swap3A_488 {strides = array<i32>} : memref<512x48xf32, #tpu.memory_space<vmem>>, vector<1x16xf32>,
        %add3A_489 = arith.constant 11 : i32
        %add3A_490 = arith.addi %mul3A_147, %add3A_489 : i32
        %get3A_491 = arith.index_cast %add3A_490 : i32 to index
        %get3A_492 = arith.constant 0 : index
        %get3A_493 = tpu.vector_load %arg39[%get3A_491, %get3A_492] {strides = array<i32>} : memref<512x16xf32, #tpu.memory_space<vmem>>, vector<1x16xf32>,
        %get3A_494 = vector.shape_cast %get3A_493 : vector<1x16xf32> to vector<16xf32>
        %get3A_495 = arith.index_cast %add3A_490 : i32 to index
        %get3A_496 = arith.constant 0 : index
        %get3A_497 = tpu.vector_load %arg44[%get3A_495, %get3A_496] {strides = array<i32>} : memref<512x16xf32, #tpu.memory_space<vmem>>, vector<1x16xf32>,
        %get3A_498 = vector.shape_cast %get3A_497 : vector<1x16xf32> to vector<16xf32>
        %slice3A_499 = vector.extract_strided_slice %get3A_152 {offsets = [11], sizes = [1], strides = [1]} : vector<16xf32> to vector<1xf32>
        %squeeze3A_500 = vector.extract %slice3A_499[0] : f32 from vector<1xf32>
        %broadcast_in_dim3A_501 = vector.broadcast %squeeze3A_500 : f32 to vector<16xf32>
        %sub3A_502 = arith.subf %get3A_498, %get3A_494 : vector<16xf32>
        %mul3A_503 = arith.mulf %sub3A_502, %broadcast_in_dim3A_501 : vector<16xf32>
        %add3A_504 = arith.addf %get3A_494, %mul3A_503 : vector<16xf32>
        %gather3A_505 = vector.shape_cast %reshape3A : vector<16x1xi32> to vector<16xi32>
        %gather3A_506 = tpu.dynamic_gather %add3A_504[%gather3A_505] in [0] : vector<16xf32>, vector<16xi32> -> vector<16xf32>
        %slice3A_507 = vector.extract_strided_slice %get3A_149 {offsets = [11], sizes = [1], strides = [1]} : vector<16xf32> to vector<1xf32>
        %squeeze3A_508 = vector.extract %slice3A_507[0] : f32 from vector<1xf32>
        %broadcast_in_dim3A_509 = vector.broadcast %squeeze3A_508 : f32 to vector<16xf32>
        %mul3A_510 = arith.mulf %sub3A_9, %broadcast_in_dim3A_509 : vector<16xf32>
        %add3A_511 = arith.addf %convert_element_type3A, %mul3A_510 : vector<16xf32>
        %sub3A_512 = arith.subf %gather3A_506, %add3A_504 : vector<16xf32>
        %mul3A_513 = arith.mulf %sub3A_512, %add3A_511 : vector<16xf32>
        %add3A_514 = arith.addf %add3A_504, %mul3A_513 : vector<16xf32>
        %swap3A_515 = arith.index_cast %add3A_490 : i32 to index
        %swap3A_516 = arith.constant 8 : index
        %swap3A_517 = tpu.vector_load %arg48[%swap3A_515, %swap3A_516] {strides = array<i32>} : memref<512x48xf32, #tpu.memory_space<vmem>>, vector<1x16xf32>,
        %swap3A_518 = vector.shape_cast %swap3A_517 : vector<1x16xf32> to vector<16xf32>
        %swap3A_519 = vector.shape_cast %add3A_514 : vector<16xf32> to vector<1x16xf32>
        tpu.vector_store %arg48[%swap3A_515, %swap3A_516], %swap3A_519 {strides = array<i32>} : memref<512x48xf32, #tpu.memory_space<vmem>>, vector<1x16xf32>,
        %add3A_520 = arith.constant 12 : i32
        %add3A_521 = arith.addi %mul3A_147, %add3A_520 : i32
        %get3A_522 = arith.index_cast %add3A_521 : i32 to index
        %get3A_523 = arith.constant 0 : index
        %get3A_524 = tpu.vector_load %arg39[%get3A_522, %get3A_523] {strides = array<i32>} : memref<512x16xf32, #tpu.memory_space<vmem>>, vector<1x16xf32>,
        %get3A_525 = vector.shape_cast %get3A_524 : vector<1x16xf32> to vector<16xf32>
        %get3A_526 = arith.index_cast %add3A_521 : i32 to index
        %get3A_527 = arith.constant 0 : index
        %get3A_528 = tpu.vector_load %arg44[%get3A_526, %get3A_527] {strides = array<i32>} : memref<512x16xf32, #tpu.memory_space<vmem>>, vector<1x16xf32>,
        %get3A_529 = vector.shape_cast %get3A_528 : vector<1x16xf32> to vector<16xf32>
        %slice3A_530 = vector.extract_strided_slice %get3A_152 {offsets = [12], sizes = [1], strides = [1]} : vector<16xf32> to vector<1xf32>
        %squeeze3A_531 = vector.extract %slice3A_530[0] : f32 from vector<1xf32>
        %broadcast_in_dim3A_532 = vector.broadcast %squeeze3A_531 : f32 to vector<16xf32>
        %sub3A_533 = arith.subf %get3A_529, %get3A_525 : vector<16xf32>
        %mul3A_534 = arith.mulf %sub3A_533, %broadcast_in_dim3A_532 : vector<16xf32>
        %add3A_535 = arith.addf %get3A_525, %mul3A_534 : vector<16xf32>
        %gather3A_536 = vector.shape_cast %reshape3A : vector<16x1xi32> to vector<16xi32>
        %gather3A_537 = tpu.dynamic_gather %add3A_535[%gather3A_536] in [0] : vector<16xf32>, vector<16xi32> -> vector<16xf32>
        %slice3A_538 = vector.extract_strided_slice %get3A_149 {offsets = [12], sizes = [1], strides = [1]} : vector<16xf32> to vector<1xf32>
        %squeeze3A_539 = vector.extract %slice3A_538[0] : f32 from vector<1xf32>
        %broadcast_in_dim3A_540 = vector.broadcast %squeeze3A_539 : f32 to vector<16xf32>
        %mul3A_541 = arith.mulf %sub3A_9, %broadcast_in_dim3A_540 : vector<16xf32>
        %add3A_542 = arith.addf %convert_element_type3A, %mul3A_541 : vector<16xf32>
        %sub3A_543 = arith.subf %gather3A_537, %add3A_535 : vector<16xf32>
        %mul3A_544 = arith.mulf %sub3A_543, %add3A_542 : vector<16xf32>
        %add3A_545 = arith.addf %add3A_535, %mul3A_544 : vector<16xf32>
        %swap3A_546 = arith.index_cast %add3A_521 : i32 to index
        %swap3A_547 = arith.constant 8 : index
        %swap3A_548 = tpu.vector_load %arg48[%swap3A_546, %swap3A_547] {strides = array<i32>} : memref<512x48xf32, #tpu.memory_space<vmem>>, vector<1x16xf32>,
        %swap3A_549 = vector.shape_cast %swap3A_548 : vector<1x16xf32> to vector<16xf32>
        %swap3A_550 = vector.shape_cast %add3A_545 : vector<16xf32> to vector<1x16xf32>
        tpu.vector_store %arg48[%swap3A_546, %swap3A_547], %swap3A_550 {strides = array<i32>} : memref<512x48xf32, #tpu.memory_space<vmem>>, vector<1x16xf32>,
        %add3A_551 = arith.constant 13 : i32
        %add3A_552 = arith.addi %mul3A_147, %add3A_551 : i32
        %get3A_553 = arith.index_cast %add3A_552 : i32 to index
        %get3A_554 = arith.constant 0 : index
        %get3A_555 = tpu.vector_load %arg39[%get3A_553, %get3A_554] {strides = array<i32>} : memref<512x16xf32, #tpu.memory_space<vmem>>, vector<1x16xf32>,
        %get3A_556 = vector.shape_cast %get3A_555 : vector<1x16xf32> to vector<16xf32>
        %get3A_557 = arith.index_cast %add3A_552 : i32 to index
        %get3A_558 = arith.constant 0 : index
        %get3A_559 = tpu.vector_load %arg44[%get3A_557, %get3A_558] {strides = array<i32>} : memref<512x16xf32, #tpu.memory_space<vmem>>, vector<1x16xf32>,
        %get3A_560 = vector.shape_cast %get3A_559 : vector<1x16xf32> to vector<16xf32>
        %slice3A_561 = vector.extract_strided_slice %get3A_152 {offsets = [13], sizes = [1], strides = [1]} : vector<16xf32> to vector<1xf32>
        %squeeze3A_562 = vector.extract %slice3A_561[0] : f32 from vector<1xf32>
        %broadcast_in_dim3A_563 = vector.broadcast %squeeze3A_562 : f32 to vector<16xf32>
        %sub3A_564 = arith.subf %get3A_560, %get3A_556 : vector<16xf32>
        %mul3A_565 = arith.mulf %sub3A_564, %broadcast_in_dim3A_563 : vector<16xf32>
        %add3A_566 = arith.addf %get3A_556, %mul3A_565 : vector<16xf32>
        %gather3A_567 = vector.shape_cast %reshape3A : vector<16x1xi32> to vector<16xi32>
        %gather3A_568 = tpu.dynamic_gather %add3A_566[%gather3A_567] in [0] : vector<16xf32>, vector<16xi32> -> vector<16xf32>
        %slice3A_569 = vector.extract_strided_slice %get3A_149 {offsets = [13], sizes = [1], strides = [1]} : vector<16xf32> to vector<1xf32>
        %squeeze3A_570 = vector.extract %slice3A_569[0] : f32 from vector<1xf32>
        %broadcast_in_dim3A_571 = vector.broadcast %squeeze3A_570 : f32 to vector<16xf32>
        %mul3A_572 = arith.mulf %sub3A_9, %broadcast_in_dim3A_571 : vector<16xf32>
        %add3A_573 = arith.addf %convert_element_type3A, %mul3A_572 : vector<16xf32>
        %sub3A_574 = arith.subf %gather3A_568, %add3A_566 : vector<16xf32>
        %mul3A_575 = arith.mulf %sub3A_574, %add3A_573 : vector<16xf32>
        %add3A_576 = arith.addf %add3A_566, %mul3A_575 : vector<16xf32>
        %swap3A_577 = arith.index_cast %add3A_552 : i32 to index
        %swap3A_578 = arith.constant 8 : index
        %swap3A_579 = tpu.vector_load %arg48[%swap3A_577, %swap3A_578] {strides = array<i32>} : memref<512x48xf32, #tpu.memory_space<vmem>>, vector<1x16xf32>,
        %swap3A_580 = vector.shape_cast %swap3A_579 : vector<1x16xf32> to vector<16xf32>
        %swap3A_581 = vector.shape_cast %add3A_576 : vector<16xf32> to vector<1x16xf32>
        tpu.vector_store %arg48[%swap3A_577, %swap3A_578], %swap3A_581 {strides = array<i32>} : memref<512x48xf32, #tpu.memory_space<vmem>>, vector<1x16xf32>,
        %add3A_582 = arith.constant 14 : i32
        %add3A_583 = arith.addi %mul3A_147, %add3A_582 : i32
        %get3A_584 = arith.index_cast %add3A_583 : i32 to index
        %get3A_585 = arith.constant 0 : index
        %get3A_586 = tpu.vector_load %arg39[%get3A_584, %get3A_585] {strides = array<i32>} : memref<512x16xf32, #tpu.memory_space<vmem>>, vector<1x16xf32>,
        %get3A_587 = vector.shape_cast %get3A_586 : vector<1x16xf32> to vector<16xf32>
        %get3A_588 = arith.index_cast %add3A_583 : i32 to index
        %get3A_589 = arith.constant 0 : index
        %get3A_590 = tpu.vector_load %arg44[%get3A_588, %get3A_589] {strides = array<i32>} : memref<512x16xf32, #tpu.memory_space<vmem>>, vector<1x16xf32>,
        %get3A_591 = vector.shape_cast %get3A_590 : vector<1x16xf32> to vector<16xf32>
        %slice3A_592 = vector.extract_strided_slice %get3A_152 {offsets = [14], sizes = [1], strides = [1]} : vector<16xf32> to vector<1xf32>
        %squeeze3A_593 = vector.extract %slice3A_592[0] : f32 from vector<1xf32>
        %broadcast_in_dim3A_594 = vector.broadcast %squeeze3A_593 : f32 to vector<16xf32>
        %sub3A_595 = arith.subf %get3A_591, %get3A_587 : vector<16xf32>
        %mul3A_596 = arith.mulf %sub3A_595, %broadcast_in_dim3A_594 : vector<16xf32>
        %add3A_597 = arith.addf %get3A_587, %mul3A_596 : vector<16xf32>
        %gather3A_598 = vector.shape_cast %reshape3A : vector<16x1xi32> to vector<16xi32>
        %gather3A_599 = tpu.dynamic_gather %add3A_597[%gather3A_598] in [0] : vector<16xf32>, vector<16xi32> -> vector<16xf32>
        %slice3A_600 = vector.extract_strided_slice %get3A_149 {offsets = [14], sizes = [1], strides = [1]} : vector<16xf32> to vector<1xf32>
        %squeeze3A_601 = vector.extract %slice3A_600[0] : f32 from vector<1xf32>
        %broadcast_in_dim3A_602 = vector.broadcast %squeeze3A_601 : f32 to vector<16xf32>
        %mul3A_603 = arith.mulf %sub3A_9, %broadcast_in_dim3A_602 : vector<16xf32>
        %add3A_604 = arith.addf %convert_element_type3A, %mul3A_603 : vector<16xf32>
        %sub3A_605 = arith.subf %gather3A_599, %add3A_597 : vector<16xf32>
        %mul3A_606 = arith.mulf %sub3A_605, %add3A_604 : vector<16xf32>
        %add3A_607 = arith.addf %add3A_597, %mul3A_606 : vector<16xf32>
        %swap3A_608 = arith.index_cast %add3A_583 : i32 to index
        %swap3A_609 = arith.constant 8 : index
        %swap3A_610 = tpu.vector_load %arg48[%swap3A_608, %swap3A_609] {strides = array<i32>} : memref<512x48xf32, #tpu.memory_space<vmem>>, vector<1x16xf32>,
        %swap3A_611 = vector.shape_cast %swap3A_610 : vector<1x16xf32> to vector<16xf32>
        %swap3A_612 = vector.shape_cast %add3A_607 : vector<16xf32> to vector<1x16xf32>
        tpu.vector_store %arg48[%swap3A_608, %swap3A_609], %swap3A_612 {strides = array<i32>} : memref<512x48xf32, #tpu.memory_space<vmem>>, vector<1x16xf32>,
        %add3A_613 = arith.constant 15 : i32
        %add3A_614 = arith.addi %mul3A_147, %add3A_613 : i32
        %get3A_615 = arith.index_cast %add3A_614 : i32 to index
        %get3A_616 = arith.constant 0 : index
        %get3A_617 = tpu.vector_load %arg39[%get3A_615, %get3A_616] {strides = array<i32>} : memref<512x16xf32, #tpu.memory_space<vmem>>, vector<1x16xf32>,
        %get3A_618 = vector.shape_cast %get3A_617 : vector<1x16xf32> to vector<16xf32>
        %get3A_619 = arith.index_cast %add3A_614 : i32 to index
        %get3A_620 = arith.constant 0 : index
        %get3A_621 = tpu.vector_load %arg44[%get3A_619, %get3A_620] {strides = array<i32>} : memref<512x16xf32, #tpu.memory_space<vmem>>, vector<1x16xf32>,
        %get3A_622 = vector.shape_cast %get3A_621 : vector<1x16xf32> to vector<16xf32>
        %slice3A_623 = vector.extract_strided_slice %get3A_152 {offsets = [15], sizes = [1], strides = [1]} : vector<16xf32> to vector<1xf32>
        %squeeze3A_624 = vector.extract %slice3A_623[0] : f32 from vector<1xf32>
        %broadcast_in_dim3A_625 = vector.broadcast %squeeze3A_624 : f32 to vector<16xf32>
        %sub3A_626 = arith.subf %get3A_622, %get3A_618 : vector<16xf32>
        %mul3A_627 = arith.mulf %sub3A_626, %broadcast_in_dim3A_625 : vector<16xf32>
        %add3A_628 = arith.addf %get3A_618, %mul3A_627 : vector<16xf32>
        %gather3A_629 = vector.shape_cast %reshape3A : vector<16x1xi32> to vector<16xi32>
        %gather3A_630 = tpu.dynamic_gather %add3A_628[%gather3A_629] in [0] : vector<16xf32>, vector<16xi32> -> vector<16xf32>
        %slice3A_631 = vector.extract_strided_slice %get3A_149 {offsets = [15], sizes = [1], strides = [1]} : vector<16xf32> to vector<1xf32>
        %squeeze3A_632 = vector.extract %slice3A_631[0] : f32 from vector<1xf32>
        %broadcast_in_dim3A_633 = vector.broadcast %squeeze3A_632 : f32 to vector<16xf32>
        %mul3A_634 = arith.mulf %sub3A_9, %broadcast_in_dim3A_633 : vector<16xf32>
        %add3A_635 = arith.addf %convert_element_type3A, %mul3A_634 : vector<16xf32>
        %sub3A_636 = arith.subf %gather3A_630, %add3A_628 : vector<16xf32>
        %mul3A_637 = arith.mulf %sub3A_636, %add3A_635 : vector<16xf32>
        %add3A_638 = arith.addf %add3A_628, %mul3A_637 : vector<16xf32>
        %swap3A_639 = arith.index_cast %add3A_614 : i32 to index
        %swap3A_640 = arith.constant 8 : index
        %swap3A_641 = tpu.vector_load %arg48[%swap3A_639, %swap3A_640] {strides = array<i32>} : memref<512x48xf32, #tpu.memory_space<vmem>>, vector<1x16xf32>,
        %swap3A_642 = vector.shape_cast %swap3A_641 : vector<1x16xf32> to vector<16xf32>
        %swap3A_643 = vector.shape_cast %add3A_638 : vector<16xf32> to vector<1x16xf32>
        tpu.vector_store %arg48[%swap3A_639, %swap3A_640], %swap3A_643 {strides = array<i32>} : memref<512x48xf32, #tpu.memory_space<vmem>>, vector<1x16xf32>,
      }
      %scan3A_108 = arith.constant 32 : i32
      %dma_wait3A_109 = arith.constant 0 : i32
      %dma_wait3A_110 = arith.constant 0 : i32
      %dma_wait3A_111 = tpu.memref_slice %arg7[%dma_wait3A_109, %dma_wait3A_110] : memref<24642x16xf32, #tpu.memory_space<hbm>> -> memref<24642x16xf32, #tpu.memory_space<hbm>>
      tpu.wait_indirect_dma semaphore(%arg51 : memref<!tpu.dma_semaphore, #tpu.memory_space<semaphore_mem>>) src(%dma_wait3A_111 : memref<24642x16xf32, #tpu.memory_space<hbm>>) dst(%arg40 : memref<512x16xf32, #tpu.memory_space<vmem>>)
      %dma_wait3A_112 = arith.constant 0 : i32
      %dma_wait3A_113 = arith.constant 0 : i32
      %dma_wait3A_114 = tpu.memref_slice %arg7[%dma_wait3A_112, %dma_wait3A_113] : memref<24642x16xf32, #tpu.memory_space<hbm>> -> memref<24642x16xf32, #tpu.memory_space<hbm>>
      tpu.wait_indirect_dma semaphore(%arg56 : memref<!tpu.dma_semaphore, #tpu.memory_space<semaphore_mem>>) src(%dma_wait3A_114 : memref<24642x16xf32, #tpu.memory_space<hbm>>) dst(%arg45 : memref<512x16xf32, #tpu.memory_space<vmem>>)
      %scan3A_115 = arith.constant 0 : i32
      %scan3A_116 = arith.constant 0 : i32
      %scan3A_117 = arith.constant 32 : i32
      %scan3A_118 = arith.addi %scan3A_116, %scan3A_117 : i32
      %scan3A_119 = arith.constant 1 : i32
      scf.for %scan3A_145 = %scan3A_116 to %scan3A_118 step %scan3A_119  : i32 {
        %mul3A_146 = arith.constant 16 : i32
        %mul3A_147 = arith.muli %scan3A_145, %mul3A_146 : i32
        %get3A = arith.index_cast %mul3A_147 : i32 to index
        %get3A_148 = tpu.vector_load %arg19[%get3A] {strides = array<i32>} : memref<512xf32, #tpu.memory_space<vmem>>, vector<16xf32>,
        %get3A_149 = vector.shape_cast %get3A_148 : vector<16xf32> to vector<16xf32>
        %get3A_150 = arith.index_cast %mul3A_147 : i32 to index
        %get3A_151 = tpu.vector_load %arg24[%get3A_150] {strides = array<i32>} : memref<512xf32, #tpu.memory_space<vmem>>, vector<16xf32>,
        %get3A_152 = vector.shape_cast %get3A_151 : vector<16xf32> to vector<16xf32>
        %add3A_153 = arith.constant 0 : i32
        %add3A_154 = arith.addi %mul3A_147, %add3A_153 : i32
        %get3A_155 = arith.index_cast %add3A_154 : i32 to index
        %get3A_156 = arith.constant 0 : index
        %get3A_157 = tpu.vector_load %arg40[%get3A_155, %get3A_156] {strides = array<i32>} : memref<512x16xf32, #tpu.memory_space<vmem>>, vector<1x16xf32>,
        %get3A_158 = vector.shape_cast %get3A_157 : vector<1x16xf32> to vector<16xf32>
        %get3A_159 = arith.index_cast %add3A_154 : i32 to index
        %get3A_160 = arith.constant 0 : index
        %get3A_161 = tpu.vector_load %arg45[%get3A_159, %get3A_160] {strides = array<i32>} : memref<512x16xf32, #tpu.memory_space<vmem>>, vector<1x16xf32>,
        %get3A_162 = vector.shape_cast %get3A_161 : vector<1x16xf32> to vector<16xf32>
        %slice3A = vector.extract_strided_slice %get3A_152 {offsets = [0], sizes = [1], strides = [1]} : vector<16xf32> to vector<1xf32>
        %squeeze3A = vector.extract %slice3A[0] : f32 from vector<1xf32>
        %broadcast_in_dim3A = vector.broadcast %squeeze3A : f32 to vector<16xf32>
        %sub3A_163 = arith.subf %get3A_162, %get3A_158 : vector<16xf32>
        %mul3A_164 = arith.mulf %sub3A_163, %broadcast_in_dim3A : vector<16xf32>
        %add3A_165 = arith.addf %get3A_158, %mul3A_164 : vector<16xf32>
        %gather3A = vector.shape_cast %reshape3A : vector<16x1xi32> to vector<16xi32>
        %gather3A_166 = tpu.dynamic_gather %add3A_165[%gather3A] in [0] : vector<16xf32>, vector<16xi32> -> vector<16xf32>
        %slice3A_167 = vector.extract_strided_slice %get3A_149 {offsets = [0], sizes = [1], strides = [1]} : vector<16xf32> to vector<1xf32>
        %squeeze3A_168 = vector.extract %slice3A_167[0] : f32 from vector<1xf32>
        %broadcast_in_dim3A_169 = vector.broadcast %squeeze3A_168 : f32 to vector<16xf32>
        %mul3A_170 = arith.mulf %sub3A_9, %broadcast_in_dim3A_169 : vector<16xf32>
        %add3A_171 = arith.addf %convert_element_type3A, %mul3A_170 : vector<16xf32>
        %sub3A_172 = arith.subf %gather3A_166, %add3A_165 : vector<16xf32>
        %mul3A_173 = arith.mulf %sub3A_172, %add3A_171 : vector<16xf32>
        %add3A_174 = arith.addf %add3A_165, %mul3A_173 : vector<16xf32>
        %swap3A = arith.index_cast %add3A_154 : i32 to index
        %swap3A_175 = arith.constant 16 : index
        %swap3A_176 = tpu.vector_load %arg48[%swap3A, %swap3A_175] {strides = array<i32>} : memref<512x48xf32, #tpu.memory_space<vmem>>, vector<1x16xf32>,
        %swap3A_177 = vector.shape_cast %swap3A_176 : vector<1x16xf32> to vector<16xf32>
        %swap3A_178 = vector.shape_cast %add3A_174 : vector<16xf32> to vector<1x16xf32>
        tpu.vector_store %arg48[%swap3A, %swap3A_175], %swap3A_178 {strides = array<i32>} : memref<512x48xf32, #tpu.memory_space<vmem>>, vector<1x16xf32>,
        %add3A_179 = arith.constant 1 : i32
        %add3A_180 = arith.addi %mul3A_147, %add3A_179 : i32
        %get3A_181 = arith.index_cast %add3A_180 : i32 to index
        %get3A_182 = arith.constant 0 : index
        %get3A_183 = tpu.vector_load %arg40[%get3A_181, %get3A_182] {strides = array<i32>} : memref<512x16xf32, #tpu.memory_space<vmem>>, vector<1x16xf32>,
        %get3A_184 = vector.shape_cast %get3A_183 : vector<1x16xf32> to vector<16xf32>
        %get3A_185 = arith.index_cast %add3A_180 : i32 to index
        %get3A_186 = arith.constant 0 : index
        %get3A_187 = tpu.vector_load %arg45[%get3A_185, %get3A_186] {strides = array<i32>} : memref<512x16xf32, #tpu.memory_space<vmem>>, vector<1x16xf32>,
        %get3A_188 = vector.shape_cast %get3A_187 : vector<1x16xf32> to vector<16xf32>
        %slice3A_189 = vector.extract_strided_slice %get3A_152 {offsets = [1], sizes = [1], strides = [1]} : vector<16xf32> to vector<1xf32>
        %squeeze3A_190 = vector.extract %slice3A_189[0] : f32 from vector<1xf32>
        %broadcast_in_dim3A_191 = vector.broadcast %squeeze3A_190 : f32 to vector<16xf32>
        %sub3A_192 = arith.subf %get3A_188, %get3A_184 : vector<16xf32>
        %mul3A_193 = arith.mulf %sub3A_192, %broadcast_in_dim3A_191 : vector<16xf32>
        %add3A_194 = arith.addf %get3A_184, %mul3A_193 : vector<16xf32>
        %gather3A_195 = vector.shape_cast %reshape3A : vector<16x1xi32> to vector<16xi32>
        %gather3A_196 = tpu.dynamic_gather %add3A_194[%gather3A_195] in [0] : vector<16xf32>, vector<16xi32> -> vector<16xf32>
        %slice3A_197 = vector.extract_strided_slice %get3A_149 {offsets = [1], sizes = [1], strides = [1]} : vector<16xf32> to vector<1xf32>
        %squeeze3A_198 = vector.extract %slice3A_197[0] : f32 from vector<1xf32>
        %broadcast_in_dim3A_199 = vector.broadcast %squeeze3A_198 : f32 to vector<16xf32>
        %mul3A_200 = arith.mulf %sub3A_9, %broadcast_in_dim3A_199 : vector<16xf32>
        %add3A_201 = arith.addf %convert_element_type3A, %mul3A_200 : vector<16xf32>
        %sub3A_202 = arith.subf %gather3A_196, %add3A_194 : vector<16xf32>
        %mul3A_203 = arith.mulf %sub3A_202, %add3A_201 : vector<16xf32>
        %add3A_204 = arith.addf %add3A_194, %mul3A_203 : vector<16xf32>
        %swap3A_205 = arith.index_cast %add3A_180 : i32 to index
        %swap3A_206 = arith.constant 16 : index
        %swap3A_207 = tpu.vector_load %arg48[%swap3A_205, %swap3A_206] {strides = array<i32>} : memref<512x48xf32, #tpu.memory_space<vmem>>, vector<1x16xf32>,
        %swap3A_208 = vector.shape_cast %swap3A_207 : vector<1x16xf32> to vector<16xf32>
        %swap3A_209 = vector.shape_cast %add3A_204 : vector<16xf32> to vector<1x16xf32>
        tpu.vector_store %arg48[%swap3A_205, %swap3A_206], %swap3A_209 {strides = array<i32>} : memref<512x48xf32, #tpu.memory_space<vmem>>, vector<1x16xf32>,
        %add3A_210 = arith.constant 2 : i32
        %add3A_211 = arith.addi %mul3A_147, %add3A_210 : i32
        %get3A_212 = arith.index_cast %add3A_211 : i32 to index
        %get3A_213 = arith.constant 0 : index
        %get3A_214 = tpu.vector_load %arg40[%get3A_212, %get3A_213] {strides = array<i32>} : memref<512x16xf32, #tpu.memory_space<vmem>>, vector<1x16xf32>,
        %get3A_215 = vector.shape_cast %get3A_214 : vector<1x16xf32> to vector<16xf32>
        %get3A_216 = arith.index_cast %add3A_211 : i32 to index
        %get3A_217 = arith.constant 0 : index
        %get3A_218 = tpu.vector_load %arg45[%get3A_216, %get3A_217] {strides = array<i32>} : memref<512x16xf32, #tpu.memory_space<vmem>>, vector<1x16xf32>,
        %get3A_219 = vector.shape_cast %get3A_218 : vector<1x16xf32> to vector<16xf32>
        %slice3A_220 = vector.extract_strided_slice %get3A_152 {offsets = [2], sizes = [1], strides = [1]} : vector<16xf32> to vector<1xf32>
        %squeeze3A_221 = vector.extract %slice3A_220[0] : f32 from vector<1xf32>
        %broadcast_in_dim3A_222 = vector.broadcast %squeeze3A_221 : f32 to vector<16xf32>
        %sub3A_223 = arith.subf %get3A_219, %get3A_215 : vector<16xf32>
        %mul3A_224 = arith.mulf %sub3A_223, %broadcast_in_dim3A_222 : vector<16xf32>
        %add3A_225 = arith.addf %get3A_215, %mul3A_224 : vector<16xf32>
        %gather3A_226 = vector.shape_cast %reshape3A : vector<16x1xi32> to vector<16xi32>
        %gather3A_227 = tpu.dynamic_gather %add3A_225[%gather3A_226] in [0] : vector<16xf32>, vector<16xi32> -> vector<16xf32>
        %slice3A_228 = vector.extract_strided_slice %get3A_149 {offsets = [2], sizes = [1], strides = [1]} : vector<16xf32> to vector<1xf32>
        %squeeze3A_229 = vector.extract %slice3A_228[0] : f32 from vector<1xf32>
        %broadcast_in_dim3A_230 = vector.broadcast %squeeze3A_229 : f32 to vector<16xf32>
        %mul3A_231 = arith.mulf %sub3A_9, %broadcast_in_dim3A_230 : vector<16xf32>
        %add3A_232 = arith.addf %convert_element_type3A, %mul3A_231 : vector<16xf32>
        %sub3A_233 = arith.subf %gather3A_227, %add3A_225 : vector<16xf32>
        %mul3A_234 = arith.mulf %sub3A_233, %add3A_232 : vector<16xf32>
        %add3A_235 = arith.addf %add3A_225, %mul3A_234 : vector<16xf32>
        %swap3A_236 = arith.index_cast %add3A_211 : i32 to index
        %swap3A_237 = arith.constant 16 : index
        %swap3A_238 = tpu.vector_load %arg48[%swap3A_236, %swap3A_237] {strides = array<i32>} : memref<512x48xf32, #tpu.memory_space<vmem>>, vector<1x16xf32>,
        %swap3A_239 = vector.shape_cast %swap3A_238 : vector<1x16xf32> to vector<16xf32>
        %swap3A_240 = vector.shape_cast %add3A_235 : vector<16xf32> to vector<1x16xf32>
        tpu.vector_store %arg48[%swap3A_236, %swap3A_237], %swap3A_240 {strides = array<i32>} : memref<512x48xf32, #tpu.memory_space<vmem>>, vector<1x16xf32>,
        %add3A_241 = arith.constant 3 : i32
        %add3A_242 = arith.addi %mul3A_147, %add3A_241 : i32
        %get3A_243 = arith.index_cast %add3A_242 : i32 to index
        %get3A_244 = arith.constant 0 : index
        %get3A_245 = tpu.vector_load %arg40[%get3A_243, %get3A_244] {strides = array<i32>} : memref<512x16xf32, #tpu.memory_space<vmem>>, vector<1x16xf32>,
        %get3A_246 = vector.shape_cast %get3A_245 : vector<1x16xf32> to vector<16xf32>
        %get3A_247 = arith.index_cast %add3A_242 : i32 to index
        %get3A_248 = arith.constant 0 : index
        %get3A_249 = tpu.vector_load %arg45[%get3A_247, %get3A_248] {strides = array<i32>} : memref<512x16xf32, #tpu.memory_space<vmem>>, vector<1x16xf32>,
        %get3A_250 = vector.shape_cast %get3A_249 : vector<1x16xf32> to vector<16xf32>
        %slice3A_251 = vector.extract_strided_slice %get3A_152 {offsets = [3], sizes = [1], strides = [1]} : vector<16xf32> to vector<1xf32>
        %squeeze3A_252 = vector.extract %slice3A_251[0] : f32 from vector<1xf32>
        %broadcast_in_dim3A_253 = vector.broadcast %squeeze3A_252 : f32 to vector<16xf32>
        %sub3A_254 = arith.subf %get3A_250, %get3A_246 : vector<16xf32>
        %mul3A_255 = arith.mulf %sub3A_254, %broadcast_in_dim3A_253 : vector<16xf32>
        %add3A_256 = arith.addf %get3A_246, %mul3A_255 : vector<16xf32>
        %gather3A_257 = vector.shape_cast %reshape3A : vector<16x1xi32> to vector<16xi32>
        %gather3A_258 = tpu.dynamic_gather %add3A_256[%gather3A_257] in [0] : vector<16xf32>, vector<16xi32> -> vector<16xf32>
        %slice3A_259 = vector.extract_strided_slice %get3A_149 {offsets = [3], sizes = [1], strides = [1]} : vector<16xf32> to vector<1xf32>
        %squeeze3A_260 = vector.extract %slice3A_259[0] : f32 from vector<1xf32>
        %broadcast_in_dim3A_261 = vector.broadcast %squeeze3A_260 : f32 to vector<16xf32>
        %mul3A_262 = arith.mulf %sub3A_9, %broadcast_in_dim3A_261 : vector<16xf32>
        %add3A_263 = arith.addf %convert_element_type3A, %mul3A_262 : vector<16xf32>
        %sub3A_264 = arith.subf %gather3A_258, %add3A_256 : vector<16xf32>
        %mul3A_265 = arith.mulf %sub3A_264, %add3A_263 : vector<16xf32>
        %add3A_266 = arith.addf %add3A_256, %mul3A_265 : vector<16xf32>
        %swap3A_267 = arith.index_cast %add3A_242 : i32 to index
        %swap3A_268 = arith.constant 16 : index
        %swap3A_269 = tpu.vector_load %arg48[%swap3A_267, %swap3A_268] {strides = array<i32>} : memref<512x48xf32, #tpu.memory_space<vmem>>, vector<1x16xf32>,
        %swap3A_270 = vector.shape_cast %swap3A_269 : vector<1x16xf32> to vector<16xf32>
        %swap3A_271 = vector.shape_cast %add3A_266 : vector<16xf32> to vector<1x16xf32>
        tpu.vector_store %arg48[%swap3A_267, %swap3A_268], %swap3A_271 {strides = array<i32>} : memref<512x48xf32, #tpu.memory_space<vmem>>, vector<1x16xf32>,
        %add3A_272 = arith.constant 4 : i32
        %add3A_273 = arith.addi %mul3A_147, %add3A_272 : i32
        %get3A_274 = arith.index_cast %add3A_273 : i32 to index
        %get3A_275 = arith.constant 0 : index
        %get3A_276 = tpu.vector_load %arg40[%get3A_274, %get3A_275] {strides = array<i32>} : memref<512x16xf32, #tpu.memory_space<vmem>>, vector<1x16xf32>,
        %get3A_277 = vector.shape_cast %get3A_276 : vector<1x16xf32> to vector<16xf32>
        %get3A_278 = arith.index_cast %add3A_273 : i32 to index
        %get3A_279 = arith.constant 0 : index
        %get3A_280 = tpu.vector_load %arg45[%get3A_278, %get3A_279] {strides = array<i32>} : memref<512x16xf32, #tpu.memory_space<vmem>>, vector<1x16xf32>,
        %get3A_281 = vector.shape_cast %get3A_280 : vector<1x16xf32> to vector<16xf32>
        %slice3A_282 = vector.extract_strided_slice %get3A_152 {offsets = [4], sizes = [1], strides = [1]} : vector<16xf32> to vector<1xf32>
        %squeeze3A_283 = vector.extract %slice3A_282[0] : f32 from vector<1xf32>
        %broadcast_in_dim3A_284 = vector.broadcast %squeeze3A_283 : f32 to vector<16xf32>
        %sub3A_285 = arith.subf %get3A_281, %get3A_277 : vector<16xf32>
        %mul3A_286 = arith.mulf %sub3A_285, %broadcast_in_dim3A_284 : vector<16xf32>
        %add3A_287 = arith.addf %get3A_277, %mul3A_286 : vector<16xf32>
        %gather3A_288 = vector.shape_cast %reshape3A : vector<16x1xi32> to vector<16xi32>
        %gather3A_289 = tpu.dynamic_gather %add3A_287[%gather3A_288] in [0] : vector<16xf32>, vector<16xi32> -> vector<16xf32>
        %slice3A_290 = vector.extract_strided_slice %get3A_149 {offsets = [4], sizes = [1], strides = [1]} : vector<16xf32> to vector<1xf32>
        %squeeze3A_291 = vector.extract %slice3A_290[0] : f32 from vector<1xf32>
        %broadcast_in_dim3A_292 = vector.broadcast %squeeze3A_291 : f32 to vector<16xf32>
        %mul3A_293 = arith.mulf %sub3A_9, %broadcast_in_dim3A_292 : vector<16xf32>
        %add3A_294 = arith.addf %convert_element_type3A, %mul3A_293 : vector<16xf32>
        %sub3A_295 = arith.subf %gather3A_289, %add3A_287 : vector<16xf32>
        %mul3A_296 = arith.mulf %sub3A_295, %add3A_294 : vector<16xf32>
        %add3A_297 = arith.addf %add3A_287, %mul3A_296 : vector<16xf32>
        %swap3A_298 = arith.index_cast %add3A_273 : i32 to index
        %swap3A_299 = arith.constant 16 : index
        %swap3A_300 = tpu.vector_load %arg48[%swap3A_298, %swap3A_299] {strides = array<i32>} : memref<512x48xf32, #tpu.memory_space<vmem>>, vector<1x16xf32>,
        %swap3A_301 = vector.shape_cast %swap3A_300 : vector<1x16xf32> to vector<16xf32>
        %swap3A_302 = vector.shape_cast %add3A_297 : vector<16xf32> to vector<1x16xf32>
        tpu.vector_store %arg48[%swap3A_298, %swap3A_299], %swap3A_302 {strides = array<i32>} : memref<512x48xf32, #tpu.memory_space<vmem>>, vector<1x16xf32>,
        %add3A_303 = arith.constant 5 : i32
        %add3A_304 = arith.addi %mul3A_147, %add3A_303 : i32
        %get3A_305 = arith.index_cast %add3A_304 : i32 to index
        %get3A_306 = arith.constant 0 : index
        %get3A_307 = tpu.vector_load %arg40[%get3A_305, %get3A_306] {strides = array<i32>} : memref<512x16xf32, #tpu.memory_space<vmem>>, vector<1x16xf32>,
        %get3A_308 = vector.shape_cast %get3A_307 : vector<1x16xf32> to vector<16xf32>
        %get3A_309 = arith.index_cast %add3A_304 : i32 to index
        %get3A_310 = arith.constant 0 : index
        %get3A_311 = tpu.vector_load %arg45[%get3A_309, %get3A_310] {strides = array<i32>} : memref<512x16xf32, #tpu.memory_space<vmem>>, vector<1x16xf32>,
        %get3A_312 = vector.shape_cast %get3A_311 : vector<1x16xf32> to vector<16xf32>
        %slice3A_313 = vector.extract_strided_slice %get3A_152 {offsets = [5], sizes = [1], strides = [1]} : vector<16xf32> to vector<1xf32>
        %squeeze3A_314 = vector.extract %slice3A_313[0] : f32 from vector<1xf32>
        %broadcast_in_dim3A_315 = vector.broadcast %squeeze3A_314 : f32 to vector<16xf32>
        %sub3A_316 = arith.subf %get3A_312, %get3A_308 : vector<16xf32>
        %mul3A_317 = arith.mulf %sub3A_316, %broadcast_in_dim3A_315 : vector<16xf32>
        %add3A_318 = arith.addf %get3A_308, %mul3A_317 : vector<16xf32>
        %gather3A_319 = vector.shape_cast %reshape3A : vector<16x1xi32> to vector<16xi32>
        %gather3A_320 = tpu.dynamic_gather %add3A_318[%gather3A_319] in [0] : vector<16xf32>, vector<16xi32> -> vector<16xf32>
        %slice3A_321 = vector.extract_strided_slice %get3A_149 {offsets = [5], sizes = [1], strides = [1]} : vector<16xf32> to vector<1xf32>
        %squeeze3A_322 = vector.extract %slice3A_321[0] : f32 from vector<1xf32>
        %broadcast_in_dim3A_323 = vector.broadcast %squeeze3A_322 : f32 to vector<16xf32>
        %mul3A_324 = arith.mulf %sub3A_9, %broadcast_in_dim3A_323 : vector<16xf32>
        %add3A_325 = arith.addf %convert_element_type3A, %mul3A_324 : vector<16xf32>
        %sub3A_326 = arith.subf %gather3A_320, %add3A_318 : vector<16xf32>
        %mul3A_327 = arith.mulf %sub3A_326, %add3A_325 : vector<16xf32>
        %add3A_328 = arith.addf %add3A_318, %mul3A_327 : vector<16xf32>
        %swap3A_329 = arith.index_cast %add3A_304 : i32 to index
        %swap3A_330 = arith.constant 16 : index
        %swap3A_331 = tpu.vector_load %arg48[%swap3A_329, %swap3A_330] {strides = array<i32>} : memref<512x48xf32, #tpu.memory_space<vmem>>, vector<1x16xf32>,
        %swap3A_332 = vector.shape_cast %swap3A_331 : vector<1x16xf32> to vector<16xf32>
        %swap3A_333 = vector.shape_cast %add3A_328 : vector<16xf32> to vector<1x16xf32>
        tpu.vector_store %arg48[%swap3A_329, %swap3A_330], %swap3A_333 {strides = array<i32>} : memref<512x48xf32, #tpu.memory_space<vmem>>, vector<1x16xf32>,
        %add3A_334 = arith.constant 6 : i32
        %add3A_335 = arith.addi %mul3A_147, %add3A_334 : i32
        %get3A_336 = arith.index_cast %add3A_335 : i32 to index
        %get3A_337 = arith.constant 0 : index
        %get3A_338 = tpu.vector_load %arg40[%get3A_336, %get3A_337] {strides = array<i32>} : memref<512x16xf32, #tpu.memory_space<vmem>>, vector<1x16xf32>,
        %get3A_339 = vector.shape_cast %get3A_338 : vector<1x16xf32> to vector<16xf32>
        %get3A_340 = arith.index_cast %add3A_335 : i32 to index
        %get3A_341 = arith.constant 0 : index
        %get3A_342 = tpu.vector_load %arg45[%get3A_340, %get3A_341] {strides = array<i32>} : memref<512x16xf32, #tpu.memory_space<vmem>>, vector<1x16xf32>,
        %get3A_343 = vector.shape_cast %get3A_342 : vector<1x16xf32> to vector<16xf32>
        %slice3A_344 = vector.extract_strided_slice %get3A_152 {offsets = [6], sizes = [1], strides = [1]} : vector<16xf32> to vector<1xf32>
        %squeeze3A_345 = vector.extract %slice3A_344[0] : f32 from vector<1xf32>
        %broadcast_in_dim3A_346 = vector.broadcast %squeeze3A_345 : f32 to vector<16xf32>
        %sub3A_347 = arith.subf %get3A_343, %get3A_339 : vector<16xf32>
        %mul3A_348 = arith.mulf %sub3A_347, %broadcast_in_dim3A_346 : vector<16xf32>
        %add3A_349 = arith.addf %get3A_339, %mul3A_348 : vector<16xf32>
        %gather3A_350 = vector.shape_cast %reshape3A : vector<16x1xi32> to vector<16xi32>
        %gather3A_351 = tpu.dynamic_gather %add3A_349[%gather3A_350] in [0] : vector<16xf32>, vector<16xi32> -> vector<16xf32>
        %slice3A_352 = vector.extract_strided_slice %get3A_149 {offsets = [6], sizes = [1], strides = [1]} : vector<16xf32> to vector<1xf32>
        %squeeze3A_353 = vector.extract %slice3A_352[0] : f32 from vector<1xf32>
        %broadcast_in_dim3A_354 = vector.broadcast %squeeze3A_353 : f32 to vector<16xf32>
        %mul3A_355 = arith.mulf %sub3A_9, %broadcast_in_dim3A_354 : vector<16xf32>
        %add3A_356 = arith.addf %convert_element_type3A, %mul3A_355 : vector<16xf32>
        %sub3A_357 = arith.subf %gather3A_351, %add3A_349 : vector<16xf32>
        %mul3A_358 = arith.mulf %sub3A_357, %add3A_356 : vector<16xf32>
        %add3A_359 = arith.addf %add3A_349, %mul3A_358 : vector<16xf32>
        %swap3A_360 = arith.index_cast %add3A_335 : i32 to index
        %swap3A_361 = arith.constant 16 : index
        %swap3A_362 = tpu.vector_load %arg48[%swap3A_360, %swap3A_361] {strides = array<i32>} : memref<512x48xf32, #tpu.memory_space<vmem>>, vector<1x16xf32>,
        %swap3A_363 = vector.shape_cast %swap3A_362 : vector<1x16xf32> to vector<16xf32>
        %swap3A_364 = vector.shape_cast %add3A_359 : vector<16xf32> to vector<1x16xf32>
        tpu.vector_store %arg48[%swap3A_360, %swap3A_361], %swap3A_364 {strides = array<i32>} : memref<512x48xf32, #tpu.memory_space<vmem>>, vector<1x16xf32>,
        %add3A_365 = arith.constant 7 : i32
        %add3A_366 = arith.addi %mul3A_147, %add3A_365 : i32
        %get3A_367 = arith.index_cast %add3A_366 : i32 to index
        %get3A_368 = arith.constant 0 : index
        %get3A_369 = tpu.vector_load %arg40[%get3A_367, %get3A_368] {strides = array<i32>} : memref<512x16xf32, #tpu.memory_space<vmem>>, vector<1x16xf32>,
        %get3A_370 = vector.shape_cast %get3A_369 : vector<1x16xf32> to vector<16xf32>
        %get3A_371 = arith.index_cast %add3A_366 : i32 to index
        %get3A_372 = arith.constant 0 : index
        %get3A_373 = tpu.vector_load %arg45[%get3A_371, %get3A_372] {strides = array<i32>} : memref<512x16xf32, #tpu.memory_space<vmem>>, vector<1x16xf32>,
        %get3A_374 = vector.shape_cast %get3A_373 : vector<1x16xf32> to vector<16xf32>
        %slice3A_375 = vector.extract_strided_slice %get3A_152 {offsets = [7], sizes = [1], strides = [1]} : vector<16xf32> to vector<1xf32>
        %squeeze3A_376 = vector.extract %slice3A_375[0] : f32 from vector<1xf32>
        %broadcast_in_dim3A_377 = vector.broadcast %squeeze3A_376 : f32 to vector<16xf32>
        %sub3A_378 = arith.subf %get3A_374, %get3A_370 : vector<16xf32>
        %mul3A_379 = arith.mulf %sub3A_378, %broadcast_in_dim3A_377 : vector<16xf32>
        %add3A_380 = arith.addf %get3A_370, %mul3A_379 : vector<16xf32>
        %gather3A_381 = vector.shape_cast %reshape3A : vector<16x1xi32> to vector<16xi32>
        %gather3A_382 = tpu.dynamic_gather %add3A_380[%gather3A_381] in [0] : vector<16xf32>, vector<16xi32> -> vector<16xf32>
        %slice3A_383 = vector.extract_strided_slice %get3A_149 {offsets = [7], sizes = [1], strides = [1]} : vector<16xf32> to vector<1xf32>
        %squeeze3A_384 = vector.extract %slice3A_383[0] : f32 from vector<1xf32>
        %broadcast_in_dim3A_385 = vector.broadcast %squeeze3A_384 : f32 to vector<16xf32>
        %mul3A_386 = arith.mulf %sub3A_9, %broadcast_in_dim3A_385 : vector<16xf32>
        %add3A_387 = arith.addf %convert_element_type3A, %mul3A_386 : vector<16xf32>
        %sub3A_388 = arith.subf %gather3A_382, %add3A_380 : vector<16xf32>
        %mul3A_389 = arith.mulf %sub3A_388, %add3A_387 : vector<16xf32>
        %add3A_390 = arith.addf %add3A_380, %mul3A_389 : vector<16xf32>
        %swap3A_391 = arith.index_cast %add3A_366 : i32 to index
        %swap3A_392 = arith.constant 16 : index
        %swap3A_393 = tpu.vector_load %arg48[%swap3A_391, %swap3A_392] {strides = array<i32>} : memref<512x48xf32, #tpu.memory_space<vmem>>, vector<1x16xf32>,
        %swap3A_394 = vector.shape_cast %swap3A_393 : vector<1x16xf32> to vector<16xf32>
        %swap3A_395 = vector.shape_cast %add3A_390 : vector<16xf32> to vector<1x16xf32>
        tpu.vector_store %arg48[%swap3A_391, %swap3A_392], %swap3A_395 {strides = array<i32>} : memref<512x48xf32, #tpu.memory_space<vmem>>, vector<1x16xf32>,
        %add3A_396 = arith.constant 8 : i32
        %add3A_397 = arith.addi %mul3A_147, %add3A_396 : i32
        %get3A_398 = arith.index_cast %add3A_397 : i32 to index
        %get3A_399 = arith.constant 0 : index
        %get3A_400 = tpu.vector_load %arg40[%get3A_398, %get3A_399] {strides = array<i32>} : memref<512x16xf32, #tpu.memory_space<vmem>>, vector<1x16xf32>,
        %get3A_401 = vector.shape_cast %get3A_400 : vector<1x16xf32> to vector<16xf32>
        %get3A_402 = arith.index_cast %add3A_397 : i32 to index
        %get3A_403 = arith.constant 0 : index
        %get3A_404 = tpu.vector_load %arg45[%get3A_402, %get3A_403] {strides = array<i32>} : memref<512x16xf32, #tpu.memory_space<vmem>>, vector<1x16xf32>,
        %get3A_405 = vector.shape_cast %get3A_404 : vector<1x16xf32> to vector<16xf32>
        %slice3A_406 = vector.extract_strided_slice %get3A_152 {offsets = [8], sizes = [1], strides = [1]} : vector<16xf32> to vector<1xf32>
        %squeeze3A_407 = vector.extract %slice3A_406[0] : f32 from vector<1xf32>
        %broadcast_in_dim3A_408 = vector.broadcast %squeeze3A_407 : f32 to vector<16xf32>
        %sub3A_409 = arith.subf %get3A_405, %get3A_401 : vector<16xf32>
        %mul3A_410 = arith.mulf %sub3A_409, %broadcast_in_dim3A_408 : vector<16xf32>
        %add3A_411 = arith.addf %get3A_401, %mul3A_410 : vector<16xf32>
        %gather3A_412 = vector.shape_cast %reshape3A : vector<16x1xi32> to vector<16xi32>
        %gather3A_413 = tpu.dynamic_gather %add3A_411[%gather3A_412] in [0] : vector<16xf32>, vector<16xi32> -> vector<16xf32>
        %slice3A_414 = vector.extract_strided_slice %get3A_149 {offsets = [8], sizes = [1], strides = [1]} : vector<16xf32> to vector<1xf32>
        %squeeze3A_415 = vector.extract %slice3A_414[0] : f32 from vector<1xf32>
        %broadcast_in_dim3A_416 = vector.broadcast %squeeze3A_415 : f32 to vector<16xf32>
        %mul3A_417 = arith.mulf %sub3A_9, %broadcast_in_dim3A_416 : vector<16xf32>
        %add3A_418 = arith.addf %convert_element_type3A, %mul3A_417 : vector<16xf32>
        %sub3A_419 = arith.subf %gather3A_413, %add3A_411 : vector<16xf32>
        %mul3A_420 = arith.mulf %sub3A_419, %add3A_418 : vector<16xf32>
        %add3A_421 = arith.addf %add3A_411, %mul3A_420 : vector<16xf32>
        %swap3A_422 = arith.index_cast %add3A_397 : i32 to index
        %swap3A_423 = arith.constant 16 : index
        %swap3A_424 = tpu.vector_load %arg48[%swap3A_422, %swap3A_423] {strides = array<i32>} : memref<512x48xf32, #tpu.memory_space<vmem>>, vector<1x16xf32>,
        %swap3A_425 = vector.shape_cast %swap3A_424 : vector<1x16xf32> to vector<16xf32>
        %swap3A_426 = vector.shape_cast %add3A_421 : vector<16xf32> to vector<1x16xf32>
        tpu.vector_store %arg48[%swap3A_422, %swap3A_423], %swap3A_426 {strides = array<i32>} : memref<512x48xf32, #tpu.memory_space<vmem>>, vector<1x16xf32>,
        %add3A_427 = arith.constant 9 : i32
        %add3A_428 = arith.addi %mul3A_147, %add3A_427 : i32
        %get3A_429 = arith.index_cast %add3A_428 : i32 to index
        %get3A_430 = arith.constant 0 : index
        %get3A_431 = tpu.vector_load %arg40[%get3A_429, %get3A_430] {strides = array<i32>} : memref<512x16xf32, #tpu.memory_space<vmem>>, vector<1x16xf32>,
        %get3A_432 = vector.shape_cast %get3A_431 : vector<1x16xf32> to vector<16xf32>
        %get3A_433 = arith.index_cast %add3A_428 : i32 to index
        %get3A_434 = arith.constant 0 : index
        %get3A_435 = tpu.vector_load %arg45[%get3A_433, %get3A_434] {strides = array<i32>} : memref<512x16xf32, #tpu.memory_space<vmem>>, vector<1x16xf32>,
        %get3A_436 = vector.shape_cast %get3A_435 : vector<1x16xf32> to vector<16xf32>
        %slice3A_437 = vector.extract_strided_slice %get3A_152 {offsets = [9], sizes = [1], strides = [1]} : vector<16xf32> to vector<1xf32>
        %squeeze3A_438 = vector.extract %slice3A_437[0] : f32 from vector<1xf32>
        %broadcast_in_dim3A_439 = vector.broadcast %squeeze3A_438 : f32 to vector<16xf32>
        %sub3A_440 = arith.subf %get3A_436, %get3A_432 : vector<16xf32>
        %mul3A_441 = arith.mulf %sub3A_440, %broadcast_in_dim3A_439 : vector<16xf32>
        %add3A_442 = arith.addf %get3A_432, %mul3A_441 : vector<16xf32>
        %gather3A_443 = vector.shape_cast %reshape3A : vector<16x1xi32> to vector<16xi32>
        %gather3A_444 = tpu.dynamic_gather %add3A_442[%gather3A_443] in [0] : vector<16xf32>, vector<16xi32> -> vector<16xf32>
        %slice3A_445 = vector.extract_strided_slice %get3A_149 {offsets = [9], sizes = [1], strides = [1]} : vector<16xf32> to vector<1xf32>
        %squeeze3A_446 = vector.extract %slice3A_445[0] : f32 from vector<1xf32>
        %broadcast_in_dim3A_447 = vector.broadcast %squeeze3A_446 : f32 to vector<16xf32>
        %mul3A_448 = arith.mulf %sub3A_9, %broadcast_in_dim3A_447 : vector<16xf32>
        %add3A_449 = arith.addf %convert_element_type3A, %mul3A_448 : vector<16xf32>
        %sub3A_450 = arith.subf %gather3A_444, %add3A_442 : vector<16xf32>
        %mul3A_451 = arith.mulf %sub3A_450, %add3A_449 : vector<16xf32>
        %add3A_452 = arith.addf %add3A_442, %mul3A_451 : vector<16xf32>
        %swap3A_453 = arith.index_cast %add3A_428 : i32 to index
        %swap3A_454 = arith.constant 16 : index
        %swap3A_455 = tpu.vector_load %arg48[%swap3A_453, %swap3A_454] {strides = array<i32>} : memref<512x48xf32, #tpu.memory_space<vmem>>, vector<1x16xf32>,
        %swap3A_456 = vector.shape_cast %swap3A_455 : vector<1x16xf32> to vector<16xf32>
        %swap3A_457 = vector.shape_cast %add3A_452 : vector<16xf32> to vector<1x16xf32>
        tpu.vector_store %arg48[%swap3A_453, %swap3A_454], %swap3A_457 {strides = array<i32>} : memref<512x48xf32, #tpu.memory_space<vmem>>, vector<1x16xf32>,
        %add3A_458 = arith.constant 10 : i32
        %add3A_459 = arith.addi %mul3A_147, %add3A_458 : i32
        %get3A_460 = arith.index_cast %add3A_459 : i32 to index
        %get3A_461 = arith.constant 0 : index
        %get3A_462 = tpu.vector_load %arg40[%get3A_460, %get3A_461] {strides = array<i32>} : memref<512x16xf32, #tpu.memory_space<vmem>>, vector<1x16xf32>,
        %get3A_463 = vector.shape_cast %get3A_462 : vector<1x16xf32> to vector<16xf32>
        %get3A_464 = arith.index_cast %add3A_459 : i32 to index
        %get3A_465 = arith.constant 0 : index
        %get3A_466 = tpu.vector_load %arg45[%get3A_464, %get3A_465] {strides = array<i32>} : memref<512x16xf32, #tpu.memory_space<vmem>>, vector<1x16xf32>,
        %get3A_467 = vector.shape_cast %get3A_466 : vector<1x16xf32> to vector<16xf32>
        %slice3A_468 = vector.extract_strided_slice %get3A_152 {offsets = [10], sizes = [1], strides = [1]} : vector<16xf32> to vector<1xf32>
        %squeeze3A_469 = vector.extract %slice3A_468[0] : f32 from vector<1xf32>
        %broadcast_in_dim3A_470 = vector.broadcast %squeeze3A_469 : f32 to vector<16xf32>
        %sub3A_471 = arith.subf %get3A_467, %get3A_463 : vector<16xf32>
        %mul3A_472 = arith.mulf %sub3A_471, %broadcast_in_dim3A_470 : vector<16xf32>
        %add3A_473 = arith.addf %get3A_463, %mul3A_472 : vector<16xf32>
        %gather3A_474 = vector.shape_cast %reshape3A : vector<16x1xi32> to vector<16xi32>
        %gather3A_475 = tpu.dynamic_gather %add3A_473[%gather3A_474] in [0] : vector<16xf32>, vector<16xi32> -> vector<16xf32>
        %slice3A_476 = vector.extract_strided_slice %get3A_149 {offsets = [10], sizes = [1], strides = [1]} : vector<16xf32> to vector<1xf32>
        %squeeze3A_477 = vector.extract %slice3A_476[0] : f32 from vector<1xf32>
        %broadcast_in_dim3A_478 = vector.broadcast %squeeze3A_477 : f32 to vector<16xf32>
        %mul3A_479 = arith.mulf %sub3A_9, %broadcast_in_dim3A_478 : vector<16xf32>
        %add3A_480 = arith.addf %convert_element_type3A, %mul3A_479 : vector<16xf32>
        %sub3A_481 = arith.subf %gather3A_475, %add3A_473 : vector<16xf32>
        %mul3A_482 = arith.mulf %sub3A_481, %add3A_480 : vector<16xf32>
        %add3A_483 = arith.addf %add3A_473, %mul3A_482 : vector<16xf32>
        %swap3A_484 = arith.index_cast %add3A_459 : i32 to index
        %swap3A_485 = arith.constant 16 : index
        %swap3A_486 = tpu.vector_load %arg48[%swap3A_484, %swap3A_485] {strides = array<i32>} : memref<512x48xf32, #tpu.memory_space<vmem>>, vector<1x16xf32>,
        %swap3A_487 = vector.shape_cast %swap3A_486 : vector<1x16xf32> to vector<16xf32>
        %swap3A_488 = vector.shape_cast %add3A_483 : vector<16xf32> to vector<1x16xf32>
        tpu.vector_store %arg48[%swap3A_484, %swap3A_485], %swap3A_488 {strides = array<i32>} : memref<512x48xf32, #tpu.memory_space<vmem>>, vector<1x16xf32>,
        %add3A_489 = arith.constant 11 : i32
        %add3A_490 = arith.addi %mul3A_147, %add3A_489 : i32
        %get3A_491 = arith.index_cast %add3A_490 : i32 to index
        %get3A_492 = arith.constant 0 : index
        %get3A_493 = tpu.vector_load %arg40[%get3A_491, %get3A_492] {strides = array<i32>} : memref<512x16xf32, #tpu.memory_space<vmem>>, vector<1x16xf32>,
        %get3A_494 = vector.shape_cast %get3A_493 : vector<1x16xf32> to vector<16xf32>
        %get3A_495 = arith.index_cast %add3A_490 : i32 to index
        %get3A_496 = arith.constant 0 : index
        %get3A_497 = tpu.vector_load %arg45[%get3A_495, %get3A_496] {strides = array<i32>} : memref<512x16xf32, #tpu.memory_space<vmem>>, vector<1x16xf32>,
        %get3A_498 = vector.shape_cast %get3A_497 : vector<1x16xf32> to vector<16xf32>
        %slice3A_499 = vector.extract_strided_slice %get3A_152 {offsets = [11], sizes = [1], strides = [1]} : vector<16xf32> to vector<1xf32>
        %squeeze3A_500 = vector.extract %slice3A_499[0] : f32 from vector<1xf32>
        %broadcast_in_dim3A_501 = vector.broadcast %squeeze3A_500 : f32 to vector<16xf32>
        %sub3A_502 = arith.subf %get3A_498, %get3A_494 : vector<16xf32>
        %mul3A_503 = arith.mulf %sub3A_502, %broadcast_in_dim3A_501 : vector<16xf32>
        %add3A_504 = arith.addf %get3A_494, %mul3A_503 : vector<16xf32>
        %gather3A_505 = vector.shape_cast %reshape3A : vector<16x1xi32> to vector<16xi32>
        %gather3A_506 = tpu.dynamic_gather %add3A_504[%gather3A_505] in [0] : vector<16xf32>, vector<16xi32> -> vector<16xf32>
        %slice3A_507 = vector.extract_strided_slice %get3A_149 {offsets = [11], sizes = [1], strides = [1]} : vector<16xf32> to vector<1xf32>
        %squeeze3A_508 = vector.extract %slice3A_507[0] : f32 from vector<1xf32>
        %broadcast_in_dim3A_509 = vector.broadcast %squeeze3A_508 : f32 to vector<16xf32>
        %mul3A_510 = arith.mulf %sub3A_9, %broadcast_in_dim3A_509 : vector<16xf32>
        %add3A_511 = arith.addf %convert_element_type3A, %mul3A_510 : vector<16xf32>
        %sub3A_512 = arith.subf %gather3A_506, %add3A_504 : vector<16xf32>
        %mul3A_513 = arith.mulf %sub3A_512, %add3A_511 : vector<16xf32>
        %add3A_514 = arith.addf %add3A_504, %mul3A_513 : vector<16xf32>
        %swap3A_515 = arith.index_cast %add3A_490 : i32 to index
        %swap3A_516 = arith.constant 16 : index
        %swap3A_517 = tpu.vector_load %arg48[%swap3A_515, %swap3A_516] {strides = array<i32>} : memref<512x48xf32, #tpu.memory_space<vmem>>, vector<1x16xf32>,
        %swap3A_518 = vector.shape_cast %swap3A_517 : vector<1x16xf32> to vector<16xf32>
        %swap3A_519 = vector.shape_cast %add3A_514 : vector<16xf32> to vector<1x16xf32>
        tpu.vector_store %arg48[%swap3A_515, %swap3A_516], %swap3A_519 {strides = array<i32>} : memref<512x48xf32, #tpu.memory_space<vmem>>, vector<1x16xf32>,
        %add3A_520 = arith.constant 12 : i32
        %add3A_521 = arith.addi %mul3A_147, %add3A_520 : i32
        %get3A_522 = arith.index_cast %add3A_521 : i32 to index
        %get3A_523 = arith.constant 0 : index
        %get3A_524 = tpu.vector_load %arg40[%get3A_522, %get3A_523] {strides = array<i32>} : memref<512x16xf32, #tpu.memory_space<vmem>>, vector<1x16xf32>,
        %get3A_525 = vector.shape_cast %get3A_524 : vector<1x16xf32> to vector<16xf32>
        %get3A_526 = arith.index_cast %add3A_521 : i32 to index
        %get3A_527 = arith.constant 0 : index
        %get3A_528 = tpu.vector_load %arg45[%get3A_526, %get3A_527] {strides = array<i32>} : memref<512x16xf32, #tpu.memory_space<vmem>>, vector<1x16xf32>,
        %get3A_529 = vector.shape_cast %get3A_528 : vector<1x16xf32> to vector<16xf32>
        %slice3A_530 = vector.extract_strided_slice %get3A_152 {offsets = [12], sizes = [1], strides = [1]} : vector<16xf32> to vector<1xf32>
        %squeeze3A_531 = vector.extract %slice3A_530[0] : f32 from vector<1xf32>
        %broadcast_in_dim3A_532 = vector.broadcast %squeeze3A_531 : f32 to vector<16xf32>
        %sub3A_533 = arith.subf %get3A_529, %get3A_525 : vector<16xf32>
        %mul3A_534 = arith.mulf %sub3A_533, %broadcast_in_dim3A_532 : vector<16xf32>
        %add3A_535 = arith.addf %get3A_525, %mul3A_534 : vector<16xf32>
        %gather3A_536 = vector.shape_cast %reshape3A : vector<16x1xi32> to vector<16xi32>
        %gather3A_537 = tpu.dynamic_gather %add3A_535[%gather3A_536] in [0] : vector<16xf32>, vector<16xi32> -> vector<16xf32>
        %slice3A_538 = vector.extract_strided_slice %get3A_149 {offsets = [12], sizes = [1], strides = [1]} : vector<16xf32> to vector<1xf32>
        %squeeze3A_539 = vector.extract %slice3A_538[0] : f32 from vector<1xf32>
        %broadcast_in_dim3A_540 = vector.broadcast %squeeze3A_539 : f32 to vector<16xf32>
        %mul3A_541 = arith.mulf %sub3A_9, %broadcast_in_dim3A_540 : vector<16xf32>
        %add3A_542 = arith.addf %convert_element_type3A, %mul3A_541 : vector<16xf32>
        %sub3A_543 = arith.subf %gather3A_537, %add3A_535 : vector<16xf32>
        %mul3A_544 = arith.mulf %sub3A_543, %add3A_542 : vector<16xf32>
        %add3A_545 = arith.addf %add3A_535, %mul3A_544 : vector<16xf32>
        %swap3A_546 = arith.index_cast %add3A_521 : i32 to index
        %swap3A_547 = arith.constant 16 : index
        %swap3A_548 = tpu.vector_load %arg48[%swap3A_546, %swap3A_547] {strides = array<i32>} : memref<512x48xf32, #tpu.memory_space<vmem>>, vector<1x16xf32>,
        %swap3A_549 = vector.shape_cast %swap3A_548 : vector<1x16xf32> to vector<16xf32>
        %swap3A_550 = vector.shape_cast %add3A_545 : vector<16xf32> to vector<1x16xf32>
        tpu.vector_store %arg48[%swap3A_546, %swap3A_547], %swap3A_550 {strides = array<i32>} : memref<512x48xf32, #tpu.memory_space<vmem>>, vector<1x16xf32>,
        %add3A_551 = arith.constant 13 : i32
        %add3A_552 = arith.addi %mul3A_147, %add3A_551 : i32
        %get3A_553 = arith.index_cast %add3A_552 : i32 to index
        %get3A_554 = arith.constant 0 : index
        %get3A_555 = tpu.vector_load %arg40[%get3A_553, %get3A_554] {strides = array<i32>} : memref<512x16xf32, #tpu.memory_space<vmem>>, vector<1x16xf32>,
        %get3A_556 = vector.shape_cast %get3A_555 : vector<1x16xf32> to vector<16xf32>
        %get3A_557 = arith.index_cast %add3A_552 : i32 to index
        %get3A_558 = arith.constant 0 : index
        %get3A_559 = tpu.vector_load %arg45[%get3A_557, %get3A_558] {strides = array<i32>} : memref<512x16xf32, #tpu.memory_space<vmem>>, vector<1x16xf32>,
        %get3A_560 = vector.shape_cast %get3A_559 : vector<1x16xf32> to vector<16xf32>
        %slice3A_561 = vector.extract_strided_slice %get3A_152 {offsets = [13], sizes = [1], strides = [1]} : vector<16xf32> to vector<1xf32>
        %squeeze3A_562 = vector.extract %slice3A_561[0] : f32 from vector<1xf32>
        %broadcast_in_dim3A_563 = vector.broadcast %squeeze3A_562 : f32 to vector<16xf32>
        %sub3A_564 = arith.subf %get3A_560, %get3A_556 : vector<16xf32>
        %mul3A_565 = arith.mulf %sub3A_564, %broadcast_in_dim3A_563 : vector<16xf32>
        %add3A_566 = arith.addf %get3A_556, %mul3A_565 : vector<16xf32>
        %gather3A_567 = vector.shape_cast %reshape3A : vector<16x1xi32> to vector<16xi32>
        %gather3A_568 = tpu.dynamic_gather %add3A_566[%gather3A_567] in [0] : vector<16xf32>, vector<16xi32> -> vector<16xf32>
        %slice3A_569 = vector.extract_strided_slice %get3A_149 {offsets = [13], sizes = [1], strides = [1]} : vector<16xf32> to vector<1xf32>
        %squeeze3A_570 = vector.extract %slice3A_569[0] : f32 from vector<1xf32>
        %broadcast_in_dim3A_571 = vector.broadcast %squeeze3A_570 : f32 to vector<16xf32>
        %mul3A_572 = arith.mulf %sub3A_9, %broadcast_in_dim3A_571 : vector<16xf32>
        %add3A_573 = arith.addf %convert_element_type3A, %mul3A_572 : vector<16xf32>
        %sub3A_574 = arith.subf %gather3A_568, %add3A_566 : vector<16xf32>
        %mul3A_575 = arith.mulf %sub3A_574, %add3A_573 : vector<16xf32>
        %add3A_576 = arith.addf %add3A_566, %mul3A_575 : vector<16xf32>
        %swap3A_577 = arith.index_cast %add3A_552 : i32 to index
        %swap3A_578 = arith.constant 16 : index
        %swap3A_579 = tpu.vector_load %arg48[%swap3A_577, %swap3A_578] {strides = array<i32>} : memref<512x48xf32, #tpu.memory_space<vmem>>, vector<1x16xf32>,
        %swap3A_580 = vector.shape_cast %swap3A_579 : vector<1x16xf32> to vector<16xf32>
        %swap3A_581 = vector.shape_cast %add3A_576 : vector<16xf32> to vector<1x16xf32>
        tpu.vector_store %arg48[%swap3A_577, %swap3A_578], %swap3A_581 {strides = array<i32>} : memref<512x48xf32, #tpu.memory_space<vmem>>, vector<1x16xf32>,
        %add3A_582 = arith.constant 14 : i32
        %add3A_583 = arith.addi %mul3A_147, %add3A_582 : i32
        %get3A_584 = arith.index_cast %add3A_583 : i32 to index
        %get3A_585 = arith.constant 0 : index
        %get3A_586 = tpu.vector_load %arg40[%get3A_584, %get3A_585] {strides = array<i32>} : memref<512x16xf32, #tpu.memory_space<vmem>>, vector<1x16xf32>,
        %get3A_587 = vector.shape_cast %get3A_586 : vector<1x16xf32> to vector<16xf32>
        %get3A_588 = arith.index_cast %add3A_583 : i32 to index
        %get3A_589 = arith.constant 0 : index
        %get3A_590 = tpu.vector_load %arg45[%get3A_588, %get3A_589] {strides = array<i32>} : memref<512x16xf32, #tpu.memory_space<vmem>>, vector<1x16xf32>,
        %get3A_591 = vector.shape_cast %get3A_590 : vector<1x16xf32> to vector<16xf32>
        %slice3A_592 = vector.extract_strided_slice %get3A_152 {offsets = [14], sizes = [1], strides = [1]} : vector<16xf32> to vector<1xf32>
        %squeeze3A_593 = vector.extract %slice3A_592[0] : f32 from vector<1xf32>
        %broadcast_in_dim3A_594 = vector.broadcast %squeeze3A_593 : f32 to vector<16xf32>
        %sub3A_595 = arith.subf %get3A_591, %get3A_587 : vector<16xf32>
        %mul3A_596 = arith.mulf %sub3A_595, %broadcast_in_dim3A_594 : vector<16xf32>
        %add3A_597 = arith.addf %get3A_587, %mul3A_596 : vector<16xf32>
        %gather3A_598 = vector.shape_cast %reshape3A : vector<16x1xi32> to vector<16xi32>
        %gather3A_599 = tpu.dynamic_gather %add3A_597[%gather3A_598] in [0] : vector<16xf32>, vector<16xi32> -> vector<16xf32>
        %slice3A_600 = vector.extract_strided_slice %get3A_149 {offsets = [14], sizes = [1], strides = [1]} : vector<16xf32> to vector<1xf32>
        %squeeze3A_601 = vector.extract %slice3A_600[0] : f32 from vector<1xf32>
        %broadcast_in_dim3A_602 = vector.broadcast %squeeze3A_601 : f32 to vector<16xf32>
        %mul3A_603 = arith.mulf %sub3A_9, %broadcast_in_dim3A_602 : vector<16xf32>
        %add3A_604 = arith.addf %convert_element_type3A, %mul3A_603 : vector<16xf32>
        %sub3A_605 = arith.subf %gather3A_599, %add3A_597 : vector<16xf32>
        %mul3A_606 = arith.mulf %sub3A_605, %add3A_604 : vector<16xf32>
        %add3A_607 = arith.addf %add3A_597, %mul3A_606 : vector<16xf32>
        %swap3A_608 = arith.index_cast %add3A_583 : i32 to index
        %swap3A_609 = arith.constant 16 : index
        %swap3A_610 = tpu.vector_load %arg48[%swap3A_608, %swap3A_609] {strides = array<i32>} : memref<512x48xf32, #tpu.memory_space<vmem>>, vector<1x16xf32>,
        %swap3A_611 = vector.shape_cast %swap3A_610 : vector<1x16xf32> to vector<16xf32>
        %swap3A_612 = vector.shape_cast %add3A_607 : vector<16xf32> to vector<1x16xf32>
        tpu.vector_store %arg48[%swap3A_608, %swap3A_609], %swap3A_612 {strides = array<i32>} : memref<512x48xf32, #tpu.memory_space<vmem>>, vector<1x16xf32>,
        %add3A_613 = arith.constant 15 : i32
        %add3A_614 = arith.addi %mul3A_147, %add3A_613 : i32
        %get3A_615 = arith.index_cast %add3A_614 : i32 to index
        %get3A_616 = arith.constant 0 : index
        %get3A_617 = tpu.vector_load %arg40[%get3A_615, %get3A_616] {strides = array<i32>} : memref<512x16xf32, #tpu.memory_space<vmem>>, vector<1x16xf32>,
        %get3A_618 = vector.shape_cast %get3A_617 : vector<1x16xf32> to vector<16xf32>
        %get3A_619 = arith.index_cast %add3A_614 : i32 to index
        %get3A_620 = arith.constant 0 : index
        %get3A_621 = tpu.vector_load %arg45[%get3A_619, %get3A_620] {strides = array<i32>} : memref<512x16xf32, #tpu.memory_space<vmem>>, vector<1x16xf32>,
        %get3A_622 = vector.shape_cast %get3A_621 : vector<1x16xf32> to vector<16xf32>
        %slice3A_623 = vector.extract_strided_slice %get3A_152 {offsets = [15], sizes = [1], strides = [1]} : vector<16xf32> to vector<1xf32>
        %squeeze3A_624 = vector.extract %slice3A_623[0] : f32 from vector<1xf32>
        %broadcast_in_dim3A_625 = vector.broadcast %squeeze3A_624 : f32 to vector<16xf32>
        %sub3A_626 = arith.subf %get3A_622, %get3A_618 : vector<16xf32>
        %mul3A_627 = arith.mulf %sub3A_626, %broadcast_in_dim3A_625 : vector<16xf32>
        %add3A_628 = arith.addf %get3A_618, %mul3A_627 : vector<16xf32>
        %gather3A_629 = vector.shape_cast %reshape3A : vector<16x1xi32> to vector<16xi32>
        %gather3A_630 = tpu.dynamic_gather %add3A_628[%gather3A_629] in [0] : vector<16xf32>, vector<16xi32> -> vector<16xf32>
        %slice3A_631 = vector.extract_strided_slice %get3A_149 {offsets = [15], sizes = [1], strides = [1]} : vector<16xf32> to vector<1xf32>
        %squeeze3A_632 = vector.extract %slice3A_631[0] : f32 from vector<1xf32>
        %broadcast_in_dim3A_633 = vector.broadcast %squeeze3A_632 : f32 to vector<16xf32>
        %mul3A_634 = arith.mulf %sub3A_9, %broadcast_in_dim3A_633 : vector<16xf32>
        %add3A_635 = arith.addf %convert_element_type3A, %mul3A_634 : vector<16xf32>
        %sub3A_636 = arith.subf %gather3A_630, %add3A_628 : vector<16xf32>
        %mul3A_637 = arith.mulf %sub3A_636, %add3A_635 : vector<16xf32>
        %add3A_638 = arith.addf %add3A_628, %mul3A_637 : vector<16xf32>
        %swap3A_639 = arith.index_cast %add3A_614 : i32 to index
        %swap3A_640 = arith.constant 16 : index
        %swap3A_641 = tpu.vector_load %arg48[%swap3A_639, %swap3A_640] {strides = array<i32>} : memref<512x48xf32, #tpu.memory_space<vmem>>, vector<1x16xf32>,
        %swap3A_642 = vector.shape_cast %swap3A_641 : vector<1x16xf32> to vector<16xf32>
        %swap3A_643 = vector.shape_cast %add3A_638 : vector<16xf32> to vector<1x16xf32>
        tpu.vector_store %arg48[%swap3A_639, %swap3A_640], %swap3A_643 {strides = array<i32>} : memref<512x48xf32, #tpu.memory_space<vmem>>, vector<1x16xf32>,
      }
      %scan3A_120 = arith.constant 32 : i32
      %dma_wait3A_121 = arith.constant 0 : i32
      %dma_wait3A_122 = arith.constant 0 : i32
      %dma_wait3A_123 = tpu.memref_slice %arg8[%dma_wait3A_121, %dma_wait3A_122] : memref<98434x16xf32, #tpu.memory_space<hbm>> -> memref<98434x16xf32, #tpu.memory_space<hbm>>
      tpu.wait_indirect_dma semaphore(%arg52 : memref<!tpu.dma_semaphore, #tpu.memory_space<semaphore_mem>>) src(%dma_wait3A_123 : memref<98434x16xf32, #tpu.memory_space<hbm>>) dst(%arg41 : memref<512x16xf32, #tpu.memory_space<vmem>>)
      %dma_wait3A_124 = arith.constant 0 : i32
      %dma_wait3A_125 = arith.constant 0 : i32
      %dma_wait3A_126 = tpu.memref_slice %arg8[%dma_wait3A_124, %dma_wait3A_125] : memref<98434x16xf32, #tpu.memory_space<hbm>> -> memref<98434x16xf32, #tpu.memory_space<hbm>>
      tpu.wait_indirect_dma semaphore(%arg57 : memref<!tpu.dma_semaphore, #tpu.memory_space<semaphore_mem>>) src(%dma_wait3A_126 : memref<98434x16xf32, #tpu.memory_space<hbm>>) dst(%arg46 : memref<512x16xf32, #tpu.memory_space<vmem>>)
      %scan3A_127 = arith.constant 0 : i32
      %scan3A_128 = arith.constant 0 : i32
      %scan3A_129 = arith.constant 32 : i32
      %scan3A_130 = arith.addi %scan3A_128, %scan3A_129 : i32
      %scan3A_131 = arith.constant 1 : i32
      scf.for %scan3A_145 = %scan3A_128 to %scan3A_130 step %scan3A_131  : i32 {
        %mul3A_146 = arith.constant 16 : i32
        %mul3A_147 = arith.muli %scan3A_145, %mul3A_146 : i32
        %get3A = arith.index_cast %mul3A_147 : i32 to index
        %get3A_148 = tpu.vector_load %arg20[%get3A] {strides = array<i32>} : memref<512xf32, #tpu.memory_space<vmem>>, vector<16xf32>,
        %get3A_149 = vector.shape_cast %get3A_148 : vector<16xf32> to vector<16xf32>
        %get3A_150 = arith.index_cast %mul3A_147 : i32 to index
        %get3A_151 = tpu.vector_load %arg25[%get3A_150] {strides = array<i32>} : memref<512xf32, #tpu.memory_space<vmem>>, vector<16xf32>,
        %get3A_152 = vector.shape_cast %get3A_151 : vector<16xf32> to vector<16xf32>
        %add3A_153 = arith.constant 0 : i32
        %add3A_154 = arith.addi %mul3A_147, %add3A_153 : i32
        %get3A_155 = arith.index_cast %add3A_154 : i32 to index
        %get3A_156 = arith.constant 0 : index
        %get3A_157 = tpu.vector_load %arg41[%get3A_155, %get3A_156] {strides = array<i32>} : memref<512x16xf32, #tpu.memory_space<vmem>>, vector<1x16xf32>,
        %get3A_158 = vector.shape_cast %get3A_157 : vector<1x16xf32> to vector<16xf32>
        %get3A_159 = arith.index_cast %add3A_154 : i32 to index
        %get3A_160 = arith.constant 0 : index
        %get3A_161 = tpu.vector_load %arg46[%get3A_159, %get3A_160] {strides = array<i32>} : memref<512x16xf32, #tpu.memory_space<vmem>>, vector<1x16xf32>,
        %get3A_162 = vector.shape_cast %get3A_161 : vector<1x16xf32> to vector<16xf32>
        %slice3A = vector.extract_strided_slice %get3A_152 {offsets = [0], sizes = [1], strides = [1]} : vector<16xf32> to vector<1xf32>
        %squeeze3A = vector.extract %slice3A[0] : f32 from vector<1xf32>
        %broadcast_in_dim3A = vector.broadcast %squeeze3A : f32 to vector<16xf32>
        %sub3A_163 = arith.subf %get3A_162, %get3A_158 : vector<16xf32>
        %mul3A_164 = arith.mulf %sub3A_163, %broadcast_in_dim3A : vector<16xf32>
        %add3A_165 = arith.addf %get3A_158, %mul3A_164 : vector<16xf32>
        %gather3A = vector.shape_cast %reshape3A : vector<16x1xi32> to vector<16xi32>
        %gather3A_166 = tpu.dynamic_gather %add3A_165[%gather3A] in [0] : vector<16xf32>, vector<16xi32> -> vector<16xf32>
        %slice3A_167 = vector.extract_strided_slice %get3A_149 {offsets = [0], sizes = [1], strides = [1]} : vector<16xf32> to vector<1xf32>
        %squeeze3A_168 = vector.extract %slice3A_167[0] : f32 from vector<1xf32>
        %broadcast_in_dim3A_169 = vector.broadcast %squeeze3A_168 : f32 to vector<16xf32>
        %mul3A_170 = arith.mulf %sub3A_9, %broadcast_in_dim3A_169 : vector<16xf32>
        %add3A_171 = arith.addf %convert_element_type3A, %mul3A_170 : vector<16xf32>
        %sub3A_172 = arith.subf %gather3A_166, %add3A_165 : vector<16xf32>
        %mul3A_173 = arith.mulf %sub3A_172, %add3A_171 : vector<16xf32>
        %add3A_174 = arith.addf %add3A_165, %mul3A_173 : vector<16xf32>
        %swap3A = arith.index_cast %add3A_154 : i32 to index
        %swap3A_175 = arith.constant 24 : index
        %swap3A_176 = tpu.vector_load %arg48[%swap3A, %swap3A_175] {strides = array<i32>} : memref<512x48xf32, #tpu.memory_space<vmem>>, vector<1x16xf32>,
        %swap3A_177 = vector.shape_cast %swap3A_176 : vector<1x16xf32> to vector<16xf32>
        %swap3A_178 = vector.shape_cast %add3A_174 : vector<16xf32> to vector<1x16xf32>
        tpu.vector_store %arg48[%swap3A, %swap3A_175], %swap3A_178 {strides = array<i32>} : memref<512x48xf32, #tpu.memory_space<vmem>>, vector<1x16xf32>,
        %add3A_179 = arith.constant 1 : i32
        %add3A_180 = arith.addi %mul3A_147, %add3A_179 : i32
        %get3A_181 = arith.index_cast %add3A_180 : i32 to index
        %get3A_182 = arith.constant 0 : index
        %get3A_183 = tpu.vector_load %arg41[%get3A_181, %get3A_182] {strides = array<i32>} : memref<512x16xf32, #tpu.memory_space<vmem>>, vector<1x16xf32>,
        %get3A_184 = vector.shape_cast %get3A_183 : vector<1x16xf32> to vector<16xf32>
        %get3A_185 = arith.index_cast %add3A_180 : i32 to index
        %get3A_186 = arith.constant 0 : index
        %get3A_187 = tpu.vector_load %arg46[%get3A_185, %get3A_186] {strides = array<i32>} : memref<512x16xf32, #tpu.memory_space<vmem>>, vector<1x16xf32>,
        %get3A_188 = vector.shape_cast %get3A_187 : vector<1x16xf32> to vector<16xf32>
        %slice3A_189 = vector.extract_strided_slice %get3A_152 {offsets = [1], sizes = [1], strides = [1]} : vector<16xf32> to vector<1xf32>
        %squeeze3A_190 = vector.extract %slice3A_189[0] : f32 from vector<1xf32>
        %broadcast_in_dim3A_191 = vector.broadcast %squeeze3A_190 : f32 to vector<16xf32>
        %sub3A_192 = arith.subf %get3A_188, %get3A_184 : vector<16xf32>
        %mul3A_193 = arith.mulf %sub3A_192, %broadcast_in_dim3A_191 : vector<16xf32>
        %add3A_194 = arith.addf %get3A_184, %mul3A_193 : vector<16xf32>
        %gather3A_195 = vector.shape_cast %reshape3A : vector<16x1xi32> to vector<16xi32>
        %gather3A_196 = tpu.dynamic_gather %add3A_194[%gather3A_195] in [0] : vector<16xf32>, vector<16xi32> -> vector<16xf32>
        %slice3A_197 = vector.extract_strided_slice %get3A_149 {offsets = [1], sizes = [1], strides = [1]} : vector<16xf32> to vector<1xf32>
        %squeeze3A_198 = vector.extract %slice3A_197[0] : f32 from vector<1xf32>
        %broadcast_in_dim3A_199 = vector.broadcast %squeeze3A_198 : f32 to vector<16xf32>
        %mul3A_200 = arith.mulf %sub3A_9, %broadcast_in_dim3A_199 : vector<16xf32>
        %add3A_201 = arith.addf %convert_element_type3A, %mul3A_200 : vector<16xf32>
        %sub3A_202 = arith.subf %gather3A_196, %add3A_194 : vector<16xf32>
        %mul3A_203 = arith.mulf %sub3A_202, %add3A_201 : vector<16xf32>
        %add3A_204 = arith.addf %add3A_194, %mul3A_203 : vector<16xf32>
        %swap3A_205 = arith.index_cast %add3A_180 : i32 to index
        %swap3A_206 = arith.constant 24 : index
        %swap3A_207 = tpu.vector_load %arg48[%swap3A_205, %swap3A_206] {strides = array<i32>} : memref<512x48xf32, #tpu.memory_space<vmem>>, vector<1x16xf32>,
        %swap3A_208 = vector.shape_cast %swap3A_207 : vector<1x16xf32> to vector<16xf32>
        %swap3A_209 = vector.shape_cast %add3A_204 : vector<16xf32> to vector<1x16xf32>
        tpu.vector_store %arg48[%swap3A_205, %swap3A_206], %swap3A_209 {strides = array<i32>} : memref<512x48xf32, #tpu.memory_space<vmem>>, vector<1x16xf32>,
        %add3A_210 = arith.constant 2 : i32
        %add3A_211 = arith.addi %mul3A_147, %add3A_210 : i32
        %get3A_212 = arith.index_cast %add3A_211 : i32 to index
        %get3A_213 = arith.constant 0 : index
        %get3A_214 = tpu.vector_load %arg41[%get3A_212, %get3A_213] {strides = array<i32>} : memref<512x16xf32, #tpu.memory_space<vmem>>, vector<1x16xf32>,
        %get3A_215 = vector.shape_cast %get3A_214 : vector<1x16xf32> to vector<16xf32>
        %get3A_216 = arith.index_cast %add3A_211 : i32 to index
        %get3A_217 = arith.constant 0 : index
        %get3A_218 = tpu.vector_load %arg46[%get3A_216, %get3A_217] {strides = array<i32>} : memref<512x16xf32, #tpu.memory_space<vmem>>, vector<1x16xf32>,
        %get3A_219 = vector.shape_cast %get3A_218 : vector<1x16xf32> to vector<16xf32>
        %slice3A_220 = vector.extract_strided_slice %get3A_152 {offsets = [2], sizes = [1], strides = [1]} : vector<16xf32> to vector<1xf32>
        %squeeze3A_221 = vector.extract %slice3A_220[0] : f32 from vector<1xf32>
        %broadcast_in_dim3A_222 = vector.broadcast %squeeze3A_221 : f32 to vector<16xf32>
        %sub3A_223 = arith.subf %get3A_219, %get3A_215 : vector<16xf32>
        %mul3A_224 = arith.mulf %sub3A_223, %broadcast_in_dim3A_222 : vector<16xf32>
        %add3A_225 = arith.addf %get3A_215, %mul3A_224 : vector<16xf32>
        %gather3A_226 = vector.shape_cast %reshape3A : vector<16x1xi32> to vector<16xi32>
        %gather3A_227 = tpu.dynamic_gather %add3A_225[%gather3A_226] in [0] : vector<16xf32>, vector<16xi32> -> vector<16xf32>
        %slice3A_228 = vector.extract_strided_slice %get3A_149 {offsets = [2], sizes = [1], strides = [1]} : vector<16xf32> to vector<1xf32>
        %squeeze3A_229 = vector.extract %slice3A_228[0] : f32 from vector<1xf32>
        %broadcast_in_dim3A_230 = vector.broadcast %squeeze3A_229 : f32 to vector<16xf32>
        %mul3A_231 = arith.mulf %sub3A_9, %broadcast_in_dim3A_230 : vector<16xf32>
        %add3A_232 = arith.addf %convert_element_type3A, %mul3A_231 : vector<16xf32>
        %sub3A_233 = arith.subf %gather3A_227, %add3A_225 : vector<16xf32>
        %mul3A_234 = arith.mulf %sub3A_233, %add3A_232 : vector<16xf32>
        %add3A_235 = arith.addf %add3A_225, %mul3A_234 : vector<16xf32>
        %swap3A_236 = arith.index_cast %add3A_211 : i32 to index
        %swap3A_237 = arith.constant 24 : index
        %swap3A_238 = tpu.vector_load %arg48[%swap3A_236, %swap3A_237] {strides = array<i32>} : memref<512x48xf32, #tpu.memory_space<vmem>>, vector<1x16xf32>,
        %swap3A_239 = vector.shape_cast %swap3A_238 : vector<1x16xf32> to vector<16xf32>
        %swap3A_240 = vector.shape_cast %add3A_235 : vector<16xf32> to vector<1x16xf32>
        tpu.vector_store %arg48[%swap3A_236, %swap3A_237], %swap3A_240 {strides = array<i32>} : memref<512x48xf32, #tpu.memory_space<vmem>>, vector<1x16xf32>,
        %add3A_241 = arith.constant 3 : i32
        %add3A_242 = arith.addi %mul3A_147, %add3A_241 : i32
        %get3A_243 = arith.index_cast %add3A_242 : i32 to index
        %get3A_244 = arith.constant 0 : index
        %get3A_245 = tpu.vector_load %arg41[%get3A_243, %get3A_244] {strides = array<i32>} : memref<512x16xf32, #tpu.memory_space<vmem>>, vector<1x16xf32>,
        %get3A_246 = vector.shape_cast %get3A_245 : vector<1x16xf32> to vector<16xf32>
        %get3A_247 = arith.index_cast %add3A_242 : i32 to index
        %get3A_248 = arith.constant 0 : index
        %get3A_249 = tpu.vector_load %arg46[%get3A_247, %get3A_248] {strides = array<i32>} : memref<512x16xf32, #tpu.memory_space<vmem>>, vector<1x16xf32>,
        %get3A_250 = vector.shape_cast %get3A_249 : vector<1x16xf32> to vector<16xf32>
        %slice3A_251 = vector.extract_strided_slice %get3A_152 {offsets = [3], sizes = [1], strides = [1]} : vector<16xf32> to vector<1xf32>
        %squeeze3A_252 = vector.extract %slice3A_251[0] : f32 from vector<1xf32>
        %broadcast_in_dim3A_253 = vector.broadcast %squeeze3A_252 : f32 to vector<16xf32>
        %sub3A_254 = arith.subf %get3A_250, %get3A_246 : vector<16xf32>
        %mul3A_255 = arith.mulf %sub3A_254, %broadcast_in_dim3A_253 : vector<16xf32>
        %add3A_256 = arith.addf %get3A_246, %mul3A_255 : vector<16xf32>
        %gather3A_257 = vector.shape_cast %reshape3A : vector<16x1xi32> to vector<16xi32>
        %gather3A_258 = tpu.dynamic_gather %add3A_256[%gather3A_257] in [0] : vector<16xf32>, vector<16xi32> -> vector<16xf32>
        %slice3A_259 = vector.extract_strided_slice %get3A_149 {offsets = [3], sizes = [1], strides = [1]} : vector<16xf32> to vector<1xf32>
        %squeeze3A_260 = vector.extract %slice3A_259[0] : f32 from vector<1xf32>
        %broadcast_in_dim3A_261 = vector.broadcast %squeeze3A_260 : f32 to vector<16xf32>
        %mul3A_262 = arith.mulf %sub3A_9, %broadcast_in_dim3A_261 : vector<16xf32>
        %add3A_263 = arith.addf %convert_element_type3A, %mul3A_262 : vector<16xf32>
        %sub3A_264 = arith.subf %gather3A_258, %add3A_256 : vector<16xf32>
        %mul3A_265 = arith.mulf %sub3A_264, %add3A_263 : vector<16xf32>
        %add3A_266 = arith.addf %add3A_256, %mul3A_265 : vector<16xf32>
        %swap3A_267 = arith.index_cast %add3A_242 : i32 to index
        %swap3A_268 = arith.constant 24 : index
        %swap3A_269 = tpu.vector_load %arg48[%swap3A_267, %swap3A_268] {strides = array<i32>} : memref<512x48xf32, #tpu.memory_space<vmem>>, vector<1x16xf32>,
        %swap3A_270 = vector.shape_cast %swap3A_269 : vector<1x16xf32> to vector<16xf32>
        %swap3A_271 = vector.shape_cast %add3A_266 : vector<16xf32> to vector<1x16xf32>
        tpu.vector_store %arg48[%swap3A_267, %swap3A_268], %swap3A_271 {strides = array<i32>} : memref<512x48xf32, #tpu.memory_space<vmem>>, vector<1x16xf32>,
        %add3A_272 = arith.constant 4 : i32
        %add3A_273 = arith.addi %mul3A_147, %add3A_272 : i32
        %get3A_274 = arith.index_cast %add3A_273 : i32 to index
        %get3A_275 = arith.constant 0 : index
        %get3A_276 = tpu.vector_load %arg41[%get3A_274, %get3A_275] {strides = array<i32>} : memref<512x16xf32, #tpu.memory_space<vmem>>, vector<1x16xf32>,
        %get3A_277 = vector.shape_cast %get3A_276 : vector<1x16xf32> to vector<16xf32>
        %get3A_278 = arith.index_cast %add3A_273 : i32 to index
        %get3A_279 = arith.constant 0 : index
        %get3A_280 = tpu.vector_load %arg46[%get3A_278, %get3A_279] {strides = array<i32>} : memref<512x16xf32, #tpu.memory_space<vmem>>, vector<1x16xf32>,
        %get3A_281 = vector.shape_cast %get3A_280 : vector<1x16xf32> to vector<16xf32>
        %slice3A_282 = vector.extract_strided_slice %get3A_152 {offsets = [4], sizes = [1], strides = [1]} : vector<16xf32> to vector<1xf32>
        %squeeze3A_283 = vector.extract %slice3A_282[0] : f32 from vector<1xf32>
        %broadcast_in_dim3A_284 = vector.broadcast %squeeze3A_283 : f32 to vector<16xf32>
        %sub3A_285 = arith.subf %get3A_281, %get3A_277 : vector<16xf32>
        %mul3A_286 = arith.mulf %sub3A_285, %broadcast_in_dim3A_284 : vector<16xf32>
        %add3A_287 = arith.addf %get3A_277, %mul3A_286 : vector<16xf32>
        %gather3A_288 = vector.shape_cast %reshape3A : vector<16x1xi32> to vector<16xi32>
        %gather3A_289 = tpu.dynamic_gather %add3A_287[%gather3A_288] in [0] : vector<16xf32>, vector<16xi32> -> vector<16xf32>
        %slice3A_290 = vector.extract_strided_slice %get3A_149 {offsets = [4], sizes = [1], strides = [1]} : vector<16xf32> to vector<1xf32>
        %squeeze3A_291 = vector.extract %slice3A_290[0] : f32 from vector<1xf32>
        %broadcast_in_dim3A_292 = vector.broadcast %squeeze3A_291 : f32 to vector<16xf32>
        %mul3A_293 = arith.mulf %sub3A_9, %broadcast_in_dim3A_292 : vector<16xf32>
        %add3A_294 = arith.addf %convert_element_type3A, %mul3A_293 : vector<16xf32>
        %sub3A_295 = arith.subf %gather3A_289, %add3A_287 : vector<16xf32>
        %mul3A_296 = arith.mulf %sub3A_295, %add3A_294 : vector<16xf32>
        %add3A_297 = arith.addf %add3A_287, %mul3A_296 : vector<16xf32>
        %swap3A_298 = arith.index_cast %add3A_273 : i32 to index
        %swap3A_299 = arith.constant 24 : index
        %swap3A_300 = tpu.vector_load %arg48[%swap3A_298, %swap3A_299] {strides = array<i32>} : memref<512x48xf32, #tpu.memory_space<vmem>>, vector<1x16xf32>,
        %swap3A_301 = vector.shape_cast %swap3A_300 : vector<1x16xf32> to vector<16xf32>
        %swap3A_302 = vector.shape_cast %add3A_297 : vector<16xf32> to vector<1x16xf32>
        tpu.vector_store %arg48[%swap3A_298, %swap3A_299], %swap3A_302 {strides = array<i32>} : memref<512x48xf32, #tpu.memory_space<vmem>>, vector<1x16xf32>,
        %add3A_303 = arith.constant 5 : i32
        %add3A_304 = arith.addi %mul3A_147, %add3A_303 : i32
        %get3A_305 = arith.index_cast %add3A_304 : i32 to index
        %get3A_306 = arith.constant 0 : index
        %get3A_307 = tpu.vector_load %arg41[%get3A_305, %get3A_306] {strides = array<i32>} : memref<512x16xf32, #tpu.memory_space<vmem>>, vector<1x16xf32>,
        %get3A_308 = vector.shape_cast %get3A_307 : vector<1x16xf32> to vector<16xf32>
        %get3A_309 = arith.index_cast %add3A_304 : i32 to index
        %get3A_310 = arith.constant 0 : index
        %get3A_311 = tpu.vector_load %arg46[%get3A_309, %get3A_310] {strides = array<i32>} : memref<512x16xf32, #tpu.memory_space<vmem>>, vector<1x16xf32>,
        %get3A_312 = vector.shape_cast %get3A_311 : vector<1x16xf32> to vector<16xf32>
        %slice3A_313 = vector.extract_strided_slice %get3A_152 {offsets = [5], sizes = [1], strides = [1]} : vector<16xf32> to vector<1xf32>
        %squeeze3A_314 = vector.extract %slice3A_313[0] : f32 from vector<1xf32>
        %broadcast_in_dim3A_315 = vector.broadcast %squeeze3A_314 : f32 to vector<16xf32>
        %sub3A_316 = arith.subf %get3A_312, %get3A_308 : vector<16xf32>
        %mul3A_317 = arith.mulf %sub3A_316, %broadcast_in_dim3A_315 : vector<16xf32>
        %add3A_318 = arith.addf %get3A_308, %mul3A_317 : vector<16xf32>
        %gather3A_319 = vector.shape_cast %reshape3A : vector<16x1xi32> to vector<16xi32>
        %gather3A_320 = tpu.dynamic_gather %add3A_318[%gather3A_319] in [0] : vector<16xf32>, vector<16xi32> -> vector<16xf32>
        %slice3A_321 = vector.extract_strided_slice %get3A_149 {offsets = [5], sizes = [1], strides = [1]} : vector<16xf32> to vector<1xf32>
        %squeeze3A_322 = vector.extract %slice3A_321[0] : f32 from vector<1xf32>
        %broadcast_in_dim3A_323 = vector.broadcast %squeeze3A_322 : f32 to vector<16xf32>
        %mul3A_324 = arith.mulf %sub3A_9, %broadcast_in_dim3A_323 : vector<16xf32>
        %add3A_325 = arith.addf %convert_element_type3A, %mul3A_324 : vector<16xf32>
        %sub3A_326 = arith.subf %gather3A_320, %add3A_318 : vector<16xf32>
        %mul3A_327 = arith.mulf %sub3A_326, %add3A_325 : vector<16xf32>
        %add3A_328 = arith.addf %add3A_318, %mul3A_327 : vector<16xf32>
        %swap3A_329 = arith.index_cast %add3A_304 : i32 to index
        %swap3A_330 = arith.constant 24 : index
        %swap3A_331 = tpu.vector_load %arg48[%swap3A_329, %swap3A_330] {strides = array<i32>} : memref<512x48xf32, #tpu.memory_space<vmem>>, vector<1x16xf32>,
        %swap3A_332 = vector.shape_cast %swap3A_331 : vector<1x16xf32> to vector<16xf32>
        %swap3A_333 = vector.shape_cast %add3A_328 : vector<16xf32> to vector<1x16xf32>
        tpu.vector_store %arg48[%swap3A_329, %swap3A_330], %swap3A_333 {strides = array<i32>} : memref<512x48xf32, #tpu.memory_space<vmem>>, vector<1x16xf32>,
        %add3A_334 = arith.constant 6 : i32
        %add3A_335 = arith.addi %mul3A_147, %add3A_334 : i32
        %get3A_336 = arith.index_cast %add3A_335 : i32 to index
        %get3A_337 = arith.constant 0 : index
        %get3A_338 = tpu.vector_load %arg41[%get3A_336, %get3A_337] {strides = array<i32>} : memref<512x16xf32, #tpu.memory_space<vmem>>, vector<1x16xf32>,
        %get3A_339 = vector.shape_cast %get3A_338 : vector<1x16xf32> to vector<16xf32>
        %get3A_340 = arith.index_cast %add3A_335 : i32 to index
        %get3A_341 = arith.constant 0 : index
        %get3A_342 = tpu.vector_load %arg46[%get3A_340, %get3A_341] {strides = array<i32>} : memref<512x16xf32, #tpu.memory_space<vmem>>, vector<1x16xf32>,
        %get3A_343 = vector.shape_cast %get3A_342 : vector<1x16xf32> to vector<16xf32>
        %slice3A_344 = vector.extract_strided_slice %get3A_152 {offsets = [6], sizes = [1], strides = [1]} : vector<16xf32> to vector<1xf32>
        %squeeze3A_345 = vector.extract %slice3A_344[0] : f32 from vector<1xf32>
        %broadcast_in_dim3A_346 = vector.broadcast %squeeze3A_345 : f32 to vector<16xf32>
        %sub3A_347 = arith.subf %get3A_343, %get3A_339 : vector<16xf32>
        %mul3A_348 = arith.mulf %sub3A_347, %broadcast_in_dim3A_346 : vector<16xf32>
        %add3A_349 = arith.addf %get3A_339, %mul3A_348 : vector<16xf32>
        %gather3A_350 = vector.shape_cast %reshape3A : vector<16x1xi32> to vector<16xi32>
        %gather3A_351 = tpu.dynamic_gather %add3A_349[%gather3A_350] in [0] : vector<16xf32>, vector<16xi32> -> vector<16xf32>
        %slice3A_352 = vector.extract_strided_slice %get3A_149 {offsets = [6], sizes = [1], strides = [1]} : vector<16xf32> to vector<1xf32>
        %squeeze3A_353 = vector.extract %slice3A_352[0] : f32 from vector<1xf32>
        %broadcast_in_dim3A_354 = vector.broadcast %squeeze3A_353 : f32 to vector<16xf32>
        %mul3A_355 = arith.mulf %sub3A_9, %broadcast_in_dim3A_354 : vector<16xf32>
        %add3A_356 = arith.addf %convert_element_type3A, %mul3A_355 : vector<16xf32>
        %sub3A_357 = arith.subf %gather3A_351, %add3A_349 : vector<16xf32>
        %mul3A_358 = arith.mulf %sub3A_357, %add3A_356 : vector<16xf32>
        %add3A_359 = arith.addf %add3A_349, %mul3A_358 : vector<16xf32>
        %swap3A_360 = arith.index_cast %add3A_335 : i32 to index
        %swap3A_361 = arith.constant 24 : index
        %swap3A_362 = tpu.vector_load %arg48[%swap3A_360, %swap3A_361] {strides = array<i32>} : memref<512x48xf32, #tpu.memory_space<vmem>>, vector<1x16xf32>,
        %swap3A_363 = vector.shape_cast %swap3A_362 : vector<1x16xf32> to vector<16xf32>
        %swap3A_364 = vector.shape_cast %add3A_359 : vector<16xf32> to vector<1x16xf32>
        tpu.vector_store %arg48[%swap3A_360, %swap3A_361], %swap3A_364 {strides = array<i32>} : memref<512x48xf32, #tpu.memory_space<vmem>>, vector<1x16xf32>,
        %add3A_365 = arith.constant 7 : i32
        %add3A_366 = arith.addi %mul3A_147, %add3A_365 : i32
        %get3A_367 = arith.index_cast %add3A_366 : i32 to index
        %get3A_368 = arith.constant 0 : index
        %get3A_369 = tpu.vector_load %arg41[%get3A_367, %get3A_368] {strides = array<i32>} : memref<512x16xf32, #tpu.memory_space<vmem>>, vector<1x16xf32>,
        %get3A_370 = vector.shape_cast %get3A_369 : vector<1x16xf32> to vector<16xf32>
        %get3A_371 = arith.index_cast %add3A_366 : i32 to index
        %get3A_372 = arith.constant 0 : index
        %get3A_373 = tpu.vector_load %arg46[%get3A_371, %get3A_372] {strides = array<i32>} : memref<512x16xf32, #tpu.memory_space<vmem>>, vector<1x16xf32>,
        %get3A_374 = vector.shape_cast %get3A_373 : vector<1x16xf32> to vector<16xf32>
        %slice3A_375 = vector.extract_strided_slice %get3A_152 {offsets = [7], sizes = [1], strides = [1]} : vector<16xf32> to vector<1xf32>
        %squeeze3A_376 = vector.extract %slice3A_375[0] : f32 from vector<1xf32>
        %broadcast_in_dim3A_377 = vector.broadcast %squeeze3A_376 : f32 to vector<16xf32>
        %sub3A_378 = arith.subf %get3A_374, %get3A_370 : vector<16xf32>
        %mul3A_379 = arith.mulf %sub3A_378, %broadcast_in_dim3A_377 : vector<16xf32>
        %add3A_380 = arith.addf %get3A_370, %mul3A_379 : vector<16xf32>
        %gather3A_381 = vector.shape_cast %reshape3A : vector<16x1xi32> to vector<16xi32>
        %gather3A_382 = tpu.dynamic_gather %add3A_380[%gather3A_381] in [0] : vector<16xf32>, vector<16xi32> -> vector<16xf32>
        %slice3A_383 = vector.extract_strided_slice %get3A_149 {offsets = [7], sizes = [1], strides = [1]} : vector<16xf32> to vector<1xf32>
        %squeeze3A_384 = vector.extract %slice3A_383[0] : f32 from vector<1xf32>
        %broadcast_in_dim3A_385 = vector.broadcast %squeeze3A_384 : f32 to vector<16xf32>
        %mul3A_386 = arith.mulf %sub3A_9, %broadcast_in_dim3A_385 : vector<16xf32>
        %add3A_387 = arith.addf %convert_element_type3A, %mul3A_386 : vector<16xf32>
        %sub3A_388 = arith.subf %gather3A_382, %add3A_380 : vector<16xf32>
        %mul3A_389 = arith.mulf %sub3A_388, %add3A_387 : vector<16xf32>
        %add3A_390 = arith.addf %add3A_380, %mul3A_389 : vector<16xf32>
        %swap3A_391 = arith.index_cast %add3A_366 : i32 to index
        %swap3A_392 = arith.constant 24 : index
        %swap3A_393 = tpu.vector_load %arg48[%swap3A_391, %swap3A_392] {strides = array<i32>} : memref<512x48xf32, #tpu.memory_space<vmem>>, vector<1x16xf32>,
        %swap3A_394 = vector.shape_cast %swap3A_393 : vector<1x16xf32> to vector<16xf32>
        %swap3A_395 = vector.shape_cast %add3A_390 : vector<16xf32> to vector<1x16xf32>
        tpu.vector_store %arg48[%swap3A_391, %swap3A_392], %swap3A_395 {strides = array<i32>} : memref<512x48xf32, #tpu.memory_space<vmem>>, vector<1x16xf32>,
        %add3A_396 = arith.constant 8 : i32
        %add3A_397 = arith.addi %mul3A_147, %add3A_396 : i32
        %get3A_398 = arith.index_cast %add3A_397 : i32 to index
        %get3A_399 = arith.constant 0 : index
        %get3A_400 = tpu.vector_load %arg41[%get3A_398, %get3A_399] {strides = array<i32>} : memref<512x16xf32, #tpu.memory_space<vmem>>, vector<1x16xf32>,
        %get3A_401 = vector.shape_cast %get3A_400 : vector<1x16xf32> to vector<16xf32>
        %get3A_402 = arith.index_cast %add3A_397 : i32 to index
        %get3A_403 = arith.constant 0 : index
        %get3A_404 = tpu.vector_load %arg46[%get3A_402, %get3A_403] {strides = array<i32>} : memref<512x16xf32, #tpu.memory_space<vmem>>, vector<1x16xf32>,
        %get3A_405 = vector.shape_cast %get3A_404 : vector<1x16xf32> to vector<16xf32>
        %slice3A_406 = vector.extract_strided_slice %get3A_152 {offsets = [8], sizes = [1], strides = [1]} : vector<16xf32> to vector<1xf32>
        %squeeze3A_407 = vector.extract %slice3A_406[0] : f32 from vector<1xf32>
        %broadcast_in_dim3A_408 = vector.broadcast %squeeze3A_407 : f32 to vector<16xf32>
        %sub3A_409 = arith.subf %get3A_405, %get3A_401 : vector<16xf32>
        %mul3A_410 = arith.mulf %sub3A_409, %broadcast_in_dim3A_408 : vector<16xf32>
        %add3A_411 = arith.addf %get3A_401, %mul3A_410 : vector<16xf32>
        %gather3A_412 = vector.shape_cast %reshape3A : vector<16x1xi32> to vector<16xi32>
        %gather3A_413 = tpu.dynamic_gather %add3A_411[%gather3A_412] in [0] : vector<16xf32>, vector<16xi32> -> vector<16xf32>
        %slice3A_414 = vector.extract_strided_slice %get3A_149 {offsets = [8], sizes = [1], strides = [1]} : vector<16xf32> to vector<1xf32>
        %squeeze3A_415 = vector.extract %slice3A_414[0] : f32 from vector<1xf32>
        %broadcast_in_dim3A_416 = vector.broadcast %squeeze3A_415 : f32 to vector<16xf32>
        %mul3A_417 = arith.mulf %sub3A_9, %broadcast_in_dim3A_416 : vector<16xf32>
        %add3A_418 = arith.addf %convert_element_type3A, %mul3A_417 : vector<16xf32>
        %sub3A_419 = arith.subf %gather3A_413, %add3A_411 : vector<16xf32>
        %mul3A_420 = arith.mulf %sub3A_419, %add3A_418 : vector<16xf32>
        %add3A_421 = arith.addf %add3A_411, %mul3A_420 : vector<16xf32>
        %swap3A_422 = arith.index_cast %add3A_397 : i32 to index
        %swap3A_423 = arith.constant 24 : index
        %swap3A_424 = tpu.vector_load %arg48[%swap3A_422, %swap3A_423] {strides = array<i32>} : memref<512x48xf32, #tpu.memory_space<vmem>>, vector<1x16xf32>,
        %swap3A_425 = vector.shape_cast %swap3A_424 : vector<1x16xf32> to vector<16xf32>
        %swap3A_426 = vector.shape_cast %add3A_421 : vector<16xf32> to vector<1x16xf32>
        tpu.vector_store %arg48[%swap3A_422, %swap3A_423], %swap3A_426 {strides = array<i32>} : memref<512x48xf32, #tpu.memory_space<vmem>>, vector<1x16xf32>,
        %add3A_427 = arith.constant 9 : i32
        %add3A_428 = arith.addi %mul3A_147, %add3A_427 : i32
        %get3A_429 = arith.index_cast %add3A_428 : i32 to index
        %get3A_430 = arith.constant 0 : index
        %get3A_431 = tpu.vector_load %arg41[%get3A_429, %get3A_430] {strides = array<i32>} : memref<512x16xf32, #tpu.memory_space<vmem>>, vector<1x16xf32>,
        %get3A_432 = vector.shape_cast %get3A_431 : vector<1x16xf32> to vector<16xf32>
        %get3A_433 = arith.index_cast %add3A_428 : i32 to index
        %get3A_434 = arith.constant 0 : index
        %get3A_435 = tpu.vector_load %arg46[%get3A_433, %get3A_434] {strides = array<i32>} : memref<512x16xf32, #tpu.memory_space<vmem>>, vector<1x16xf32>,
        %get3A_436 = vector.shape_cast %get3A_435 : vector<1x16xf32> to vector<16xf32>
        %slice3A_437 = vector.extract_strided_slice %get3A_152 {offsets = [9], sizes = [1], strides = [1]} : vector<16xf32> to vector<1xf32>
        %squeeze3A_438 = vector.extract %slice3A_437[0] : f32 from vector<1xf32>
        %broadcast_in_dim3A_439 = vector.broadcast %squeeze3A_438 : f32 to vector<16xf32>
        %sub3A_440 = arith.subf %get3A_436, %get3A_432 : vector<16xf32>
        %mul3A_441 = arith.mulf %sub3A_440, %broadcast_in_dim3A_439 : vector<16xf32>
        %add3A_442 = arith.addf %get3A_432, %mul3A_441 : vector<16xf32>
        %gather3A_443 = vector.shape_cast %reshape3A : vector<16x1xi32> to vector<16xi32>
        %gather3A_444 = tpu.dynamic_gather %add3A_442[%gather3A_443] in [0] : vector<16xf32>, vector<16xi32> -> vector<16xf32>
        %slice3A_445 = vector.extract_strided_slice %get3A_149 {offsets = [9], sizes = [1], strides = [1]} : vector<16xf32> to vector<1xf32>
        %squeeze3A_446 = vector.extract %slice3A_445[0] : f32 from vector<1xf32>
        %broadcast_in_dim3A_447 = vector.broadcast %squeeze3A_446 : f32 to vector<16xf32>
        %mul3A_448 = arith.mulf %sub3A_9, %broadcast_in_dim3A_447 : vector<16xf32>
        %add3A_449 = arith.addf %convert_element_type3A, %mul3A_448 : vector<16xf32>
        %sub3A_450 = arith.subf %gather3A_444, %add3A_442 : vector<16xf32>
        %mul3A_451 = arith.mulf %sub3A_450, %add3A_449 : vector<16xf32>
        %add3A_452 = arith.addf %add3A_442, %mul3A_451 : vector<16xf32>
        %swap3A_453 = arith.index_cast %add3A_428 : i32 to index
        %swap3A_454 = arith.constant 24 : index
        %swap3A_455 = tpu.vector_load %arg48[%swap3A_453, %swap3A_454] {strides = array<i32>} : memref<512x48xf32, #tpu.memory_space<vmem>>, vector<1x16xf32>,
        %swap3A_456 = vector.shape_cast %swap3A_455 : vector<1x16xf32> to vector<16xf32>
        %swap3A_457 = vector.shape_cast %add3A_452 : vector<16xf32> to vector<1x16xf32>
        tpu.vector_store %arg48[%swap3A_453, %swap3A_454], %swap3A_457 {strides = array<i32>} : memref<512x48xf32, #tpu.memory_space<vmem>>, vector<1x16xf32>,
        %add3A_458 = arith.constant 10 : i32
        %add3A_459 = arith.addi %mul3A_147, %add3A_458 : i32
        %get3A_460 = arith.index_cast %add3A_459 : i32 to index
        %get3A_461 = arith.constant 0 : index
        %get3A_462 = tpu.vector_load %arg41[%get3A_460, %get3A_461] {strides = array<i32>} : memref<512x16xf32, #tpu.memory_space<vmem>>, vector<1x16xf32>,
        %get3A_463 = vector.shape_cast %get3A_462 : vector<1x16xf32> to vector<16xf32>
        %get3A_464 = arith.index_cast %add3A_459 : i32 to index
        %get3A_465 = arith.constant 0 : index
        %get3A_466 = tpu.vector_load %arg46[%get3A_464, %get3A_465] {strides = array<i32>} : memref<512x16xf32, #tpu.memory_space<vmem>>, vector<1x16xf32>,
        %get3A_467 = vector.shape_cast %get3A_466 : vector<1x16xf32> to vector<16xf32>
        %slice3A_468 = vector.extract_strided_slice %get3A_152 {offsets = [10], sizes = [1], strides = [1]} : vector<16xf32> to vector<1xf32>
        %squeeze3A_469 = vector.extract %slice3A_468[0] : f32 from vector<1xf32>
        %broadcast_in_dim3A_470 = vector.broadcast %squeeze3A_469 : f32 to vector<16xf32>
        %sub3A_471 = arith.subf %get3A_467, %get3A_463 : vector<16xf32>
        %mul3A_472 = arith.mulf %sub3A_471, %broadcast_in_dim3A_470 : vector<16xf32>
        %add3A_473 = arith.addf %get3A_463, %mul3A_472 : vector<16xf32>
        %gather3A_474 = vector.shape_cast %reshape3A : vector<16x1xi32> to vector<16xi32>
        %gather3A_475 = tpu.dynamic_gather %add3A_473[%gather3A_474] in [0] : vector<16xf32>, vector<16xi32> -> vector<16xf32>
        %slice3A_476 = vector.extract_strided_slice %get3A_149 {offsets = [10], sizes = [1], strides = [1]} : vector<16xf32> to vector<1xf32>
        %squeeze3A_477 = vector.extract %slice3A_476[0] : f32 from vector<1xf32>
        %broadcast_in_dim3A_478 = vector.broadcast %squeeze3A_477 : f32 to vector<16xf32>
        %mul3A_479 = arith.mulf %sub3A_9, %broadcast_in_dim3A_478 : vector<16xf32>
        %add3A_480 = arith.addf %convert_element_type3A, %mul3A_479 : vector<16xf32>
        %sub3A_481 = arith.subf %gather3A_475, %add3A_473 : vector<16xf32>
        %mul3A_482 = arith.mulf %sub3A_481, %add3A_480 : vector<16xf32>
        %add3A_483 = arith.addf %add3A_473, %mul3A_482 : vector<16xf32>
        %swap3A_484 = arith.index_cast %add3A_459 : i32 to index
        %swap3A_485 = arith.constant 24 : index
        %swap3A_486 = tpu.vector_load %arg48[%swap3A_484, %swap3A_485] {strides = array<i32>} : memref<512x48xf32, #tpu.memory_space<vmem>>, vector<1x16xf32>,
        %swap3A_487 = vector.shape_cast %swap3A_486 : vector<1x16xf32> to vector<16xf32>
        %swap3A_488 = vector.shape_cast %add3A_483 : vector<16xf32> to vector<1x16xf32>
        tpu.vector_store %arg48[%swap3A_484, %swap3A_485], %swap3A_488 {strides = array<i32>} : memref<512x48xf32, #tpu.memory_space<vmem>>, vector<1x16xf32>,
        %add3A_489 = arith.constant 11 : i32
        %add3A_490 = arith.addi %mul3A_147, %add3A_489 : i32
        %get3A_491 = arith.index_cast %add3A_490 : i32 to index
        %get3A_492 = arith.constant 0 : index
        %get3A_493 = tpu.vector_load %arg41[%get3A_491, %get3A_492] {strides = array<i32>} : memref<512x16xf32, #tpu.memory_space<vmem>>, vector<1x16xf32>,
        %get3A_494 = vector.shape_cast %get3A_493 : vector<1x16xf32> to vector<16xf32>
        %get3A_495 = arith.index_cast %add3A_490 : i32 to index
        %get3A_496 = arith.constant 0 : index
        %get3A_497 = tpu.vector_load %arg46[%get3A_495, %get3A_496] {strides = array<i32>} : memref<512x16xf32, #tpu.memory_space<vmem>>, vector<1x16xf32>,
        %get3A_498 = vector.shape_cast %get3A_497 : vector<1x16xf32> to vector<16xf32>
        %slice3A_499 = vector.extract_strided_slice %get3A_152 {offsets = [11], sizes = [1], strides = [1]} : vector<16xf32> to vector<1xf32>
        %squeeze3A_500 = vector.extract %slice3A_499[0] : f32 from vector<1xf32>
        %broadcast_in_dim3A_501 = vector.broadcast %squeeze3A_500 : f32 to vector<16xf32>
        %sub3A_502 = arith.subf %get3A_498, %get3A_494 : vector<16xf32>
        %mul3A_503 = arith.mulf %sub3A_502, %broadcast_in_dim3A_501 : vector<16xf32>
        %add3A_504 = arith.addf %get3A_494, %mul3A_503 : vector<16xf32>
        %gather3A_505 = vector.shape_cast %reshape3A : vector<16x1xi32> to vector<16xi32>
        %gather3A_506 = tpu.dynamic_gather %add3A_504[%gather3A_505] in [0] : vector<16xf32>, vector<16xi32> -> vector<16xf32>
        %slice3A_507 = vector.extract_strided_slice %get3A_149 {offsets = [11], sizes = [1], strides = [1]} : vector<16xf32> to vector<1xf32>
        %squeeze3A_508 = vector.extract %slice3A_507[0] : f32 from vector<1xf32>
        %broadcast_in_dim3A_509 = vector.broadcast %squeeze3A_508 : f32 to vector<16xf32>
        %mul3A_510 = arith.mulf %sub3A_9, %broadcast_in_dim3A_509 : vector<16xf32>
        %add3A_511 = arith.addf %convert_element_type3A, %mul3A_510 : vector<16xf32>
        %sub3A_512 = arith.subf %gather3A_506, %add3A_504 : vector<16xf32>
        %mul3A_513 = arith.mulf %sub3A_512, %add3A_511 : vector<16xf32>
        %add3A_514 = arith.addf %add3A_504, %mul3A_513 : vector<16xf32>
        %swap3A_515 = arith.index_cast %add3A_490 : i32 to index
        %swap3A_516 = arith.constant 24 : index
        %swap3A_517 = tpu.vector_load %arg48[%swap3A_515, %swap3A_516] {strides = array<i32>} : memref<512x48xf32, #tpu.memory_space<vmem>>, vector<1x16xf32>,
        %swap3A_518 = vector.shape_cast %swap3A_517 : vector<1x16xf32> to vector<16xf32>
        %swap3A_519 = vector.shape_cast %add3A_514 : vector<16xf32> to vector<1x16xf32>
        tpu.vector_store %arg48[%swap3A_515, %swap3A_516], %swap3A_519 {strides = array<i32>} : memref<512x48xf32, #tpu.memory_space<vmem>>, vector<1x16xf32>,
        %add3A_520 = arith.constant 12 : i32
        %add3A_521 = arith.addi %mul3A_147, %add3A_520 : i32
        %get3A_522 = arith.index_cast %add3A_521 : i32 to index
        %get3A_523 = arith.constant 0 : index
        %get3A_524 = tpu.vector_load %arg41[%get3A_522, %get3A_523] {strides = array<i32>} : memref<512x16xf32, #tpu.memory_space<vmem>>, vector<1x16xf32>,
        %get3A_525 = vector.shape_cast %get3A_524 : vector<1x16xf32> to vector<16xf32>
        %get3A_526 = arith.index_cast %add3A_521 : i32 to index
        %get3A_527 = arith.constant 0 : index
        %get3A_528 = tpu.vector_load %arg46[%get3A_526, %get3A_527] {strides = array<i32>} : memref<512x16xf32, #tpu.memory_space<vmem>>, vector<1x16xf32>,
        %get3A_529 = vector.shape_cast %get3A_528 : vector<1x16xf32> to vector<16xf32>
        %slice3A_530 = vector.extract_strided_slice %get3A_152 {offsets = [12], sizes = [1], strides = [1]} : vector<16xf32> to vector<1xf32>
        %squeeze3A_531 = vector.extract %slice3A_530[0] : f32 from vector<1xf32>
        %broadcast_in_dim3A_532 = vector.broadcast %squeeze3A_531 : f32 to vector<16xf32>
        %sub3A_533 = arith.subf %get3A_529, %get3A_525 : vector<16xf32>
        %mul3A_534 = arith.mulf %sub3A_533, %broadcast_in_dim3A_532 : vector<16xf32>
        %add3A_535 = arith.addf %get3A_525, %mul3A_534 : vector<16xf32>
        %gather3A_536 = vector.shape_cast %reshape3A : vector<16x1xi32> to vector<16xi32>
        %gather3A_537 = tpu.dynamic_gather %add3A_535[%gather3A_536] in [0] : vector<16xf32>, vector<16xi32> -> vector<16xf32>
        %slice3A_538 = vector.extract_strided_slice %get3A_149 {offsets = [12], sizes = [1], strides = [1]} : vector<16xf32> to vector<1xf32>
        %squeeze3A_539 = vector.extract %slice3A_538[0] : f32 from vector<1xf32>
        %broadcast_in_dim3A_540 = vector.broadcast %squeeze3A_539 : f32 to vector<16xf32>
        %mul3A_541 = arith.mulf %sub3A_9, %broadcast_in_dim3A_540 : vector<16xf32>
        %add3A_542 = arith.addf %convert_element_type3A, %mul3A_541 : vector<16xf32>
        %sub3A_543 = arith.subf %gather3A_537, %add3A_535 : vector<16xf32>
        %mul3A_544 = arith.mulf %sub3A_543, %add3A_542 : vector<16xf32>
        %add3A_545 = arith.addf %add3A_535, %mul3A_544 : vector<16xf32>
        %swap3A_546 = arith.index_cast %add3A_521 : i32 to index
        %swap3A_547 = arith.constant 24 : index
        %swap3A_548 = tpu.vector_load %arg48[%swap3A_546, %swap3A_547] {strides = array<i32>} : memref<512x48xf32, #tpu.memory_space<vmem>>, vector<1x16xf32>,
        %swap3A_549 = vector.shape_cast %swap3A_548 : vector<1x16xf32> to vector<16xf32>
        %swap3A_550 = vector.shape_cast %add3A_545 : vector<16xf32> to vector<1x16xf32>
        tpu.vector_store %arg48[%swap3A_546, %swap3A_547], %swap3A_550 {strides = array<i32>} : memref<512x48xf32, #tpu.memory_space<vmem>>, vector<1x16xf32>,
        %add3A_551 = arith.constant 13 : i32
        %add3A_552 = arith.addi %mul3A_147, %add3A_551 : i32
        %get3A_553 = arith.index_cast %add3A_552 : i32 to index
        %get3A_554 = arith.constant 0 : index
        %get3A_555 = tpu.vector_load %arg41[%get3A_553, %get3A_554] {strides = array<i32>} : memref<512x16xf32, #tpu.memory_space<vmem>>, vector<1x16xf32>,
        %get3A_556 = vector.shape_cast %get3A_555 : vector<1x16xf32> to vector<16xf32>
        %get3A_557 = arith.index_cast %add3A_552 : i32 to index
        %get3A_558 = arith.constant 0 : index
        %get3A_559 = tpu.vector_load %arg46[%get3A_557, %get3A_558] {strides = array<i32>} : memref<512x16xf32, #tpu.memory_space<vmem>>, vector<1x16xf32>,
        %get3A_560 = vector.shape_cast %get3A_559 : vector<1x16xf32> to vector<16xf32>
        %slice3A_561 = vector.extract_strided_slice %get3A_152 {offsets = [13], sizes = [1], strides = [1]} : vector<16xf32> to vector<1xf32>
        %squeeze3A_562 = vector.extract %slice3A_561[0] : f32 from vector<1xf32>
        %broadcast_in_dim3A_563 = vector.broadcast %squeeze3A_562 : f32 to vector<16xf32>
        %sub3A_564 = arith.subf %get3A_560, %get3A_556 : vector<16xf32>
        %mul3A_565 = arith.mulf %sub3A_564, %broadcast_in_dim3A_563 : vector<16xf32>
        %add3A_566 = arith.addf %get3A_556, %mul3A_565 : vector<16xf32>
        %gather3A_567 = vector.shape_cast %reshape3A : vector<16x1xi32> to vector<16xi32>
        %gather3A_568 = tpu.dynamic_gather %add3A_566[%gather3A_567] in [0] : vector<16xf32>, vector<16xi32> -> vector<16xf32>
        %slice3A_569 = vector.extract_strided_slice %get3A_149 {offsets = [13], sizes = [1], strides = [1]} : vector<16xf32> to vector<1xf32>
        %squeeze3A_570 = vector.extract %slice3A_569[0] : f32 from vector<1xf32>
        %broadcast_in_dim3A_571 = vector.broadcast %squeeze3A_570 : f32 to vector<16xf32>
        %mul3A_572 = arith.mulf %sub3A_9, %broadcast_in_dim3A_571 : vector<16xf32>
        %add3A_573 = arith.addf %convert_element_type3A, %mul3A_572 : vector<16xf32>
        %sub3A_574 = arith.subf %gather3A_568, %add3A_566 : vector<16xf32>
        %mul3A_575 = arith.mulf %sub3A_574, %add3A_573 : vector<16xf32>
        %add3A_576 = arith.addf %add3A_566, %mul3A_575 : vector<16xf32>
        %swap3A_577 = arith.index_cast %add3A_552 : i32 to index
        %swap3A_578 = arith.constant 24 : index
        %swap3A_579 = tpu.vector_load %arg48[%swap3A_577, %swap3A_578] {strides = array<i32>} : memref<512x48xf32, #tpu.memory_space<vmem>>, vector<1x16xf32>,
        %swap3A_580 = vector.shape_cast %swap3A_579 : vector<1x16xf32> to vector<16xf32>
        %swap3A_581 = vector.shape_cast %add3A_576 : vector<16xf32> to vector<1x16xf32>
        tpu.vector_store %arg48[%swap3A_577, %swap3A_578], %swap3A_581 {strides = array<i32>} : memref<512x48xf32, #tpu.memory_space<vmem>>, vector<1x16xf32>,
        %add3A_582 = arith.constant 14 : i32
        %add3A_583 = arith.addi %mul3A_147, %add3A_582 : i32
        %get3A_584 = arith.index_cast %add3A_583 : i32 to index
        %get3A_585 = arith.constant 0 : index
        %get3A_586 = tpu.vector_load %arg41[%get3A_584, %get3A_585] {strides = array<i32>} : memref<512x16xf32, #tpu.memory_space<vmem>>, vector<1x16xf32>,
        %get3A_587 = vector.shape_cast %get3A_586 : vector<1x16xf32> to vector<16xf32>
        %get3A_588 = arith.index_cast %add3A_583 : i32 to index
        %get3A_589 = arith.constant 0 : index
        %get3A_590 = tpu.vector_load %arg46[%get3A_588, %get3A_589] {strides = array<i32>} : memref<512x16xf32, #tpu.memory_space<vmem>>, vector<1x16xf32>,
        %get3A_591 = vector.shape_cast %get3A_590 : vector<1x16xf32> to vector<16xf32>
        %slice3A_592 = vector.extract_strided_slice %get3A_152 {offsets = [14], sizes = [1], strides = [1]} : vector<16xf32> to vector<1xf32>
        %squeeze3A_593 = vector.extract %slice3A_592[0] : f32 from vector<1xf32>
        %broadcast_in_dim3A_594 = vector.broadcast %squeeze3A_593 : f32 to vector<16xf32>
        %sub3A_595 = arith.subf %get3A_591, %get3A_587 : vector<16xf32>
        %mul3A_596 = arith.mulf %sub3A_595, %broadcast_in_dim3A_594 : vector<16xf32>
        %add3A_597 = arith.addf %get3A_587, %mul3A_596 : vector<16xf32>
        %gather3A_598 = vector.shape_cast %reshape3A : vector<16x1xi32> to vector<16xi32>
        %gather3A_599 = tpu.dynamic_gather %add3A_597[%gather3A_598] in [0] : vector<16xf32>, vector<16xi32> -> vector<16xf32>
        %slice3A_600 = vector.extract_strided_slice %get3A_149 {offsets = [14], sizes = [1], strides = [1]} : vector<16xf32> to vector<1xf32>
        %squeeze3A_601 = vector.extract %slice3A_600[0] : f32 from vector<1xf32>
        %broadcast_in_dim3A_602 = vector.broadcast %squeeze3A_601 : f32 to vector<16xf32>
        %mul3A_603 = arith.mulf %sub3A_9, %broadcast_in_dim3A_602 : vector<16xf32>
        %add3A_604 = arith.addf %convert_element_type3A, %mul3A_603 : vector<16xf32>
        %sub3A_605 = arith.subf %gather3A_599, %add3A_597 : vector<16xf32>
        %mul3A_606 = arith.mulf %sub3A_605, %add3A_604 : vector<16xf32>
        %add3A_607 = arith.addf %add3A_597, %mul3A_606 : vector<16xf32>
        %swap3A_608 = arith.index_cast %add3A_583 : i32 to index
        %swap3A_609 = arith.constant 24 : index
        %swap3A_610 = tpu.vector_load %arg48[%swap3A_608, %swap3A_609] {strides = array<i32>} : memref<512x48xf32, #tpu.memory_space<vmem>>, vector<1x16xf32>,
        %swap3A_611 = vector.shape_cast %swap3A_610 : vector<1x16xf32> to vector<16xf32>
        %swap3A_612 = vector.shape_cast %add3A_607 : vector<16xf32> to vector<1x16xf32>
        tpu.vector_store %arg48[%swap3A_608, %swap3A_609], %swap3A_612 {strides = array<i32>} : memref<512x48xf32, #tpu.memory_space<vmem>>, vector<1x16xf32>,
        %add3A_613 = arith.constant 15 : i32
        %add3A_614 = arith.addi %mul3A_147, %add3A_613 : i32
        %get3A_615 = arith.index_cast %add3A_614 : i32 to index
        %get3A_616 = arith.constant 0 : index
        %get3A_617 = tpu.vector_load %arg41[%get3A_615, %get3A_616] {strides = array<i32>} : memref<512x16xf32, #tpu.memory_space<vmem>>, vector<1x16xf32>,
        %get3A_618 = vector.shape_cast %get3A_617 : vector<1x16xf32> to vector<16xf32>
        %get3A_619 = arith.index_cast %add3A_614 : i32 to index
        %get3A_620 = arith.constant 0 : index
        %get3A_621 = tpu.vector_load %arg46[%get3A_619, %get3A_620] {strides = array<i32>} : memref<512x16xf32, #tpu.memory_space<vmem>>, vector<1x16xf32>,
        %get3A_622 = vector.shape_cast %get3A_621 : vector<1x16xf32> to vector<16xf32>
        %slice3A_623 = vector.extract_strided_slice %get3A_152 {offsets = [15], sizes = [1], strides = [1]} : vector<16xf32> to vector<1xf32>
        %squeeze3A_624 = vector.extract %slice3A_623[0] : f32 from vector<1xf32>
        %broadcast_in_dim3A_625 = vector.broadcast %squeeze3A_624 : f32 to vector<16xf32>
        %sub3A_626 = arith.subf %get3A_622, %get3A_618 : vector<16xf32>
        %mul3A_627 = arith.mulf %sub3A_626, %broadcast_in_dim3A_625 : vector<16xf32>
        %add3A_628 = arith.addf %get3A_618, %mul3A_627 : vector<16xf32>
        %gather3A_629 = vector.shape_cast %reshape3A : vector<16x1xi32> to vector<16xi32>
        %gather3A_630 = tpu.dynamic_gather %add3A_628[%gather3A_629] in [0] : vector<16xf32>, vector<16xi32> -> vector<16xf32>
        %slice3A_631 = vector.extract_strided_slice %get3A_149 {offsets = [15], sizes = [1], strides = [1]} : vector<16xf32> to vector<1xf32>
        %squeeze3A_632 = vector.extract %slice3A_631[0] : f32 from vector<1xf32>
        %broadcast_in_dim3A_633 = vector.broadcast %squeeze3A_632 : f32 to vector<16xf32>
        %mul3A_634 = arith.mulf %sub3A_9, %broadcast_in_dim3A_633 : vector<16xf32>
        %add3A_635 = arith.addf %convert_element_type3A, %mul3A_634 : vector<16xf32>
        %sub3A_636 = arith.subf %gather3A_630, %add3A_628 : vector<16xf32>
        %mul3A_637 = arith.mulf %sub3A_636, %add3A_635 : vector<16xf32>
        %add3A_638 = arith.addf %add3A_628, %mul3A_637 : vector<16xf32>
        %swap3A_639 = arith.index_cast %add3A_614 : i32 to index
        %swap3A_640 = arith.constant 24 : index
        %swap3A_641 = tpu.vector_load %arg48[%swap3A_639, %swap3A_640] {strides = array<i32>} : memref<512x48xf32, #tpu.memory_space<vmem>>, vector<1x16xf32>,
        %swap3A_642 = vector.shape_cast %swap3A_641 : vector<1x16xf32> to vector<16xf32>
        %swap3A_643 = vector.shape_cast %add3A_638 : vector<16xf32> to vector<1x16xf32>
        tpu.vector_store %arg48[%swap3A_639, %swap3A_640], %swap3A_643 {strides = array<i32>} : memref<512x48xf32, #tpu.memory_space<vmem>>, vector<1x16xf32>,
      }
      %scan3A_132 = arith.constant 32 : i32
      %dma_wait3A_133 = arith.constant 0 : i32
      %dma_wait3A_134 = arith.constant 0 : i32
      %dma_wait3A_135 = tpu.memref_slice %arg9[%dma_wait3A_133, %dma_wait3A_134] : memref<393474x16xf32, #tpu.memory_space<hbm>> -> memref<393474x16xf32, #tpu.memory_space<hbm>>
      tpu.wait_indirect_dma semaphore(%arg53 : memref<!tpu.dma_semaphore, #tpu.memory_space<semaphore_mem>>) src(%dma_wait3A_135 : memref<393474x16xf32, #tpu.memory_space<hbm>>) dst(%arg42 : memref<512x16xf32, #tpu.memory_space<vmem>>)
      %dma_wait3A_136 = arith.constant 0 : i32
      %dma_wait3A_137 = arith.constant 0 : i32
      %dma_wait3A_138 = tpu.memref_slice %arg9[%dma_wait3A_136, %dma_wait3A_137] : memref<393474x16xf32, #tpu.memory_space<hbm>> -> memref<393474x16xf32, #tpu.memory_space<hbm>>
      tpu.wait_indirect_dma semaphore(%arg58 : memref<!tpu.dma_semaphore, #tpu.memory_space<semaphore_mem>>) src(%dma_wait3A_138 : memref<393474x16xf32, #tpu.memory_space<hbm>>) dst(%arg47 : memref<512x16xf32, #tpu.memory_space<vmem>>)
      %scan3A_139 = arith.constant 0 : i32
      %scan3A_140 = arith.constant 0 : i32
      %scan3A_141 = arith.constant 32 : i32
      %scan3A_142 = arith.addi %scan3A_140, %scan3A_141 : i32
      %scan3A_143 = arith.constant 1 : i32
      scf.for %scan3A_145 = %scan3A_140 to %scan3A_142 step %scan3A_143  : i32 {
        %mul3A_146 = arith.constant 16 : i32
        %mul3A_147 = arith.muli %scan3A_145, %mul3A_146 : i32
        %get3A = arith.index_cast %mul3A_147 : i32 to index
        %get3A_148 = tpu.vector_load %arg21[%get3A] {strides = array<i32>} : memref<512xf32, #tpu.memory_space<vmem>>, vector<16xf32>,
        %get3A_149 = vector.shape_cast %get3A_148 : vector<16xf32> to vector<16xf32>
        %get3A_150 = arith.index_cast %mul3A_147 : i32 to index
        %get3A_151 = tpu.vector_load %arg26[%get3A_150] {strides = array<i32>} : memref<512xf32, #tpu.memory_space<vmem>>, vector<16xf32>,
        %get3A_152 = vector.shape_cast %get3A_151 : vector<16xf32> to vector<16xf32>
        %add3A_153 = arith.constant 0 : i32
        %add3A_154 = arith.addi %mul3A_147, %add3A_153 : i32
        %get3A_155 = arith.index_cast %add3A_154 : i32 to index
        %get3A_156 = arith.constant 0 : index
        %get3A_157 = tpu.vector_load %arg42[%get3A_155, %get3A_156] {strides = array<i32>} : memref<512x16xf32, #tpu.memory_space<vmem>>, vector<1x16xf32>,
        %get3A_158 = vector.shape_cast %get3A_157 : vector<1x16xf32> to vector<16xf32>
        %get3A_159 = arith.index_cast %add3A_154 : i32 to index
        %get3A_160 = arith.constant 0 : index
        %get3A_161 = tpu.vector_load %arg47[%get3A_159, %get3A_160] {strides = array<i32>} : memref<512x16xf32, #tpu.memory_space<vmem>>, vector<1x16xf32>,
        %get3A_162 = vector.shape_cast %get3A_161 : vector<1x16xf32> to vector<16xf32>
        %slice3A = vector.extract_strided_slice %get3A_152 {offsets = [0], sizes = [1], strides = [1]} : vector<16xf32> to vector<1xf32>
        %squeeze3A = vector.extract %slice3A[0] : f32 from vector<1xf32>
        %broadcast_in_dim3A = vector.broadcast %squeeze3A : f32 to vector<16xf32>
        %sub3A_163 = arith.subf %get3A_162, %get3A_158 : vector<16xf32>
        %mul3A_164 = arith.mulf %sub3A_163, %broadcast_in_dim3A : vector<16xf32>
        %add3A_165 = arith.addf %get3A_158, %mul3A_164 : vector<16xf32>
        %gather3A = vector.shape_cast %reshape3A : vector<16x1xi32> to vector<16xi32>
        %gather3A_166 = tpu.dynamic_gather %add3A_165[%gather3A] in [0] : vector<16xf32>, vector<16xi32> -> vector<16xf32>
        %slice3A_167 = vector.extract_strided_slice %get3A_149 {offsets = [0], sizes = [1], strides = [1]} : vector<16xf32> to vector<1xf32>
        %squeeze3A_168 = vector.extract %slice3A_167[0] : f32 from vector<1xf32>
        %broadcast_in_dim3A_169 = vector.broadcast %squeeze3A_168 : f32 to vector<16xf32>
        %mul3A_170 = arith.mulf %sub3A_9, %broadcast_in_dim3A_169 : vector<16xf32>
        %add3A_171 = arith.addf %convert_element_type3A, %mul3A_170 : vector<16xf32>
        %sub3A_172 = arith.subf %gather3A_166, %add3A_165 : vector<16xf32>
        %mul3A_173 = arith.mulf %sub3A_172, %add3A_171 : vector<16xf32>
        %add3A_174 = arith.addf %add3A_165, %mul3A_173 : vector<16xf32>
        %swap3A = arith.index_cast %add3A_154 : i32 to index
        %swap3A_175 = arith.constant 32 : index
        %swap3A_176 = tpu.vector_load %arg48[%swap3A, %swap3A_175] {strides = array<i32>} : memref<512x48xf32, #tpu.memory_space<vmem>>, vector<1x16xf32>,
        %swap3A_177 = vector.shape_cast %swap3A_176 : vector<1x16xf32> to vector<16xf32>
        %swap3A_178 = vector.shape_cast %add3A_174 : vector<16xf32> to vector<1x16xf32>
        tpu.vector_store %arg48[%swap3A, %swap3A_175], %swap3A_178 {strides = array<i32>} : memref<512x48xf32, #tpu.memory_space<vmem>>, vector<1x16xf32>,
        %add3A_179 = arith.constant 1 : i32
        %add3A_180 = arith.addi %mul3A_147, %add3A_179 : i32
        %get3A_181 = arith.index_cast %add3A_180 : i32 to index
        %get3A_182 = arith.constant 0 : index
        %get3A_183 = tpu.vector_load %arg42[%get3A_181, %get3A_182] {strides = array<i32>} : memref<512x16xf32, #tpu.memory_space<vmem>>, vector<1x16xf32>,
        %get3A_184 = vector.shape_cast %get3A_183 : vector<1x16xf32> to vector<16xf32>
        %get3A_185 = arith.index_cast %add3A_180 : i32 to index
        %get3A_186 = arith.constant 0 : index
        %get3A_187 = tpu.vector_load %arg47[%get3A_185, %get3A_186] {strides = array<i32>} : memref<512x16xf32, #tpu.memory_space<vmem>>, vector<1x16xf32>,
        %get3A_188 = vector.shape_cast %get3A_187 : vector<1x16xf32> to vector<16xf32>
        %slice3A_189 = vector.extract_strided_slice %get3A_152 {offsets = [1], sizes = [1], strides = [1]} : vector<16xf32> to vector<1xf32>
        %squeeze3A_190 = vector.extract %slice3A_189[0] : f32 from vector<1xf32>
        %broadcast_in_dim3A_191 = vector.broadcast %squeeze3A_190 : f32 to vector<16xf32>
        %sub3A_192 = arith.subf %get3A_188, %get3A_184 : vector<16xf32>
        %mul3A_193 = arith.mulf %sub3A_192, %broadcast_in_dim3A_191 : vector<16xf32>
        %add3A_194 = arith.addf %get3A_184, %mul3A_193 : vector<16xf32>
        %gather3A_195 = vector.shape_cast %reshape3A : vector<16x1xi32> to vector<16xi32>
        %gather3A_196 = tpu.dynamic_gather %add3A_194[%gather3A_195] in [0] : vector<16xf32>, vector<16xi32> -> vector<16xf32>
        %slice3A_197 = vector.extract_strided_slice %get3A_149 {offsets = [1], sizes = [1], strides = [1]} : vector<16xf32> to vector<1xf32>
        %squeeze3A_198 = vector.extract %slice3A_197[0] : f32 from vector<1xf32>
        %broadcast_in_dim3A_199 = vector.broadcast %squeeze3A_198 : f32 to vector<16xf32>
        %mul3A_200 = arith.mulf %sub3A_9, %broadcast_in_dim3A_199 : vector<16xf32>
        %add3A_201 = arith.addf %convert_element_type3A, %mul3A_200 : vector<16xf32>
        %sub3A_202 = arith.subf %gather3A_196, %add3A_194 : vector<16xf32>
        %mul3A_203 = arith.mulf %sub3A_202, %add3A_201 : vector<16xf32>
        %add3A_204 = arith.addf %add3A_194, %mul3A_203 : vector<16xf32>
        %swap3A_205 = arith.index_cast %add3A_180 : i32 to index
        %swap3A_206 = arith.constant 32 : index
        %swap3A_207 = tpu.vector_load %arg48[%swap3A_205, %swap3A_206] {strides = array<i32>} : memref<512x48xf32, #tpu.memory_space<vmem>>, vector<1x16xf32>,
        %swap3A_208 = vector.shape_cast %swap3A_207 : vector<1x16xf32> to vector<16xf32>
        %swap3A_209 = vector.shape_cast %add3A_204 : vector<16xf32> to vector<1x16xf32>
        tpu.vector_store %arg48[%swap3A_205, %swap3A_206], %swap3A_209 {strides = array<i32>} : memref<512x48xf32, #tpu.memory_space<vmem>>, vector<1x16xf32>,
        %add3A_210 = arith.constant 2 : i32
        %add3A_211 = arith.addi %mul3A_147, %add3A_210 : i32
        %get3A_212 = arith.index_cast %add3A_211 : i32 to index
        %get3A_213 = arith.constant 0 : index
        %get3A_214 = tpu.vector_load %arg42[%get3A_212, %get3A_213] {strides = array<i32>} : memref<512x16xf32, #tpu.memory_space<vmem>>, vector<1x16xf32>,
        %get3A_215 = vector.shape_cast %get3A_214 : vector<1x16xf32> to vector<16xf32>
        %get3A_216 = arith.index_cast %add3A_211 : i32 to index
        %get3A_217 = arith.constant 0 : index
        %get3A_218 = tpu.vector_load %arg47[%get3A_216, %get3A_217] {strides = array<i32>} : memref<512x16xf32, #tpu.memory_space<vmem>>, vector<1x16xf32>,
        %get3A_219 = vector.shape_cast %get3A_218 : vector<1x16xf32> to vector<16xf32>
        %slice3A_220 = vector.extract_strided_slice %get3A_152 {offsets = [2], sizes = [1], strides = [1]} : vector<16xf32> to vector<1xf32>
        %squeeze3A_221 = vector.extract %slice3A_220[0] : f32 from vector<1xf32>
        %broadcast_in_dim3A_222 = vector.broadcast %squeeze3A_221 : f32 to vector<16xf32>
        %sub3A_223 = arith.subf %get3A_219, %get3A_215 : vector<16xf32>
        %mul3A_224 = arith.mulf %sub3A_223, %broadcast_in_dim3A_222 : vector<16xf32>
        %add3A_225 = arith.addf %get3A_215, %mul3A_224 : vector<16xf32>
        %gather3A_226 = vector.shape_cast %reshape3A : vector<16x1xi32> to vector<16xi32>
        %gather3A_227 = tpu.dynamic_gather %add3A_225[%gather3A_226] in [0] : vector<16xf32>, vector<16xi32> -> vector<16xf32>
        %slice3A_228 = vector.extract_strided_slice %get3A_149 {offsets = [2], sizes = [1], strides = [1]} : vector<16xf32> to vector<1xf32>
        %squeeze3A_229 = vector.extract %slice3A_228[0] : f32 from vector<1xf32>
        %broadcast_in_dim3A_230 = vector.broadcast %squeeze3A_229 : f32 to vector<16xf32>
        %mul3A_231 = arith.mulf %sub3A_9, %broadcast_in_dim3A_230 : vector<16xf32>
        %add3A_232 = arith.addf %convert_element_type3A, %mul3A_231 : vector<16xf32>
        %sub3A_233 = arith.subf %gather3A_227, %add3A_225 : vector<16xf32>
        %mul3A_234 = arith.mulf %sub3A_233, %add3A_232 : vector<16xf32>
        %add3A_235 = arith.addf %add3A_225, %mul3A_234 : vector<16xf32>
        %swap3A_236 = arith.index_cast %add3A_211 : i32 to index
        %swap3A_237 = arith.constant 32 : index
        %swap3A_238 = tpu.vector_load %arg48[%swap3A_236, %swap3A_237] {strides = array<i32>} : memref<512x48xf32, #tpu.memory_space<vmem>>, vector<1x16xf32>,
        %swap3A_239 = vector.shape_cast %swap3A_238 : vector<1x16xf32> to vector<16xf32>
        %swap3A_240 = vector.shape_cast %add3A_235 : vector<16xf32> to vector<1x16xf32>
        tpu.vector_store %arg48[%swap3A_236, %swap3A_237], %swap3A_240 {strides = array<i32>} : memref<512x48xf32, #tpu.memory_space<vmem>>, vector<1x16xf32>,
        %add3A_241 = arith.constant 3 : i32
        %add3A_242 = arith.addi %mul3A_147, %add3A_241 : i32
        %get3A_243 = arith.index_cast %add3A_242 : i32 to index
        %get3A_244 = arith.constant 0 : index
        %get3A_245 = tpu.vector_load %arg42[%get3A_243, %get3A_244] {strides = array<i32>} : memref<512x16xf32, #tpu.memory_space<vmem>>, vector<1x16xf32>,
        %get3A_246 = vector.shape_cast %get3A_245 : vector<1x16xf32> to vector<16xf32>
        %get3A_247 = arith.index_cast %add3A_242 : i32 to index
        %get3A_248 = arith.constant 0 : index
        %get3A_249 = tpu.vector_load %arg47[%get3A_247, %get3A_248] {strides = array<i32>} : memref<512x16xf32, #tpu.memory_space<vmem>>, vector<1x16xf32>,
        %get3A_250 = vector.shape_cast %get3A_249 : vector<1x16xf32> to vector<16xf32>
        %slice3A_251 = vector.extract_strided_slice %get3A_152 {offsets = [3], sizes = [1], strides = [1]} : vector<16xf32> to vector<1xf32>
        %squeeze3A_252 = vector.extract %slice3A_251[0] : f32 from vector<1xf32>
        %broadcast_in_dim3A_253 = vector.broadcast %squeeze3A_252 : f32 to vector<16xf32>
        %sub3A_254 = arith.subf %get3A_250, %get3A_246 : vector<16xf32>
        %mul3A_255 = arith.mulf %sub3A_254, %broadcast_in_dim3A_253 : vector<16xf32>
        %add3A_256 = arith.addf %get3A_246, %mul3A_255 : vector<16xf32>
        %gather3A_257 = vector.shape_cast %reshape3A : vector<16x1xi32> to vector<16xi32>
        %gather3A_258 = tpu.dynamic_gather %add3A_256[%gather3A_257] in [0] : vector<16xf32>, vector<16xi32> -> vector<16xf32>
        %slice3A_259 = vector.extract_strided_slice %get3A_149 {offsets = [3], sizes = [1], strides = [1]} : vector<16xf32> to vector<1xf32>
        %squeeze3A_260 = vector.extract %slice3A_259[0] : f32 from vector<1xf32>
        %broadcast_in_dim3A_261 = vector.broadcast %squeeze3A_260 : f32 to vector<16xf32>
        %mul3A_262 = arith.mulf %sub3A_9, %broadcast_in_dim3A_261 : vector<16xf32>
        %add3A_263 = arith.addf %convert_element_type3A, %mul3A_262 : vector<16xf32>
        %sub3A_264 = arith.subf %gather3A_258, %add3A_256 : vector<16xf32>
        %mul3A_265 = arith.mulf %sub3A_264, %add3A_263 : vector<16xf32>
        %add3A_266 = arith.addf %add3A_256, %mul3A_265 : vector<16xf32>
        %swap3A_267 = arith.index_cast %add3A_242 : i32 to index
        %swap3A_268 = arith.constant 32 : index
        %swap3A_269 = tpu.vector_load %arg48[%swap3A_267, %swap3A_268] {strides = array<i32>} : memref<512x48xf32, #tpu.memory_space<vmem>>, vector<1x16xf32>,
        %swap3A_270 = vector.shape_cast %swap3A_269 : vector<1x16xf32> to vector<16xf32>
        %swap3A_271 = vector.shape_cast %add3A_266 : vector<16xf32> to vector<1x16xf32>
        tpu.vector_store %arg48[%swap3A_267, %swap3A_268], %swap3A_271 {strides = array<i32>} : memref<512x48xf32, #tpu.memory_space<vmem>>, vector<1x16xf32>,
        %add3A_272 = arith.constant 4 : i32
        %add3A_273 = arith.addi %mul3A_147, %add3A_272 : i32
        %get3A_274 = arith.index_cast %add3A_273 : i32 to index
        %get3A_275 = arith.constant 0 : index
        %get3A_276 = tpu.vector_load %arg42[%get3A_274, %get3A_275] {strides = array<i32>} : memref<512x16xf32, #tpu.memory_space<vmem>>, vector<1x16xf32>,
        %get3A_277 = vector.shape_cast %get3A_276 : vector<1x16xf32> to vector<16xf32>
        %get3A_278 = arith.index_cast %add3A_273 : i32 to index
        %get3A_279 = arith.constant 0 : index
        %get3A_280 = tpu.vector_load %arg47[%get3A_278, %get3A_279] {strides = array<i32>} : memref<512x16xf32, #tpu.memory_space<vmem>>, vector<1x16xf32>,
        %get3A_281 = vector.shape_cast %get3A_280 : vector<1x16xf32> to vector<16xf32>
        %slice3A_282 = vector.extract_strided_slice %get3A_152 {offsets = [4], sizes = [1], strides = [1]} : vector<16xf32> to vector<1xf32>
        %squeeze3A_283 = vector.extract %slice3A_282[0] : f32 from vector<1xf32>
        %broadcast_in_dim3A_284 = vector.broadcast %squeeze3A_283 : f32 to vector<16xf32>
        %sub3A_285 = arith.subf %get3A_281, %get3A_277 : vector<16xf32>
        %mul3A_286 = arith.mulf %sub3A_285, %broadcast_in_dim3A_284 : vector<16xf32>
        %add3A_287 = arith.addf %get3A_277, %mul3A_286 : vector<16xf32>
        %gather3A_288 = vector.shape_cast %reshape3A : vector<16x1xi32> to vector<16xi32>
        %gather3A_289 = tpu.dynamic_gather %add3A_287[%gather3A_288] in [0] : vector<16xf32>, vector<16xi32> -> vector<16xf32>
        %slice3A_290 = vector.extract_strided_slice %get3A_149 {offsets = [4], sizes = [1], strides = [1]} : vector<16xf32> to vector<1xf32>
        %squeeze3A_291 = vector.extract %slice3A_290[0] : f32 from vector<1xf32>
        %broadcast_in_dim3A_292 = vector.broadcast %squeeze3A_291 : f32 to vector<16xf32>
        %mul3A_293 = arith.mulf %sub3A_9, %broadcast_in_dim3A_292 : vector<16xf32>
        %add3A_294 = arith.addf %convert_element_type3A, %mul3A_293 : vector<16xf32>
        %sub3A_295 = arith.subf %gather3A_289, %add3A_287 : vector<16xf32>
        %mul3A_296 = arith.mulf %sub3A_295, %add3A_294 : vector<16xf32>
        %add3A_297 = arith.addf %add3A_287, %mul3A_296 : vector<16xf32>
        %swap3A_298 = arith.index_cast %add3A_273 : i32 to index
        %swap3A_299 = arith.constant 32 : index
        %swap3A_300 = tpu.vector_load %arg48[%swap3A_298, %swap3A_299] {strides = array<i32>} : memref<512x48xf32, #tpu.memory_space<vmem>>, vector<1x16xf32>,
        %swap3A_301 = vector.shape_cast %swap3A_300 : vector<1x16xf32> to vector<16xf32>
        %swap3A_302 = vector.shape_cast %add3A_297 : vector<16xf32> to vector<1x16xf32>
        tpu.vector_store %arg48[%swap3A_298, %swap3A_299], %swap3A_302 {strides = array<i32>} : memref<512x48xf32, #tpu.memory_space<vmem>>, vector<1x16xf32>,
        %add3A_303 = arith.constant 5 : i32
        %add3A_304 = arith.addi %mul3A_147, %add3A_303 : i32
        %get3A_305 = arith.index_cast %add3A_304 : i32 to index
        %get3A_306 = arith.constant 0 : index
        %get3A_307 = tpu.vector_load %arg42[%get3A_305, %get3A_306] {strides = array<i32>} : memref<512x16xf32, #tpu.memory_space<vmem>>, vector<1x16xf32>,
        %get3A_308 = vector.shape_cast %get3A_307 : vector<1x16xf32> to vector<16xf32>
        %get3A_309 = arith.index_cast %add3A_304 : i32 to index
        %get3A_310 = arith.constant 0 : index
        %get3A_311 = tpu.vector_load %arg47[%get3A_309, %get3A_310] {strides = array<i32>} : memref<512x16xf32, #tpu.memory_space<vmem>>, vector<1x16xf32>,
        %get3A_312 = vector.shape_cast %get3A_311 : vector<1x16xf32> to vector<16xf32>
        %slice3A_313 = vector.extract_strided_slice %get3A_152 {offsets = [5], sizes = [1], strides = [1]} : vector<16xf32> to vector<1xf32>
        %squeeze3A_314 = vector.extract %slice3A_313[0] : f32 from vector<1xf32>
        %broadcast_in_dim3A_315 = vector.broadcast %squeeze3A_314 : f32 to vector<16xf32>
        %sub3A_316 = arith.subf %get3A_312, %get3A_308 : vector<16xf32>
        %mul3A_317 = arith.mulf %sub3A_316, %broadcast_in_dim3A_315 : vector<16xf32>
        %add3A_318 = arith.addf %get3A_308, %mul3A_317 : vector<16xf32>
        %gather3A_319 = vector.shape_cast %reshape3A : vector<16x1xi32> to vector<16xi32>
        %gather3A_320 = tpu.dynamic_gather %add3A_318[%gather3A_319] in [0] : vector<16xf32>, vector<16xi32> -> vector<16xf32>
        %slice3A_321 = vector.extract_strided_slice %get3A_149 {offsets = [5], sizes = [1], strides = [1]} : vector<16xf32> to vector<1xf32>
        %squeeze3A_322 = vector.extract %slice3A_321[0] : f32 from vector<1xf32>
        %broadcast_in_dim3A_323 = vector.broadcast %squeeze3A_322 : f32 to vector<16xf32>
        %mul3A_324 = arith.mulf %sub3A_9, %broadcast_in_dim3A_323 : vector<16xf32>
        %add3A_325 = arith.addf %convert_element_type3A, %mul3A_324 : vector<16xf32>
        %sub3A_326 = arith.subf %gather3A_320, %add3A_318 : vector<16xf32>
        %mul3A_327 = arith.mulf %sub3A_326, %add3A_325 : vector<16xf32>
        %add3A_328 = arith.addf %add3A_318, %mul3A_327 : vector<16xf32>
        %swap3A_329 = arith.index_cast %add3A_304 : i32 to index
        %swap3A_330 = arith.constant 32 : index
        %swap3A_331 = tpu.vector_load %arg48[%swap3A_329, %swap3A_330] {strides = array<i32>} : memref<512x48xf32, #tpu.memory_space<vmem>>, vector<1x16xf32>,
        %swap3A_332 = vector.shape_cast %swap3A_331 : vector<1x16xf32> to vector<16xf32>
        %swap3A_333 = vector.shape_cast %add3A_328 : vector<16xf32> to vector<1x16xf32>
        tpu.vector_store %arg48[%swap3A_329, %swap3A_330], %swap3A_333 {strides = array<i32>} : memref<512x48xf32, #tpu.memory_space<vmem>>, vector<1x16xf32>,
        %add3A_334 = arith.constant 6 : i32
        %add3A_335 = arith.addi %mul3A_147, %add3A_334 : i32
        %get3A_336 = arith.index_cast %add3A_335 : i32 to index
        %get3A_337 = arith.constant 0 : index
        %get3A_338 = tpu.vector_load %arg42[%get3A_336, %get3A_337] {strides = array<i32>} : memref<512x16xf32, #tpu.memory_space<vmem>>, vector<1x16xf32>,
        %get3A_339 = vector.shape_cast %get3A_338 : vector<1x16xf32> to vector<16xf32>
        %get3A_340 = arith.index_cast %add3A_335 : i32 to index
        %get3A_341 = arith.constant 0 : index
        %get3A_342 = tpu.vector_load %arg47[%get3A_340, %get3A_341] {strides = array<i32>} : memref<512x16xf32, #tpu.memory_space<vmem>>, vector<1x16xf32>,
        %get3A_343 = vector.shape_cast %get3A_342 : vector<1x16xf32> to vector<16xf32>
        %slice3A_344 = vector.extract_strided_slice %get3A_152 {offsets = [6], sizes = [1], strides = [1]} : vector<16xf32> to vector<1xf32>
        %squeeze3A_345 = vector.extract %slice3A_344[0] : f32 from vector<1xf32>
        %broadcast_in_dim3A_346 = vector.broadcast %squeeze3A_345 : f32 to vector<16xf32>
        %sub3A_347 = arith.subf %get3A_343, %get3A_339 : vector<16xf32>
        %mul3A_348 = arith.mulf %sub3A_347, %broadcast_in_dim3A_346 : vector<16xf32>
        %add3A_349 = arith.addf %get3A_339, %mul3A_348 : vector<16xf32>
        %gather3A_350 = vector.shape_cast %reshape3A : vector<16x1xi32> to vector<16xi32>
        %gather3A_351 = tpu.dynamic_gather %add3A_349[%gather3A_350] in [0] : vector<16xf32>, vector<16xi32> -> vector<16xf32>
        %slice3A_352 = vector.extract_strided_slice %get3A_149 {offsets = [6], sizes = [1], strides = [1]} : vector<16xf32> to vector<1xf32>
        %squeeze3A_353 = vector.extract %slice3A_352[0] : f32 from vector<1xf32>
        %broadcast_in_dim3A_354 = vector.broadcast %squeeze3A_353 : f32 to vector<16xf32>
        %mul3A_355 = arith.mulf %sub3A_9, %broadcast_in_dim3A_354 : vector<16xf32>
        %add3A_356 = arith.addf %convert_element_type3A, %mul3A_355 : vector<16xf32>
        %sub3A_357 = arith.subf %gather3A_351, %add3A_349 : vector<16xf32>
        %mul3A_358 = arith.mulf %sub3A_357, %add3A_356 : vector<16xf32>
        %add3A_359 = arith.addf %add3A_349, %mul3A_358 : vector<16xf32>
        %swap3A_360 = arith.index_cast %add3A_335 : i32 to index
        %swap3A_361 = arith.constant 32 : index
        %swap3A_362 = tpu.vector_load %arg48[%swap3A_360, %swap3A_361] {strides = array<i32>} : memref<512x48xf32, #tpu.memory_space<vmem>>, vector<1x16xf32>,
        %swap3A_363 = vector.shape_cast %swap3A_362 : vector<1x16xf32> to vector<16xf32>
        %swap3A_364 = vector.shape_cast %add3A_359 : vector<16xf32> to vector<1x16xf32>
        tpu.vector_store %arg48[%swap3A_360, %swap3A_361], %swap3A_364 {strides = array<i32>} : memref<512x48xf32, #tpu.memory_space<vmem>>, vector<1x16xf32>,
        %add3A_365 = arith.constant 7 : i32
        %add3A_366 = arith.addi %mul3A_147, %add3A_365 : i32
        %get3A_367 = arith.index_cast %add3A_366 : i32 to index
        %get3A_368 = arith.constant 0 : index
        %get3A_369 = tpu.vector_load %arg42[%get3A_367, %get3A_368] {strides = array<i32>} : memref<512x16xf32, #tpu.memory_space<vmem>>, vector<1x16xf32>,
        %get3A_370 = vector.shape_cast %get3A_369 : vector<1x16xf32> to vector<16xf32>
        %get3A_371 = arith.index_cast %add3A_366 : i32 to index
        %get3A_372 = arith.constant 0 : index
        %get3A_373 = tpu.vector_load %arg47[%get3A_371, %get3A_372] {strides = array<i32>} : memref<512x16xf32, #tpu.memory_space<vmem>>, vector<1x16xf32>,
        %get3A_374 = vector.shape_cast %get3A_373 : vector<1x16xf32> to vector<16xf32>
        %slice3A_375 = vector.extract_strided_slice %get3A_152 {offsets = [7], sizes = [1], strides = [1]} : vector<16xf32> to vector<1xf32>
        %squeeze3A_376 = vector.extract %slice3A_375[0] : f32 from vector<1xf32>
        %broadcast_in_dim3A_377 = vector.broadcast %squeeze3A_376 : f32 to vector<16xf32>
        %sub3A_378 = arith.subf %get3A_374, %get3A_370 : vector<16xf32>
        %mul3A_379 = arith.mulf %sub3A_378, %broadcast_in_dim3A_377 : vector<16xf32>
        %add3A_380 = arith.addf %get3A_370, %mul3A_379 : vector<16xf32>
        %gather3A_381 = vector.shape_cast %reshape3A : vector<16x1xi32> to vector<16xi32>
        %gather3A_382 = tpu.dynamic_gather %add3A_380[%gather3A_381] in [0] : vector<16xf32>, vector<16xi32> -> vector<16xf32>
        %slice3A_383 = vector.extract_strided_slice %get3A_149 {offsets = [7], sizes = [1], strides = [1]} : vector<16xf32> to vector<1xf32>
        %squeeze3A_384 = vector.extract %slice3A_383[0] : f32 from vector<1xf32>
        %broadcast_in_dim3A_385 = vector.broadcast %squeeze3A_384 : f32 to vector<16xf32>
        %mul3A_386 = arith.mulf %sub3A_9, %broadcast_in_dim3A_385 : vector<16xf32>
        %add3A_387 = arith.addf %convert_element_type3A, %mul3A_386 : vector<16xf32>
        %sub3A_388 = arith.subf %gather3A_382, %add3A_380 : vector<16xf32>
        %mul3A_389 = arith.mulf %sub3A_388, %add3A_387 : vector<16xf32>
        %add3A_390 = arith.addf %add3A_380, %mul3A_389 : vector<16xf32>
        %swap3A_391 = arith.index_cast %add3A_366 : i32 to index
        %swap3A_392 = arith.constant 32 : index
        %swap3A_393 = tpu.vector_load %arg48[%swap3A_391, %swap3A_392] {strides = array<i32>} : memref<512x48xf32, #tpu.memory_space<vmem>>, vector<1x16xf32>,
        %swap3A_394 = vector.shape_cast %swap3A_393 : vector<1x16xf32> to vector<16xf32>
        %swap3A_395 = vector.shape_cast %add3A_390 : vector<16xf32> to vector<1x16xf32>
        tpu.vector_store %arg48[%swap3A_391, %swap3A_392], %swap3A_395 {strides = array<i32>} : memref<512x48xf32, #tpu.memory_space<vmem>>, vector<1x16xf32>,
        %add3A_396 = arith.constant 8 : i32
        %add3A_397 = arith.addi %mul3A_147, %add3A_396 : i32
        %get3A_398 = arith.index_cast %add3A_397 : i32 to index
        %get3A_399 = arith.constant 0 : index
        %get3A_400 = tpu.vector_load %arg42[%get3A_398, %get3A_399] {strides = array<i32>} : memref<512x16xf32, #tpu.memory_space<vmem>>, vector<1x16xf32>,
        %get3A_401 = vector.shape_cast %get3A_400 : vector<1x16xf32> to vector<16xf32>
        %get3A_402 = arith.index_cast %add3A_397 : i32 to index
        %get3A_403 = arith.constant 0 : index
        %get3A_404 = tpu.vector_load %arg47[%get3A_402, %get3A_403] {strides = array<i32>} : memref<512x16xf32, #tpu.memory_space<vmem>>, vector<1x16xf32>,
        %get3A_405 = vector.shape_cast %get3A_404 : vector<1x16xf32> to vector<16xf32>
        %slice3A_406 = vector.extract_strided_slice %get3A_152 {offsets = [8], sizes = [1], strides = [1]} : vector<16xf32> to vector<1xf32>
        %squeeze3A_407 = vector.extract %slice3A_406[0] : f32 from vector<1xf32>
        %broadcast_in_dim3A_408 = vector.broadcast %squeeze3A_407 : f32 to vector<16xf32>
        %sub3A_409 = arith.subf %get3A_405, %get3A_401 : vector<16xf32>
        %mul3A_410 = arith.mulf %sub3A_409, %broadcast_in_dim3A_408 : vector<16xf32>
        %add3A_411 = arith.addf %get3A_401, %mul3A_410 : vector<16xf32>
        %gather3A_412 = vector.shape_cast %reshape3A : vector<16x1xi32> to vector<16xi32>
        %gather3A_413 = tpu.dynamic_gather %add3A_411[%gather3A_412] in [0] : vector<16xf32>, vector<16xi32> -> vector<16xf32>
        %slice3A_414 = vector.extract_strided_slice %get3A_149 {offsets = [8], sizes = [1], strides = [1]} : vector<16xf32> to vector<1xf32>
        %squeeze3A_415 = vector.extract %slice3A_414[0] : f32 from vector<1xf32>
        %broadcast_in_dim3A_416 = vector.broadcast %squeeze3A_415 : f32 to vector<16xf32>
        %mul3A_417 = arith.mulf %sub3A_9, %broadcast_in_dim3A_416 : vector<16xf32>
        %add3A_418 = arith.addf %convert_element_type3A, %mul3A_417 : vector<16xf32>
        %sub3A_419 = arith.subf %gather3A_413, %add3A_411 : vector<16xf32>
        %mul3A_420 = arith.mulf %sub3A_419, %add3A_418 : vector<16xf32>
        %add3A_421 = arith.addf %add3A_411, %mul3A_420 : vector<16xf32>
        %swap3A_422 = arith.index_cast %add3A_397 : i32 to index
        %swap3A_423 = arith.constant 32 : index
        %swap3A_424 = tpu.vector_load %arg48[%swap3A_422, %swap3A_423] {strides = array<i32>} : memref<512x48xf32, #tpu.memory_space<vmem>>, vector<1x16xf32>,
        %swap3A_425 = vector.shape_cast %swap3A_424 : vector<1x16xf32> to vector<16xf32>
        %swap3A_426 = vector.shape_cast %add3A_421 : vector<16xf32> to vector<1x16xf32>
        tpu.vector_store %arg48[%swap3A_422, %swap3A_423], %swap3A_426 {strides = array<i32>} : memref<512x48xf32, #tpu.memory_space<vmem>>, vector<1x16xf32>,
        %add3A_427 = arith.constant 9 : i32
        %add3A_428 = arith.addi %mul3A_147, %add3A_427 : i32
        %get3A_429 = arith.index_cast %add3A_428 : i32 to index
        %get3A_430 = arith.constant 0 : index
        %get3A_431 = tpu.vector_load %arg42[%get3A_429, %get3A_430] {strides = array<i32>} : memref<512x16xf32, #tpu.memory_space<vmem>>, vector<1x16xf32>,
        %get3A_432 = vector.shape_cast %get3A_431 : vector<1x16xf32> to vector<16xf32>
        %get3A_433 = arith.index_cast %add3A_428 : i32 to index
        %get3A_434 = arith.constant 0 : index
        %get3A_435 = tpu.vector_load %arg47[%get3A_433, %get3A_434] {strides = array<i32>} : memref<512x16xf32, #tpu.memory_space<vmem>>, vector<1x16xf32>,
        %get3A_436 = vector.shape_cast %get3A_435 : vector<1x16xf32> to vector<16xf32>
        %slice3A_437 = vector.extract_strided_slice %get3A_152 {offsets = [9], sizes = [1], strides = [1]} : vector<16xf32> to vector<1xf32>
        %squeeze3A_438 = vector.extract %slice3A_437[0] : f32 from vector<1xf32>
        %broadcast_in_dim3A_439 = vector.broadcast %squeeze3A_438 : f32 to vector<16xf32>
        %sub3A_440 = arith.subf %get3A_436, %get3A_432 : vector<16xf32>
        %mul3A_441 = arith.mulf %sub3A_440, %broadcast_in_dim3A_439 : vector<16xf32>
        %add3A_442 = arith.addf %get3A_432, %mul3A_441 : vector<16xf32>
        %gather3A_443 = vector.shape_cast %reshape3A : vector<16x1xi32> to vector<16xi32>
        %gather3A_444 = tpu.dynamic_gather %add3A_442[%gather3A_443] in [0] : vector<16xf32>, vector<16xi32> -> vector<16xf32>
        %slice3A_445 = vector.extract_strided_slice %get3A_149 {offsets = [9], sizes = [1], strides = [1]} : vector<16xf32> to vector<1xf32>
        %squeeze3A_446 = vector.extract %slice3A_445[0] : f32 from vector<1xf32>
        %broadcast_in_dim3A_447 = vector.broadcast %squeeze3A_446 : f32 to vector<16xf32>
        %mul3A_448 = arith.mulf %sub3A_9, %broadcast_in_dim3A_447 : vector<16xf32>
        %add3A_449 = arith.addf %convert_element_type3A, %mul3A_448 : vector<16xf32>
        %sub3A_450 = arith.subf %gather3A_444, %add3A_442 : vector<16xf32>
        %mul3A_451 = arith.mulf %sub3A_450, %add3A_449 : vector<16xf32>
        %add3A_452 = arith.addf %add3A_442, %mul3A_451 : vector<16xf32>
        %swap3A_453 = arith.index_cast %add3A_428 : i32 to index
        %swap3A_454 = arith.constant 32 : index
        %swap3A_455 = tpu.vector_load %arg48[%swap3A_453, %swap3A_454] {strides = array<i32>} : memref<512x48xf32, #tpu.memory_space<vmem>>, vector<1x16xf32>,
        %swap3A_456 = vector.shape_cast %swap3A_455 : vector<1x16xf32> to vector<16xf32>
        %swap3A_457 = vector.shape_cast %add3A_452 : vector<16xf32> to vector<1x16xf32>
        tpu.vector_store %arg48[%swap3A_453, %swap3A_454], %swap3A_457 {strides = array<i32>} : memref<512x48xf32, #tpu.memory_space<vmem>>, vector<1x16xf32>,
        %add3A_458 = arith.constant 10 : i32
        %add3A_459 = arith.addi %mul3A_147, %add3A_458 : i32
        %get3A_460 = arith.index_cast %add3A_459 : i32 to index
        %get3A_461 = arith.constant 0 : index
        %get3A_462 = tpu.vector_load %arg42[%get3A_460, %get3A_461] {strides = array<i32>} : memref<512x16xf32, #tpu.memory_space<vmem>>, vector<1x16xf32>,
        %get3A_463 = vector.shape_cast %get3A_462 : vector<1x16xf32> to vector<16xf32>
        %get3A_464 = arith.index_cast %add3A_459 : i32 to index
        %get3A_465 = arith.constant 0 : index
        %get3A_466 = tpu.vector_load %arg47[%get3A_464, %get3A_465] {strides = array<i32>} : memref<512x16xf32, #tpu.memory_space<vmem>>, vector<1x16xf32>,
        %get3A_467 = vector.shape_cast %get3A_466 : vector<1x16xf32> to vector<16xf32>
        %slice3A_468 = vector.extract_strided_slice %get3A_152 {offsets = [10], sizes = [1], strides = [1]} : vector<16xf32> to vector<1xf32>
        %squeeze3A_469 = vector.extract %slice3A_468[0] : f32 from vector<1xf32>
        %broadcast_in_dim3A_470 = vector.broadcast %squeeze3A_469 : f32 to vector<16xf32>
        %sub3A_471 = arith.subf %get3A_467, %get3A_463 : vector<16xf32>
        %mul3A_472 = arith.mulf %sub3A_471, %broadcast_in_dim3A_470 : vector<16xf32>
        %add3A_473 = arith.addf %get3A_463, %mul3A_472 : vector<16xf32>
        %gather3A_474 = vector.shape_cast %reshape3A : vector<16x1xi32> to vector<16xi32>
        %gather3A_475 = tpu.dynamic_gather %add3A_473[%gather3A_474] in [0] : vector<16xf32>, vector<16xi32> -> vector<16xf32>
        %slice3A_476 = vector.extract_strided_slice %get3A_149 {offsets = [10], sizes = [1], strides = [1]} : vector<16xf32> to vector<1xf32>
        %squeeze3A_477 = vector.extract %slice3A_476[0] : f32 from vector<1xf32>
        %broadcast_in_dim3A_478 = vector.broadcast %squeeze3A_477 : f32 to vector<16xf32>
        %mul3A_479 = arith.mulf %sub3A_9, %broadcast_in_dim3A_478 : vector<16xf32>
        %add3A_480 = arith.addf %convert_element_type3A, %mul3A_479 : vector<16xf32>
        %sub3A_481 = arith.subf %gather3A_475, %add3A_473 : vector<16xf32>
        %mul3A_482 = arith.mulf %sub3A_481, %add3A_480 : vector<16xf32>
        %add3A_483 = arith.addf %add3A_473, %mul3A_482 : vector<16xf32>
        %swap3A_484 = arith.index_cast %add3A_459 : i32 to index
        %swap3A_485 = arith.constant 32 : index
        %swap3A_486 = tpu.vector_load %arg48[%swap3A_484, %swap3A_485] {strides = array<i32>} : memref<512x48xf32, #tpu.memory_space<vmem>>, vector<1x16xf32>,
        %swap3A_487 = vector.shape_cast %swap3A_486 : vector<1x16xf32> to vector<16xf32>
        %swap3A_488 = vector.shape_cast %add3A_483 : vector<16xf32> to vector<1x16xf32>
        tpu.vector_store %arg48[%swap3A_484, %swap3A_485], %swap3A_488 {strides = array<i32>} : memref<512x48xf32, #tpu.memory_space<vmem>>, vector<1x16xf32>,
        %add3A_489 = arith.constant 11 : i32
        %add3A_490 = arith.addi %mul3A_147, %add3A_489 : i32
        %get3A_491 = arith.index_cast %add3A_490 : i32 to index
        %get3A_492 = arith.constant 0 : index
        %get3A_493 = tpu.vector_load %arg42[%get3A_491, %get3A_492] {strides = array<i32>} : memref<512x16xf32, #tpu.memory_space<vmem>>, vector<1x16xf32>,
        %get3A_494 = vector.shape_cast %get3A_493 : vector<1x16xf32> to vector<16xf32>
        %get3A_495 = arith.index_cast %add3A_490 : i32 to index
        %get3A_496 = arith.constant 0 : index
        %get3A_497 = tpu.vector_load %arg47[%get3A_495, %get3A_496] {strides = array<i32>} : memref<512x16xf32, #tpu.memory_space<vmem>>, vector<1x16xf32>,
        %get3A_498 = vector.shape_cast %get3A_497 : vector<1x16xf32> to vector<16xf32>
        %slice3A_499 = vector.extract_strided_slice %get3A_152 {offsets = [11], sizes = [1], strides = [1]} : vector<16xf32> to vector<1xf32>
        %squeeze3A_500 = vector.extract %slice3A_499[0] : f32 from vector<1xf32>
        %broadcast_in_dim3A_501 = vector.broadcast %squeeze3A_500 : f32 to vector<16xf32>
        %sub3A_502 = arith.subf %get3A_498, %get3A_494 : vector<16xf32>
        %mul3A_503 = arith.mulf %sub3A_502, %broadcast_in_dim3A_501 : vector<16xf32>
        %add3A_504 = arith.addf %get3A_494, %mul3A_503 : vector<16xf32>
        %gather3A_505 = vector.shape_cast %reshape3A : vector<16x1xi32> to vector<16xi32>
        %gather3A_506 = tpu.dynamic_gather %add3A_504[%gather3A_505] in [0] : vector<16xf32>, vector<16xi32> -> vector<16xf32>
        %slice3A_507 = vector.extract_strided_slice %get3A_149 {offsets = [11], sizes = [1], strides = [1]} : vector<16xf32> to vector<1xf32>
        %squeeze3A_508 = vector.extract %slice3A_507[0] : f32 from vector<1xf32>
        %broadcast_in_dim3A_509 = vector.broadcast %squeeze3A_508 : f32 to vector<16xf32>
        %mul3A_510 = arith.mulf %sub3A_9, %broadcast_in_dim3A_509 : vector<16xf32>
        %add3A_511 = arith.addf %convert_element_type3A, %mul3A_510 : vector<16xf32>
        %sub3A_512 = arith.subf %gather3A_506, %add3A_504 : vector<16xf32>
        %mul3A_513 = arith.mulf %sub3A_512, %add3A_511 : vector<16xf32>
        %add3A_514 = arith.addf %add3A_504, %mul3A_513 : vector<16xf32>
        %swap3A_515 = arith.index_cast %add3A_490 : i32 to index
        %swap3A_516 = arith.constant 32 : index
        %swap3A_517 = tpu.vector_load %arg48[%swap3A_515, %swap3A_516] {strides = array<i32>} : memref<512x48xf32, #tpu.memory_space<vmem>>, vector<1x16xf32>,
        %swap3A_518 = vector.shape_cast %swap3A_517 : vector<1x16xf32> to vector<16xf32>
        %swap3A_519 = vector.shape_cast %add3A_514 : vector<16xf32> to vector<1x16xf32>
        tpu.vector_store %arg48[%swap3A_515, %swap3A_516], %swap3A_519 {strides = array<i32>} : memref<512x48xf32, #tpu.memory_space<vmem>>, vector<1x16xf32>,
        %add3A_520 = arith.constant 12 : i32
        %add3A_521 = arith.addi %mul3A_147, %add3A_520 : i32
        %get3A_522 = arith.index_cast %add3A_521 : i32 to index
        %get3A_523 = arith.constant 0 : index
        %get3A_524 = tpu.vector_load %arg42[%get3A_522, %get3A_523] {strides = array<i32>} : memref<512x16xf32, #tpu.memory_space<vmem>>, vector<1x16xf32>,
        %get3A_525 = vector.shape_cast %get3A_524 : vector<1x16xf32> to vector<16xf32>
        %get3A_526 = arith.index_cast %add3A_521 : i32 to index
        %get3A_527 = arith.constant 0 : index
        %get3A_528 = tpu.vector_load %arg47[%get3A_526, %get3A_527] {strides = array<i32>} : memref<512x16xf32, #tpu.memory_space<vmem>>, vector<1x16xf32>,
        %get3A_529 = vector.shape_cast %get3A_528 : vector<1x16xf32> to vector<16xf32>
        %slice3A_530 = vector.extract_strided_slice %get3A_152 {offsets = [12], sizes = [1], strides = [1]} : vector<16xf32> to vector<1xf32>
        %squeeze3A_531 = vector.extract %slice3A_530[0] : f32 from vector<1xf32>
        %broadcast_in_dim3A_532 = vector.broadcast %squeeze3A_531 : f32 to vector<16xf32>
        %sub3A_533 = arith.subf %get3A_529, %get3A_525 : vector<16xf32>
        %mul3A_534 = arith.mulf %sub3A_533, %broadcast_in_dim3A_532 : vector<16xf32>
        %add3A_535 = arith.addf %get3A_525, %mul3A_534 : vector<16xf32>
        %gather3A_536 = vector.shape_cast %reshape3A : vector<16x1xi32> to vector<16xi32>
        %gather3A_537 = tpu.dynamic_gather %add3A_535[%gather3A_536] in [0] : vector<16xf32>, vector<16xi32> -> vector<16xf32>
        %slice3A_538 = vector.extract_strided_slice %get3A_149 {offsets = [12], sizes = [1], strides = [1]} : vector<16xf32> to vector<1xf32>
        %squeeze3A_539 = vector.extract %slice3A_538[0] : f32 from vector<1xf32>
        %broadcast_in_dim3A_540 = vector.broadcast %squeeze3A_539 : f32 to vector<16xf32>
        %mul3A_541 = arith.mulf %sub3A_9, %broadcast_in_dim3A_540 : vector<16xf32>
        %add3A_542 = arith.addf %convert_element_type3A, %mul3A_541 : vector<16xf32>
        %sub3A_543 = arith.subf %gather3A_537, %add3A_535 : vector<16xf32>
        %mul3A_544 = arith.mulf %sub3A_543, %add3A_542 : vector<16xf32>
        %add3A_545 = arith.addf %add3A_535, %mul3A_544 : vector<16xf32>
        %swap3A_546 = arith.index_cast %add3A_521 : i32 to index
        %swap3A_547 = arith.constant 32 : index
        %swap3A_548 = tpu.vector_load %arg48[%swap3A_546, %swap3A_547] {strides = array<i32>} : memref<512x48xf32, #tpu.memory_space<vmem>>, vector<1x16xf32>,
        %swap3A_549 = vector.shape_cast %swap3A_548 : vector<1x16xf32> to vector<16xf32>
        %swap3A_550 = vector.shape_cast %add3A_545 : vector<16xf32> to vector<1x16xf32>
        tpu.vector_store %arg48[%swap3A_546, %swap3A_547], %swap3A_550 {strides = array<i32>} : memref<512x48xf32, #tpu.memory_space<vmem>>, vector<1x16xf32>,
        %add3A_551 = arith.constant 13 : i32
        %add3A_552 = arith.addi %mul3A_147, %add3A_551 : i32
        %get3A_553 = arith.index_cast %add3A_552 : i32 to index
        %get3A_554 = arith.constant 0 : index
        %get3A_555 = tpu.vector_load %arg42[%get3A_553, %get3A_554] {strides = array<i32>} : memref<512x16xf32, #tpu.memory_space<vmem>>, vector<1x16xf32>,
        %get3A_556 = vector.shape_cast %get3A_555 : vector<1x16xf32> to vector<16xf32>
        %get3A_557 = arith.index_cast %add3A_552 : i32 to index
        %get3A_558 = arith.constant 0 : index
        %get3A_559 = tpu.vector_load %arg47[%get3A_557, %get3A_558] {strides = array<i32>} : memref<512x16xf32, #tpu.memory_space<vmem>>, vector<1x16xf32>,
        %get3A_560 = vector.shape_cast %get3A_559 : vector<1x16xf32> to vector<16xf32>
        %slice3A_561 = vector.extract_strided_slice %get3A_152 {offsets = [13], sizes = [1], strides = [1]} : vector<16xf32> to vector<1xf32>
        %squeeze3A_562 = vector.extract %slice3A_561[0] : f32 from vector<1xf32>
        %broadcast_in_dim3A_563 = vector.broadcast %squeeze3A_562 : f32 to vector<16xf32>
        %sub3A_564 = arith.subf %get3A_560, %get3A_556 : vector<16xf32>
        %mul3A_565 = arith.mulf %sub3A_564, %broadcast_in_dim3A_563 : vector<16xf32>
        %add3A_566 = arith.addf %get3A_556, %mul3A_565 : vector<16xf32>
        %gather3A_567 = vector.shape_cast %reshape3A : vector<16x1xi32> to vector<16xi32>
        %gather3A_568 = tpu.dynamic_gather %add3A_566[%gather3A_567] in [0] : vector<16xf32>, vector<16xi32> -> vector<16xf32>
        %slice3A_569 = vector.extract_strided_slice %get3A_149 {offsets = [13], sizes = [1], strides = [1]} : vector<16xf32> to vector<1xf32>
        %squeeze3A_570 = vector.extract %slice3A_569[0] : f32 from vector<1xf32>
        %broadcast_in_dim3A_571 = vector.broadcast %squeeze3A_570 : f32 to vector<16xf32>
        %mul3A_572 = arith.mulf %sub3A_9, %broadcast_in_dim3A_571 : vector<16xf32>
        %add3A_573 = arith.addf %convert_element_type3A, %mul3A_572 : vector<16xf32>
        %sub3A_574 = arith.subf %gather3A_568, %add3A_566 : vector<16xf32>
        %mul3A_575 = arith.mulf %sub3A_574, %add3A_573 : vector<16xf32>
        %add3A_576 = arith.addf %add3A_566, %mul3A_575 : vector<16xf32>
        %swap3A_577 = arith.index_cast %add3A_552 : i32 to index
        %swap3A_578 = arith.constant 32 : index
        %swap3A_579 = tpu.vector_load %arg48[%swap3A_577, %swap3A_578] {strides = array<i32>} : memref<512x48xf32, #tpu.memory_space<vmem>>, vector<1x16xf32>,
        %swap3A_580 = vector.shape_cast %swap3A_579 : vector<1x16xf32> to vector<16xf32>
        %swap3A_581 = vector.shape_cast %add3A_576 : vector<16xf32> to vector<1x16xf32>
        tpu.vector_store %arg48[%swap3A_577, %swap3A_578], %swap3A_581 {strides = array<i32>} : memref<512x48xf32, #tpu.memory_space<vmem>>, vector<1x16xf32>,
        %add3A_582 = arith.constant 14 : i32
        %add3A_583 = arith.addi %mul3A_147, %add3A_582 : i32
        %get3A_584 = arith.index_cast %add3A_583 : i32 to index
        %get3A_585 = arith.constant 0 : index
        %get3A_586 = tpu.vector_load %arg42[%get3A_584, %get3A_585] {strides = array<i32>} : memref<512x16xf32, #tpu.memory_space<vmem>>, vector<1x16xf32>,
        %get3A_587 = vector.shape_cast %get3A_586 : vector<1x16xf32> to vector<16xf32>
        %get3A_588 = arith.index_cast %add3A_583 : i32 to index
        %get3A_589 = arith.constant 0 : index
        %get3A_590 = tpu.vector_load %arg47[%get3A_588, %get3A_589] {strides = array<i32>} : memref<512x16xf32, #tpu.memory_space<vmem>>, vector<1x16xf32>,
        %get3A_591 = vector.shape_cast %get3A_590 : vector<1x16xf32> to vector<16xf32>
        %slice3A_592 = vector.extract_strided_slice %get3A_152 {offsets = [14], sizes = [1], strides = [1]} : vector<16xf32> to vector<1xf32>
        %squeeze3A_593 = vector.extract %slice3A_592[0] : f32 from vector<1xf32>
        %broadcast_in_dim3A_594 = vector.broadcast %squeeze3A_593 : f32 to vector<16xf32>
        %sub3A_595 = arith.subf %get3A_591, %get3A_587 : vector<16xf32>
        %mul3A_596 = arith.mulf %sub3A_595, %broadcast_in_dim3A_594 : vector<16xf32>
        %add3A_597 = arith.addf %get3A_587, %mul3A_596 : vector<16xf32>
        %gather3A_598 = vector.shape_cast %reshape3A : vector<16x1xi32> to vector<16xi32>
        %gather3A_599 = tpu.dynamic_gather %add3A_597[%gather3A_598] in [0] : vector<16xf32>, vector<16xi32> -> vector<16xf32>
        %slice3A_600 = vector.extract_strided_slice %get3A_149 {offsets = [14], sizes = [1], strides = [1]} : vector<16xf32> to vector<1xf32>
        %squeeze3A_601 = vector.extract %slice3A_600[0] : f32 from vector<1xf32>
        %broadcast_in_dim3A_602 = vector.broadcast %squeeze3A_601 : f32 to vector<16xf32>
        %mul3A_603 = arith.mulf %sub3A_9, %broadcast_in_dim3A_602 : vector<16xf32>
        %add3A_604 = arith.addf %convert_element_type3A, %mul3A_603 : vector<16xf32>
        %sub3A_605 = arith.subf %gather3A_599, %add3A_597 : vector<16xf32>
        %mul3A_606 = arith.mulf %sub3A_605, %add3A_604 : vector<16xf32>
        %add3A_607 = arith.addf %add3A_597, %mul3A_606 : vector<16xf32>
        %swap3A_608 = arith.index_cast %add3A_583 : i32 to index
        %swap3A_609 = arith.constant 32 : index
        %swap3A_610 = tpu.vector_load %arg48[%swap3A_608, %swap3A_609] {strides = array<i32>} : memref<512x48xf32, #tpu.memory_space<vmem>>, vector<1x16xf32>,
        %swap3A_611 = vector.shape_cast %swap3A_610 : vector<1x16xf32> to vector<16xf32>
        %swap3A_612 = vector.shape_cast %add3A_607 : vector<16xf32> to vector<1x16xf32>
        tpu.vector_store %arg48[%swap3A_608, %swap3A_609], %swap3A_612 {strides = array<i32>} : memref<512x48xf32, #tpu.memory_space<vmem>>, vector<1x16xf32>,
        %add3A_613 = arith.constant 15 : i32
        %add3A_614 = arith.addi %mul3A_147, %add3A_613 : i32
        %get3A_615 = arith.index_cast %add3A_614 : i32 to index
        %get3A_616 = arith.constant 0 : index
        %get3A_617 = tpu.vector_load %arg42[%get3A_615, %get3A_616] {strides = array<i32>} : memref<512x16xf32, #tpu.memory_space<vmem>>, vector<1x16xf32>,
        %get3A_618 = vector.shape_cast %get3A_617 : vector<1x16xf32> to vector<16xf32>
        %get3A_619 = arith.index_cast %add3A_614 : i32 to index
        %get3A_620 = arith.constant 0 : index
        %get3A_621 = tpu.vector_load %arg47[%get3A_619, %get3A_620] {strides = array<i32>} : memref<512x16xf32, #tpu.memory_space<vmem>>, vector<1x16xf32>,
        %get3A_622 = vector.shape_cast %get3A_621 : vector<1x16xf32> to vector<16xf32>
        %slice3A_623 = vector.extract_strided_slice %get3A_152 {offsets = [15], sizes = [1], strides = [1]} : vector<16xf32> to vector<1xf32>
        %squeeze3A_624 = vector.extract %slice3A_623[0] : f32 from vector<1xf32>
        %broadcast_in_dim3A_625 = vector.broadcast %squeeze3A_624 : f32 to vector<16xf32>
        %sub3A_626 = arith.subf %get3A_622, %get3A_618 : vector<16xf32>
        %mul3A_627 = arith.mulf %sub3A_626, %broadcast_in_dim3A_625 : vector<16xf32>
        %add3A_628 = arith.addf %get3A_618, %mul3A_627 : vector<16xf32>
        %gather3A_629 = vector.shape_cast %reshape3A : vector<16x1xi32> to vector<16xi32>
        %gather3A_630 = tpu.dynamic_gather %add3A_628[%gather3A_629] in [0] : vector<16xf32>, vector<16xi32> -> vector<16xf32>
        %slice3A_631 = vector.extract_strided_slice %get3A_149 {offsets = [15], sizes = [1], strides = [1]} : vector<16xf32> to vector<1xf32>
        %squeeze3A_632 = vector.extract %slice3A_631[0] : f32 from vector<1xf32>
        %broadcast_in_dim3A_633 = vector.broadcast %squeeze3A_632 : f32 to vector<16xf32>
        %mul3A_634 = arith.mulf %sub3A_9, %broadcast_in_dim3A_633 : vector<16xf32>
        %add3A_635 = arith.addf %convert_element_type3A, %mul3A_634 : vector<16xf32>
        %sub3A_636 = arith.subf %gather3A_630, %add3A_628 : vector<16xf32>
        %mul3A_637 = arith.mulf %sub3A_636, %add3A_635 : vector<16xf32>
        %add3A_638 = arith.addf %add3A_628, %mul3A_637 : vector<16xf32>
        %swap3A_639 = arith.index_cast %add3A_614 : i32 to index
        %swap3A_640 = arith.constant 32 : index
        %swap3A_641 = tpu.vector_load %arg48[%swap3A_639, %swap3A_640] {strides = array<i32>} : memref<512x48xf32, #tpu.memory_space<vmem>>, vector<1x16xf32>,
        %swap3A_642 = vector.shape_cast %swap3A_641 : vector<1x16xf32> to vector<16xf32>
        %swap3A_643 = vector.shape_cast %add3A_638 : vector<16xf32> to vector<1x16xf32>
        tpu.vector_store %arg48[%swap3A_639, %swap3A_640], %swap3A_643 {strides = array<i32>} : memref<512x48xf32, #tpu.memory_space<vmem>>, vector<1x16xf32>,
      }
      %scan3A_144 = arith.constant 32 : i32
      "tpu.region"() ({
        %run_scoped3A = tpu.sem_alloc : memref<!tpu.dma_semaphore, #tpu.memory_space<semaphore_mem>>
        %dma_start3A_145 = arith.constant 0 : i32
        %dma_start3A_146 = arith.constant 0 : i32
        %dma_start3A_147 = tpu.memref_slice %arg48[%dma_start3A_145, %dma_start3A_146] : memref<512x48xf32, #tpu.memory_space<vmem>> -> memref<512x40xf32, #tpu.memory_space<vmem>>
        %dma_start3A_148 = arith.constant 0 : i32
        %dma_start3A_149 = tpu.memref_slice %arg10[%add3A_20, %dma_start3A_148] : memref<1048576x40xf32, #tpu.memory_space<hbm>> -> memref<512x40xf32, #tpu.memory_space<hbm>>
        %dma_start3A_150 = arith.constant 0 : i32
        %dma_start3A_151 = tpu.memref_slice %arg10[%add3A_20, %dma_start3A_150] : memref<1048576x40xf32, #tpu.memory_space<hbm>> -> memref<512x40xf32, #tpu.memory_space<hbm>>
        %dma_start3A_152 = arith.constant 0 : i32
        %dma_start3A_153 = arith.constant 0 : i32
        %dma_start3A_154 = tpu.memref_slice %arg48[%dma_start3A_152, %dma_start3A_153] : memref<512x48xf32, #tpu.memory_space<vmem>> -> memref<512x40xf32, #tpu.memory_space<vmem>>
        tpu.enqueue_dma source(%dma_start3A_154 : memref<512x40xf32, #tpu.memory_space<vmem>>) target(%dma_start3A_151 : memref<512x40xf32, #tpu.memory_space<hbm>>) target_semaphore(%run_scoped3A : memref<!tpu.dma_semaphore, #tpu.memory_space<semaphore_mem>>)
        %dma_wait3A_155 = arith.constant 0 : i32
        %dma_wait3A_156 = arith.constant 0 : i32
        %dma_wait3A_157 = tpu.memref_slice %arg48[%dma_wait3A_155, %dma_wait3A_156] : memref<512x48xf32, #tpu.memory_space<vmem>> -> memref<512x40xf32, #tpu.memory_space<vmem>>
        %dma_wait3A_158 = arith.constant 0 : i32
        %dma_wait3A_159 = tpu.memref_slice %arg10[%add3A_20, %dma_wait3A_158] : memref<1048576x40xf32, #tpu.memory_space<hbm>> -> memref<512x40xf32, #tpu.memory_space<hbm>>
        %dma_wait3A_160 = arith.constant 0 : i32
        %dma_wait3A_161 = tpu.memref_slice %arg10[%add3A_20, %dma_wait3A_160] : memref<1048576x40xf32, #tpu.memory_space<hbm>> -> memref<512x40xf32, #tpu.memory_space<hbm>>
        %dma_wait3A_162 = arith.constant 0 : i32
        %dma_wait3A_163 = arith.constant 0 : i32
        %dma_wait3A_164 = tpu.memref_slice %arg48[%dma_wait3A_162, %dma_wait3A_163] : memref<512x48xf32, #tpu.memory_space<vmem>> -> memref<512x40xf32, #tpu.memory_space<vmem>>
        tpu.wait_dma2 semaphore(%run_scoped3A : memref<!tpu.dma_semaphore, #tpu.memory_space<semaphore_mem>>) src(%dma_wait3A_164 : memref<512x40xf32, #tpu.memory_space<vmem>>) dst(%dma_wait3A_161 : memref<512x40xf32, #tpu.memory_space<hbm>>)
        tpu.yield
      }) : () -> ()
    }
    %scan3A_16 = arith.constant 64 : i32
    return
  }
}

</mosaic_0001>

<sc_bundles>
// kernel: kernel.3.cloned.1.call-start
scs
__scs_entry_jumppad:
0x0: {  	(pc) =	sbr.rel $0x88, $3  }
0x1: {  	(tag) =	ssettag $0x0;
	lr =	simm.s32 $0x1  }
0x2: {  	[smem:$0x3F9A] =	sst lr;
	_ =	strace $0xD0000000  }
0x3: {  	_ = 	snop  }
0x4: {  	_ = 	snop  }
0x5: {  	_ = 	snop  }
0x6: {  	_ = 	snop  }
0x7: {  	_ = 	snop  }
__scs_overlays_trampoline_lowered:
0x8: {  	[smem:$0x3FA9] =	sst s0  }
0x9: {  	[smem:$0x3FAA] =	sst s1  }
0xa: {  	[smem:$0x3FAB] =	sst s2  }
0xb: {  	[smem:$0x3FAC] =	sst s3  }
0xc: {  	[smem:$0x3FAD] =	sst s4  }
0xd: {  	[smem:$0x3FAE] =	sst s5  }
0xe: {  	[smem:$0x3FAF] =	sst s6  }
0xf: {  	[smem:$0x3FB0] =	sst s7  }
0x10: {  	[smem:$0x3FB1] =	sst s8  }
0x11: {  	[smem:$0x3FB2] =	sst s9;
	s0 =	simm.s32 @!p0 $0x0  }
0x12: {  	s1 =	sld [smem:$0x3F98];
	s0 =	simm.s32 @p0 $0x1  }
0x13: {  	[smem:$0x3FB3] =	sst s0;
	s0 =	simm.s32 @!p1 $0x0  }
0x14: {  	s2 =	sld [smem:$0x3F97];
	s0 =	simm.s32 @p1 $0x1  }
0x15: {  	[smem:$0x3FB4] =	sst s0;
	s0 =	simm.s32 @!p2 $0x0  }
0x16: {  	s3 =	sld [smem:$0x3FDB];
	s0 =	simm.s32 @p2 $0x1  }
0x17: {  	s4 =	simm.s32 $0x1BF5;
	[smem:$0x3FB6] =	sst s0  }
0x18: {  	s0 =	sld [smem:$0x3F99];
	_ =	swait.ge [sflag:s4], $0x0  }
0x19: {  	s7 =	sld [smem:$0x3F9A]  }
0x1a: {  	s8 =	sadd.s32 $0xFFFFE003, lr  }
0x1b: {  	s9 =	sadd.s32 $0xFFFFFEF7, lr;
	s5 =	simm.s32 $0xFFFFFFFF;
	p2 =	slt.u32 s8, $0xFFFFF086  }
0x1c: {  	p1 =	slt.u32 s9, $0xF7A;
	s5 =	simm.s32 @!p2 $0x0  }
0x1d: {  	s5 =	simm.s32 @p1 $0x1;
	p0 =	seq.s32 s7, s2  }
0x1e: {  	s7 =	smul.u32 @!p0 $0xF7A, s2;
	p2 =	seq.s32 @!p0 s5, $0x0  }
0x1f: {  	s9 =	smul.u32 $0xF7A, s1;
	s8 =	simm.s32 @!p0 $0x1BF5;
	p2 =	por !p2, p0  }
0x20: {  	[sflag:s8] =	ssyncset.s32 @!p0 $0xFFFFF086;
	s6 =	sadd.s32 @!p0 s3, s7;
	s7 =	simm.s32 @!p0 $0x108  }
0x21: {  	s3 =	sadd.s32 s3, s9;
	s6 =	sadd.s32 @!p0 $0x88, s6;
	s7 =	simm.s32 @p2 $0x1082  }
0x22: {  	[simem:s7], [sflag:s8] =	dma.local @!p0 [hbm:s6], $0xF7A  }
0x23: {  	s9 =	sor.u32 $0xD0000000, s2;
	s6 =	simm.s32 $0x108;
	_ =	swait.ge @!p0 [sflag:s8], $0x0  }
0x24: {  	s3 =	sadd.s32 $0x88, s3;
	s6 =	simm.s32 @!p1 $0x1082;
	[sflag:s4] =	ssyncset.s32 $0xFFFFF086  }
0x25: {  	[simem:s6], [sflag:s4] =	dma.local [hbm:s3], $0xF7A  }
0x26: {  	[smem:$0x3F9A] =	sst s1;
	(tag) =	ssettag s2;
	_ =	strace s9  }
0x27: {  	s1 =	sld [smem:$0x3FAA]  }
0x28: {  	s2 =	sld [smem:$0x3FAB]  }
0x29: {  	s4 =	sld [smem:$0x3FAD]  }
0x2a: {  	p0 =	seq.s32 s5, $0x0;
	s5 =	sld [smem:$0x3FAE]  }
0x2b: {  	s6 =	sld [smem:$0x3FAF]  }
0x2c: {  	s7 =	sld [smem:$0x3FB0]  }
0x2d: {  	s3 =	simm.s32 $0x108;
	s8 =	sld [smem:$0x3FB1]  }
0x2e: {  	s3 =	simm.s32 @!p0 $0x1082;
	s9 =	sld [smem:$0x3FB2]  }
0x2f: {  	lr =	sadd.s32 s0, s3;
	s0 =	sld [smem:$0x3FA9]  }
0x30: {  	s3 =	sld [smem:$0x3FAC]  }
0x31: {  	[smem:$0x3FB5] =	sst s10  }
0x32: {  	s10 =	sld [smem:$0x3FB3];
	_ =	sdelay $0x3  }
0x33: {  	p0 =	seq.s32 s10, $0x1;
	s10 =	sld [smem:$0x3FB5];
	_ =	sdelay $0x3  }
0x34: {  	[smem:$0x3FB5] =	sst s10  }
0x35: {  	s10 =	sld [smem:$0x3FB4];
	_ =	sdelay $0x3  }
0x36: {  	p1 =	seq.s32 s10, $0x1;
	s10 =	sld [smem:$0x3FB5];
	_ =	sdelay $0x3  }
0x37: {  	[smem:$0x3FB5] =	sst s10  }
0x38: {  	s10 =	sld [smem:$0x3FB6]  }
0x39: {  	_ = 	snop;
	(pc) =	sbr.ind lr, $3  }
0x3a: {  	_ = 	snop  }
0x3b: {  	_ = 	snop  }
0x3c: {  	p2 =	seq.s32 s10, $0x1;
	s10 =	sld [smem:$0x3FB5]  }
0x3d: {  	_ =	shalt  }
0x3e: {  	_ =	shalt  }
0x3f: {  	_ =	shalt  }
0x40: {  	_ =	shalt  }
0x41: {  	_ =	shalt  }
0x42: {  	_ =	shalt  }
0x43: {  	_ =	shalt  }
0x44: {  	_ =	shalt  }
0x45: {  	_ =	shalt  }
0x46: {  	_ =	shalt  }
0x47: {  	_ =	shalt  }
0x48: {  	_ =	shalt  }
0x49: {  	_ =	shalt  }
0x4a: {  	_ =	shalt  }
0x4b: {  	_ =	shalt  }
0x4c: {  	_ =	shalt  }
0x4d: {  	_ =	shalt  }
0x4e: {  	_ =	shalt  }
0x4f: {  	_ =	shalt  }
0x50: {  	_ =	shalt  }
0x51: {  	_ =	shalt  }
0x52: {  	_ =	shalt  }
0x53: {  	_ =	shalt  }
0x54: {  	_ =	shalt  }
0x55: {  	_ =	shalt  }
0x56: {  	_ =	shalt  }
0x57: {  	_ =	shalt  }
0x58: {  	_ =	shalt  }
0x59: {  	_ =	shalt  }
0x5a: {  	_ =	shalt  }
0x5b: {  	_ =	shalt  }
0x5c: {  	_ =	shalt  }
0x5d: {  	_ =	shalt  }
0x5e: {  	_ =	shalt  }
0x5f: {  	_ =	shalt  }
0x60: {  	_ =	shalt  }
0x61: {  	_ =	shalt  }
0x62: {  	_ =	shalt  }
0x63: {  	_ =	shalt  }
0x64: {  	_ =	shalt  }
0x65: {  	_ =	shalt  }
0x66: {  	_ =	shalt  }
0x67: {  	_ =	shalt  }
0x68: {  	_ =	shalt  }
0x69: {  	_ =	shalt  }
0x6a: {  	_ =	shalt  }
0x6b: {  	_ =	shalt  }
0x6c: {  	_ =	shalt  }
0x6d: {  	_ =	shalt  }
0x6e: {  	_ =	shalt  }
0x6f: {  	_ =	shalt  }
0x70: {  	_ =	shalt  }
0x71: {  	_ =	shalt  }
0x72: {  	_ =	shalt  }
0x73: {  	_ =	shalt  }
0x74: {  	_ =	shalt  }
0x75: {  	_ =	shalt  }
0x76: {  	_ =	shalt  }
0x77: {  	_ =	shalt  }
0x78: {  	_ =	shalt  }
0x79: {  	_ =	shalt  }
0x7a: {  	_ =	shalt  }
0x7b: {  	_ =	shalt  }
0x7c: {  	_ =	shalt  }
0x7d: {  	_ =	shalt  }
0x7e: {  	_ =	shalt  }
0x7f: {  	_ =	shalt  }
0x80: {  	_ =	shalt  }
0x81: {  	_ =	shalt  }
0x82: {  	_ =	shalt  }
0x83: {  	_ =	shalt  }
0x84: {  	_ =	shalt  }
0x85: {  	_ =	shalt  }
0x86: {  	_ =	shalt  }
0x87: {  	_ =	shalt  }
.Lfunc_end0:
.L_simem_size_0:
called_computation.1_lowered:
.L_overlay_start_0:
0x88: {  	s2 =	sld [smem:$0x3FD9]  }
0x89: {  	s3 =	sld [smem:$0x3FFE];
	_ =	sdelay $0x1  }
0x8a: {  	s1 =	srdreg.scid  }
0x8b: {  	s0 =	sand.u32 $0x1, s1  }
0x8c: {  	s17 =	sshll.u32 s0, $0xA;
	s2 =	sadd.s32 s3, s2  }
0x8d: {  	s2 =	sadd.s32 s2, s17  }
0x8e: {  	[smem:$0x3FC1] =	sst s2  }
0x8f: {  	_ = 	snop  }
0x90: {  	s2 =	sld [smem:$0x3FD0];
	(tm) =	ssettm $0x1  }
0x91: {  	s18 =	sld [smem:$0x3FFB];
	_ =	sdelay $0x3  }
0x92: {  	_ =	strace s18  }
0x93: {  	s3 =	sld [smem:$0x3FFC];
	_ =	sdelay $0x3  }
0x94: {  	_ =	strace s3  }
0x95: {  	s3 =	sld [smem:$0x3FFD];
	_ =	sdelay $0x3  }
0x96: {  	_ =	strace s3  }
0x97: {  	_ =	strace $0x8FFFFFFF  }
0x98: {  	s19 =	sld [smem:$0x3FDB];
	_ =	sdelay $0x1  }
0x99: {  	s4 =	simm.s32 $_scs_section_size  }
0x9a: {  	s5 =	simm.s32 $_size__tile_overlayer_lowered;
	s6 =	simm.s32 $_tile_overlayer_lowered  }
0x9b: {  	s22 =	simm.s32 $0x1BFF;
	s21 =	sshll.u32 s6, $0x1;
	s3 =	sadd.s32 s4, s19  }
0x9c: {  	s7 =	simm.s32 $0x0;
	s20 =	sshll.u32 s5, $0x1;
	s5 =	sadd.s32 s21, s3  }
0x9d: {  	[timem:s7], [sflag:s22] =	dma.local [hbm:s5], s20  }
0x9e: {  	_ =	swait.ge [sflag:s22], s20  }
0x9f: {  	s4 =	ssub.s32 $0x0, s20;
	[sflag:s22] =	ssyncset.done $0x0  }
0xa0: {  	[sflag:s22] =	ssyncadd.s32 s4;
	_ =	sdelay $0x1  }
0xa1: {  	s23 =	simm.s32 $0x1B8B  }
0xa2: {  	_ =	swait.ge [sflag:s23], $0x1  }
0xa3: {  	[sflag:s23] =	ssyncset.done $0x0  }
0xa4: {  	s25 =	simm.s32 $0x1B8E;
	s24 =	sld [smem:$0x3FFE];
	[sflag:s23] =	ssyncadd.s32 $0xFFFFFFFF  }
0xa5: {  	s26 =	simm.s32 $execute0_lowered;
	[smem:$0x3FD2] =	sst s25  }
0xa6: {  	s5 =	sshll.u32 s26, $0x1;
	_ =	strace $0x80000046;
	[dreg:$0x1] =	wrdreg $0xFFFFFFFF  }
0xa7: {  	s28 =	simm.s32 $_size_execute0_lowered;
	s3 =	sadd.s32 s3, s5;
	[dreg:$0x0] =	wrdreg $0x0  }
0xa8: {  	s5 =	sshll.u32 s28, $0x1;
	[dreg:$0x2] =	wrdreg s3  }
0xa9: {  	[dreg:$0x3] =	wrdreg s5  }
0xaa: {  	[dreg:$0x4] =	wrdreg $0xC0  }
0xab: {  	_ =	task [dreg:s7], $0x5FFFF  }
0xac: {  	[dreg:$0x1] =	wrdreg $0xFFFFFFFF  }
0xad: {  	[dreg:$0x0] =	wrdreg $0x60  }
0xae: {  	[dreg:$0x2] =	wrdreg s24  }
0xaf: {  	[dreg:$0x3] =	wrdreg s2  }
0xb0: {  	[dreg:$0x4] =	wrdreg $0x9  }
0xb1: {  	_ =	task.clear_ibuf [dreg:s7], $0x5FFFF;
	_ =	strace $0x90000046  }
0xb2: {  	s29 =	simm.s32 $0x9;
	_ =	strace $0x80000048  }
0xb3: {  	_ =	swait.ge [sflag:s29], $0x1  }
0xb4: {  	[sflag:s29] =	ssyncadd.s32 $0xFFFFFFFF  }
0xb5: {  	_ =	strace $0x90000048  }
0xb6: {  	_ =	sfence  }
0xb7: {  	s30 =	sld [smem:$0x0];
	_ =	sdelay $0x2  }
0xb8: {  	s31 =	sshll.u32 s1, $0xD;
	s1 =	sshrl.u32 s1, $0x2  }
0xb9: {  	s3 =	sand.u32 $0x4000, s31;
	s1 =	sadd.s32 s1, s30  }
0xba: {  	s0 =	sor.u32 s3, s0;
	s1 =	sshll.u32 s1, $0x11  }
0xbb: {  	s0 =	sor.u32 s1, s0  }
0xbc: {  	s0 =	sadd.s32 $0x8F2B, s0  }
0xbd: {  	[sflag:s0] =	ssyncadd.remote.s32 $0x1  }
0xbe: {  	_ =	sfence.sel $0xFFFF  }
0xbf: {  	[dreg:$0x0] =	wrdreg $0xFFFFFFFF;
	(pc) =	sbr.abs _section_cstart, $3  }
0xc0: {  	[dreg:$0x1] =	wrdreg $0xFFFFFFFF  }
0xc1: {  	_ =	task.clear_ibuf [dreg:s7], $0x2FFFF;
	_ =	strace $0x9FFFFFFF  }
0xc2: {  	(tm) =	ssettm $0x7FFFFFFF  }
0xc3: {  	_ =	shalt  }
tec
execute0_lowered:
.L_overlay_start_1:
0x0: {  	(tag) =	ssettag $0x1  }
0x1: {  	s0 =	rddreg [dreg:$0x0]  }
0x2: {  	s2 =	simm.s32 $0x0;
	s1 =	srdreg.scid;
	s12 =	stileid.u32  }
0x3: {  	s14 =	simm.s32 $0xB;
	s15 =	simm.s32 $0x200;
	s17 =	simm.s32 $0x15600  }
0x4: {  	s18 =	simm.s32 $0x1;
	s19 =	simm.s32 $0x6;
	s20 =	simm.s32 $0x2  }
0x5: {  	s21 =	simm.s32 $0x7;
	s22 =	simm.s32 $0x3;
	s23 =	simm.s32 $0x8  }
0x6: {  	s24 =	simm.s32 $0x4;
	s25 =	simm.s32 $0x9;
	s26 =	simm.s32 $0x5  }
0x7: {  	v0 =	vimm.s32 $0xFEDCBA98;
	s28 =	simm.s32 $0xA;
	[smem:$0x7FF] =	sst s2;
	s3 =	sadd.s32 $0x51000, s0  }
0x8: {  	v1 =	vimm.s32 $0x76543210;
	s4 =	sadd.s32 $0x31000, s0;
	s5 =	sadd.s32 $0x11000, s0;
	s1 =	sand.u32 $0x1, s1;
	v0 =	vunpack.c.l.s4.s8 v0  }
0x9: {  	s6 =	sadd.s32 $0xE00, s0;
	s7 =	sadd.s32 $0x1C00, s0;
	v1 =	vunpack.c.l.s4.s8 v1;
	s8 =	ssub.s32 $0x2, s1  }
0xa: {  	s9 =	sadd.s32 $0x4E00, s0;
	s10 =	sadd.s32 $0x71000, s0;
	s30 =	sshrl.u32 s8, $0x1;
	v0 =	vunpack.c.0.s8.s32 v0  }
0xb: {  	v2 =	vimm.f32 $-1.000000000e+00;
	vm0 =	vcmask $0x1F00;
	s11 =	sadd.s32 $0x6A2400, s0;
	s31 =	sshll.u32 s12, $0x10;
	v1 =	vunpack.c.0.s8.s32 v1;
	s0 =	ssub.s32 s8, s30  }
0xc: {  	v3 =	vimm.f32 $1.000000000e+00;
	v2 =	vsel vm0, $0x3F800000, v2;
	_ =	strace $0x80000047;
	s1 =	sshll.u32 s1, $0xF;
	s0 =	smax.u32 s0, $0x1;
	v0 =	vand.u32 $0xF, v0  }
0xd: {  	v3 =	vsel vm0, $0x0, v3;
	s12 =	sor.u32 s1, s31;
	s1 =	simm.s32 $0x0;
	[dreg:$0x3] =	wrdreg s0;
	v0 =	vcombine.low v0, v1;
	v1 =	vimm.f32 $0.0e+00  }
.LBB2_1:
0xe: {  	[dreg:$0x4] =	wrdreg s1;
	s29 =	simm.s32 $0x0  }
.LBB2_2:
0xf: {  	s0 =	sshll.u32 s29, $0x9  }
0x10: {  	s30 =	sadd.s32 s12, s0  }
0x11: {  	s0 =	sshrl.u32 s30, $0x3  }
0x12: {  	s8 =	simm.s32 $0x0;
	s1 =	sadd.s32 s3, s0  }
0x13: {  	[tilespmem:s8], [sflag:$0xB] =	stream.linear.gather [hbm4b:s1+s8], $0x200, $0x38;
	[tilespmem:$0x1D600] =	vst v63  }
0x14: {  	_ =	swait.ge [sflag:s14], $0x200  }
0x15: {  	[sflag:s14] =	ssyncset.done $0x0  }
0x16: {  	s13 =	sadd.s32 s4, s0;
	[sflag:s14] =	ssyncadd.s32 $0xFFFFFE00  }
0x17: {  	[tilespmem:s15], [sflag:$0xB] =	stream.linear.gather [hbm4b:s13+s8], $0x200, $0x38;
	[tilespmem:$0x1D600] =	vst v63  }
0x18: {  	_ =	swait.ge [sflag:s14], $0x200  }
0x19: {  	[sflag:s14] =	ssyncset.done $0x0  }
0x1a: {  	s16 =	simm.s32 $0x400;
	s0 =	sadd.s32 s5, s0;
	[sflag:s14] =	ssyncadd.s32 $0xFFFFFE00  }
0x1b: {  	[tilespmem:s16], [sflag:$0xB] =	stream.linear.gather [hbm4b:s0+s8], $0x200, $0x38;
	[tilespmem:$0x1D600] =	vst v63  }
0x1c: {  	_ =	swait.ge [sflag:s14], $0x200  }
0x1d: {  	[sflag:s14] =	ssyncset.done $0x0  }
0x1e: {  	s31 =	simm.s32 $0x0;
	[sflag:s14] =	ssyncadd.s32 $0xFFFFFE00  }
0x1f: {  	v7 =	vld [tilespmem:s31+$0x200]  }
0x20: {  	v6 =	vld [tilespmem:s31+$0x0]  }
0x21: {  	v4 =	vld [tilespmem:s31+$0x400];
	_ =	sdelay $0x3  }
0x22: {  	v5 =	vand.u32 $0x7FFFFFFF, v7  }
0x23: {  	v8 =	vand.u32 $0x7FFFFFFF, v6;
	v9 =	vand.u32 $0x7FFFFFFF, v4;
	vm0 =	vgt.f32 v7, $0.0e+00  }
0x24: {  	vm1 =	vgt.f32 v6, $0.0e+00;
	vm9 =	vgt.f32 v4, $0.0e+00;
	v10 =	vmax.f32 v8, v5  }
0x25: {  	vm2 =	vge.f32 v8, v5;
	vm4 =	vge.f32 v8, v9;
	v10 =	vmax.f32 v10, v9  }
0x26: {  	v8 =	vsel vm0, $0x3F800000, v1;
	vm8 =	vge.f32 v5, v9;
	vm3 =	vgt.f32 v10, $0.0e+00  }
0x27: {  	v14 =	vsel vm1, $0x3F800000, v1;
	vm7 =	vmand vm2, vm4;
	v11 =	vsel vm3, $0x3F800000, v1  }
0x28: {  	v17 =	vadd.f32 v14, v14;
	v9 =	vsel vm7, $0x3F800000, v1;
	v5 =	vsub.f32 $1.000000000e+00, v11  }
0x29: {  	v16 =	vsel vm9, $0x3F800000, v1;
	v14 =	vsub.f32 $1.000000000e+00, v14;
	v13 =	vsub.f32 $1.000000000e+00, v9  }
0x2a: {  	v12 =	vsel vm8, $0x3F800000, v1;
	v15 =	vmul.f32 v9, v4;
	v5 =	vadd.f32 v5, v10  }
0x2b: {  	v19 =	vadd.f32 v16, v16;
	v9 =	vmul.f32 v9, v14;
	v12 =	vmul.f32 v13, v12  }
0x2c: {  	s0 =	simm.s32 $0x10;
	[tilespmem:s31+$0xA00] =	vst v11;
	v10 =	vadd.f32 v8, v8;
	(erf) = vrcp.f32 v5;
	v5 =	vsub.f32 $3.000000000e+00, v8  }
0x2d: {  	v8 =	vsub.f32 v13, v12;
	v13 =	vsub.f32 $1.000000000e+00, v17;
	v17 =	vmul.f32 v12, v4;
	v4 =	vld [tilespmem:s0+$0x200]  }
0x2e: {  	v11 =	vmul.f32 v12, v6;
	v18 =	vsub.f32 $1.000000000e+00, v12;
	v12 =	vmul.f32 v12, v5;
	v5 =	vld [tilespmem:s0+$0x0]  }
0x2f: {  	v14 =	vsub.f32 $5.000000000e+00, v16;
	v10 =	vadd.f32 $-1.000000000e+00, v10;
	v20 =	vmul.f32 v8, v6;
	v6 =	vld [tilespmem:s0+$0x400]  }
0x30: {  	v7 =	vmul.f32 v18, v7;
	v13 =	vmul.f32 v15, v13;
	v15 =	vadd.f32 $-1.000000000e+00, v19  }
0x31: {  	v10 =	vmul.f32 v17, v10;
	v8 =	vmul.f32 v8, v14;
	v9 =	vadd.f32 v12, v9  }
0x32: {  	v14 =	vmul.f32 v20, v15;
	v11 =	vadd.f32 v11, v13;
	vm10 =	vgt.f32 v4, $0.0e+00  }
0x33: {  	v12 =	vand.u32 $0x7FFFFFFF, v4;
	v17 =	vsel vm10, $0x3F800000, v1;
	v15 =	vand.u32 $0x7FFFFFFF, v5  }
0x34: {  	v20 =	vadd.f32 v8, v9;
	v13 =	vand.u32 $0x7FFFFFFF, v6;
	v16 =	vmax.f32 v15, v12  }
0x35: {  	v8 =	vadd.f32 v14, v11;
	v14 =	vsub.f32 v10, v7;
	v16 =	vmax.f32 v16, v13  }
0x36: {  	vm11 =	vgt.f32 v5, $0.0e+00;
	vm14 =	vgt.f32 v6, $0.0e+00;
	vm15 =	vgt.f32 v16, $0.0e+00  }
0x37: {  	vm12 =	vge.f32 v12, v13;
	vm13 =	vge.f32 v15, v12;
	v12 =	vsel vm15, $0x3F800000, v1  }
0x38: {  	v22 =	vadd.f32 v17, v17;
	vm5 =	vge.f32 v15, v13;
	v13 =	vsub.f32 $1.000000000e+00, v12  }
0x39: {  	v9 =	vsel vm11, $0x3F800000, v1;
	v11 =	vpop (erf);
	vm2 =	vmand vm13, vm5;
	v15 =	vsel vm12, $0x3F800000, v1  }
0x3a: {  	v7 =	vsel vm2, $0x3F800000, v1;
	v18 =	vmul.f32 v8, v11;
	v13 =	vadd.f32 v13, v16  }
0x3b: {  	v19 =	vadd.f32 v9, v9;
	v63 =	vmul.f32 v14, v11;
	v21 =	vsub.f32 $1.000000000e+00, v7  }
0x3c: {  	v11 =	vtrunc.f32 v20;
	v23 =	vadd.f32 $1.000000000e+00, v18;
	(erf) = vrcp.f32 v13  }
0x3d: {  	v8 =	vsel vm14, $0x3F800000, v1;
	v10 =	vmul.f32 v7, v6;
	v16 =	vmul.f32 v21, v15  }
0x3e: {  	v18 =	vsub.f32 $3.000000000e+00, v17;
	v17 =	vadd.f32 $1.000000000e+00, v63;
	v15 =	vmul.f32 $5.000000000e-01, v23  }
0x3f: {  	s1 =	simm.s32 $0x80;
	s13 =	simm.s32 $0x0;
	s8 =	simm.s32 $0x10;
	[tilespmem:s0+$0xA00] =	vst v12;
	v13 =	vadd.f32 $-1.000000000e+00, v22;
	v12 =	vsub.f32 v21, v16;
	v14 =	vmul.f32 v16, v5  }
.LBB2_3:
0x40: {  	s16 =	sshra.s32 s1, $0x2;
	p0 =	sne.s32 s1, $0x7C0;
	s1 =	sadd.s32 $0x40, s1;
	v19 =	vsub.f32 $1.000000000e+00, v19;
	v20 =	vmul.f32 v16, v6;
	v21 =	vsub.f32 $1.000000000e+00, v16  }
0x41: {  	v9 =	vsub.f32 $1.000000000e+00, v9;
	v16 =	vmul.f32 v16, v18;
	v22 =	vld [tilespmem:s16+$0x200];
	v18 =	vmul.f32 v12, v5;
	[tilespmem:s13+$0x600] =	vst v15  }
0x42: {  	v15 =	vadd.f32 v8, v8;
	v17 =	vmul.f32 $5.000000000e-01, v17;
	v5 =	vld [tilespmem:s16+$0x0];
	v10 =	vmul.f32 v10, v19  }
0x43: {  	v8 =	vsub.f32 $5.000000000e+00, v8;
	v7 =	vmul.f32 v7, v9;
	v9 =	vcvt.f32.s32 v11;
	v6 =	vld [tilespmem:s16+$0x400]  }
0x44: {  	v13 =	vmul.f32 v20, v13;
	v11 =	vadd.f32 $-1.000000000e+00, v15;
	v15 =	vmul.f32 v21, v4;
	[tilespmem:s13+$0x800] =	vst v17  }
0x45: {  	v8 =	vmul.f32 v12, v8;
	v7 =	vadd.f32 v16, v7;
	v12 =	vpop (erf);
	[tilespmem:s13+$0x2000] =	vst v9;
	s13 =	smov.u32 s8;
	s8 =	smov.u32 s16  }
0x46: {  	v11 =	vmul.f32 v18, v11;
	v9 =	vand.u32 $0x7FFFFFFF, v22;
	vm0 =	vgt.f32 v22, $0.0e+00;
	v4 =	vmovc v22  }
0x47: {  	v10 =	vadd.f32 v14, v10;
	v16 =	vand.u32 $0x7FFFFFFF, v5;
	vm1 =	vgt.f32 v5, $0.0e+00  }
0x48: {  	v18 =	vsel vm0, $0x3F800000, v1;
	v14 =	vand.u32 $0x7FFFFFFF, v6;
	v17 =	vmax.f32 v16, v9  }
0x49: {  	v20 =	vadd.f32 v8, v7;
	v17 =	vmax.f32 v17, v14;
	vm0 =	vge.f32 v9, v14  }
0x4a: {  	vm2 =	vge.f32 v16, v9;
	vm3 =	vgt.f32 v6, $0.0e+00;
	vm4 =	vgt.f32 v17, $0.0e+00  }
0x4b: {  	v8 =	vadd.f32 v11, v10;
	vm5 =	vge.f32 v16, v14;
	v7 =	vsel vm4, $0x3F800000, v1  }
0x4c: {  	v14 =	vsub.f32 v13, v15;
	vm2 =	vmand vm2, vm5;
	v11 =	vsub.f32 $1.000000000e+00, v7;
	[tilespmem:s8+$0xA00] =	vst v7  }
0x4d: {  	v15 =	vmul.f32 v8, v12;
	v13 =	vsel vm0, $0x3F800000, v1;
	v7 =	vsel vm2, $0x3F800000, v1  }
0x4e: {  	v9 =	vsel vm1, $0x3F800000, v1;
	v10 =	vmul.f32 v7, v6;
	v11 =	vadd.f32 v11, v17  }
.Ltmp0:
0x4f: {  	v21 =	vadd.f32 v18, v18;
	v8 =	vsel vm3, $0x3F800000, v1;
	v17 =	vsub.f32 $1.000000000e+00, v7;
	(pc) =	sbr.rel @p0 .LBB2_3-.Ltmp0, $4  }
0x50: {  	v19 =	vadd.f32 v9, v9;
	(erf) = vrcp.f32 v11;
	v11 =	vadd.f32 $1.000000000e+00, v15  }
0x51: {  	v16 =	vmul.f32 v17, v13;
	v13 =	vadd.f32 $-1.000000000e+00, v21;
	v21 =	vmul.f32 v14, v12  }
0x52: {  	v18 =	vsub.f32 $3.000000000e+00, v18;
	v15 =	vmul.f32 $5.000000000e-01, v11;
	v11 =	vtrunc.f32 v20  }
0x53: {  	v12 =	vsub.f32 v17, v16;
	v14 =	vmul.f32 v16, v5;
	v17 =	vadd.f32 $1.000000000e+00, v21  }
0x54: {  	v19 =	vsub.f32 $1.000000000e+00, v19;
	v20 =	vadd.f32 v8, v8;
	_ =	sdelay $0x1  }
0x55: {  	v5 =	vmul.f32 v12, v5;
	v10 =	vmul.f32 v10, v19;
	v62 =	vadd.f32 $-1.000000000e+00, v20  }
0x56: {  	v6 =	vmul.f32 v16, v6;
	v63 =	vsub.f32 $1.000000000e+00, v16;
	v9 =	vsub.f32 $1.000000000e+00, v9  }
0x57: {  	v5 =	vmul.f32 v5, v62;
	v10 =	vadd.f32 v14, v10  }
0x58: {  	v6 =	vmul.f32 v6, v13;
	v4 =	vmul.f32 v63, v4  }
0x59: {  	v8 =	vsub.f32 $5.000000000e+00, v8;
	v5 =	vadd.f32 v5, v10  }
0x5a: {  	v13 =	vmul.f32 v16, v18;
	v7 =	vmul.f32 v7, v9;
	v4 =	vsub.f32 v6, v4;
	v9 =	vpop (erf)  }
0x5b: {  	v5 =	vmul.f32 v5, v9  }
0x5c: {  	v6 =	vadd.f32 v13, v7;
	v7 =	vmul.f32 v12, v8;
	v4 =	vmul.f32 v4, v9  }
0x5d: {  	v8 =	vmul.f32 $5.000000000e-01, v17;
	v5 =	vadd.f32 $1.000000000e+00, v5  }
0x5e: {  	[tilespmem:s13+$0x600] =	vst v15;
	v6 =	vadd.f32 v7, v6;
	v9 =	vcvt.f32.s32 v11;
	v4 =	vadd.f32 $1.000000000e+00, v4  }
0x5f: {  	[tilespmem:s13+$0x800] =	vst v8;
	v5 =	vmul.f32 $5.000000000e-01, v5  }
0x60: {  	v6 =	vtrunc.f32 v6;
	[tilespmem:s13+$0x2000] =	vst v9;
	v4 =	vmul.f32 $5.000000000e-01, v4  }
0x61: {  	[tilespmem:s8+$0x600] =	vst v5;
	v5 =	vcvt.f32.s32 v6  }
0x62: {  	[tilespmem:s8+$0x800] =	vst v4  }
0x63: {  	[tilespmem:s8+$0x2000] =	vst v5  }
0x64: {  	v4 =	vld [tilespmem:s31+$0x800];
	_ =	sdelay $0x1  }
0x65: {  	v5 =	vld [tilespmem:s31+$0x600];
	_ =	sdelay $0x2  }
0x66: {  	v4 =	vmul.f32 $1.600000000e+01, v4;
	_ =	sdelay $0x1  }
0x67: {  	v5 =	vmul.f32 $1.600000000e+01, v5;
	v4 =	vadd.f32 $-5.000000000e-01, v4;
	_ =	sdelay $0x1  }
0x68: {  	v6 =	vadd.f32 $-5.000000000e-01, v5;
	v5 =	vadd.f32 $1.000000000e+00, v4  }
0x69: {  	v7 =	vld [tilespmem:s31+$0x2000]  }
0x6a: {  	v8 =	vld [tilespmem:s0+$0x800];
	v9 =	vadd.f32 $1.000000000e+00, v6;
	v5 =	vtrunc.f32 v5  }
0x6b: {  	v10 =	vld [tilespmem:s0+$0x600];
	v5 =	vcvt.f32.s32 v5  }
0x6c: {  	v9 =	vtrunc.f32 v9  }
0x6d: {  	v11 =	vld [tilespmem:s31+$0xA00];
	v9 =	vcvt.f32.s32 v9;
	v5 =	vadd.s32 $0xFFFFFFFF, v5  }
0x6e: {  	v7 =	vshll.u32 v7, $0x8;
	vm0 =	vgt.s32 v5, $0x0  }
0x6f: {  	v8 =	vmul.f32 $1.600000000e+01, v8;
	v9 =	vadd.s32 $0xFFFFFFFF, v9;
	v5 =	vnsel vm0, $0x0, v5  }
0x70: {  	v10 =	vmul.f32 $1.600000000e+01, v10;
	vm14 =	vgt.s32 v9, $0x0;
	v12 =	vmin.u32 v5, $0xE  }
0x71: {  	v5 =	vadd.f32 $-5.000000000e-01, v8;
	v8 =	vnsel vm14, $0x0, v9;
	v9 =	vshll.u32 v12, $0x4  }
0x72: {  	vm15 =	vgt.f32 v11, $5.000000000e-01;
	v13 =	vmin.u32 v8, $0xE;
	v8 =	vor.u32 v7, v9  }
0x73: {  	v7 =	vadd.f32 $-5.000000000e-01, v10;
	v9 =	vadd.f32 $1.000000000e+00, v5;
	v14 =	vor.u32 v13, v8  }
0x74: {  	s1 =	simm.s32 $0xC0;
	s8 =	simm.s32 $0x20;
	v11 =	vcvt.s32.f32 v13;
	v10 =	vcvt.s32.f32 v12;
	v8 =	vld [tilespmem:s0+$0x2000];
	v12 =	vnsel vm15, $0x600, v14  }
.LBB2_5:
0x75: {  	p0 =	sne.s32 s1, $0x7C0;
	v13 =	vld [tilespmem:s8+$0x800];
	v14 =	vadd.f32 $1.000000000e+00, v7;
	v9 =	vtrunc.f32 v9;
	[tilespmem:s31+$0x2200] =	vst v12;
	v12 =	vadd.s32 $0x10, v12  }
0x76: {  	v15 =	vld [tilespmem:s8+$0x600];
	v9 =	vcvt.f32.s32 v9;
	v11 =	vsub.f32 v6, v11;
	v10 =	vsub.f32 v4, v10;
	[tilespmem:s31+$0x2C00] =	vst v12;
	v4 =	vmovc v5  }
0x77: {  	v6 =	vmov v7;
	v5 =	vtrunc.f32 v14  }
0x78: {  	v7 =	vld [tilespmem:s0+$0xA00];
	v5 =	vcvt.f32.s32 v5;
	v9 =	vadd.s32 $0xFFFFFFFF, v9;
	v11 =	vclamp.gez.f32 v11, $1.000000000e+00  }
0x79: {  	v10 =	vclamp.gez.f32 v10, $1.000000000e+00;
	vm0 =	vgt.s32 v9, $0x0;
	v8 =	vshll.u32 v8, $0x8;
	[tilespmem:s31+$0xC00] =	vst v11  }
0x7a: {  	v11 =	vmul.f32 $1.600000000e+01, v13;
	v12 =	vadd.s32 $0xFFFFFFFF, v5;
	v5 =	vnsel vm0, $0x0, v9;
	[tilespmem:s31+$0x1600] =	vst v10;
	s31 =	smov.u32 s0;
	s0 =	smov.u32 s8  }
.Ltmp1:
0x7b: {  	v9 =	vmul.f32 $1.600000000e+01, v15;
	vm0 =	vgt.s32 v12, $0x0;
	v10 =	vmin.u32 v5, $0xE;
	(pc) =	sbr.rel @p0 .LBB2_5-.Ltmp1, $4  }
0x7c: {  	v5 =	vadd.f32 $-5.000000000e-01, v11;
	v11 =	vnsel vm0, $0x0, v12;
	v12 =	vshll.u32 v10, $0x4  }
0x7d: {  	v11 =	vmin.u32 v11, $0xE;
	v8 =	vor.u32 v8, v12;
	vm0 =	vgt.f32 v7, $5.000000000e-01  }
0x7e: {  	v7 =	vadd.f32 $-5.000000000e-01, v9;
	v9 =	vadd.f32 $1.000000000e+00, v5;
	v12 =	vor.u32 v11, v8  }
0x7f: {  	s8 =	sshra.s32 s1, $0x2;
	s1 =	sadd.s32 $0x40, s1;
	v10 =	vcvt.s32.f32 v10;
	v11 =	vcvt.s32.f32 v11;
	v8 =	vld [tilespmem:s0+$0x2000];
	v12 =	vnsel vm0, $0x600, v12  }
0x80: {  	v13 =	vld [tilespmem:s8+$0x800]  }
0x81: {  	[tilespmem:s31+$0x2200] =	vst v12;
	v14 =	vadd.f32 $1.000000000e+00, v7;
	v9 =	vtrunc.f32 v9  }
0x82: {  	v15 =	vld [tilespmem:s8+$0x600];
	v9 =	vcvt.f32.s32 v9  }
0x83: {  	v12 =	vadd.s32 $0x10, v12;
	v6 =	vsub.f32 v6, v11;
	v11 =	vtrunc.f32 v14  }
0x84: {  	v4 =	vsub.f32 v4, v10;
	[tilespmem:s31+$0x2C00] =	vst v12;
	v10 =	vcvt.f32.s32 v11;
	v9 =	vadd.s32 $0xFFFFFFFF, v9  }
0x85: {  	v12 =	vld [tilespmem:s0+$0xA00];
	v6 =	vclamp.gez.f32 v6, $1.000000000e+00;
	vm0 =	vgt.s32 v9, $0x0;
	v11 =	vmul.f32 $1.600000000e+01, v13  }
0x86: {  	v4 =	vclamp.gez.f32 v4, $1.000000000e+00;
	v10 =	vadd.s32 $0xFFFFFFFF, v10;
	v9 =	vnsel vm0, $0x0, v9  }
0x87: {  	v13 =	vmul.f32 $1.600000000e+01, v15;
	vm8 =	vgt.s32 v10, $0x0;
	v11 =	vadd.f32 $-5.000000000e-01, v11  }
0x88: {  	v8 =	vshll.u32 v8, $0x8;
	v9 =	vmin.u32 v9, $0xE;
	v10 =	vnsel vm8, $0x0, v10  }
0x89: {  	v14 =	vshll.u32 v9, $0x4;
	v13 =	vadd.f32 $-5.000000000e-01, v13;
	v15 =	vadd.f32 $1.000000000e+00, v11  }
0x8a: {  	[tilespmem:s31+$0xC00] =	vst v6;
	vm9 =	vgt.f32 v12, $5.000000000e-01;
	v6 =	vmin.u32 v10, $0xE;
	v8 =	vor.u32 v8, v14  }
0x8b: {  	[tilespmem:s31+$0x1600] =	vst v4;
	v4 =	vor.u32 v6, v8;
	v10 =	vadd.f32 $1.000000000e+00, v13;
	v8 =	vtrunc.f32 v15  }
0x8c: {  	v12 =	vld [tilespmem:s8+$0x2000];
	v9 =	vcvt.s32.f32 v9;
	v4 =	vnsel vm9, $0x600, v4;
	v8 =	vcvt.f32.s32 v8  }
0x8d: {  	v6 =	vcvt.s32.f32 v6;
	[tilespmem:s0+$0x2200] =	vst v4;
	v4 =	vadd.s32 $0x10, v4;
	v10 =	vtrunc.f32 v10  }
0x8e: {  	v5 =	vsub.f32 v5, v9;
	[tilespmem:s0+$0x2C00] =	vst v4;
	v10 =	vcvt.f32.s32 v10;
	v4 =	vadd.s32 $0xFFFFFFFF, v8  }
0x8f: {  	v6 =	vsub.f32 v7, v6;
	v7 =	vld [tilespmem:s8+$0xA00];
	vm10 =	vgt.s32 v4, $0x0  }
0x90: {  	v5 =	vclamp.gez.f32 v5, $1.000000000e+00;
	v8 =	vadd.s32 $0xFFFFFFFF, v10;
	v4 =	vnsel vm10, $0x0, v4  }
0x91: {  	v9 =	vshll.u32 v12, $0x8;
	vm11 =	vgt.s32 v8, $0x0;
	v4 =	vmin.u32 v4, $0xE  }
0x92: {  	v6 =	vclamp.gez.f32 v6, $1.000000000e+00;
	v8 =	vnsel vm11, $0x0, v8;
	v10 =	vshll.u32 v4, $0x4  }
0x93: {  	v8 =	vmin.u32 v8, $0xE;
	v4 =	vcvt.s32.f32 v4;
	v9 =	vor.u32 v9, v10  }
0x94: {  	[tilespmem:s0+$0xC00] =	vst v6;
	vm12 =	vgt.f32 v7, $5.000000000e-01;
	v10 =	vcvt.s32.f32 v8;
	v6 =	vor.u32 v8, v9  }
0x95: {  	[tilespmem:s0+$0x1600] =	vst v5;
	v4 =	vsub.f32 v11, v4;
	v5 =	vnsel vm12, $0x600, v6  }
0x96: {  	v6 =	vsub.f32 v13, v10;
	[tilespmem:s8+$0x2200] =	vst v5;
	v5 =	vadd.s32 $0x10, v5  }
0x97: {  	v4 =	vclamp.gez.f32 v4, $1.000000000e+00;
	[tilespmem:s8+$0x2C00] =	vst v5  }
0x98: {  	v5 =	vclamp.gez.f32 v6, $1.000000000e+00;
	[tilespmem:s8+$0x1600] =	vst v4  }
0x99: {  	s13 =	simm.s32 $0x2200;
	s1 =	simm.s32 $0x3600;
	[tilespmem:s8+$0xC00] =	vst v5  }
0x9a: {  	[tilespmem:s1], [sflag:$0x1] =	stream.indirect.gather [hbm4b:s6+s15], $0x10, s13, s15, $0xb8;
	[tilespmem:$0x1D600] =	vst v63  }
0x9b: {  	s16 =	simm.s32 $0x2C00;
	s31 =	simm.s32 $0xD600;
	s8 =	simm.s32 $0x0  }
0x9c: {  	[tilespmem:s31], [sflag:$0x6] =	stream.indirect.gather [hbm4b:s6+s15], $0x10, s16, s15, $0xb8;
	[tilespmem:$0x1D600] =	vst v63  }
0x9d: {  	v4 =	vld [tilespmem:s8+$0x800];
	_ =	sdelay $0x1  }
0x9e: {  	v5 =	vld [tilespmem:s8+$0x600];
	_ =	sdelay $0x2  }
0x9f: {  	v4 =	vmul.f32 $3.200000000e+01, v4;
	_ =	sdelay $0x1  }
0xa0: {  	v5 =	vmul.f32 $3.200000000e+01, v5;
	v4 =	vadd.f32 $-5.000000000e-01, v4;
	_ =	sdelay $0x1  }
0xa1: {  	v6 =	vadd.f32 $-5.000000000e-01, v5;
	v5 =	vadd.f32 $1.000000000e+00, v4  }
0xa2: {  	s0 =	simm.s32 $0x10;
	v7 =	vld [tilespmem:s8+$0x2000]  }
0xa3: {  	v8 =	vld [tilespmem:s0+$0x800];
	v9 =	vadd.f32 $1.000000000e+00, v6;
	v5 =	vtrunc.f32 v5  }
0xa4: {  	v10 =	vld [tilespmem:s0+$0x600];
	v5 =	vcvt.f32.s32 v5  }
0xa5: {  	v9 =	vtrunc.f32 v9  }
0xa6: {  	v11 =	vld [tilespmem:s8+$0xA00];
	v9 =	vcvt.f32.s32 v9;
	v5 =	vadd.s32 $0xFFFFFFFF, v5  }
0xa7: {  	v7 =	vshll.u32 v7, $0xA;
	vm13 =	vgt.s32 v5, $0x0  }
0xa8: {  	v8 =	vmul.f32 $3.200000000e+01, v8;
	v9 =	vadd.s32 $0xFFFFFFFF, v9;
	v5 =	vnsel vm13, $0x0, v5  }
0xa9: {  	v10 =	vmul.f32 $3.200000000e+01, v10;
	vm14 =	vgt.s32 v9, $0x0;
	v12 =	vmin.u32 v5, $0x1E  }
0xaa: {  	v5 =	vadd.f32 $-5.000000000e-01, v8;
	v8 =	vnsel vm14, $0x0, v9;
	v9 =	vshll.u32 v12, $0x5  }
0xab: {  	vm15 =	vgt.f32 v11, $5.000000000e-01;
	v13 =	vmin.u32 v8, $0x1E;
	v8 =	vor.u32 v7, v9  }
0xac: {  	v7 =	vadd.f32 $-5.000000000e-01, v10;
	v9 =	vadd.f32 $1.000000000e+00, v5;
	v14 =	vor.u32 v13, v8  }
0xad: {  	s13 =	simm.s32 $0x20;
	s1 =	simm.s32 $0xC0;
	v11 =	vcvt.s32.f32 v13;
	v10 =	vcvt.s32.f32 v12;
	v8 =	vld [tilespmem:s0+$0x2000];
	v12 =	vnsel vm15, $0x1800, v14  }
.LBB2_7:
0xae: {  	p0 =	sne.s32 s1, $0x7C0;
	v13 =	vld [tilespmem:s13+$0x800];
	v14 =	vadd.f32 $1.000000000e+00, v7;
	v9 =	vtrunc.f32 v9;
	[tilespmem:s8+$0x2400] =	vst v12;
	v12 =	vadd.s32 $0x20, v12  }
0xaf: {  	v15 =	vld [tilespmem:s13+$0x600];
	v9 =	vcvt.f32.s32 v9;
	v11 =	vsub.f32 v6, v11;
	v10 =	vsub.f32 v4, v10;
	[tilespmem:s8+$0x2E00] =	vst v12;
	v4 =	vmovc v5  }
0xb0: {  	v6 =	vmov v7;
	v5 =	vtrunc.f32 v14  }
0xb1: {  	v7 =	vld [tilespmem:s0+$0xA00];
	v5 =	vcvt.f32.s32 v5;
	v9 =	vadd.s32 $0xFFFFFFFF, v9;
	v11 =	vclamp.gez.f32 v11, $1.000000000e+00  }
0xb2: {  	v10 =	vclamp.gez.f32 v10, $1.000000000e+00;
	vm0 =	vgt.s32 v9, $0x0;
	v8 =	vshll.u32 v8, $0xA;
	[tilespmem:s8+$0xE00] =	vst v11  }
0xb3: {  	v11 =	vmul.f32 $3.200000000e+01, v13;
	v12 =	vadd.s32 $0xFFFFFFFF, v5;
	v5 =	vnsel vm0, $0x0, v9;
	[tilespmem:s8+$0x1800] =	vst v10;
	s8 =	smov.u32 s0;
	s0 =	smov.u32 s13  }
.Ltmp2:
0xb4: {  	v9 =	vmul.f32 $3.200000000e+01, v15;
	vm0 =	vgt.s32 v12, $0x0;
	v10 =	vmin.u32 v5, $0x1E;
	(pc) =	sbr.rel @p0 .LBB2_7-.Ltmp2, $4  }
0xb5: {  	v5 =	vadd.f32 $-5.000000000e-01, v11;
	v11 =	vnsel vm0, $0x0, v12;
	v12 =	vshll.u32 v10, $0x5  }
0xb6: {  	v11 =	vmin.u32 v11, $0x1E;
	v8 =	vor.u32 v8, v12;
	vm0 =	vgt.f32 v7, $5.000000000e-01  }
0xb7: {  	v7 =	vadd.f32 $-5.000000000e-01, v9;
	v9 =	vadd.f32 $1.000000000e+00, v5;
	v12 =	vor.u32 v11, v8  }
0xb8: {  	s13 =	sshra.s32 s1, $0x2;
	s1 =	sadd.s32 $0x40, s1;
	v10 =	vcvt.s32.f32 v10;
	v11 =	vcvt.s32.f32 v11;
	v8 =	vld [tilespmem:s0+$0x2000];
	v12 =	vnsel vm0, $0x1800, v12  }
0xb9: {  	v13 =	vld [tilespmem:s13+$0x800]  }
0xba: {  	[tilespmem:s8+$0x2400] =	vst v12;
	v14 =	vadd.f32 $1.000000000e+00, v7;
	v9 =	vtrunc.f32 v9  }
0xbb: {  	v15 =	vld [tilespmem:s13+$0x600];
	v9 =	vcvt.f32.s32 v9  }
0xbc: {  	v12 =	vadd.s32 $0x20, v12;
	v6 =	vsub.f32 v6, v11;
	v11 =	vtrunc.f32 v14  }
0xbd: {  	v4 =	vsub.f32 v4, v10;
	[tilespmem:s8+$0x2E00] =	vst v12;
	v10 =	vcvt.f32.s32 v11;
	v9 =	vadd.s32 $0xFFFFFFFF, v9  }
0xbe: {  	v12 =	vld [tilespmem:s0+$0xA00];
	v6 =	vclamp.gez.f32 v6, $1.000000000e+00;
	vm0 =	vgt.s32 v9, $0x0;
	v11 =	vmul.f32 $3.200000000e+01, v13  }
0xbf: {  	v4 =	vclamp.gez.f32 v4, $1.000000000e+00;
	v10 =	vadd.s32 $0xFFFFFFFF, v10;
	v9 =	vnsel vm0, $0x0, v9  }
0xc0: {  	v13 =	vmul.f32 $3.200000000e+01, v15;
	vm8 =	vgt.s32 v10, $0x0;
	v11 =	vadd.f32 $-5.000000000e-01, v11  }
0xc1: {  	v8 =	vshll.u32 v8, $0xA;
	v9 =	vmin.u32 v9, $0x1E;
	v10 =	vnsel vm8, $0x0, v10  }
0xc2: {  	v14 =	vshll.u32 v9, $0x5;
	v13 =	vadd.f32 $-5.000000000e-01, v13;
	v15 =	vadd.f32 $1.000000000e+00, v11  }
0xc3: {  	[tilespmem:s8+$0xE00] =	vst v6;
	vm9 =	vgt.f32 v12, $5.000000000e-01;
	v6 =	vmin.u32 v10, $0x1E;
	v8 =	vor.u32 v8, v14  }
0xc4: {  	[tilespmem:s8+$0x1800] =	vst v4;
	v4 =	vor.u32 v6, v8;
	v10 =	vadd.f32 $1.000000000e+00, v13;
	v8 =	vtrunc.f32 v15  }
0xc5: {  	v12 =	vld [tilespmem:s13+$0x2000];
	v9 =	vcvt.s32.f32 v9;
	v4 =	vnsel vm9, $0x1800, v4;
	v8 =	vcvt.f32.s32 v8  }
0xc6: {  	v6 =	vcvt.s32.f32 v6;
	[tilespmem:s0+$0x2400] =	vst v4;
	v4 =	vadd.s32 $0x20, v4;
	v10 =	vtrunc.f32 v10  }
0xc7: {  	v5 =	vsub.f32 v5, v9;
	[tilespmem:s0+$0x2E00] =	vst v4;
	v10 =	vcvt.f32.s32 v10;
	v4 =	vadd.s32 $0xFFFFFFFF, v8  }
0xc8: {  	v6 =	vsub.f32 v7, v6;
	v7 =	vld [tilespmem:s13+$0xA00];
	vm10 =	vgt.s32 v4, $0x0  }
0xc9: {  	v5 =	vclamp.gez.f32 v5, $1.000000000e+00;
	v8 =	vadd.s32 $0xFFFFFFFF, v10;
	v4 =	vnsel vm10, $0x0, v4  }
0xca: {  	v9 =	vshll.u32 v12, $0xA;
	vm11 =	vgt.s32 v8, $0x0;
	v4 =	vmin.u32 v4, $0x1E  }
0xcb: {  	v6 =	vclamp.gez.f32 v6, $1.000000000e+00;
	v8 =	vnsel vm11, $0x0, v8;
	v10 =	vshll.u32 v4, $0x5  }
0xcc: {  	v8 =	vmin.u32 v8, $0x1E;
	v4 =	vcvt.s32.f32 v4;
	v9 =	vor.u32 v9, v10  }
0xcd: {  	[tilespmem:s0+$0xE00] =	vst v6;
	vm12 =	vgt.f32 v7, $5.000000000e-01;
	v10 =	vcvt.s32.f32 v8;
	v6 =	vor.u32 v8, v9  }
0xce: {  	[tilespmem:s0+$0x1800] =	vst v5;
	v4 =	vsub.f32 v11, v4;
	v5 =	vnsel vm12, $0x1800, v6  }
0xcf: {  	v6 =	vsub.f32 v13, v10;
	[tilespmem:s13+$0x2400] =	vst v5;
	v5 =	vadd.s32 $0x20, v5  }
0xd0: {  	v4 =	vclamp.gez.f32 v4, $1.000000000e+00;
	[tilespmem:s13+$0x2E00] =	vst v5  }
0xd1: {  	v5 =	vclamp.gez.f32 v6, $1.000000000e+00;
	[tilespmem:s13+$0x1800] =	vst v4  }
0xd2: {  	s1 =	simm.s32 $0x5600;
	[tilespmem:s13+$0xE00] =	vst v5;
	s13 =	simm.s32 $0x2400  }
0xd3: {  	[tilespmem:s1], [sflag:$0x2] =	stream.indirect.gather [hbm4b:s7+s15], $0x10, s13, s15, $0xb8;
	[tilespmem:$0x1D600] =	vst v63  }
0xd4: {  	s16 =	simm.s32 $0x2E00;
	s31 =	simm.s32 $0xF600;
	s8 =	simm.s32 $0x0  }
0xd5: {  	[tilespmem:s31], [sflag:$0x7] =	stream.indirect.gather [hbm4b:s7+s15], $0x10, s16, s15, $0xb8;
	[tilespmem:$0x1D600] =	vst v63  }
0xd6: {  	v4 =	vld [tilespmem:s8+$0x800];
	_ =	sdelay $0x1  }
0xd7: {  	v5 =	vld [tilespmem:s8+$0x600];
	_ =	sdelay $0x2  }
0xd8: {  	v4 =	vmul.f32 $6.400000000e+01, v4;
	_ =	sdelay $0x1  }
0xd9: {  	v5 =	vmul.f32 $6.400000000e+01, v5;
	v4 =	vadd.f32 $-5.000000000e-01, v4;
	_ =	sdelay $0x1  }
0xda: {  	v6 =	vadd.f32 $-5.000000000e-01, v5;
	v5 =	vadd.f32 $1.000000000e+00, v4  }
0xdb: {  	s0 =	simm.s32 $0x10;
	v7 =	vld [tilespmem:s8+$0x2000]  }
0xdc: {  	v8 =	vld [tilespmem:s0+$0x800];
	v9 =	vadd.f32 $1.000000000e+00, v6;
	v5 =	vtrunc.f32 v5  }
0xdd: {  	v10 =	vld [tilespmem:s0+$0x600];
	v5 =	vcvt.f32.s32 v5  }
0xde: {  	v9 =	vtrunc.f32 v9  }
0xdf: {  	v11 =	vld [tilespmem:s8+$0xA00];
	v9 =	vcvt.f32.s32 v9;
	v5 =	vadd.s32 $0xFFFFFFFF, v5  }
0xe0: {  	v7 =	vshll.u32 v7, $0xC;
	vm13 =	vgt.s32 v5, $0x0  }
0xe1: {  	v8 =	vmul.f32 $6.400000000e+01, v8;
	v9 =	vadd.s32 $0xFFFFFFFF, v9;
	v5 =	vnsel vm13, $0x0, v5  }
0xe2: {  	v10 =	vmul.f32 $6.400000000e+01, v10;
	vm14 =	vgt.s32 v9, $0x0;
	v12 =	vmin.u32 v5, $0x3E  }
0xe3: {  	v5 =	vadd.f32 $-5.000000000e-01, v8;
	v8 =	vnsel vm14, $0x0, v9;
	v9 =	vshll.u32 v12, $0x6  }
0xe4: {  	vm15 =	vgt.f32 v11, $5.000000000e-01;
	v13 =	vmin.u32 v8, $0x3E;
	v8 =	vor.u32 v7, v9  }
0xe5: {  	v7 =	vadd.f32 $-5.000000000e-01, v10;
	v9 =	vadd.f32 $1.000000000e+00, v5;
	v14 =	vor.u32 v13, v8  }
0xe6: {  	s13 =	simm.s32 $0x20;
	s1 =	simm.s32 $0xC0;
	v11 =	vcvt.s32.f32 v13;
	v10 =	vcvt.s32.f32 v12;
	v8 =	vld [tilespmem:s0+$0x2000];
	v12 =	vnsel vm15, $0x6000, v14  }
.LBB2_9:
0xe7: {  	p0 =	sne.s32 s1, $0x7C0;
	v13 =	vld [tilespmem:s13+$0x800];
	v14 =	vadd.f32 $1.000000000e+00, v7;
	v9 =	vtrunc.f32 v9;
	[tilespmem:s8+$0x2600] =	vst v12;
	v12 =	vadd.s32 $0x40, v12  }
0xe8: {  	v15 =	vld [tilespmem:s13+$0x600];
	v9 =	vcvt.f32.s32 v9;
	v11 =	vsub.f32 v6, v11;
	v10 =	vsub.f32 v4, v10;
	[tilespmem:s8+$0x3000] =	vst v12;
	v4 =	vmovc v5  }
0xe9: {  	v6 =	vmov v7;
	v5 =	vtrunc.f32 v14  }
0xea: {  	v7 =	vld [tilespmem:s0+$0xA00];
	v5 =	vcvt.f32.s32 v5;
	v9 =	vadd.s32 $0xFFFFFFFF, v9;
	v11 =	vclamp.gez.f32 v11, $1.000000000e+00  }
0xeb: {  	v10 =	vclamp.gez.f32 v10, $1.000000000e+00;
	vm0 =	vgt.s32 v9, $0x0;
	v8 =	vshll.u32 v8, $0xC;
	[tilespmem:s8+$0x1000] =	vst v11  }
0xec: {  	v11 =	vmul.f32 $6.400000000e+01, v13;
	v12 =	vadd.s32 $0xFFFFFFFF, v5;
	v5 =	vnsel vm0, $0x0, v9;
	[tilespmem:s8+$0x1A00] =	vst v10;
	s8 =	smov.u32 s0;
	s0 =	smov.u32 s13  }
.Ltmp3:
0xed: {  	v9 =	vmul.f32 $6.400000000e+01, v15;
	vm0 =	vgt.s32 v12, $0x0;
	v10 =	vmin.u32 v5, $0x3E;
	(pc) =	sbr.rel @p0 .LBB2_9-.Ltmp3, $4  }
0xee: {  	v5 =	vadd.f32 $-5.000000000e-01, v11;
	v11 =	vnsel vm0, $0x0, v12;
	v12 =	vshll.u32 v10, $0x6  }
0xef: {  	v11 =	vmin.u32 v11, $0x3E;
	v8 =	vor.u32 v8, v12;
	vm0 =	vgt.f32 v7, $5.000000000e-01  }
0xf0: {  	v7 =	vadd.f32 $-5.000000000e-01, v9;
	v9 =	vadd.f32 $1.000000000e+00, v5;
	v12 =	vor.u32 v11, v8  }
0xf1: {  	s13 =	sshra.s32 s1, $0x2;
	s1 =	sadd.s32 $0x40, s1;
	v10 =	vcvt.s32.f32 v10;
	v11 =	vcvt.s32.f32 v11;
	v8 =	vld [tilespmem:s0+$0x2000];
	v12 =	vnsel vm0, $0x6000, v12  }
0xf2: {  	v13 =	vld [tilespmem:s13+$0x800]  }
0xf3: {  	[tilespmem:s8+$0x2600] =	vst v12;
	v14 =	vadd.f32 $1.000000000e+00, v7;
	v9 =	vtrunc.f32 v9  }
0xf4: {  	v15 =	vld [tilespmem:s13+$0x600];
	v9 =	vcvt.f32.s32 v9  }
0xf5: {  	v12 =	vadd.s32 $0x40, v12;
	v6 =	vsub.f32 v6, v11;
	v11 =	vtrunc.f32 v14  }
0xf6: {  	v4 =	vsub.f32 v4, v10;
	[tilespmem:s8+$0x3000] =	vst v12;
	v10 =	vcvt.f32.s32 v11;
	v9 =	vadd.s32 $0xFFFFFFFF, v9  }
0xf7: {  	v12 =	vld [tilespmem:s0+$0xA00];
	v6 =	vclamp.gez.f32 v6, $1.000000000e+00;
	vm0 =	vgt.s32 v9, $0x0;
	v11 =	vmul.f32 $6.400000000e+01, v13  }
0xf8: {  	v4 =	vclamp.gez.f32 v4, $1.000000000e+00;
	v10 =	vadd.s32 $0xFFFFFFFF, v10;
	v9 =	vnsel vm0, $0x0, v9  }
0xf9: {  	v13 =	vmul.f32 $6.400000000e+01, v15;
	vm8 =	vgt.s32 v10, $0x0;
	v11 =	vadd.f32 $-5.000000000e-01, v11  }
0xfa: {  	v8 =	vshll.u32 v8, $0xC;
	v9 =	vmin.u32 v9, $0x3E;
	v10 =	vnsel vm8, $0x0, v10  }
0xfb: {  	v14 =	vshll.u32 v9, $0x6;
	v13 =	vadd.f32 $-5.000000000e-01, v13;
	v15 =	vadd.f32 $1.000000000e+00, v11  }
0xfc: {  	[tilespmem:s8+$0x1000] =	vst v6;
	vm9 =	vgt.f32 v12, $5.000000000e-01;
	v6 =	vmin.u32 v10, $0x3E;
	v8 =	vor.u32 v8, v14  }
0xfd: {  	[tilespmem:s8+$0x1A00] =	vst v4;
	v4 =	vor.u32 v6, v8;
	v10 =	vadd.f32 $1.000000000e+00, v13;
	v8 =	vtrunc.f32 v15  }
0xfe: {  	v12 =	vld [tilespmem:s13+$0x2000];
	v9 =	vcvt.s32.f32 v9;
	v4 =	vnsel vm9, $0x6000, v4;
	v8 =	vcvt.f32.s32 v8  }
0xff: {  	v6 =	vcvt.s32.f32 v6;
	[tilespmem:s0+$0x2600] =	vst v4;
	v4 =	vadd.s32 $0x40, v4;
	v10 =	vtrunc.f32 v10  }
0x100: {  	v5 =	vsub.f32 v5, v9;
	[tilespmem:s0+$0x3000] =	vst v4;
	v10 =	vcvt.f32.s32 v10;
	v4 =	vadd.s32 $0xFFFFFFFF, v8  }
0x101: {  	v6 =	vsub.f32 v7, v6;
	v7 =	vld [tilespmem:s13+$0xA00];
	vm10 =	vgt.s32 v4, $0x0  }
0x102: {  	v5 =	vclamp.gez.f32 v5, $1.000000000e+00;
	v8 =	vadd.s32 $0xFFFFFFFF, v10;
	v4 =	vnsel vm10, $0x0, v4  }
0x103: {  	v9 =	vshll.u32 v12, $0xC;
	vm11 =	vgt.s32 v8, $0x0;
	v4 =	vmin.u32 v4, $0x3E  }
0x104: {  	v6 =	vclamp.gez.f32 v6, $1.000000000e+00;
	v8 =	vnsel vm11, $0x0, v8;
	v10 =	vshll.u32 v4, $0x6  }
0x105: {  	v8 =	vmin.u32 v8, $0x3E;
	v4 =	vcvt.s32.f32 v4;
	v9 =	vor.u32 v9, v10  }
0x106: {  	[tilespmem:s0+$0x1000] =	vst v6;
	vm12 =	vgt.f32 v7, $5.000000000e-01;
	v10 =	vcvt.s32.f32 v8;
	v6 =	vor.u32 v8, v9  }
0x107: {  	[tilespmem:s0+$0x1A00] =	vst v5;
	v4 =	vsub.f32 v11, v4;
	v5 =	vnsel vm12, $0x6000, v6  }
0x108: {  	v6 =	vsub.f32 v13, v10;
	[tilespmem:s13+$0x2600] =	vst v5;
	v5 =	vadd.s32 $0x40, v5  }
0x109: {  	v4 =	vclamp.gez.f32 v4, $1.000000000e+00;
	[tilespmem:s13+$0x3000] =	vst v5  }
0x10a: {  	v5 =	vclamp.gez.f32 v6, $1.000000000e+00;
	[tilespmem:s13+$0x1A00] =	vst v4  }
0x10b: {  	s1 =	simm.s32 $0x7600;
	[tilespmem:s13+$0x1000] =	vst v5;
	s13 =	simm.s32 $0x2600  }
0x10c: {  	[tilespmem:s1], [sflag:$0x3] =	stream.indirect.gather [hbm4b:s9+s15], $0x10, s13, s15, $0xb8;
	[tilespmem:$0x1D600] =	vst v63  }
0x10d: {  	s16 =	simm.s32 $0x3000;
	s31 =	simm.s32 $0x11600;
	s8 =	simm.s32 $0x0  }
0x10e: {  	[tilespmem:s31], [sflag:$0x8] =	stream.indirect.gather [hbm4b:s9+s15], $0x10, s16, s15, $0xb8;
	[tilespmem:$0x1D600] =	vst v63  }
0x10f: {  	v4 =	vld [tilespmem:s8+$0x800];
	_ =	sdelay $0x1  }
0x110: {  	v5 =	vld [tilespmem:s8+$0x600];
	_ =	sdelay $0x2  }
0x111: {  	v4 =	vmul.f32 $1.280000000e+02, v4;
	_ =	sdelay $0x1  }
0x112: {  	v5 =	vmul.f32 $1.280000000e+02, v5;
	v4 =	vadd.f32 $-5.000000000e-01, v4;
	_ =	sdelay $0x1  }
0x113: {  	v6 =	vadd.f32 $-5.000000000e-01, v5;
	v5 =	vadd.f32 $1.000000000e+00, v4  }
0x114: {  	s0 =	simm.s32 $0x10;
	v7 =	vld [tilespmem:s8+$0x2000]  }
0x115: {  	v8 =	vld [tilespmem:s0+$0x800];
	v9 =	vadd.f32 $1.000000000e+00, v6;
	v5 =	vtrunc.f32 v5  }
0x116: {  	v10 =	vld [tilespmem:s0+$0x600];
	v5 =	vcvt.f32.s32 v5  }
0x117: {  	v9 =	vtrunc.f32 v9  }
0x118: {  	v11 =	vld [tilespmem:s8+$0xA00];
	v9 =	vcvt.f32.s32 v9;
	v5 =	vadd.s32 $0xFFFFFFFF, v5  }
0x119: {  	v7 =	vshll.u32 v7, $0xE;
	vm13 =	vgt.s32 v5, $0x0  }
0x11a: {  	v8 =	vmul.f32 $1.280000000e+02, v8;
	v9 =	vadd.s32 $0xFFFFFFFF, v9;
	v5 =	vnsel vm13, $0x0, v5  }
0x11b: {  	v10 =	vmul.f32 $1.280000000e+02, v10;
	vm14 =	vgt.s32 v9, $0x0;
	v12 =	vmin.u32 v5, $0x7E  }
0x11c: {  	v5 =	vadd.f32 $-5.000000000e-01, v8;
	v8 =	vnsel vm14, $0x0, v9;
	v9 =	vshll.u32 v12, $0x7  }
0x11d: {  	vm15 =	vgt.f32 v11, $5.000000000e-01;
	v13 =	vmin.u32 v8, $0x7E;
	v8 =	vor.u32 v7, v9  }
0x11e: {  	v7 =	vadd.f32 $-5.000000000e-01, v10;
	v9 =	vadd.f32 $1.000000000e+00, v5;
	v14 =	vor.u32 v13, v8  }
0x11f: {  	s13 =	simm.s32 $0x20;
	s1 =	simm.s32 $0xC0;
	v11 =	vcvt.s32.f32 v13;
	v10 =	vcvt.s32.f32 v12;
	v8 =	vld [tilespmem:s0+$0x2000];
	v12 =	vnsel vm15, $0x18000, v14  }
.LBB2_11:
0x120: {  	p0 =	sne.s32 s1, $0x7C0;
	v13 =	vld [tilespmem:s13+$0x800];
	v14 =	vadd.f32 $1.000000000e+00, v7;
	v9 =	vtrunc.f32 v9;
	[tilespmem:s8+$0x2800] =	vst v12;
	v12 =	vadd.s32 $0x80, v12  }
0x121: {  	v15 =	vld [tilespmem:s13+$0x600];
	v9 =	vcvt.f32.s32 v9;
	v11 =	vsub.f32 v6, v11;
	v10 =	vsub.f32 v4, v10;
	[tilespmem:s8+$0x3200] =	vst v12;
	v4 =	vmovc v5  }
0x122: {  	v6 =	vmov v7;
	v5 =	vtrunc.f32 v14  }
0x123: {  	v7 =	vld [tilespmem:s0+$0xA00];
	v5 =	vcvt.f32.s32 v5;
	v9 =	vadd.s32 $0xFFFFFFFF, v9;
	v11 =	vclamp.gez.f32 v11, $1.000000000e+00  }
0x124: {  	v10 =	vclamp.gez.f32 v10, $1.000000000e+00;
	vm0 =	vgt.s32 v9, $0x0;
	v8 =	vshll.u32 v8, $0xE;
	[tilespmem:s8+$0x1200] =	vst v11  }
0x125: {  	v11 =	vmul.f32 $1.280000000e+02, v13;
	v12 =	vadd.s32 $0xFFFFFFFF, v5;
	v5 =	vnsel vm0, $0x0, v9;
	[tilespmem:s8+$0x1C00] =	vst v10;
	s8 =	smov.u32 s0;
	s0 =	smov.u32 s13  }
.Ltmp4:
0x126: {  	v9 =	vmul.f32 $1.280000000e+02, v15;
	vm0 =	vgt.s32 v12, $0x0;
	v10 =	vmin.u32 v5, $0x7E;
	(pc) =	sbr.rel @p0 .LBB2_11-.Ltmp4, $4  }
0x127: {  	v5 =	vadd.f32 $-5.000000000e-01, v11;
	v11 =	vnsel vm0, $0x0, v12;
	v12 =	vshll.u32 v10, $0x7  }
0x128: {  	v11 =	vmin.u32 v11, $0x7E;
	v8 =	vor.u32 v8, v12;
	vm0 =	vgt.f32 v7, $5.000000000e-01  }
0x129: {  	v7 =	vadd.f32 $-5.000000000e-01, v9;
	v9 =	vadd.f32 $1.000000000e+00, v5;
	v12 =	vor.u32 v11, v8  }
0x12a: {  	s13 =	sshra.s32 s1, $0x2;
	s1 =	sadd.s32 $0x40, s1;
	v10 =	vcvt.s32.f32 v10;
	v11 =	vcvt.s32.f32 v11;
	v8 =	vld [tilespmem:s0+$0x2000];
	v12 =	vnsel vm0, $0x18000, v12  }
0x12b: {  	v13 =	vld [tilespmem:s13+$0x800]  }
0x12c: {  	[tilespmem:s8+$0x2800] =	vst v12;
	v14 =	vadd.f32 $1.000000000e+00, v7;
	v9 =	vtrunc.f32 v9  }
0x12d: {  	v15 =	vld [tilespmem:s13+$0x600];
	v9 =	vcvt.f32.s32 v9  }
0x12e: {  	v12 =	vadd.s32 $0x80, v12;
	v6 =	vsub.f32 v6, v11;
	v11 =	vtrunc.f32 v14  }
0x12f: {  	v4 =	vsub.f32 v4, v10;
	[tilespmem:s8+$0x3200] =	vst v12;
	v10 =	vcvt.f32.s32 v11;
	v9 =	vadd.s32 $0xFFFFFFFF, v9  }
0x130: {  	v12 =	vld [tilespmem:s0+$0xA00];
	v6 =	vclamp.gez.f32 v6, $1.000000000e+00;
	vm0 =	vgt.s32 v9, $0x0;
	v11 =	vmul.f32 $1.280000000e+02, v13  }
0x131: {  	v4 =	vclamp.gez.f32 v4, $1.000000000e+00;
	v10 =	vadd.s32 $0xFFFFFFFF, v10;
	v9 =	vnsel vm0, $0x0, v9  }
0x132: {  	v13 =	vmul.f32 $1.280000000e+02, v15;
	vm8 =	vgt.s32 v10, $0x0;
	v11 =	vadd.f32 $-5.000000000e-01, v11  }
0x133: {  	v8 =	vshll.u32 v8, $0xE;
	v9 =	vmin.u32 v9, $0x7E;
	v10 =	vnsel vm8, $0x0, v10  }
0x134: {  	v14 =	vshll.u32 v9, $0x7;
	v13 =	vadd.f32 $-5.000000000e-01, v13;
	v15 =	vadd.f32 $1.000000000e+00, v11  }
0x135: {  	[tilespmem:s8+$0x1200] =	vst v6;
	vm9 =	vgt.f32 v12, $5.000000000e-01;
	v6 =	vmin.u32 v10, $0x7E;
	v8 =	vor.u32 v8, v14  }
0x136: {  	[tilespmem:s8+$0x1C00] =	vst v4;
	v4 =	vor.u32 v6, v8;
	v10 =	vadd.f32 $1.000000000e+00, v13;
	v8 =	vtrunc.f32 v15  }
0x137: {  	v12 =	vld [tilespmem:s13+$0x2000];
	v9 =	vcvt.s32.f32 v9;
	v4 =	vnsel vm9, $0x18000, v4;
	v8 =	vcvt.f32.s32 v8  }
0x138: {  	v6 =	vcvt.s32.f32 v6;
	[tilespmem:s0+$0x2800] =	vst v4;
	v4 =	vadd.s32 $0x80, v4;
	v10 =	vtrunc.f32 v10  }
0x139: {  	v5 =	vsub.f32 v5, v9;
	[tilespmem:s0+$0x3200] =	vst v4;
	v10 =	vcvt.f32.s32 v10;
	v4 =	vadd.s32 $0xFFFFFFFF, v8  }
0x13a: {  	v6 =	vsub.f32 v7, v6;
	v7 =	vld [tilespmem:s13+$0xA00];
	vm10 =	vgt.s32 v4, $0x0  }
0x13b: {  	v5 =	vclamp.gez.f32 v5, $1.000000000e+00;
	v8 =	vadd.s32 $0xFFFFFFFF, v10;
	v4 =	vnsel vm10, $0x0, v4  }
0x13c: {  	v9 =	vshll.u32 v12, $0xE;
	vm11 =	vgt.s32 v8, $0x0;
	v4 =	vmin.u32 v4, $0x7E  }
0x13d: {  	v6 =	vclamp.gez.f32 v6, $1.000000000e+00;
	v8 =	vnsel vm11, $0x0, v8;
	v10 =	vshll.u32 v4, $0x7  }
0x13e: {  	v8 =	vmin.u32 v8, $0x7E;
	v4 =	vcvt.s32.f32 v4;
	v9 =	vor.u32 v9, v10  }
0x13f: {  	[tilespmem:s0+$0x1200] =	vst v6;
	vm12 =	vgt.f32 v7, $5.000000000e-01;
	v10 =	vcvt.s32.f32 v8;
	v6 =	vor.u32 v8, v9  }
0x140: {  	[tilespmem:s0+$0x1C00] =	vst v5;
	v4 =	vsub.f32 v11, v4;
	v5 =	vnsel vm12, $0x18000, v6  }
0x141: {  	v6 =	vsub.f32 v13, v10;
	[tilespmem:s13+$0x2800] =	vst v5;
	v5 =	vadd.s32 $0x80, v5  }
0x142: {  	v4 =	vclamp.gez.f32 v4, $1.000000000e+00;
	[tilespmem:s13+$0x3200] =	vst v5  }
0x143: {  	v5 =	vclamp.gez.f32 v6, $1.000000000e+00;
	[tilespmem:s13+$0x1C00] =	vst v4  }
0x144: {  	s1 =	simm.s32 $0x9600;
	[tilespmem:s13+$0x1200] =	vst v5;
	s13 =	simm.s32 $0x2800  }
0x145: {  	[tilespmem:s1], [sflag:$0x4] =	stream.indirect.gather [hbm4b:s10+s15], $0x10, s13, s15, $0xb8;
	[tilespmem:$0x1D600] =	vst v63  }
0x146: {  	s16 =	simm.s32 $0x3200;
	s31 =	simm.s32 $0x13600;
	s8 =	simm.s32 $0x0  }
0x147: {  	[tilespmem:s31], [sflag:$0x9] =	stream.indirect.gather [hbm4b:s10+s15], $0x10, s16, s15, $0xb8;
	[tilespmem:$0x1D600] =	vst v63  }
0x148: {  	v4 =	vld [tilespmem:s8+$0x800];
	_ =	sdelay $0x1  }
0x149: {  	v5 =	vld [tilespmem:s8+$0x600];
	_ =	sdelay $0x2  }
0x14a: {  	v4 =	vmul.f32 $2.560000000e+02, v4;
	_ =	sdelay $0x1  }
0x14b: {  	v5 =	vmul.f32 $2.560000000e+02, v5;
	v4 =	vadd.f32 $-5.000000000e-01, v4;
	_ =	sdelay $0x1  }
0x14c: {  	v6 =	vadd.f32 $-5.000000000e-01, v5;
	v5 =	vadd.f32 $1.000000000e+00, v4  }
0x14d: {  	s0 =	simm.s32 $0x10;
	v7 =	vld [tilespmem:s8+$0x2000]  }
0x14e: {  	v8 =	vld [tilespmem:s0+$0x800];
	v9 =	vadd.f32 $1.000000000e+00, v6;
	v5 =	vtrunc.f32 v5  }
0x14f: {  	v10 =	vld [tilespmem:s0+$0x600];
	v5 =	vcvt.f32.s32 v5  }
0x150: {  	v9 =	vtrunc.f32 v9  }
0x151: {  	v11 =	vld [tilespmem:s8+$0xA00];
	v9 =	vcvt.f32.s32 v9;
	v5 =	vadd.s32 $0xFFFFFFFF, v5  }
0x152: {  	v7 =	vshll.u32 v7, $0x10;
	vm13 =	vgt.s32 v5, $0x0  }
0x153: {  	v8 =	vmul.f32 $2.560000000e+02, v8;
	v9 =	vadd.s32 $0xFFFFFFFF, v9;
	v5 =	vnsel vm13, $0x0, v5  }
0x154: {  	v10 =	vmul.f32 $2.560000000e+02, v10;
	vm14 =	vgt.s32 v9, $0x0;
	v12 =	vmin.u32 v5, $0xFE  }
0x155: {  	v5 =	vadd.f32 $-5.000000000e-01, v8;
	v8 =	vnsel vm14, $0x0, v9;
	v9 =	vshll.u32 v12, $0x8  }
0x156: {  	vm15 =	vgt.f32 v11, $5.000000000e-01;
	v13 =	vmin.u32 v8, $0xFE;
	v8 =	vor.u32 v7, v9  }
0x157: {  	v7 =	vadd.f32 $-5.000000000e-01, v10;
	v9 =	vadd.f32 $1.000000000e+00, v5;
	v14 =	vor.u32 v13, v8  }
0x158: {  	s13 =	simm.s32 $0x20;
	s1 =	simm.s32 $0xC0;
	v11 =	vcvt.s32.f32 v13;
	v10 =	vcvt.s32.f32 v12;
	v8 =	vld [tilespmem:s0+$0x2000];
	v12 =	vnsel vm15, $0x60000, v14  }
.LBB2_13:
0x159: {  	p0 =	sne.s32 s1, $0x7C0;
	v13 =	vld [tilespmem:s13+$0x800];
	v14 =	vadd.f32 $1.000000000e+00, v7;
	v9 =	vtrunc.f32 v9;
	[tilespmem:s8+$0x2A00] =	vst v12;
	v12 =	vadd.s32 $0x100, v12  }
0x15a: {  	v15 =	vld [tilespmem:s13+$0x600];
	v9 =	vcvt.f32.s32 v9;
	v11 =	vsub.f32 v6, v11;
	v10 =	vsub.f32 v4, v10;
	[tilespmem:s8+$0x3400] =	vst v12;
	v4 =	vmovc v5  }
0x15b: {  	v6 =	vmov v7;
	v5 =	vtrunc.f32 v14  }
0x15c: {  	v7 =	vld [tilespmem:s0+$0xA00];
	v5 =	vcvt.f32.s32 v5;
	v9 =	vadd.s32 $0xFFFFFFFF, v9;
	v11 =	vclamp.gez.f32 v11, $1.000000000e+00  }
0x15d: {  	v10 =	vclamp.gez.f32 v10, $1.000000000e+00;
	vm0 =	vgt.s32 v9, $0x0;
	v8 =	vshll.u32 v8, $0x10;
	[tilespmem:s8+$0x1400] =	vst v11  }
0x15e: {  	v11 =	vmul.f32 $2.560000000e+02, v13;
	v12 =	vadd.s32 $0xFFFFFFFF, v5;
	v5 =	vnsel vm0, $0x0, v9;
	[tilespmem:s8+$0x1E00] =	vst v10;
	s8 =	smov.u32 s0;
	s0 =	smov.u32 s13  }
.Ltmp5:
0x15f: {  	v9 =	vmul.f32 $2.560000000e+02, v15;
	vm0 =	vgt.s32 v12, $0x0;
	v10 =	vmin.u32 v5, $0xFE;
	(pc) =	sbr.rel @p0 .LBB2_13-.Ltmp5, $4  }
0x160: {  	v5 =	vadd.f32 $-5.000000000e-01, v11;
	v11 =	vnsel vm0, $0x0, v12;
	v12 =	vshll.u32 v10, $0x8  }
0x161: {  	v11 =	vmin.u32 v11, $0xFE;
	v8 =	vor.u32 v8, v12;
	vm0 =	vgt.f32 v7, $5.000000000e-01  }
0x162: {  	v7 =	vadd.f32 $-5.000000000e-01, v9;
	v9 =	vadd.f32 $1.000000000e+00, v5;
	v12 =	vor.u32 v11, v8  }
0x163: {  	s13 =	sshra.s32 s1, $0x2;
	s1 =	sadd.s32 $0x40, s1;
	v10 =	vcvt.s32.f32 v10;
	v11 =	vcvt.s32.f32 v11;
	v8 =	vld [tilespmem:s0+$0x2000];
	v12 =	vnsel vm0, $0x60000, v12  }
0x164: {  	v13 =	vld [tilespmem:s13+$0x800]  }
0x165: {  	[tilespmem:s8+$0x2A00] =	vst v12;
	v14 =	vadd.f32 $1.000000000e+00, v7;
	v9 =	vtrunc.f32 v9  }
0x166: {  	v15 =	vld [tilespmem:s13+$0x600];
	v9 =	vcvt.f32.s32 v9  }
0x167: {  	v46 =	vadd.s32 $0x100, v12;
	v6 =	vsub.f32 v6, v11;
	v47 =	vtrunc.f32 v14  }
0x168: {  	v4 =	vsub.f32 v4, v10;
	[tilespmem:s8+$0x3400] =	vst v46;
	v48 =	vcvt.f32.s32 v47;
	v9 =	vadd.s32 $0xFFFFFFFF, v9  }
0x169: {  	v12 =	vld [tilespmem:s0+$0xA00];
	v6 =	vclamp.gez.f32 v6, $1.000000000e+00;
	vm0 =	vgt.s32 v9, $0x0;
	v49 =	vmul.f32 $2.560000000e+02, v13  }
0x16a: {  	v4 =	vclamp.gez.f32 v4, $1.000000000e+00;
	v10 =	vadd.s32 $0xFFFFFFFF, v48;
	v9 =	vnsel vm0, $0x0, v9  }
0x16b: {  	v50 =	vmul.f32 $2.560000000e+02, v15;
	vm11 =	vgt.s32 v10, $0x0;
	v11 =	vadd.f32 $-5.000000000e-01, v49  }
0x16c: {  	v8 =	vshll.u32 v8, $0x10;
	[tilespmem:s8+$0x1400] =	vst v6;
	v9 =	vmin.u32 v9, $0xFE;
	v10 =	vnsel vm11, $0x0, v10  }
0x16d: {  	[tilespmem:s8+$0x1E00] =	vst v4;
	v51 =	vshll.u32 v9, $0x8;
	v13 =	vadd.f32 $-5.000000000e-01, v50;
	v52 =	vadd.f32 $1.000000000e+00, v11  }
0x16e: {  	v56 =	vld [tilespmem:s13+$0x2000];
	vm12 =	vgt.f32 v12, $5.000000000e-01;
	v53 =	vmin.u32 v10, $0xFE;
	v8 =	vor.u32 v8, v51  }
0x16f: {  	v4 =	vor.u32 v53, v8;
	v54 =	vadd.f32 $1.000000000e+00, v13;
	v55 =	vtrunc.f32 v52  }
0x170: {  	v4 =	vnsel vm12, $0x60000, v4;
	v8 =	vcvt.f32.s32 v55  }
0x171: {  	v9 =	vcvt.s32.f32 v9;
	[tilespmem:s0+$0x2A00] =	vst v4;
	v4 =	vadd.s32 $0x100, v4;
	v10 =	vtrunc.f32 v54  }
0x172: {  	v6 =	vcvt.s32.f32 v53;
	[tilespmem:s0+$0x3400] =	vst v4;
	v10 =	vcvt.f32.s32 v10;
	v4 =	vadd.s32 $0xFFFFFFFF, v8  }
0x173: {  	v5 =	vsub.f32 v5, v9;
	v59 =	vshll.u32 v56, $0x10;
	v57 =	vld [tilespmem:s13+$0xA00];
	vm13 =	vgt.s32 v4, $0x0  }
0x174: {  	v6 =	vsub.f32 v7, v6;
	v58 =	vadd.s32 $0xFFFFFFFF, v10;
	v4 =	vnsel vm13, $0x0, v4  }
0x175: {  	v5 =	vclamp.gez.f32 v5, $1.000000000e+00;
	vm14 =	vgt.s32 v58, $0x0;
	v4 =	vmin.u32 v4, $0xFE  }
0x176: {  	v6 =	vclamp.gez.f32 v6, $1.000000000e+00;
	v8 =	vnsel vm14, $0x0, v58;
	v60 =	vshll.u32 v4, $0x8  }
0x177: {  	v8 =	vmin.u32 v8, $0xFE;
	v4 =	vcvt.s32.f32 v4;
	v9 =	vor.u32 v59, v60  }
0x178: {  	[tilespmem:s0+$0x1E00] =	vst v5;
	vm15 =	vgt.f32 v57, $5.000000000e-01;
	v61 =	vcvt.s32.f32 v8;
	v62 =	vor.u32 v8, v9  }
0x179: {  	[tilespmem:s0+$0x1400] =	vst v6;
	v4 =	vsub.f32 v11, v4;
	v5 =	vnsel vm15, $0x60000, v62  }
0x17a: {  	v63 =	vsub.f32 v13, v61;
	[tilespmem:s13+$0x2A00] =	vst v5;
	v5 =	vadd.s32 $0x100, v5  }
0x17b: {  	v4 =	vclamp.gez.f32 v4, $1.000000000e+00;
	[tilespmem:s13+$0x3400] =	vst v5  }
0x17c: {  	v5 =	vclamp.gez.f32 v63, $1.000000000e+00;
	[tilespmem:s13+$0x1E00] =	vst v4  }
0x17d: {  	s1 =	simm.s32 $0xB600;
	[tilespmem:s13+$0x1400] =	vst v5;
	s13 =	simm.s32 $0x2A00  }
0x17e: {  	[tilespmem:s1], [sflag:$0x5] =	stream.indirect.gather [hbm4b:s11+s15], $0x10, s13, s15, $0xb8;
	[tilespmem:$0x1D600] =	vst v63  }
0x17f: {  	s16 =	simm.s32 $0x3400  }
0x180: {  	[tilespmem:s17], [sflag:$0xA] =	stream.indirect.gather [hbm4b:s11+s15], $0x10, s16, s15, $0xb8;
	[tilespmem:$0x1D600] =	vst v63  }
0x181: {  	_ =	swait.ge [sflag:s18], $0x2000  }
0x182: {  	[sflag:s18] =	ssyncset.done $0x0  }
0x183: {  	[sflag:s18] =	ssyncadd.s32 $0xFFFFE000  }
0x184: {  	_ =	swait.ge [sflag:s19], $0x2000  }
0x185: {  	s31 =	simm.s32 $0xD680;
	s8 =	simm.s32 $0x17780;
	[sflag:s19] =	ssyncset.done $0x0  }
0x186: {  	s0 =	simm.s32 $0x0;
	s13 =	simm.s32 $0x3680;
	[sflag:s19] =	ssyncadd.s32 $0xFFFFE000  }
.LBB2_15:
0x187: {  	v6 =	vld [tilespmem:s13+$0xFFFFFF80]  }
0x188: {  	s1 =	sshra.s32 s0, $0x2;
	v7 =	vld [tilespmem:s31+$0xFFFFFF80]  }
0x189: {  	v5 =	vld [tilespmem:s1+$0x1600];
	_ =	sdelay $0x3  }
0x18a: {  	v4 =	vld [tilespmem:s1+$0xC00]  }
0x18b: {  	v7 =	vsub.f32 v7, v6;
	v8 =	vbroadcast v5, $0x0;
	_ =	sdelay $0x1  }
0x18c: {  	v7 =	vmul.f32 v7, v8;
	_ =	sdelay $0x1  }
0x18d: {  	v57 =	vbroadcast v4, $0x0;
	v6 =	vadd.f32 v7, v6;
	_ =	sdelay $0x1  }
0x18e: {  	v7 =	vmul.f32 v2, v57;
	v58 =	vperm.xlane v6, v0;
	_ =	sdelay $0x1  }
0x18f: {  	v7 =	vadd.f32 v3, v7;
	v8 =	vsub.f32 v58, v6;
	_ =	sdelay $0x1  }
0x190: {  	v7 =	vmul.f32 v8, v7;
	_ =	sdelay $0x1  }
0x191: {  	v6 =	vadd.f32 v7, v6;
	_ =	sdelay $0x1  }
0x192: {  	[tilespmem:s8+$0xFFFFFE80] =	vst v6  }
0x193: {  	v6 =	vld [tilespmem:s13+$0xFFFFFF90]  }
0x194: {  	v59 =	vld [tilespmem:s31+$0xFFFFFF90];
	_ =	sdelay $0x4  }
0x195: {  	v60 =	vbroadcast v5, $0x1;
	v7 =	vsub.f32 v59, v6;
	_ =	sdelay $0x1  }
0x196: {  	v7 =	vmul.f32 v7, v60;
	_ =	sdelay $0x1  }
0x197: {  	v61 =	vbroadcast v4, $0x1;
	v6 =	vadd.f32 v7, v6;
	_ =	sdelay $0x1  }
0x198: {  	v7 =	vmul.f32 v2, v61;
	v62 =	vperm.xlane v6, v0;
	_ =	sdelay $0x1  }
0x199: {  	v7 =	vadd.f32 v3, v7;
	v8 =	vsub.f32 v62, v6;
	_ =	sdelay $0x1  }
0x19a: {  	v7 =	vmul.f32 v8, v7;
	_ =	sdelay $0x1  }
0x19b: {  	v6 =	vadd.f32 v7, v6;
	_ =	sdelay $0x1  }
0x19c: {  	[tilespmem:s8+$0xFFFFFEB0] =	vst v6  }
0x19d: {  	v6 =	vld [tilespmem:s13+$0xFFFFFFA0]  }
0x19e: {  	v63 =	vld [tilespmem:s31+$0xFFFFFFA0];
	_ =	sdelay $0x4  }
0x19f: {  	v12 =	vbroadcast v5, $0x2;
	v7 =	vsub.f32 v63, v6;
	_ =	sdelay $0x1  }
0x1a0: {  	v7 =	vmul.f32 v7, v12;
	_ =	sdelay $0x1  }
0x1a1: {  	v13 =	vbroadcast v4, $0x2;
	v6 =	vadd.f32 v7, v6;
	_ =	sdelay $0x1  }
0x1a2: {  	v7 =	vmul.f32 v2, v13;
	v14 =	vperm.xlane v6, v0;
	_ =	sdelay $0x1  }
0x1a3: {  	v7 =	vadd.f32 v3, v7;
	v8 =	vsub.f32 v14, v6;
	_ =	sdelay $0x1  }
0x1a4: {  	v7 =	vmul.f32 v8, v7;
	_ =	sdelay $0x1  }
0x1a5: {  	v6 =	vadd.f32 v7, v6;
	_ =	sdelay $0x1  }
0x1a6: {  	[tilespmem:s8+$0xFFFFFEE0] =	vst v6  }
0x1a7: {  	v6 =	vld [tilespmem:s13+$0xFFFFFFB0]  }
0x1a8: {  	v15 =	vld [tilespmem:s31+$0xFFFFFFB0];
	_ =	sdelay $0x4  }
0x1a9: {  	v16 =	vbroadcast v5, $0x3;
	v7 =	vsub.f32 v15, v6;
	_ =	sdelay $0x1  }
0x1aa: {  	v7 =	vmul.f32 v7, v16;
	_ =	sdelay $0x1  }
0x1ab: {  	v17 =	vbroadcast v4, $0x3;
	v6 =	vadd.f32 v7, v6;
	_ =	sdelay $0x1  }
0x1ac: {  	v7 =	vmul.f32 v2, v17;
	v18 =	vperm.xlane v6, v0;
	_ =	sdelay $0x1  }
0x1ad: {  	v7 =	vadd.f32 v3, v7;
	v8 =	vsub.f32 v18, v6;
	_ =	sdelay $0x1  }
0x1ae: {  	v7 =	vmul.f32 v8, v7;
	_ =	sdelay $0x1  }
0x1af: {  	v6 =	vadd.f32 v7, v6;
	_ =	sdelay $0x1  }
0x1b0: {  	[tilespmem:s8+$0xFFFFFF10] =	vst v6  }
0x1b1: {  	v6 =	vld [tilespmem:s13+$0xFFFFFFC0]  }
0x1b2: {  	v19 =	vld [tilespmem:s31+$0xFFFFFFC0];
	_ =	sdelay $0x4  }
0x1b3: {  	v20 =	vbroadcast v5, $0x4;
	v7 =	vsub.f32 v19, v6;
	_ =	sdelay $0x1  }
0x1b4: {  	v7 =	vmul.f32 v7, v20;
	_ =	sdelay $0x1  }
0x1b5: {  	v21 =	vbroadcast v4, $0x4;
	v6 =	vadd.f32 v7, v6;
	_ =	sdelay $0x1  }
0x1b6: {  	v7 =	vmul.f32 v2, v21;
	v22 =	vperm.xlane v6, v0;
	_ =	sdelay $0x1  }
0x1b7: {  	v7 =	vadd.f32 v3, v7;
	v8 =	vsub.f32 v22, v6;
	_ =	sdelay $0x1  }
0x1b8: {  	v7 =	vmul.f32 v8, v7;
	_ =	sdelay $0x1  }
0x1b9: {  	v6 =	vadd.f32 v7, v6;
	_ =	sdelay $0x1  }
0x1ba: {  	[tilespmem:s8+$0xFFFFFF40] =	vst v6  }
0x1bb: {  	v6 =	vld [tilespmem:s13+$0xFFFFFFD0]  }
0x1bc: {  	v23 =	vld [tilespmem:s31+$0xFFFFFFD0];
	_ =	sdelay $0x4  }
0x1bd: {  	v24 =	vbroadcast v5, $0x5;
	v7 =	vsub.f32 v23, v6;
	_ =	sdelay $0x1  }
0x1be: {  	v7 =	vmul.f32 v7, v24;
	_ =	sdelay $0x1  }
0x1bf: {  	v25 =	vbroadcast v4, $0x5;
	v6 =	vadd.f32 v7, v6;
	_ =	sdelay $0x1  }
0x1c0: {  	v7 =	vmul.f32 v2, v25;
	v26 =	vperm.xlane v6, v0;
	_ =	sdelay $0x1  }
0x1c1: {  	v7 =	vadd.f32 v3, v7;
	v8 =	vsub.f32 v26, v6;
	_ =	sdelay $0x1  }
0x1c2: {  	v7 =	vmul.f32 v8, v7;
	_ =	sdelay $0x1  }
0x1c3: {  	v6 =	vadd.f32 v7, v6;
	_ =	sdelay $0x1  }
0x1c4: {  	[tilespmem:s8+$0xFFFFFF70] =	vst v6  }
0x1c5: {  	v6 =	vld [tilespmem:s13+$0xFFFFFFE0]  }
0x1c6: {  	v27 =	vld [tilespmem:s31+$0xFFFFFFE0];
	_ =	sdelay $0x4  }
0x1c7: {  	v28 =	vbroadcast v5, $0x6;
	v7 =	vsub.f32 v27, v6;
	_ =	sdelay $0x1  }
0x1c8: {  	v7 =	vmul.f32 v7, v28;
	_ =	sdelay $0x1  }
0x1c9: {  	v29 =	vbroadcast v4, $0x6;
	v6 =	vadd.f32 v7, v6;
	_ =	sdelay $0x1  }
0x1ca: {  	v7 =	vmul.f32 v2, v29;
	v30 =	vperm.xlane v6, v0;
	_ =	sdelay $0x1  }
0x1cb: {  	v7 =	vadd.f32 v3, v7;
	v8 =	vsub.f32 v30, v6;
	_ =	sdelay $0x1  }
0x1cc: {  	v7 =	vmul.f32 v8, v7;
	_ =	sdelay $0x1  }
0x1cd: {  	v6 =	vadd.f32 v7, v6;
	_ =	sdelay $0x1  }
0x1ce: {  	[tilespmem:s8+$0xFFFFFFA0] =	vst v6  }
0x1cf: {  	v6 =	vld [tilespmem:s13+$0xFFFFFFF0]  }
0x1d0: {  	v31 =	vld [tilespmem:s31+$0xFFFFFFF0];
	_ =	sdelay $0x4  }
0x1d1: {  	v32 =	vbroadcast v5, $0x7;
	v7 =	vsub.f32 v31, v6;
	_ =	sdelay $0x1  }
0x1d2: {  	v7 =	vmul.f32 v7, v32;
	_ =	sdelay $0x1  }
0x1d3: {  	v33 =	vbroadcast v4, $0x7;
	v6 =	vadd.f32 v7, v6;
	_ =	sdelay $0x1  }
0x1d4: {  	v7 =	vmul.f32 v2, v33;
	v34 =	vperm.xlane v6, v0;
	_ =	sdelay $0x1  }
0x1d5: {  	v7 =	vadd.f32 v3, v7;
	v8 =	vsub.f32 v34, v6;
	_ =	sdelay $0x1  }
0x1d6: {  	v7 =	vmul.f32 v8, v7;
	_ =	sdelay $0x1  }
0x1d7: {  	v6 =	vadd.f32 v7, v6;
	_ =	sdelay $0x1  }
0x1d8: {  	[tilespmem:s8+$0xFFFFFFD0] =	vst v6  }
0x1d9: {  	v6 =	vld [tilespmem:s13+$0x0]  }
0x1da: {  	v35 =	vld [tilespmem:s31+$0x0];
	_ =	sdelay $0x4  }
0x1db: {  	v36 =	vbroadcast v5, $0x8;
	v7 =	vsub.f32 v35, v6;
	_ =	sdelay $0x1  }
0x1dc: {  	v7 =	vmul.f32 v7, v36;
	_ =	sdelay $0x1  }
0x1dd: {  	v37 =	vbroadcast v4, $0x8;
	v6 =	vadd.f32 v7, v6;
	_ =	sdelay $0x1  }
0x1de: {  	v7 =	vmul.f32 v2, v37;
	v38 =	vperm.xlane v6, v0;
	_ =	sdelay $0x1  }
0x1df: {  	v7 =	vadd.f32 v3, v7;
	v8 =	vsub.f32 v38, v6;
	_ =	sdelay $0x1  }
0x1e0: {  	v7 =	vmul.f32 v8, v7;
	_ =	sdelay $0x1  }
0x1e1: {  	v6 =	vadd.f32 v7, v6;
	_ =	sdelay $0x1  }
0x1e2: {  	[tilespmem:s8+$0x0] =	vst v6  }
0x1e3: {  	v6 =	vld [tilespmem:s13+$0x10]  }
0x1e4: {  	v39 =	vld [tilespmem:s31+$0x10];
	_ =	sdelay $0x4  }
0x1e5: {  	v40 =	vbroadcast v5, $0x9;
	v7 =	vsub.f32 v39, v6;
	_ =	sdelay $0x1  }
0x1e6: {  	v7 =	vmul.f32 v7, v40;
	_ =	sdelay $0x1  }
0x1e7: {  	v41 =	vbroadcast v4, $0x9;
	v6 =	vadd.f32 v7, v6;
	_ =	sdelay $0x1  }
0x1e8: {  	v7 =	vmul.f32 v2, v41;
	v42 =	vperm.xlane v6, v0;
	_ =	sdelay $0x1  }
0x1e9: {  	v7 =	vadd.f32 v3, v7;
	v8 =	vsub.f32 v42, v6;
	_ =	sdelay $0x1  }
0x1ea: {  	v7 =	vmul.f32 v8, v7;
	_ =	sdelay $0x1  }
0x1eb: {  	v6 =	vadd.f32 v7, v6;
	_ =	sdelay $0x1  }
0x1ec: {  	[tilespmem:s8+$0x30] =	vst v6  }
0x1ed: {  	v6 =	vld [tilespmem:s13+$0x20]  }
0x1ee: {  	v43 =	vld [tilespmem:s31+$0x20];
	_ =	sdelay $0x4  }
0x1ef: {  	v44 =	vbroadcast v5, $0xA;
	v7 =	vsub.f32 v43, v6;
	_ =	sdelay $0x1  }
0x1f0: {  	v7 =	vmul.f32 v7, v44;
	_ =	sdelay $0x1  }
0x1f1: {  	v45 =	vbroadcast v4, $0xA;
	v6 =	vadd.f32 v7, v6;
	_ =	sdelay $0x1  }
0x1f2: {  	v7 =	vmul.f32 v2, v45;
	v46 =	vperm.xlane v6, v0;
	_ =	sdelay $0x1  }
0x1f3: {  	v7 =	vadd.f32 v3, v7;
	v8 =	vsub.f32 v46, v6;
	_ =	sdelay $0x1  }
0x1f4: {  	v7 =	vmul.f32 v8, v7;
	_ =	sdelay $0x1  }
0x1f5: {  	v6 =	vadd.f32 v7, v6;
	_ =	sdelay $0x1  }
0x1f6: {  	[tilespmem:s8+$0x60] =	vst v6  }
0x1f7: {  	v6 =	vld [tilespmem:s13+$0x30]  }
0x1f8: {  	v47 =	vld [tilespmem:s31+$0x30];
	_ =	sdelay $0x4  }
0x1f9: {  	v48 =	vbroadcast v5, $0xB;
	v7 =	vsub.f32 v47, v6;
	_ =	sdelay $0x1  }
0x1fa: {  	v7 =	vmul.f32 v7, v48;
	_ =	sdelay $0x1  }
0x1fb: {  	v49 =	vbroadcast v4, $0xB;
	v6 =	vadd.f32 v7, v6;
	_ =	sdelay $0x1  }
0x1fc: {  	v7 =	vmul.f32 v2, v49;
	v50 =	vperm.xlane v6, v0;
	_ =	sdelay $0x1  }
0x1fd: {  	v7 =	vadd.f32 v3, v7;
	v8 =	vsub.f32 v50, v6;
	_ =	sdelay $0x1  }
0x1fe: {  	v7 =	vmul.f32 v8, v7;
	_ =	sdelay $0x1  }
0x1ff: {  	v6 =	vadd.f32 v7, v6;
	_ =	sdelay $0x1  }
0x200: {  	[tilespmem:s8+$0x90] =	vst v6  }
0x201: {  	v6 =	vld [tilespmem:s13+$0x40]  }
0x202: {  	v51 =	vld [tilespmem:s31+$0x40];
	_ =	sdelay $0x4  }
0x203: {  	v52 =	vbroadcast v5, $0xC;
	v7 =	vsub.f32 v51, v6;
	_ =	sdelay $0x1  }
0x204: {  	v7 =	vmul.f32 v7, v52;
	_ =	sdelay $0x1  }
0x205: {  	v53 =	vbroadcast v4, $0xC;
	v6 =	vadd.f32 v7, v6;
	_ =	sdelay $0x1  }
0x206: {  	v7 =	vmul.f32 v2, v53;
	v54 =	vperm.xlane v6, v0;
	_ =	sdelay $0x1  }
0x207: {  	v7 =	vadd.f32 v3, v7;
	v8 =	vsub.f32 v54, v6;
	_ =	sdelay $0x1  }
0x208: {  	v7 =	vmul.f32 v8, v7;
	_ =	sdelay $0x1  }
0x209: {  	v6 =	vadd.f32 v7, v6;
	_ =	sdelay $0x1  }
0x20a: {  	[tilespmem:s8+$0xC0] =	vst v6  }
0x20b: {  	v6 =	vld [tilespmem:s13+$0x50]  }
0x20c: {  	v55 =	vld [tilespmem:s31+$0x50];
	_ =	sdelay $0x4  }
0x20d: {  	v56 =	vbroadcast v5, $0xD;
	v7 =	vsub.f32 v55, v6;
	_ =	sdelay $0x1  }
0x20e: {  	v7 =	vmul.f32 v7, v56;
	_ =	sdelay $0x1  }
0x20f: {  	v57 =	vbroadcast v4, $0xD;
	v6 =	vadd.f32 v7, v6;
	_ =	sdelay $0x1  }
0x210: {  	v7 =	vmul.f32 v2, v57;
	v58 =	vperm.xlane v6, v0;
	_ =	sdelay $0x1  }
0x211: {  	v7 =	vadd.f32 v3, v7;
	v8 =	vsub.f32 v58, v6;
	_ =	sdelay $0x1  }
0x212: {  	v7 =	vmul.f32 v8, v7;
	_ =	sdelay $0x1  }
0x213: {  	v6 =	vadd.f32 v7, v6;
	_ =	sdelay $0x1  }
0x214: {  	[tilespmem:s8+$0xF0] =	vst v6  }
0x215: {  	v6 =	vld [tilespmem:s13+$0x60]  }
0x216: {  	v59 =	vld [tilespmem:s31+$0x60];
	_ =	sdelay $0x4  }
0x217: {  	v60 =	vbroadcast v5, $0xE;
	v7 =	vsub.f32 v59, v6;
	_ =	sdelay $0x1  }
0x218: {  	v7 =	vmul.f32 v7, v60;
	_ =	sdelay $0x1  }
0x219: {  	v61 =	vbroadcast v4, $0xE;
	v6 =	vadd.f32 v7, v6;
	_ =	sdelay $0x1  }
0x21a: {  	v7 =	vmul.f32 v2, v61;
	v62 =	vperm.xlane v6, v0;
	_ =	sdelay $0x1  }
0x21b: {  	v7 =	vadd.f32 v3, v7;
	v8 =	vsub.f32 v62, v6;
	_ =	sdelay $0x1  }
0x21c: {  	v7 =	vmul.f32 v8, v7;
	_ =	sdelay $0x1  }
0x21d: {  	v6 =	vadd.f32 v7, v6;
	_ =	sdelay $0x1  }
0x21e: {  	[tilespmem:s8+$0x120] =	vst v6  }
0x21f: {  	v6 =	vld [tilespmem:s13+$0x70]  }
0x220: {  	v63 =	vld [tilespmem:s31+$0x70];
	_ =	sdelay $0x4  }
0x221: {  	v5 =	vbroadcast v5, $0xF;
	v7 =	vsub.f32 v63, v6;
	_ =	sdelay $0x1  }
0x222: {  	v5 =	vmul.f32 v7, v5;
	_ =	sdelay $0x1  }
0x223: {  	v4 =	vbroadcast v4, $0xF;
	v5 =	vadd.f32 v5, v6;
	_ =	sdelay $0x1  }
0x224: {  	v4 =	vmul.f32 v2, v4;
	v6 =	vperm.xlane v5, v0;
	_ =	sdelay $0x1  }
0x225: {  	v4 =	vadd.f32 v3, v4;
	v6 =	vsub.f32 v6, v5  }
0x226: {  	p0 =	sne.s32 s0, $0x7C0  }
.Ltmp6:
0x227: {  	v4 =	vmul.f32 v6, v4;
	(pc) =	sbr.rel @p0 .LBB2_15-.Ltmp6, $4  }
0x228: {  	_ = 	snop  }
0x229: {  	v4 =	vadd.f32 v4, v5  }
0x22a: {  	s0 =	sadd.s32 $0x40, s0  }
0x22b: {  	s31 =	sadd.s32 $0x100, s31;
	s13 =	sadd.s32 $0x100, s13;
	[tilespmem:s8+$0x150] =	vst v4;
	s8 =	sadd.s32 $0x300, s8  }
0x22c: {  	_ =	swait.ge [sflag:s20], $0x2000  }
0x22d: {  	[sflag:s20] =	ssyncset.done $0x0  }
0x22e: {  	[sflag:s20] =	ssyncadd.s32 $0xFFFFE000  }
0x22f: {  	_ =	swait.ge [sflag:s21], $0x2000  }
0x230: {  	s0 =	simm.s32 $0x0;
	s31 =	simm.s32 $0xF680;
	[sflag:s21] =	ssyncset.done $0x0  }
0x231: {  	s8 =	simm.s32 $0x17788;
	s13 =	simm.s32 $0x5680;
	[sflag:s21] =	ssyncadd.s32 $0xFFFFE000  }
.LBB2_17:
0x232: {  	v6 =	vld [tilespmem:s13+$0xFFFFFF80]  }
0x233: {  	s1 =	sshra.s32 s0, $0x2;
	v7 =	vld [tilespmem:s31+$0xFFFFFF80]  }
0x234: {  	v5 =	vld [tilespmem:s1+$0x1800];
	_ =	sdelay $0x3  }
0x235: {  	v4 =	vld [tilespmem:s1+$0xE00]  }
0x236: {  	v7 =	vsub.f32 v7, v6;
	v8 =	vbroadcast v5, $0x0;
	_ =	sdelay $0x1  }
0x237: {  	v7 =	vmul.f32 v7, v8;
	_ =	sdelay $0x1  }
0x238: {  	v57 =	vbroadcast v4, $0x0;
	v6 =	vadd.f32 v7, v6;
	_ =	sdelay $0x1  }
0x239: {  	v7 =	vmul.f32 v2, v57;
	v58 =	vperm.xlane v6, v0;
	_ =	sdelay $0x1  }
0x23a: {  	v7 =	vadd.f32 v3, v7;
	v8 =	vsub.f32 v58, v6;
	_ =	sdelay $0x1  }
0x23b: {  	v7 =	vmul.f32 v8, v7;
	_ =	sdelay $0x1  }
0x23c: {  	v6 =	vadd.f32 v7, v6;
	_ =	sdelay $0x1  }
0x23d: {  	[tilespmem:s8+$0xFFFFFE80] =	vst v6  }
0x23e: {  	v6 =	vld [tilespmem:s13+$0xFFFFFF90]  }
0x23f: {  	v59 =	vld [tilespmem:s31+$0xFFFFFF90];
	_ =	sdelay $0x4  }
0x240: {  	v60 =	vbroadcast v5, $0x1;
	v7 =	vsub.f32 v59, v6;
	_ =	sdelay $0x1  }
0x241: {  	v7 =	vmul.f32 v7, v60;
	_ =	sdelay $0x1  }
0x242: {  	v61 =	vbroadcast v4, $0x1;
	v6 =	vadd.f32 v7, v6;
	_ =	sdelay $0x1  }
0x243: {  	v7 =	vmul.f32 v2, v61;
	v62 =	vperm.xlane v6, v0;
	_ =	sdelay $0x1  }
0x244: {  	v7 =	vadd.f32 v3, v7;
	v8 =	vsub.f32 v62, v6;
	_ =	sdelay $0x1  }
0x245: {  	v7 =	vmul.f32 v8, v7;
	_ =	sdelay $0x1  }
0x246: {  	v6 =	vadd.f32 v7, v6;
	_ =	sdelay $0x1  }
0x247: {  	[tilespmem:s8+$0xFFFFFEB0] =	vst v6  }
0x248: {  	v6 =	vld [tilespmem:s13+$0xFFFFFFA0]  }
0x249: {  	v63 =	vld [tilespmem:s31+$0xFFFFFFA0];
	_ =	sdelay $0x4  }
0x24a: {  	v12 =	vbroadcast v5, $0x2;
	v7 =	vsub.f32 v63, v6;
	_ =	sdelay $0x1  }
0x24b: {  	v7 =	vmul.f32 v7, v12;
	_ =	sdelay $0x1  }
0x24c: {  	v13 =	vbroadcast v4, $0x2;
	v6 =	vadd.f32 v7, v6;
	_ =	sdelay $0x1  }
0x24d: {  	v7 =	vmul.f32 v2, v13;
	v14 =	vperm.xlane v6, v0;
	_ =	sdelay $0x1  }
0x24e: {  	v7 =	vadd.f32 v3, v7;
	v8 =	vsub.f32 v14, v6;
	_ =	sdelay $0x1  }
0x24f: {  	v7 =	vmul.f32 v8, v7;
	_ =	sdelay $0x1  }
0x250: {  	v6 =	vadd.f32 v7, v6;
	_ =	sdelay $0x1  }
0x251: {  	[tilespmem:s8+$0xFFFFFEE0] =	vst v6  }
0x252: {  	v6 =	vld [tilespmem:s13+$0xFFFFFFB0]  }
0x253: {  	v15 =	vld [tilespmem:s31+$0xFFFFFFB0];
	_ =	sdelay $0x4  }
0x254: {  	v16 =	vbroadcast v5, $0x3;
	v7 =	vsub.f32 v15, v6;
	_ =	sdelay $0x1  }
0x255: {  	v7 =	vmul.f32 v7, v16;
	_ =	sdelay $0x1  }
0x256: {  	v17 =	vbroadcast v4, $0x3;
	v6 =	vadd.f32 v7, v6;
	_ =	sdelay $0x1  }
0x257: {  	v7 =	vmul.f32 v2, v17;
	v18 =	vperm.xlane v6, v0;
	_ =	sdelay $0x1  }
0x258: {  	v7 =	vadd.f32 v3, v7;
	v8 =	vsub.f32 v18, v6;
	_ =	sdelay $0x1  }
0x259: {  	v7 =	vmul.f32 v8, v7;
	_ =	sdelay $0x1  }
0x25a: {  	v6 =	vadd.f32 v7, v6;
	_ =	sdelay $0x1  }
0x25b: {  	[tilespmem:s8+$0xFFFFFF10] =	vst v6  }
0x25c: {  	v6 =	vld [tilespmem:s13+$0xFFFFFFC0]  }
0x25d: {  	v19 =	vld [tilespmem:s31+$0xFFFFFFC0];
	_ =	sdelay $0x4  }
0x25e: {  	v20 =	vbroadcast v5, $0x4;
	v7 =	vsub.f32 v19, v6;
	_ =	sdelay $0x1  }
0x25f: {  	v7 =	vmul.f32 v7, v20;
	_ =	sdelay $0x1  }
0x260: {  	v21 =	vbroadcast v4, $0x4;
	v6 =	vadd.f32 v7, v6;
	_ =	sdelay $0x1  }
0x261: {  	v7 =	vmul.f32 v2, v21;
	v22 =	vperm.xlane v6, v0;
	_ =	sdelay $0x1  }
0x262: {  	v7 =	vadd.f32 v3, v7;
	v8 =	vsub.f32 v22, v6;
	_ =	sdelay $0x1  }
0x263: {  	v7 =	vmul.f32 v8, v7;
	_ =	sdelay $0x1  }
0x264: {  	v6 =	vadd.f32 v7, v6;
	_ =	sdelay $0x1  }
0x265: {  	[tilespmem:s8+$0xFFFFFF40] =	vst v6  }
0x266: {  	v6 =	vld [tilespmem:s13+$0xFFFFFFD0]  }
0x267: {  	v23 =	vld [tilespmem:s31+$0xFFFFFFD0];
	_ =	sdelay $0x4  }
0x268: {  	v24 =	vbroadcast v5, $0x5;
	v7 =	vsub.f32 v23, v6;
	_ =	sdelay $0x1  }
0x269: {  	v7 =	vmul.f32 v7, v24;
	_ =	sdelay $0x1  }
0x26a: {  	v25 =	vbroadcast v4, $0x5;
	v6 =	vadd.f32 v7, v6;
	_ =	sdelay $0x1  }
0x26b: {  	v7 =	vmul.f32 v2, v25;
	v26 =	vperm.xlane v6, v0;
	_ =	sdelay $0x1  }
0x26c: {  	v7 =	vadd.f32 v3, v7;
	v8 =	vsub.f32 v26, v6;
	_ =	sdelay $0x1  }
0x26d: {  	v7 =	vmul.f32 v8, v7;
	_ =	sdelay $0x1  }
0x26e: {  	v6 =	vadd.f32 v7, v6;
	_ =	sdelay $0x1  }
0x26f: {  	[tilespmem:s8+$0xFFFFFF70] =	vst v6  }
0x270: {  	v6 =	vld [tilespmem:s13+$0xFFFFFFE0]  }
0x271: {  	v27 =	vld [tilespmem:s31+$0xFFFFFFE0];
	_ =	sdelay $0x4  }
0x272: {  	v28 =	vbroadcast v5, $0x6;
	v7 =	vsub.f32 v27, v6;
	_ =	sdelay $0x1  }
0x273: {  	v7 =	vmul.f32 v7, v28;
	_ =	sdelay $0x1  }
0x274: {  	v29 =	vbroadcast v4, $0x6;
	v6 =	vadd.f32 v7, v6;
	_ =	sdelay $0x1  }
0x275: {  	v7 =	vmul.f32 v2, v29;
	v30 =	vperm.xlane v6, v0;
	_ =	sdelay $0x1  }
0x276: {  	v7 =	vadd.f32 v3, v7;
	v8 =	vsub.f32 v30, v6;
	_ =	sdelay $0x1  }
0x277: {  	v7 =	vmul.f32 v8, v7;
	_ =	sdelay $0x1  }
0x278: {  	v6 =	vadd.f32 v7, v6;
	_ =	sdelay $0x1  }
0x279: {  	[tilespmem:s8+$0xFFFFFFA0] =	vst v6  }
0x27a: {  	v6 =	vld [tilespmem:s13+$0xFFFFFFF0]  }
0x27b: {  	v31 =	vld [tilespmem:s31+$0xFFFFFFF0];
	_ =	sdelay $0x4  }
0x27c: {  	v32 =	vbroadcast v5, $0x7;
	v7 =	vsub.f32 v31, v6;
	_ =	sdelay $0x1  }
0x27d: {  	v7 =	vmul.f32 v7, v32;
	_ =	sdelay $0x1  }
0x27e: {  	v33 =	vbroadcast v4, $0x7;
	v6 =	vadd.f32 v7, v6;
	_ =	sdelay $0x1  }
0x27f: {  	v7 =	vmul.f32 v2, v33;
	v34 =	vperm.xlane v6, v0;
	_ =	sdelay $0x1  }
0x280: {  	v7 =	vadd.f32 v3, v7;
	v8 =	vsub.f32 v34, v6;
	_ =	sdelay $0x1  }
0x281: {  	v7 =	vmul.f32 v8, v7;
	_ =	sdelay $0x1  }
0x282: {  	v6 =	vadd.f32 v7, v6;
	_ =	sdelay $0x1  }
0x283: {  	[tilespmem:s8+$0xFFFFFFD0] =	vst v6  }
0x284: {  	v6 =	vld [tilespmem:s13+$0x0]  }
0x285: {  	v35 =	vld [tilespmem:s31+$0x0];
	_ =	sdelay $0x4  }
0x286: {  	v36 =	vbroadcast v5, $0x8;
	v7 =	vsub.f32 v35, v6;
	_ =	sdelay $0x1  }
0x287: {  	v7 =	vmul.f32 v7, v36;
	_ =	sdelay $0x1  }
0x288: {  	v37 =	vbroadcast v4, $0x8;
	v6 =	vadd.f32 v7, v6;
	_ =	sdelay $0x1  }
0x289: {  	v7 =	vmul.f32 v2, v37;
	v38 =	vperm.xlane v6, v0;
	_ =	sdelay $0x1  }
0x28a: {  	v7 =	vadd.f32 v3, v7;
	v8 =	vsub.f32 v38, v6;
	_ =	sdelay $0x1  }
0x28b: {  	v7 =	vmul.f32 v8, v7;
	_ =	sdelay $0x1  }
0x28c: {  	v6 =	vadd.f32 v7, v6;
	_ =	sdelay $0x1  }
0x28d: {  	[tilespmem:s8+$0x0] =	vst v6  }
0x28e: {  	v6 =	vld [tilespmem:s13+$0x10]  }
0x28f: {  	v39 =	vld [tilespmem:s31+$0x10];
	_ =	sdelay $0x4  }
0x290: {  	v40 =	vbroadcast v5, $0x9;
	v7 =	vsub.f32 v39, v6;
	_ =	sdelay $0x1  }
0x291: {  	v7 =	vmul.f32 v7, v40;
	_ =	sdelay $0x1  }
0x292: {  	v41 =	vbroadcast v4, $0x9;
	v6 =	vadd.f32 v7, v6;
	_ =	sdelay $0x1  }
0x293: {  	v7 =	vmul.f32 v2, v41;
	v42 =	vperm.xlane v6, v0;
	_ =	sdelay $0x1  }
0x294: {  	v7 =	vadd.f32 v3, v7;
	v8 =	vsub.f32 v42, v6;
	_ =	sdelay $0x1  }
0x295: {  	v7 =	vmul.f32 v8, v7;
	_ =	sdelay $0x1  }
0x296: {  	v6 =	vadd.f32 v7, v6;
	_ =	sdelay $0x1  }
0x297: {  	[tilespmem:s8+$0x30] =	vst v6  }
0x298: {  	v6 =	vld [tilespmem:s13+$0x20]  }
0x299: {  	v43 =	vld [tilespmem:s31+$0x20];
	_ =	sdelay $0x4  }
0x29a: {  	v44 =	vbroadcast v5, $0xA;
	v7 =	vsub.f32 v43, v6;
	_ =	sdelay $0x1  }
0x29b: {  	v7 =	vmul.f32 v7, v44;
	_ =	sdelay $0x1  }
0x29c: {  	v45 =	vbroadcast v4, $0xA;
	v6 =	vadd.f32 v7, v6;
	_ =	sdelay $0x1  }
0x29d: {  	v7 =	vmul.f32 v2, v45;
	v46 =	vperm.xlane v6, v0;
	_ =	sdelay $0x1  }
0x29e: {  	v7 =	vadd.f32 v3, v7;
	v8 =	vsub.f32 v46, v6;
	_ =	sdelay $0x1  }
0x29f: {  	v7 =	vmul.f32 v8, v7;
	_ =	sdelay $0x1  }
0x2a0: {  	v6 =	vadd.f32 v7, v6;
	_ =	sdelay $0x1  }
0x2a1: {  	[tilespmem:s8+$0x60] =	vst v6  }
0x2a2: {  	v6 =	vld [tilespmem:s13+$0x30]  }
0x2a3: {  	v47 =	vld [tilespmem:s31+$0x30];
	_ =	sdelay $0x4  }
0x2a4: {  	v48 =	vbroadcast v5, $0xB;
	v7 =	vsub.f32 v47, v6;
	_ =	sdelay $0x1  }
0x2a5: {  	v7 =	vmul.f32 v7, v48;
	_ =	sdelay $0x1  }
0x2a6: {  	v49 =	vbroadcast v4, $0xB;
	v6 =	vadd.f32 v7, v6;
	_ =	sdelay $0x1  }
0x2a7: {  	v7 =	vmul.f32 v2, v49;
	v50 =	vperm.xlane v6, v0;
	_ =	sdelay $0x1  }
0x2a8: {  	v7 =	vadd.f32 v3, v7;
	v8 =	vsub.f32 v50, v6;
	_ =	sdelay $0x1  }
0x2a9: {  	v7 =	vmul.f32 v8, v7;
	_ =	sdelay $0x1  }
0x2aa: {  	v6 =	vadd.f32 v7, v6;
	_ =	sdelay $0x1  }
0x2ab: {  	[tilespmem:s8+$0x90] =	vst v6  }
0x2ac: {  	v6 =	vld [tilespmem:s13+$0x40]  }
0x2ad: {  	v51 =	vld [tilespmem:s31+$0x40];
	_ =	sdelay $0x4  }
0x2ae: {  	v52 =	vbroadcast v5, $0xC;
	v7 =	vsub.f32 v51, v6;
	_ =	sdelay $0x1  }
0x2af: {  	v7 =	vmul.f32 v7, v52;
	_ =	sdelay $0x1  }
0x2b0: {  	v53 =	vbroadcast v4, $0xC;
	v6 =	vadd.f32 v7, v6;
	_ =	sdelay $0x1  }
0x2b1: {  	v7 =	vmul.f32 v2, v53;
	v54 =	vperm.xlane v6, v0;
	_ =	sdelay $0x1  }
0x2b2: {  	v7 =	vadd.f32 v3, v7;
	v8 =	vsub.f32 v54, v6;
	_ =	sdelay $0x1  }
0x2b3: {  	v7 =	vmul.f32 v8, v7;
	_ =	sdelay $0x1  }
0x2b4: {  	v6 =	vadd.f32 v7, v6;
	_ =	sdelay $0x1  }
0x2b5: {  	[tilespmem:s8+$0xC0] =	vst v6  }
0x2b6: {  	v6 =	vld [tilespmem:s13+$0x50]  }
0x2b7: {  	v55 =	vld [tilespmem:s31+$0x50];
	_ =	sdelay $0x4  }
0x2b8: {  	v56 =	vbroadcast v5, $0xD;
	v7 =	vsub.f32 v55, v6;
	_ =	sdelay $0x1  }
0x2b9: {  	v7 =	vmul.f32 v7, v56;
	_ =	sdelay $0x1  }
0x2ba: {  	v57 =	vbroadcast v4, $0xD;
	v6 =	vadd.f32 v7, v6;
	_ =	sdelay $0x1  }
0x2bb: {  	v7 =	vmul.f32 v2, v57;
	v58 =	vperm.xlane v6, v0;
	_ =	sdelay $0x1  }
0x2bc: {  	v7 =	vadd.f32 v3, v7;
	v8 =	vsub.f32 v58, v6;
	_ =	sdelay $0x1  }
0x2bd: {  	v7 =	vmul.f32 v8, v7;
	_ =	sdelay $0x1  }
0x2be: {  	v6 =	vadd.f32 v7, v6;
	_ =	sdelay $0x1  }
0x2bf: {  	[tilespmem:s8+$0xF0] =	vst v6  }
0x2c0: {  	v6 =	vld [tilespmem:s13+$0x60]  }
0x2c1: {  	v59 =	vld [tilespmem:s31+$0x60];
	_ =	sdelay $0x4  }
0x2c2: {  	v60 =	vbroadcast v5, $0xE;
	v7 =	vsub.f32 v59, v6;
	_ =	sdelay $0x1  }
0x2c3: {  	v7 =	vmul.f32 v7, v60;
	_ =	sdelay $0x1  }
0x2c4: {  	v61 =	vbroadcast v4, $0xE;
	v6 =	vadd.f32 v7, v6;
	_ =	sdelay $0x1  }
0x2c5: {  	v7 =	vmul.f32 v2, v61;
	v62 =	vperm.xlane v6, v0;
	_ =	sdelay $0x1  }
0x2c6: {  	v7 =	vadd.f32 v3, v7;
	v8 =	vsub.f32 v62, v6;
	_ =	sdelay $0x1  }
0x2c7: {  	v7 =	vmul.f32 v8, v7;
	_ =	sdelay $0x1  }
0x2c8: {  	v6 =	vadd.f32 v7, v6;
	_ =	sdelay $0x1  }
0x2c9: {  	[tilespmem:s8+$0x120] =	vst v6  }
0x2ca: {  	v6 =	vld [tilespmem:s13+$0x70]  }
0x2cb: {  	v63 =	vld [tilespmem:s31+$0x70];
	_ =	sdelay $0x4  }
0x2cc: {  	v5 =	vbroadcast v5, $0xF;
	v7 =	vsub.f32 v63, v6;
	_ =	sdelay $0x1  }
0x2cd: {  	v5 =	vmul.f32 v7, v5;
	_ =	sdelay $0x1  }
0x2ce: {  	v4 =	vbroadcast v4, $0xF;
	v5 =	vadd.f32 v5, v6;
	_ =	sdelay $0x1  }
0x2cf: {  	v4 =	vmul.f32 v2, v4;
	v6 =	vperm.xlane v5, v0;
	_ =	sdelay $0x1  }
0x2d0: {  	v4 =	vadd.f32 v3, v4;
	v6 =	vsub.f32 v6, v5  }
0x2d1: {  	p0 =	sne.s32 s0, $0x7C0  }
.Ltmp7:
0x2d2: {  	v4 =	vmul.f32 v6, v4;
	(pc) =	sbr.rel @p0 .LBB2_17-.Ltmp7, $4  }
0x2d3: {  	_ = 	snop  }
0x2d4: {  	v4 =	vadd.f32 v4, v5  }
0x2d5: {  	s0 =	sadd.s32 $0x40, s0  }
0x2d6: {  	s31 =	sadd.s32 $0x100, s31;
	s13 =	sadd.s32 $0x100, s13;
	[tilespmem:s8+$0x150] =	vst v4;
	s8 =	sadd.s32 $0x300, s8  }
0x2d7: {  	_ =	swait.ge [sflag:s22], $0x2000  }
0x2d8: {  	[sflag:s22] =	ssyncset.done $0x0  }
0x2d9: {  	[sflag:s22] =	ssyncadd.s32 $0xFFFFE000  }
0x2da: {  	_ =	swait.ge [sflag:s23], $0x2000  }
0x2db: {  	s0 =	simm.s32 $0x0;
	s31 =	simm.s32 $0x11680;
	[sflag:s23] =	ssyncset.done $0x0  }
0x2dc: {  	s8 =	simm.s32 $0x17790;
	s13 =	simm.s32 $0x7680;
	[sflag:s23] =	ssyncadd.s32 $0xFFFFE000  }
.LBB2_19:
0x2dd: {  	v6 =	vld [tilespmem:s13+$0xFFFFFF80]  }
0x2de: {  	s1 =	sshra.s32 s0, $0x2;
	v7 =	vld [tilespmem:s31+$0xFFFFFF80]  }
0x2df: {  	v5 =	vld [tilespmem:s1+$0x1A00];
	_ =	sdelay $0x3  }
0x2e0: {  	v4 =	vld [tilespmem:s1+$0x1000]  }
0x2e1: {  	v7 =	vsub.f32 v7, v6;
	v8 =	vbroadcast v5, $0x0;
	_ =	sdelay $0x1  }
0x2e2: {  	v7 =	vmul.f32 v7, v8;
	_ =	sdelay $0x1  }
0x2e3: {  	v57 =	vbroadcast v4, $0x0;
	v6 =	vadd.f32 v7, v6;
	_ =	sdelay $0x1  }
0x2e4: {  	v7 =	vmul.f32 v2, v57;
	v58 =	vperm.xlane v6, v0;
	_ =	sdelay $0x1  }
0x2e5: {  	v7 =	vadd.f32 v3, v7;
	v8 =	vsub.f32 v58, v6;
	_ =	sdelay $0x1  }
0x2e6: {  	v7 =	vmul.f32 v8, v7;
	_ =	sdelay $0x1  }
0x2e7: {  	v6 =	vadd.f32 v7, v6;
	_ =	sdelay $0x1  }
0x2e8: {  	[tilespmem:s8+$0xFFFFFE80] =	vst v6  }
0x2e9: {  	v6 =	vld [tilespmem:s13+$0xFFFFFF90]  }
0x2ea: {  	v59 =	vld [tilespmem:s31+$0xFFFFFF90];
	_ =	sdelay $0x4  }
0x2eb: {  	v60 =	vbroadcast v5, $0x1;
	v7 =	vsub.f32 v59, v6;
	_ =	sdelay $0x1  }
0x2ec: {  	v7 =	vmul.f32 v7, v60;
	_ =	sdelay $0x1  }
0x2ed: {  	v61 =	vbroadcast v4, $0x1;
	v6 =	vadd.f32 v7, v6;
	_ =	sdelay $0x1  }
0x2ee: {  	v7 =	vmul.f32 v2, v61;
	v62 =	vperm.xlane v6, v0;
	_ =	sdelay $0x1  }
0x2ef: {  	v7 =	vadd.f32 v3, v7;
	v8 =	vsub.f32 v62, v6;
	_ =	sdelay $0x1  }
0x2f0: {  	v7 =	vmul.f32 v8, v7;
	_ =	sdelay $0x1  }
0x2f1: {  	v6 =	vadd.f32 v7, v6;
	_ =	sdelay $0x1  }
0x2f2: {  	[tilespmem:s8+$0xFFFFFEB0] =	vst v6  }
0x2f3: {  	v6 =	vld [tilespmem:s13+$0xFFFFFFA0]  }
0x2f4: {  	v63 =	vld [tilespmem:s31+$0xFFFFFFA0];
	_ =	sdelay $0x4  }
0x2f5: {  	v12 =	vbroadcast v5, $0x2;
	v7 =	vsub.f32 v63, v6;
	_ =	sdelay $0x1  }
0x2f6: {  	v7 =	vmul.f32 v7, v12;
	_ =	sdelay $0x1  }
0x2f7: {  	v13 =	vbroadcast v4, $0x2;
	v6 =	vadd.f32 v7, v6;
	_ =	sdelay $0x1  }
0x2f8: {  	v7 =	vmul.f32 v2, v13;
	v14 =	vperm.xlane v6, v0;
	_ =	sdelay $0x1  }
0x2f9: {  	v7 =	vadd.f32 v3, v7;
	v8 =	vsub.f32 v14, v6;
	_ =	sdelay $0x1  }
0x2fa: {  	v7 =	vmul.f32 v8, v7;
	_ =	sdelay $0x1  }
0x2fb: {  	v6 =	vadd.f32 v7, v6;
	_ =	sdelay $0x1  }
0x2fc: {  	[tilespmem:s8+$0xFFFFFEE0] =	vst v6  }
0x2fd: {  	v6 =	vld [tilespmem:s13+$0xFFFFFFB0]  }
0x2fe: {  	v15 =	vld [tilespmem:s31+$0xFFFFFFB0];
	_ =	sdelay $0x4  }
0x2ff: {  	v16 =	vbroadcast v5, $0x3;
	v7 =	vsub.f32 v15, v6;
	_ =	sdelay $0x1  }
0x300: {  	v7 =	vmul.f32 v7, v16;
	_ =	sdelay $0x1  }
0x301: {  	v17 =	vbroadcast v4, $0x3;
	v6 =	vadd.f32 v7, v6;
	_ =	sdelay $0x1  }
0x302: {  	v7 =	vmul.f32 v2, v17;
	v18 =	vperm.xlane v6, v0;
	_ =	sdelay $0x1  }
0x303: {  	v7 =	vadd.f32 v3, v7;
	v8 =	vsub.f32 v18, v6;
	_ =	sdelay $0x1  }
0x304: {  	v7 =	vmul.f32 v8, v7;
	_ =	sdelay $0x1  }
0x305: {  	v6 =	vadd.f32 v7, v6;
	_ =	sdelay $0x1  }
0x306: {  	[tilespmem:s8+$0xFFFFFF10] =	vst v6  }
0x307: {  	v6 =	vld [tilespmem:s13+$0xFFFFFFC0]  }
0x308: {  	v19 =	vld [tilespmem:s31+$0xFFFFFFC0];
	_ =	sdelay $0x4  }
0x309: {  	v20 =	vbroadcast v5, $0x4;
	v7 =	vsub.f32 v19, v6;
	_ =	sdelay $0x1  }
0x30a: {  	v7 =	vmul.f32 v7, v20;
	_ =	sdelay $0x1  }
0x30b: {  	v21 =	vbroadcast v4, $0x4;
	v6 =	vadd.f32 v7, v6;
	_ =	sdelay $0x1  }
0x30c: {  	v7 =	vmul.f32 v2, v21;
	v22 =	vperm.xlane v6, v0;
	_ =	sdelay $0x1  }
0x30d: {  	v7 =	vadd.f32 v3, v7;
	v8 =	vsub.f32 v22, v6;
	_ =	sdelay $0x1  }
0x30e: {  	v7 =	vmul.f32 v8, v7;
	_ =	sdelay $0x1  }
0x30f: {  	v6 =	vadd.f32 v7, v6;
	_ =	sdelay $0x1  }
0x310: {  	[tilespmem:s8+$0xFFFFFF40] =	vst v6  }
0x311: {  	v6 =	vld [tilespmem:s13+$0xFFFFFFD0]  }
0x312: {  	v23 =	vld [tilespmem:s31+$0xFFFFFFD0];
	_ =	sdelay $0x4  }
0x313: {  	v24 =	vbroadcast v5, $0x5;
	v7 =	vsub.f32 v23, v6;
	_ =	sdelay $0x1  }
0x314: {  	v7 =	vmul.f32 v7, v24;
	_ =	sdelay $0x1  }
0x315: {  	v25 =	vbroadcast v4, $0x5;
	v6 =	vadd.f32 v7, v6;
	_ =	sdelay $0x1  }
0x316: {  	v7 =	vmul.f32 v2, v25;
	v26 =	vperm.xlane v6, v0;
	_ =	sdelay $0x1  }
0x317: {  	v7 =	vadd.f32 v3, v7;
	v8 =	vsub.f32 v26, v6;
	_ =	sdelay $0x1  }
0x318: {  	v7 =	vmul.f32 v8, v7;
	_ =	sdelay $0x1  }
0x319: {  	v6 =	vadd.f32 v7, v6;
	_ =	sdelay $0x1  }
0x31a: {  	[tilespmem:s8+$0xFFFFFF70] =	vst v6  }
0x31b: {  	v6 =	vld [tilespmem:s13+$0xFFFFFFE0]  }
0x31c: {  	v27 =	vld [tilespmem:s31+$0xFFFFFFE0];
	_ =	sdelay $0x4  }
0x31d: {  	v28 =	vbroadcast v5, $0x6;
	v7 =	vsub.f32 v27, v6;
	_ =	sdelay $0x1  }
0x31e: {  	v7 =	vmul.f32 v7, v28;
	_ =	sdelay $0x1  }
0x31f: {  	v29 =	vbroadcast v4, $0x6;
	v6 =	vadd.f32 v7, v6;
	_ =	sdelay $0x1  }
0x320: {  	v7 =	vmul.f32 v2, v29;
	v30 =	vperm.xlane v6, v0;
	_ =	sdelay $0x1  }
0x321: {  	v7 =	vadd.f32 v3, v7;
	v8 =	vsub.f32 v30, v6;
	_ =	sdelay $0x1  }
0x322: {  	v7 =	vmul.f32 v8, v7;
	_ =	sdelay $0x1  }
0x323: {  	v6 =	vadd.f32 v7, v6;
	_ =	sdelay $0x1  }
0x324: {  	[tilespmem:s8+$0xFFFFFFA0] =	vst v6  }
0x325: {  	v6 =	vld [tilespmem:s13+$0xFFFFFFF0]  }
0x326: {  	v31 =	vld [tilespmem:s31+$0xFFFFFFF0];
	_ =	sdelay $0x4  }
0x327: {  	v32 =	vbroadcast v5, $0x7;
	v7 =	vsub.f32 v31, v6;
	_ =	sdelay $0x1  }
0x328: {  	v7 =	vmul.f32 v7, v32;
	_ =	sdelay $0x1  }
0x329: {  	v33 =	vbroadcast v4, $0x7;
	v6 =	vadd.f32 v7, v6;
	_ =	sdelay $0x1  }
0x32a: {  	v7 =	vmul.f32 v2, v33;
	v34 =	vperm.xlane v6, v0;
	_ =	sdelay $0x1  }
0x32b: {  	v7 =	vadd.f32 v3, v7;
	v8 =	vsub.f32 v34, v6;
	_ =	sdelay $0x1  }
0x32c: {  	v7 =	vmul.f32 v8, v7;
	_ =	sdelay $0x1  }
0x32d: {  	v6 =	vadd.f32 v7, v6;
	_ =	sdelay $0x1  }
0x32e: {  	[tilespmem:s8+$0xFFFFFFD0] =	vst v6  }
0x32f: {  	v6 =	vld [tilespmem:s13+$0x0]  }
0x330: {  	v35 =	vld [tilespmem:s31+$0x0];
	_ =	sdelay $0x4  }
0x331: {  	v36 =	vbroadcast v5, $0x8;
	v7 =	vsub.f32 v35, v6;
	_ =	sdelay $0x1  }
0x332: {  	v7 =	vmul.f32 v7, v36;
	_ =	sdelay $0x1  }
0x333: {  	v37 =	vbroadcast v4, $0x8;
	v6 =	vadd.f32 v7, v6;
	_ =	sdelay $0x1  }
0x334: {  	v7 =	vmul.f32 v2, v37;
	v38 =	vperm.xlane v6, v0;
	_ =	sdelay $0x1  }
0x335: {  	v7 =	vadd.f32 v3, v7;
	v8 =	vsub.f32 v38, v6;
	_ =	sdelay $0x1  }
0x336: {  	v7 =	vmul.f32 v8, v7;
	_ =	sdelay $0x1  }
0x337: {  	v6 =	vadd.f32 v7, v6;
	_ =	sdelay $0x1  }
0x338: {  	[tilespmem:s8+$0x0] =	vst v6  }
0x339: {  	v6 =	vld [tilespmem:s13+$0x10]  }
0x33a: {  	v39 =	vld [tilespmem:s31+$0x10];
	_ =	sdelay $0x4  }
0x33b: {  	v40 =	vbroadcast v5, $0x9;
	v7 =	vsub.f32 v39, v6;
	_ =	sdelay $0x1  }
0x33c: {  	v7 =	vmul.f32 v7, v40;
	_ =	sdelay $0x1  }
0x33d: {  	v41 =	vbroadcast v4, $0x9;
	v6 =	vadd.f32 v7, v6;
	_ =	sdelay $0x1  }
0x33e: {  	v7 =	vmul.f32 v2, v41;
	v42 =	vperm.xlane v6, v0;
	_ =	sdelay $0x1  }
0x33f: {  	v7 =	vadd.f32 v3, v7;
	v8 =	vsub.f32 v42, v6;
	_ =	sdelay $0x1  }
0x340: {  	v7 =	vmul.f32 v8, v7;
	_ =	sdelay $0x1  }
0x341: {  	v6 =	vadd.f32 v7, v6;
	_ =	sdelay $0x1  }
0x342: {  	[tilespmem:s8+$0x30] =	vst v6  }
0x343: {  	v6 =	vld [tilespmem:s13+$0x20]  }
0x344: {  	v43 =	vld [tilespmem:s31+$0x20];
	_ =	sdelay $0x4  }
0x345: {  	v44 =	vbroadcast v5, $0xA;
	v7 =	vsub.f32 v43, v6;
	_ =	sdelay $0x1  }
0x346: {  	v7 =	vmul.f32 v7, v44;
	_ =	sdelay $0x1  }
0x347: {  	v45 =	vbroadcast v4, $0xA;
	v6 =	vadd.f32 v7, v6;
	_ =	sdelay $0x1  }
0x348: {  	v7 =	vmul.f32 v2, v45;
	v46 =	vperm.xlane v6, v0;
	_ =	sdelay $0x1  }
0x349: {  	v7 =	vadd.f32 v3, v7;
	v8 =	vsub.f32 v46, v6;
	_ =	sdelay $0x1  }
0x34a: {  	v7 =	vmul.f32 v8, v7;
	_ =	sdelay $0x1  }
0x34b: {  	v6 =	vadd.f32 v7, v6;
	_ =	sdelay $0x1  }
0x34c: {  	[tilespmem:s8+$0x60] =	vst v6  }
0x34d: {  	v6 =	vld [tilespmem:s13+$0x30]  }
0x34e: {  	v47 =	vld [tilespmem:s31+$0x30];
	_ =	sdelay $0x4  }
0x34f: {  	v48 =	vbroadcast v5, $0xB;
	v7 =	vsub.f32 v47, v6;
	_ =	sdelay $0x1  }
0x350: {  	v7 =	vmul.f32 v7, v48;
	_ =	sdelay $0x1  }
0x351: {  	v49 =	vbroadcast v4, $0xB;
	v6 =	vadd.f32 v7, v6;
	_ =	sdelay $0x1  }
0x352: {  	v7 =	vmul.f32 v2, v49;
	v50 =	vperm.xlane v6, v0;
	_ =	sdelay $0x1  }
0x353: {  	v7 =	vadd.f32 v3, v7;
	v8 =	vsub.f32 v50, v6;
	_ =	sdelay $0x1  }
0x354: {  	v7 =	vmul.f32 v8, v7;
	_ =	sdelay $0x1  }
0x355: {  	v6 =	vadd.f32 v7, v6;
	_ =	sdelay $0x1  }
0x356: {  	[tilespmem:s8+$0x90] =	vst v6  }
0x357: {  	v6 =	vld [tilespmem:s13+$0x40]  }
0x358: {  	v51 =	vld [tilespmem:s31+$0x40];
	_ =	sdelay $0x4  }
0x359: {  	v52 =	vbroadcast v5, $0xC;
	v7 =	vsub.f32 v51, v6;
	_ =	sdelay $0x1  }
0x35a: {  	v7 =	vmul.f32 v7, v52;
	_ =	sdelay $0x1  }
0x35b: {  	v53 =	vbroadcast v4, $0xC;
	v6 =	vadd.f32 v7, v6;
	_ =	sdelay $0x1  }
0x35c: {  	v7 =	vmul.f32 v2, v53;
	v54 =	vperm.xlane v6, v0;
	_ =	sdelay $0x1  }
0x35d: {  	v7 =	vadd.f32 v3, v7;
	v8 =	vsub.f32 v54, v6;
	_ =	sdelay $0x1  }
0x35e: {  	v7 =	vmul.f32 v8, v7;
	_ =	sdelay $0x1  }
0x35f: {  	v6 =	vadd.f32 v7, v6;
	_ =	sdelay $0x1  }
0x360: {  	[tilespmem:s8+$0xC0] =	vst v6  }
0x361: {  	v6 =	vld [tilespmem:s13+$0x50]  }
0x362: {  	v55 =	vld [tilespmem:s31+$0x50];
	_ =	sdelay $0x4  }
0x363: {  	v56 =	vbroadcast v5, $0xD;
	v7 =	vsub.f32 v55, v6;
	_ =	sdelay $0x1  }
0x364: {  	v7 =	vmul.f32 v7, v56;
	_ =	sdelay $0x1  }
0x365: {  	v57 =	vbroadcast v4, $0xD;
	v6 =	vadd.f32 v7, v6;
	_ =	sdelay $0x1  }
0x366: {  	v7 =	vmul.f32 v2, v57;
	v58 =	vperm.xlane v6, v0;
	_ =	sdelay $0x1  }
0x367: {  	v7 =	vadd.f32 v3, v7;
	v8 =	vsub.f32 v58, v6;
	_ =	sdelay $0x1  }
0x368: {  	v7 =	vmul.f32 v8, v7;
	_ =	sdelay $0x1  }
0x369: {  	v6 =	vadd.f32 v7, v6;
	_ =	sdelay $0x1  }
0x36a: {  	[tilespmem:s8+$0xF0] =	vst v6  }
0x36b: {  	v6 =	vld [tilespmem:s13+$0x60]  }
0x36c: {  	v59 =	vld [tilespmem:s31+$0x60];
	_ =	sdelay $0x4  }
0x36d: {  	v60 =	vbroadcast v5, $0xE;
	v7 =	vsub.f32 v59, v6;
	_ =	sdelay $0x1  }
0x36e: {  	v7 =	vmul.f32 v7, v60;
	_ =	sdelay $0x1  }
0x36f: {  	v61 =	vbroadcast v4, $0xE;
	v6 =	vadd.f32 v7, v6;
	_ =	sdelay $0x1  }
0x370: {  	v7 =	vmul.f32 v2, v61;
	v62 =	vperm.xlane v6, v0;
	_ =	sdelay $0x1  }
0x371: {  	v7 =	vadd.f32 v3, v7;
	v8 =	vsub.f32 v62, v6;
	_ =	sdelay $0x1  }
0x372: {  	v7 =	vmul.f32 v8, v7;
	_ =	sdelay $0x1  }
0x373: {  	v6 =	vadd.f32 v7, v6;
	_ =	sdelay $0x1  }
0x374: {  	[tilespmem:s8+$0x120] =	vst v6  }
0x375: {  	v6 =	vld [tilespmem:s13+$0x70]  }
0x376: {  	v63 =	vld [tilespmem:s31+$0x70];
	_ =	sdelay $0x4  }
0x377: {  	v5 =	vbroadcast v5, $0xF;
	v7 =	vsub.f32 v63, v6;
	_ =	sdelay $0x1  }
0x378: {  	v5 =	vmul.f32 v7, v5;
	_ =	sdelay $0x1  }
0x379: {  	v4 =	vbroadcast v4, $0xF;
	v5 =	vadd.f32 v5, v6;
	_ =	sdelay $0x1  }
0x37a: {  	v4 =	vmul.f32 v2, v4;
	v6 =	vperm.xlane v5, v0;
	_ =	sdelay $0x1  }
0x37b: {  	v4 =	vadd.f32 v3, v4;
	v6 =	vsub.f32 v6, v5  }
0x37c: {  	p0 =	sne.s32 s0, $0x7C0  }
.Ltmp8:
0x37d: {  	v4 =	vmul.f32 v6, v4;
	(pc) =	sbr.rel @p0 .LBB2_19-.Ltmp8, $4  }
0x37e: {  	_ = 	snop  }
0x37f: {  	v4 =	vadd.f32 v4, v5  }
0x380: {  	s0 =	sadd.s32 $0x40, s0  }
0x381: {  	s31 =	sadd.s32 $0x100, s31;
	s13 =	sadd.s32 $0x100, s13;
	[tilespmem:s8+$0x150] =	vst v4;
	s8 =	sadd.s32 $0x300, s8  }
0x382: {  	_ =	swait.ge [sflag:s24], $0x2000  }
0x383: {  	[sflag:s24] =	ssyncset.done $0x0  }
0x384: {  	[sflag:s24] =	ssyncadd.s32 $0xFFFFE000  }
0x385: {  	_ =	swait.ge [sflag:s25], $0x2000  }
0x386: {  	s0 =	simm.s32 $0x0;
	s31 =	simm.s32 $0x13680;
	[sflag:s25] =	ssyncset.done $0x0  }
0x387: {  	s8 =	simm.s32 $0x17798;
	s13 =	simm.s32 $0x9680;
	[sflag:s25] =	ssyncadd.s32 $0xFFFFE000  }
.LBB2_21:
0x388: {  	v6 =	vld [tilespmem:s13+$0xFFFFFF80]  }
0x389: {  	s1 =	sshra.s32 s0, $0x2;
	v7 =	vld [tilespmem:s31+$0xFFFFFF80]  }
0x38a: {  	v5 =	vld [tilespmem:s1+$0x1C00];
	_ =	sdelay $0x3  }
0x38b: {  	v4 =	vld [tilespmem:s1+$0x1200]  }
0x38c: {  	v7 =	vsub.f32 v7, v6;
	v8 =	vbroadcast v5, $0x0;
	_ =	sdelay $0x1  }
0x38d: {  	v7 =	vmul.f32 v7, v8;
	_ =	sdelay $0x1  }
0x38e: {  	v57 =	vbroadcast v4, $0x0;
	v6 =	vadd.f32 v7, v6;
	_ =	sdelay $0x1  }
0x38f: {  	v7 =	vmul.f32 v2, v57;
	v58 =	vperm.xlane v6, v0;
	_ =	sdelay $0x1  }
0x390: {  	v7 =	vadd.f32 v3, v7;
	v8 =	vsub.f32 v58, v6;
	_ =	sdelay $0x1  }
0x391: {  	v7 =	vmul.f32 v8, v7;
	_ =	sdelay $0x1  }
0x392: {  	v6 =	vadd.f32 v7, v6;
	_ =	sdelay $0x1  }
0x393: {  	[tilespmem:s8+$0xFFFFFE80] =	vst v6  }
0x394: {  	v6 =	vld [tilespmem:s13+$0xFFFFFF90]  }
0x395: {  	v59 =	vld [tilespmem:s31+$0xFFFFFF90];
	_ =	sdelay $0x4  }
0x396: {  	v60 =	vbroadcast v5, $0x1;
	v7 =	vsub.f32 v59, v6;
	_ =	sdelay $0x1  }
0x397: {  	v7 =	vmul.f32 v7, v60;
	_ =	sdelay $0x1  }
0x398: {  	v61 =	vbroadcast v4, $0x1;
	v6 =	vadd.f32 v7, v6;
	_ =	sdelay $0x1  }
0x399: {  	v7 =	vmul.f32 v2, v61;
	v62 =	vperm.xlane v6, v0;
	_ =	sdelay $0x1  }
0x39a: {  	v7 =	vadd.f32 v3, v7;
	v8 =	vsub.f32 v62, v6;
	_ =	sdelay $0x1  }
0x39b: {  	v7 =	vmul.f32 v8, v7;
	_ =	sdelay $0x1  }
0x39c: {  	v6 =	vadd.f32 v7, v6;
	_ =	sdelay $0x1  }
0x39d: {  	[tilespmem:s8+$0xFFFFFEB0] =	vst v6  }
0x39e: {  	v6 =	vld [tilespmem:s13+$0xFFFFFFA0]  }
0x39f: {  	v63 =	vld [tilespmem:s31+$0xFFFFFFA0];
	_ =	sdelay $0x4  }
0x3a0: {  	v12 =	vbroadcast v5, $0x2;
	v7 =	vsub.f32 v63, v6;
	_ =	sdelay $0x1  }
0x3a1: {  	v7 =	vmul.f32 v7, v12;
	_ =	sdelay $0x1  }
0x3a2: {  	v13 =	vbroadcast v4, $0x2;
	v6 =	vadd.f32 v7, v6;
	_ =	sdelay $0x1  }
0x3a3: {  	v7 =	vmul.f32 v2, v13;
	v14 =	vperm.xlane v6, v0;
	_ =	sdelay $0x1  }
0x3a4: {  	v7 =	vadd.f32 v3, v7;
	v8 =	vsub.f32 v14, v6;
	_ =	sdelay $0x1  }
0x3a5: {  	v7 =	vmul.f32 v8, v7;
	_ =	sdelay $0x1  }
0x3a6: {  	v6 =	vadd.f32 v7, v6;
	_ =	sdelay $0x1  }
0x3a7: {  	[tilespmem:s8+$0xFFFFFEE0] =	vst v6  }
0x3a8: {  	v6 =	vld [tilespmem:s13+$0xFFFFFFB0]  }
0x3a9: {  	v15 =	vld [tilespmem:s31+$0xFFFFFFB0];
	_ =	sdelay $0x4  }
0x3aa: {  	v16 =	vbroadcast v5, $0x3;
	v7 =	vsub.f32 v15, v6;
	_ =	sdelay $0x1  }
0x3ab: {  	v7 =	vmul.f32 v7, v16;
	_ =	sdelay $0x1  }
0x3ac: {  	v17 =	vbroadcast v4, $0x3;
	v6 =	vadd.f32 v7, v6;
	_ =	sdelay $0x1  }
0x3ad: {  	v7 =	vmul.f32 v2, v17;
	v18 =	vperm.xlane v6, v0;
	_ =	sdelay $0x1  }
0x3ae: {  	v7 =	vadd.f32 v3, v7;
	v8 =	vsub.f32 v18, v6;
	_ =	sdelay $0x1  }
0x3af: {  	v7 =	vmul.f32 v8, v7;
	_ =	sdelay $0x1  }
0x3b0: {  	v6 =	vadd.f32 v7, v6;
	_ =	sdelay $0x1  }
0x3b1: {  	[tilespmem:s8+$0xFFFFFF10] =	vst v6  }
0x3b2: {  	v6 =	vld [tilespmem:s13+$0xFFFFFFC0]  }
0x3b3: {  	v19 =	vld [tilespmem:s31+$0xFFFFFFC0];
	_ =	sdelay $0x4  }
0x3b4: {  	v20 =	vbroadcast v5, $0x4;
	v7 =	vsub.f32 v19, v6;
	_ =	sdelay $0x1  }
0x3b5: {  	v7 =	vmul.f32 v7, v20;
	_ =	sdelay $0x1  }
0x3b6: {  	v21 =	vbroadcast v4, $0x4;
	v6 =	vadd.f32 v7, v6;
	_ =	sdelay $0x1  }
0x3b7: {  	v7 =	vmul.f32 v2, v21;
	v22 =	vperm.xlane v6, v0;
	_ =	sdelay $0x1  }
0x3b8: {  	v7 =	vadd.f32 v3, v7;
	v8 =	vsub.f32 v22, v6;
	_ =	sdelay $0x1  }
0x3b9: {  	v7 =	vmul.f32 v8, v7;
	_ =	sdelay $0x1  }
0x3ba: {  	v6 =	vadd.f32 v7, v6;
	_ =	sdelay $0x1  }
0x3bb: {  	[tilespmem:s8+$0xFFFFFF40] =	vst v6  }
0x3bc: {  	v6 =	vld [tilespmem:s13+$0xFFFFFFD0]  }
0x3bd: {  	v23 =	vld [tilespmem:s31+$0xFFFFFFD0];
	_ =	sdelay $0x4  }
0x3be: {  	v24 =	vbroadcast v5, $0x5;
	v7 =	vsub.f32 v23, v6;
	_ =	sdelay $0x1  }
0x3bf: {  	v7 =	vmul.f32 v7, v24;
	_ =	sdelay $0x1  }
0x3c0: {  	v25 =	vbroadcast v4, $0x5;
	v6 =	vadd.f32 v7, v6;
	_ =	sdelay $0x1  }
0x3c1: {  	v7 =	vmul.f32 v2, v25;
	v26 =	vperm.xlane v6, v0;
	_ =	sdelay $0x1  }
0x3c2: {  	v7 =	vadd.f32 v3, v7;
	v8 =	vsub.f32 v26, v6;
	_ =	sdelay $0x1  }
0x3c3: {  	v7 =	vmul.f32 v8, v7;
	_ =	sdelay $0x1  }
0x3c4: {  	v6 =	vadd.f32 v7, v6;
	_ =	sdelay $0x1  }
0x3c5: {  	[tilespmem:s8+$0xFFFFFF70] =	vst v6  }
0x3c6: {  	v6 =	vld [tilespmem:s13+$0xFFFFFFE0]  }
0x3c7: {  	v27 =	vld [tilespmem:s31+$0xFFFFFFE0];
	_ =	sdelay $0x4  }
0x3c8: {  	v28 =	vbroadcast v5, $0x6;
	v7 =	vsub.f32 v27, v6;
	_ =	sdelay $0x1  }
0x3c9: {  	v7 =	vmul.f32 v7, v28;
	_ =	sdelay $0x1  }
0x3ca: {  	v29 =	vbroadcast v4, $0x6;
	v6 =	vadd.f32 v7, v6;
	_ =	sdelay $0x1  }
0x3cb: {  	v7 =	vmul.f32 v2, v29;
	v30 =	vperm.xlane v6, v0;
	_ =	sdelay $0x1  }
0x3cc: {  	v7 =	vadd.f32 v3, v7;
	v8 =	vsub.f32 v30, v6;
	_ =	sdelay $0x1  }
0x3cd: {  	v7 =	vmul.f32 v8, v7;
	_ =	sdelay $0x1  }
0x3ce: {  	v6 =	vadd.f32 v7, v6;
	_ =	sdelay $0x1  }
0x3cf: {  	[tilespmem:s8+$0xFFFFFFA0] =	vst v6  }
0x3d0: {  	v6 =	vld [tilespmem:s13+$0xFFFFFFF0]  }
0x3d1: {  	v31 =	vld [tilespmem:s31+$0xFFFFFFF0];
	_ =	sdelay $0x4  }
0x3d2: {  	v32 =	vbroadcast v5, $0x7;
	v7 =	vsub.f32 v31, v6;
	_ =	sdelay $0x1  }
0x3d3: {  	v7 =	vmul.f32 v7, v32;
	_ =	sdelay $0x1  }
0x3d4: {  	v33 =	vbroadcast v4, $0x7;
	v6 =	vadd.f32 v7, v6;
	_ =	sdelay $0x1  }
0x3d5: {  	v7 =	vmul.f32 v2, v33;
	v34 =	vperm.xlane v6, v0;
	_ =	sdelay $0x1  }
0x3d6: {  	v7 =	vadd.f32 v3, v7;
	v8 =	vsub.f32 v34, v6;
	_ =	sdelay $0x1  }
0x3d7: {  	v7 =	vmul.f32 v8, v7;
	_ =	sdelay $0x1  }
0x3d8: {  	v6 =	vadd.f32 v7, v6;
	_ =	sdelay $0x1  }
0x3d9: {  	[tilespmem:s8+$0xFFFFFFD0] =	vst v6  }
0x3da: {  	v6 =	vld [tilespmem:s13+$0x0]  }
0x3db: {  	v35 =	vld [tilespmem:s31+$0x0];
	_ =	sdelay $0x4  }
0x3dc: {  	v36 =	vbroadcast v5, $0x8;
	v7 =	vsub.f32 v35, v6;
	_ =	sdelay $0x1  }
0x3dd: {  	v7 =	vmul.f32 v7, v36;
	_ =	sdelay $0x1  }
0x3de: {  	v37 =	vbroadcast v4, $0x8;
	v6 =	vadd.f32 v7, v6;
	_ =	sdelay $0x1  }
0x3df: {  	v7 =	vmul.f32 v2, v37;
	v38 =	vperm.xlane v6, v0;
	_ =	sdelay $0x1  }
0x3e0: {  	v7 =	vadd.f32 v3, v7;
	v8 =	vsub.f32 v38, v6;
	_ =	sdelay $0x1  }
0x3e1: {  	v7 =	vmul.f32 v8, v7;
	_ =	sdelay $0x1  }
0x3e2: {  	v6 =	vadd.f32 v7, v6;
	_ =	sdelay $0x1  }
0x3e3: {  	[tilespmem:s8+$0x0] =	vst v6  }
0x3e4: {  	v6 =	vld [tilespmem:s13+$0x10]  }
0x3e5: {  	v39 =	vld [tilespmem:s31+$0x10];
	_ =	sdelay $0x4  }
0x3e6: {  	v40 =	vbroadcast v5, $0x9;
	v7 =	vsub.f32 v39, v6;
	_ =	sdelay $0x1  }
0x3e7: {  	v7 =	vmul.f32 v7, v40;
	_ =	sdelay $0x1  }
0x3e8: {  	v41 =	vbroadcast v4, $0x9;
	v6 =	vadd.f32 v7, v6;
	_ =	sdelay $0x1  }
0x3e9: {  	v7 =	vmul.f32 v2, v41;
	v42 =	vperm.xlane v6, v0;
	_ =	sdelay $0x1  }
0x3ea: {  	v7 =	vadd.f32 v3, v7;
	v8 =	vsub.f32 v42, v6;
	_ =	sdelay $0x1  }
0x3eb: {  	v7 =	vmul.f32 v8, v7;
	_ =	sdelay $0x1  }
0x3ec: {  	v6 =	vadd.f32 v7, v6;
	_ =	sdelay $0x1  }
0x3ed: {  	[tilespmem:s8+$0x30] =	vst v6  }
0x3ee: {  	v6 =	vld [tilespmem:s13+$0x20]  }
0x3ef: {  	v43 =	vld [tilespmem:s31+$0x20];
	_ =	sdelay $0x4  }
0x3f0: {  	v44 =	vbroadcast v5, $0xA;
	v7 =	vsub.f32 v43, v6;
	_ =	sdelay $0x1  }
0x3f1: {  	v7 =	vmul.f32 v7, v44;
	_ =	sdelay $0x1  }
0x3f2: {  	v45 =	vbroadcast v4, $0xA;
	v6 =	vadd.f32 v7, v6;
	_ =	sdelay $0x1  }
0x3f3: {  	v7 =	vmul.f32 v2, v45;
	v46 =	vperm.xlane v6, v0;
	_ =	sdelay $0x1  }
0x3f4: {  	v7 =	vadd.f32 v3, v7;
	v8 =	vsub.f32 v46, v6;
	_ =	sdelay $0x1  }
0x3f5: {  	v7 =	vmul.f32 v8, v7;
	_ =	sdelay $0x1  }
0x3f6: {  	v6 =	vadd.f32 v7, v6;
	_ =	sdelay $0x1  }
0x3f7: {  	[tilespmem:s8+$0x60] =	vst v6  }
0x3f8: {  	v6 =	vld [tilespmem:s13+$0x30]  }
0x3f9: {  	v47 =	vld [tilespmem:s31+$0x30];
	_ =	sdelay $0x4  }
0x3fa: {  	v48 =	vbroadcast v5, $0xB;
	v7 =	vsub.f32 v47, v6;
	_ =	sdelay $0x1  }
0x3fb: {  	v7 =	vmul.f32 v7, v48;
	_ =	sdelay $0x1  }
0x3fc: {  	v49 =	vbroadcast v4, $0xB;
	v6 =	vadd.f32 v7, v6;
	_ =	sdelay $0x1  }
0x3fd: {  	v7 =	vmul.f32 v2, v49;
	v50 =	vperm.xlane v6, v0;
	_ =	sdelay $0x1  }
0x3fe: {  	v7 =	vadd.f32 v3, v7;
	v8 =	vsub.f32 v50, v6;
	_ =	sdelay $0x1  }
0x3ff: {  	v7 =	vmul.f32 v8, v7;
	_ =	sdelay $0x1  }
0x400: {  	v6 =	vadd.f32 v7, v6;
	_ =	sdelay $0x1  }
0x401: {  	[tilespmem:s8+$0x90] =	vst v6  }
0x402: {  	v6 =	vld [tilespmem:s13+$0x40]  }
0x403: {  	v51 =	vld [tilespmem:s31+$0x40];
	_ =	sdelay $0x4  }
0x404: {  	v52 =	vbroadcast v5, $0xC;
	v7 =	vsub.f32 v51, v6;
	_ =	sdelay $0x1  }
0x405: {  	v7 =	vmul.f32 v7, v52;
	_ =	sdelay $0x1  }
0x406: {  	v53 =	vbroadcast v4, $0xC;
	v6 =	vadd.f32 v7, v6;
	_ =	sdelay $0x1  }
0x407: {  	v7 =	vmul.f32 v2, v53;
	v54 =	vperm.xlane v6, v0;
	_ =	sdelay $0x1  }
0x408: {  	v7 =	vadd.f32 v3, v7;
	v8 =	vsub.f32 v54, v6;
	_ =	sdelay $0x1  }
0x409: {  	v7 =	vmul.f32 v8, v7;
	_ =	sdelay $0x1  }
0x40a: {  	v6 =	vadd.f32 v7, v6;
	_ =	sdelay $0x1  }
0x40b: {  	[tilespmem:s8+$0xC0] =	vst v6  }
0x40c: {  	v6 =	vld [tilespmem:s13+$0x50]  }
0x40d: {  	v55 =	vld [tilespmem:s31+$0x50];
	_ =	sdelay $0x4  }
0x40e: {  	v56 =	vbroadcast v5, $0xD;
	v7 =	vsub.f32 v55, v6;
	_ =	sdelay $0x1  }
0x40f: {  	v7 =	vmul.f32 v7, v56;
	_ =	sdelay $0x1  }
0x410: {  	v57 =	vbroadcast v4, $0xD;
	v6 =	vadd.f32 v7, v6;
	_ =	sdelay $0x1  }
0x411: {  	v7 =	vmul.f32 v2, v57;
	v58 =	vperm.xlane v6, v0;
	_ =	sdelay $0x1  }
0x412: {  	v7 =	vadd.f32 v3, v7;
	v8 =	vsub.f32 v58, v6;
	_ =	sdelay $0x1  }
0x413: {  	v7 =	vmul.f32 v8, v7;
	_ =	sdelay $0x1  }
0x414: {  	v6 =	vadd.f32 v7, v6;
	_ =	sdelay $0x1  }
0x415: {  	[tilespmem:s8+$0xF0] =	vst v6  }
0x416: {  	v6 =	vld [tilespmem:s13+$0x60]  }
0x417: {  	v59 =	vld [tilespmem:s31+$0x60];
	_ =	sdelay $0x4  }
0x418: {  	v60 =	vbroadcast v5, $0xE;
	v7 =	vsub.f32 v59, v6;
	_ =	sdelay $0x1  }
0x419: {  	v7 =	vmul.f32 v7, v60;
	_ =	sdelay $0x1  }
0x41a: {  	v61 =	vbroadcast v4, $0xE;
	v6 =	vadd.f32 v7, v6;
	_ =	sdelay $0x1  }
0x41b: {  	v7 =	vmul.f32 v2, v61;
	v62 =	vperm.xlane v6, v0;
	_ =	sdelay $0x1  }
0x41c: {  	v7 =	vadd.f32 v3, v7;
	v8 =	vsub.f32 v62, v6;
	_ =	sdelay $0x1  }
0x41d: {  	v7 =	vmul.f32 v8, v7;
	_ =	sdelay $0x1  }
0x41e: {  	v6 =	vadd.f32 v7, v6;
	_ =	sdelay $0x1  }
0x41f: {  	[tilespmem:s8+$0x120] =	vst v6  }
0x420: {  	v6 =	vld [tilespmem:s13+$0x70]  }
0x421: {  	v63 =	vld [tilespmem:s31+$0x70];
	_ =	sdelay $0x4  }
0x422: {  	v5 =	vbroadcast v5, $0xF;
	v7 =	vsub.f32 v63, v6;
	_ =	sdelay $0x1  }
0x423: {  	v5 =	vmul.f32 v7, v5;
	_ =	sdelay $0x1  }
0x424: {  	v4 =	vbroadcast v4, $0xF;
	v5 =	vadd.f32 v5, v6;
	_ =	sdelay $0x1  }
0x425: {  	v4 =	vmul.f32 v2, v4;
	v6 =	vperm.xlane v5, v0;
	_ =	sdelay $0x1  }
0x426: {  	v4 =	vadd.f32 v3, v4;
	v6 =	vsub.f32 v6, v5  }
0x427: {  	p0 =	sne.s32 s0, $0x7C0  }
.Ltmp9:
0x428: {  	v4 =	vmul.f32 v6, v4;
	(pc) =	sbr.rel @p0 .LBB2_21-.Ltmp9, $4  }
0x429: {  	_ = 	snop  }
0x42a: {  	v4 =	vadd.f32 v4, v5  }
0x42b: {  	s0 =	sadd.s32 $0x40, s0  }
0x42c: {  	s31 =	sadd.s32 $0x100, s31;
	s13 =	sadd.s32 $0x100, s13;
	[tilespmem:s8+$0x150] =	vst v4;
	s8 =	sadd.s32 $0x300, s8  }
0x42d: {  	_ =	swait.ge [sflag:s26], $0x2000  }
0x42e: {  	[sflag:s26] =	ssyncset.done $0x0  }
0x42f: {  	[sflag:s26] =	ssyncadd.s32 $0xFFFFE000  }
0x430: {  	_ =	swait.ge [sflag:s28], $0x2000  }
0x431: {  	s0 =	simm.s32 $0x0;
	s31 =	simm.s32 $0x15680;
	[sflag:s28] =	ssyncset.done $0x0  }
0x432: {  	s8 =	simm.s32 $0x177A0;
	s13 =	simm.s32 $0xB680;
	[sflag:s28] =	ssyncadd.s32 $0xFFFFE000  }
.LBB2_23:
0x433: {  	v6 =	vld [tilespmem:s13+$0xFFFFFF80]  }
0x434: {  	s1 =	sshra.s32 s0, $0x2;
	v7 =	vld [tilespmem:s31+$0xFFFFFF80]  }
0x435: {  	v5 =	vld [tilespmem:s1+$0x1E00];
	_ =	sdelay $0x3  }
0x436: {  	v4 =	vld [tilespmem:s1+$0x1400]  }
0x437: {  	v7 =	vsub.f32 v7, v6;
	v8 =	vbroadcast v5, $0x0;
	_ =	sdelay $0x1  }
0x438: {  	v7 =	vmul.f32 v7, v8;
	_ =	sdelay $0x1  }
0x439: {  	v57 =	vbroadcast v4, $0x0;
	v6 =	vadd.f32 v7, v6;
	_ =	sdelay $0x1  }
0x43a: {  	v7 =	vmul.f32 v2, v57;
	v58 =	vperm.xlane v6, v0;
	_ =	sdelay $0x1  }
0x43b: {  	v7 =	vadd.f32 v3, v7;
	v8 =	vsub.f32 v58, v6;
	_ =	sdelay $0x1  }
0x43c: {  	v7 =	vmul.f32 v8, v7;
	_ =	sdelay $0x1  }
0x43d: {  	v6 =	vadd.f32 v7, v6;
	_ =	sdelay $0x1  }
0x43e: {  	[tilespmem:s8+$0xFFFFFE80] =	vst v6  }
0x43f: {  	v6 =	vld [tilespmem:s13+$0xFFFFFF90]  }
0x440: {  	v59 =	vld [tilespmem:s31+$0xFFFFFF90];
	_ =	sdelay $0x4  }
0x441: {  	v60 =	vbroadcast v5, $0x1;
	v7 =	vsub.f32 v59, v6;
	_ =	sdelay $0x1  }
0x442: {  	v7 =	vmul.f32 v7, v60;
	_ =	sdelay $0x1  }
0x443: {  	v61 =	vbroadcast v4, $0x1;
	v6 =	vadd.f32 v7, v6;
	_ =	sdelay $0x1  }
0x444: {  	v7 =	vmul.f32 v2, v61;
	v62 =	vperm.xlane v6, v0;
	_ =	sdelay $0x1  }
0x445: {  	v7 =	vadd.f32 v3, v7;
	v8 =	vsub.f32 v62, v6;
	_ =	sdelay $0x1  }
0x446: {  	v7 =	vmul.f32 v8, v7;
	_ =	sdelay $0x1  }
0x447: {  	v6 =	vadd.f32 v7, v6;
	_ =	sdelay $0x1  }
0x448: {  	[tilespmem:s8+$0xFFFFFEB0] =	vst v6  }
0x449: {  	v6 =	vld [tilespmem:s13+$0xFFFFFFA0]  }
0x44a: {  	v63 =	vld [tilespmem:s31+$0xFFFFFFA0];
	_ =	sdelay $0x4  }
0x44b: {  	v12 =	vbroadcast v5, $0x2;
	v7 =	vsub.f32 v63, v6;
	_ =	sdelay $0x1  }
0x44c: {  	v7 =	vmul.f32 v7, v12;
	_ =	sdelay $0x1  }
0x44d: {  	v13 =	vbroadcast v4, $0x2;
	v6 =	vadd.f32 v7, v6;
	_ =	sdelay $0x1  }
0x44e: {  	v7 =	vmul.f32 v2, v13;
	v14 =	vperm.xlane v6, v0;
	_ =	sdelay $0x1  }
0x44f: {  	v7 =	vadd.f32 v3, v7;
	v8 =	vsub.f32 v14, v6;
	_ =	sdelay $0x1  }
0x450: {  	v7 =	vmul.f32 v8, v7;
	_ =	sdelay $0x1  }
0x451: {  	v6 =	vadd.f32 v7, v6;
	_ =	sdelay $0x1  }
0x452: {  	[tilespmem:s8+$0xFFFFFEE0] =	vst v6  }
0x453: {  	v6 =	vld [tilespmem:s13+$0xFFFFFFB0]  }
0x454: {  	v15 =	vld [tilespmem:s31+$0xFFFFFFB0];
	_ =	sdelay $0x4  }
0x455: {  	v16 =	vbroadcast v5, $0x3;
	v7 =	vsub.f32 v15, v6;
	_ =	sdelay $0x1  }
0x456: {  	v7 =	vmul.f32 v7, v16;
	_ =	sdelay $0x1  }
0x457: {  	v17 =	vbroadcast v4, $0x3;
	v6 =	vadd.f32 v7, v6;
	_ =	sdelay $0x1  }
0x458: {  	v7 =	vmul.f32 v2, v17;
	v18 =	vperm.xlane v6, v0;
	_ =	sdelay $0x1  }
0x459: {  	v7 =	vadd.f32 v3, v7;
	v8 =	vsub.f32 v18, v6;
	_ =	sdelay $0x1  }
0x45a: {  	v7 =	vmul.f32 v8, v7;
	_ =	sdelay $0x1  }
0x45b: {  	v6 =	vadd.f32 v7, v6;
	_ =	sdelay $0x1  }
0x45c: {  	[tilespmem:s8+$0xFFFFFF10] =	vst v6  }
0x45d: {  	v6 =	vld [tilespmem:s13+$0xFFFFFFC0]  }
0x45e: {  	v19 =	vld [tilespmem:s31+$0xFFFFFFC0];
	_ =	sdelay $0x4  }
0x45f: {  	v20 =	vbroadcast v5, $0x4;
	v7 =	vsub.f32 v19, v6;
	_ =	sdelay $0x1  }
0x460: {  	v7 =	vmul.f32 v7, v20;
	_ =	sdelay $0x1  }
0x461: {  	v21 =	vbroadcast v4, $0x4;
	v6 =	vadd.f32 v7, v6;
	_ =	sdelay $0x1  }
0x462: {  	v7 =	vmul.f32 v2, v21;
	v22 =	vperm.xlane v6, v0;
	_ =	sdelay $0x1  }
0x463: {  	v7 =	vadd.f32 v3, v7;
	v8 =	vsub.f32 v22, v6;
	_ =	sdelay $0x1  }
0x464: {  	v7 =	vmul.f32 v8, v7;
	_ =	sdelay $0x1  }
0x465: {  	v6 =	vadd.f32 v7, v6;
	_ =	sdelay $0x1  }
0x466: {  	[tilespmem:s8+$0xFFFFFF40] =	vst v6  }
0x467: {  	v6 =	vld [tilespmem:s13+$0xFFFFFFD0]  }
0x468: {  	v23 =	vld [tilespmem:s31+$0xFFFFFFD0];
	_ =	sdelay $0x4  }
0x469: {  	v24 =	vbroadcast v5, $0x5;
	v7 =	vsub.f32 v23, v6;
	_ =	sdelay $0x1  }
0x46a: {  	v7 =	vmul.f32 v7, v24;
	_ =	sdelay $0x1  }
0x46b: {  	v25 =	vbroadcast v4, $0x5;
	v6 =	vadd.f32 v7, v6;
	_ =	sdelay $0x1  }
0x46c: {  	v7 =	vmul.f32 v2, v25;
	v26 =	vperm.xlane v6, v0;
	_ =	sdelay $0x1  }
0x46d: {  	v7 =	vadd.f32 v3, v7;
	v8 =	vsub.f32 v26, v6;
	_ =	sdelay $0x1  }
0x46e: {  	v7 =	vmul.f32 v8, v7;
	_ =	sdelay $0x1  }
0x46f: {  	v6 =	vadd.f32 v7, v6;
	_ =	sdelay $0x1  }
0x470: {  	[tilespmem:s8+$0xFFFFFF70] =	vst v6  }
0x471: {  	v6 =	vld [tilespmem:s13+$0xFFFFFFE0]  }
0x472: {  	v27 =	vld [tilespmem:s31+$0xFFFFFFE0];
	_ =	sdelay $0x4  }
0x473: {  	v28 =	vbroadcast v5, $0x6;
	v7 =	vsub.f32 v27, v6;
	_ =	sdelay $0x1  }
0x474: {  	v7 =	vmul.f32 v7, v28;
	_ =	sdelay $0x1  }
0x475: {  	v29 =	vbroadcast v4, $0x6;
	v6 =	vadd.f32 v7, v6;
	_ =	sdelay $0x1  }
0x476: {  	v7 =	vmul.f32 v2, v29;
	v30 =	vperm.xlane v6, v0;
	_ =	sdelay $0x1  }
0x477: {  	v7 =	vadd.f32 v3, v7;
	v8 =	vsub.f32 v30, v6;
	_ =	sdelay $0x1  }
0x478: {  	v7 =	vmul.f32 v8, v7;
	_ =	sdelay $0x1  }
0x479: {  	v6 =	vadd.f32 v7, v6;
	_ =	sdelay $0x1  }
0x47a: {  	[tilespmem:s8+$0xFFFFFFA0] =	vst v6  }
0x47b: {  	v6 =	vld [tilespmem:s13+$0xFFFFFFF0]  }
0x47c: {  	v31 =	vld [tilespmem:s31+$0xFFFFFFF0];
	_ =	sdelay $0x4  }
0x47d: {  	v32 =	vbroadcast v5, $0x7;
	v7 =	vsub.f32 v31, v6;
	_ =	sdelay $0x1  }
0x47e: {  	v7 =	vmul.f32 v7, v32;
	_ =	sdelay $0x1  }
0x47f: {  	v33 =	vbroadcast v4, $0x7;
	v6 =	vadd.f32 v7, v6;
	_ =	sdelay $0x1  }
0x480: {  	v7 =	vmul.f32 v2, v33;
	v34 =	vperm.xlane v6, v0;
	_ =	sdelay $0x1  }
0x481: {  	v7 =	vadd.f32 v3, v7;
	v8 =	vsub.f32 v34, v6;
	_ =	sdelay $0x1  }
0x482: {  	v7 =	vmul.f32 v8, v7;
	_ =	sdelay $0x1  }
0x483: {  	v6 =	vadd.f32 v7, v6;
	_ =	sdelay $0x1  }
0x484: {  	[tilespmem:s8+$0xFFFFFFD0] =	vst v6  }
0x485: {  	v6 =	vld [tilespmem:s13+$0x0]  }
0x486: {  	v35 =	vld [tilespmem:s31+$0x0];
	_ =	sdelay $0x4  }
0x487: {  	v36 =	vbroadcast v5, $0x8;
	v7 =	vsub.f32 v35, v6;
	_ =	sdelay $0x1  }
0x488: {  	v7 =	vmul.f32 v7, v36;
	_ =	sdelay $0x1  }
0x489: {  	v37 =	vbroadcast v4, $0x8;
	v6 =	vadd.f32 v7, v6;
	_ =	sdelay $0x1  }
0x48a: {  	v7 =	vmul.f32 v2, v37;
	v38 =	vperm.xlane v6, v0;
	_ =	sdelay $0x1  }
0x48b: {  	v7 =	vadd.f32 v3, v7;
	v8 =	vsub.f32 v38, v6;
	_ =	sdelay $0x1  }
0x48c: {  	v7 =	vmul.f32 v8, v7;
	_ =	sdelay $0x1  }
0x48d: {  	v6 =	vadd.f32 v7, v6;
	_ =	sdelay $0x1  }
0x48e: {  	[tilespmem:s8+$0x0] =	vst v6  }
0x48f: {  	v6 =	vld [tilespmem:s13+$0x10]  }
0x490: {  	v39 =	vld [tilespmem:s31+$0x10];
	_ =	sdelay $0x4  }
0x491: {  	v40 =	vbroadcast v5, $0x9;
	v7 =	vsub.f32 v39, v6;
	_ =	sdelay $0x1  }
0x492: {  	v7 =	vmul.f32 v7, v40;
	_ =	sdelay $0x1  }
0x493: {  	v41 =	vbroadcast v4, $0x9;
	v6 =	vadd.f32 v7, v6;
	_ =	sdelay $0x1  }
0x494: {  	v7 =	vmul.f32 v2, v41;
	v42 =	vperm.xlane v6, v0;
	_ =	sdelay $0x1  }
0x495: {  	v7 =	vadd.f32 v3, v7;
	v8 =	vsub.f32 v42, v6;
	_ =	sdelay $0x1  }
0x496: {  	v7 =	vmul.f32 v8, v7;
	_ =	sdelay $0x1  }
0x497: {  	v6 =	vadd.f32 v7, v6;
	_ =	sdelay $0x1  }
0x498: {  	[tilespmem:s8+$0x30] =	vst v6  }
0x499: {  	v6 =	vld [tilespmem:s13+$0x20]  }
0x49a: {  	v43 =	vld [tilespmem:s31+$0x20];
	_ =	sdelay $0x4  }
0x49b: {  	v44 =	vbroadcast v5, $0xA;
	v7 =	vsub.f32 v43, v6;
	_ =	sdelay $0x1  }
0x49c: {  	v7 =	vmul.f32 v7, v44;
	_ =	sdelay $0x1  }
0x49d: {  	v45 =	vbroadcast v4, $0xA;
	v6 =	vadd.f32 v7, v6;
	_ =	sdelay $0x1  }
0x49e: {  	v7 =	vmul.f32 v2, v45;
	v46 =	vperm.xlane v6, v0;
	_ =	sdelay $0x1  }
0x49f: {  	v7 =	vadd.f32 v3, v7;
	v8 =	vsub.f32 v46, v6;
	_ =	sdelay $0x1  }
0x4a0: {  	v7 =	vmul.f32 v8, v7;
	_ =	sdelay $0x1  }
0x4a1: {  	v6 =	vadd.f32 v7, v6;
	_ =	sdelay $0x1  }
0x4a2: {  	[tilespmem:s8+$0x60] =	vst v6  }
0x4a3: {  	v6 =	vld [tilespmem:s13+$0x30]  }
0x4a4: {  	v47 =	vld [tilespmem:s31+$0x30];
	_ =	sdelay $0x4  }
0x4a5: {  	v48 =	vbroadcast v5, $0xB;
	v7 =	vsub.f32 v47, v6;
	_ =	sdelay $0x1  }
0x4a6: {  	v7 =	vmul.f32 v7, v48;
	_ =	sdelay $0x1  }
0x4a7: {  	v49 =	vbroadcast v4, $0xB;
	v6 =	vadd.f32 v7, v6;
	_ =	sdelay $0x1  }
0x4a8: {  	v7 =	vmul.f32 v2, v49;
	v50 =	vperm.xlane v6, v0;
	_ =	sdelay $0x1  }
0x4a9: {  	v7 =	vadd.f32 v3, v7;
	v8 =	vsub.f32 v50, v6;
	_ =	sdelay $0x1  }
0x4aa: {  	v7 =	vmul.f32 v8, v7;
	_ =	sdelay $0x1  }
0x4ab: {  	v6 =	vadd.f32 v7, v6;
	_ =	sdelay $0x1  }
0x4ac: {  	[tilespmem:s8+$0x90] =	vst v6  }
0x4ad: {  	v6 =	vld [tilespmem:s13+$0x40]  }
0x4ae: {  	v51 =	vld [tilespmem:s31+$0x40];
	_ =	sdelay $0x4  }
0x4af: {  	v52 =	vbroadcast v5, $0xC;
	v7 =	vsub.f32 v51, v6;
	_ =	sdelay $0x1  }
0x4b0: {  	v7 =	vmul.f32 v7, v52;
	_ =	sdelay $0x1  }
0x4b1: {  	v53 =	vbroadcast v4, $0xC;
	v6 =	vadd.f32 v7, v6;
	_ =	sdelay $0x1  }
0x4b2: {  	v7 =	vmul.f32 v2, v53;
	v54 =	vperm.xlane v6, v0;
	_ =	sdelay $0x1  }
0x4b3: {  	v7 =	vadd.f32 v3, v7;
	v8 =	vsub.f32 v54, v6;
	_ =	sdelay $0x1  }
0x4b4: {  	v7 =	vmul.f32 v8, v7;
	_ =	sdelay $0x1  }
0x4b5: {  	v6 =	vadd.f32 v7, v6;
	_ =	sdelay $0x1  }
0x4b6: {  	[tilespmem:s8+$0xC0] =	vst v6  }
0x4b7: {  	v6 =	vld [tilespmem:s13+$0x50]  }
0x4b8: {  	v55 =	vld [tilespmem:s31+$0x50];
	_ =	sdelay $0x4  }
0x4b9: {  	v56 =	vbroadcast v5, $0xD;
	v7 =	vsub.f32 v55, v6;
	_ =	sdelay $0x1  }
0x4ba: {  	v7 =	vmul.f32 v7, v56;
	_ =	sdelay $0x1  }
0x4bb: {  	v57 =	vbroadcast v4, $0xD;
	v6 =	vadd.f32 v7, v6;
	_ =	sdelay $0x1  }
0x4bc: {  	v7 =	vmul.f32 v2, v57;
	v58 =	vperm.xlane v6, v0;
	_ =	sdelay $0x1  }
0x4bd: {  	v7 =	vadd.f32 v3, v7;
	v8 =	vsub.f32 v58, v6;
	_ =	sdelay $0x1  }
0x4be: {  	v7 =	vmul.f32 v8, v7;
	_ =	sdelay $0x1  }
0x4bf: {  	v6 =	vadd.f32 v7, v6;
	_ =	sdelay $0x1  }
0x4c0: {  	[tilespmem:s8+$0xF0] =	vst v6  }
0x4c1: {  	v6 =	vld [tilespmem:s13+$0x60]  }
0x4c2: {  	v59 =	vld [tilespmem:s31+$0x60];
	_ =	sdelay $0x4  }
0x4c3: {  	v60 =	vbroadcast v5, $0xE;
	v7 =	vsub.f32 v59, v6;
	_ =	sdelay $0x1  }
0x4c4: {  	v7 =	vmul.f32 v7, v60;
	_ =	sdelay $0x1  }
0x4c5: {  	v61 =	vbroadcast v4, $0xE;
	v6 =	vadd.f32 v7, v6;
	_ =	sdelay $0x1  }
0x4c6: {  	v7 =	vmul.f32 v2, v61;
	v62 =	vperm.xlane v6, v0;
	_ =	sdelay $0x1  }
0x4c7: {  	v7 =	vadd.f32 v3, v7;
	v8 =	vsub.f32 v62, v6;
	_ =	sdelay $0x1  }
0x4c8: {  	v7 =	vmul.f32 v8, v7;
	_ =	sdelay $0x1  }
0x4c9: {  	v6 =	vadd.f32 v7, v6;
	_ =	sdelay $0x1  }
0x4ca: {  	[tilespmem:s8+$0x120] =	vst v6  }
0x4cb: {  	v6 =	vld [tilespmem:s13+$0x70]  }
0x4cc: {  	v63 =	vld [tilespmem:s31+$0x70];
	_ =	sdelay $0x4  }
0x4cd: {  	v5 =	vbroadcast v5, $0xF;
	v7 =	vsub.f32 v63, v6;
	_ =	sdelay $0x1  }
0x4ce: {  	v5 =	vmul.f32 v7, v5;
	_ =	sdelay $0x1  }
0x4cf: {  	v4 =	vbroadcast v4, $0xF;
	v5 =	vadd.f32 v5, v6;
	_ =	sdelay $0x1  }
0x4d0: {  	v4 =	vmul.f32 v2, v4;
	v6 =	vperm.xlane v5, v0;
	_ =	sdelay $0x1  }
0x4d1: {  	v4 =	vadd.f32 v3, v4;
	v6 =	vsub.f32 v6, v5  }
0x4d2: {  	p0 =	sne.s32 s0, $0x7C0  }
.Ltmp10:
0x4d3: {  	v4 =	vmul.f32 v6, v4;
	(pc) =	sbr.rel @p0 .LBB2_23-.Ltmp10, $4  }
0x4d4: {  	_ = 	snop  }
0x4d5: {  	v4 =	vadd.f32 v4, v5  }
0x4d6: {  	s0 =	sadd.s32 $0x40, s0  }
0x4d7: {  	s31 =	sadd.s32 $0x100, s31;
	s13 =	sadd.s32 $0x100, s13;
	[tilespmem:s8+$0x150] =	vst v4;
	s8 =	sadd.s32 $0x300, s8  }
0x4d8: {  	s0 =	smul.u32 $0x5, s30  }
0x4d9: {  	s1 =	rddreg [dreg:$0x1]  }
0x4da: {  	s8 =	simm.s32 $0x5;
	s0 =	sadd.s32 s1, s0  }
0x4db: {  	s13 =	simm.s32 $0x17630;
	s1 =	simm.s32 $0x17600;
	s30 =	sadd.s32 $0x0, s0  }
.LBB2_25:
0x4dc: {  	[hbm4b:s30+s2] =	stream.linear.scatter [tilespmem:s1], [sflag:$0xB], $0x28, $0x38;
	[tilespmem:$0x1D600] =	vst v63  }
0x4dd: {  	s16 =	smov.u32 s8;
	s1 =	smov.u32 s13;
	p0 =	sne.s32 s8, $0x9FB  }
.Ltmp11:
0x4de: {  	s8 =	sadd.s32 $0x5, s8;
	(pc) =	sbr.rel @p0 .LBB2_25-.Ltmp11, $2  }
0x4df: {  	_ =	sdelay $0x2  }
0x4e0: {  	s13 =	sadd.s32 $0x30, s13;
	s30 =	sadd.s32 s16, s0  }
0x4e1: {  	s29 =	sadd.s32 $0x1, s29  }
0x4e2: {  	p0 =	sne.s32 s29, $0x40  }
.Ltmp12:
0x4e3: {  	_ = 	snop;
	(pc) =	sbr.rel @p0 .LBB2_2-.Ltmp12, $4  }
0x4e4: {  	[hbm4b:s30+s2] =	stream.linear.scatter [tilespmem:s1], [sflag:$0xB], $0x28, $0x38;
	[tilespmem:$0x1D600] =	vst v63  }
0x4e5: {  	_ =	swait.ge [sflag:s14], $0x5000  }
0x4e6: {  	[sflag:s14] =	ssyncset.done $0x0  }
0x4e7: {  	[sflag:s14] =	ssyncadd.s32 $0xFFFFB000  }
0x4e8: {  	s1 =	rddreg [dreg:$0x4]  }
0x4e9: {  	s0 =	rddreg [dreg:$0x3];
	s1 =	sadd.s32 $0x1, s1  }
0x4ea: {  	p0 =	sne.s32 s1, s0  }
.Ltmp13:
0x4eb: {  	_ = 	snop;
	(pc) =	sbr.rel @p0 .LBB2_1-.Ltmp13, $1  }
0x4ec: {  	_ =	sdelay $0x3  }
0x4ed: {  	_ =	sfence.sel $0x180000  }
0x4ee: {  	[bflag:$0x0] =	sbarrier.arrive $0xFFFF  }
0x4ef: {  	_ =	strace $0x90000047  }
0x4f0: {  	s0 =	stileid.u32;
	[bflag:$0x2] =	sbarrier.arrive $0xFFFF  }
0x4f1: {  	p0 =	sne.s32 s0, $0x0;
	s0 =	rddreg [dreg:$0x2]  }
0x4f2: {  	s0 =	sadd.s32 @!p0 $0x100000, s0  }
0x4f3: {  	[sflag:s0] =	ssyncadd.tile.s32 @!p0 $0x1;
	_ =	shalt  }
.Lfunc_end2:
_tile_overlayer_lowered:
.L_overlay_start_2:
0x4f4: {  	(tag) =	ssettag $0x2  }
0x4f5: {  	s0 =	rddreg [dreg:$0x0];
	s2 =	stileid.u32  }
0x4f6: {  	s1 =	rddreg [dreg:$0x1];
	p0 =	sne.s32 s2, $0x0  }
0x4f7: {  	s3 =	rddreg [dreg:$0x2];
	[bflag:$0x3] =	sbarrier.arrive $0xFFFF;
	s2 =	simm.s32 @!p0 $0x1C0B  }
0x4f8: {  	[timem:s3], [sflag:s2] =	dma.local @!p0 [hbm:s0], s1  }
0x4f9: {  	s0 =	simm.s32 @!p0 $0xB  }
0x4fa: {  	_ =	swait.ge @!p0 [sflag:s0], s1  }
0x4fb: {  	s1 =	ssub.s32 @!p0 $0x0, s1;
	[sflag:s0] =	ssyncset.done @!p0 $0x0  }
0x4fc: {  	[sflag:s0] =	ssyncadd.s32 @!p0 s1  }
0x4fd: {  	[bflag:$0x3] =	sbarrier.arrive $0xFFFF  }
0x4fe: {  	_ =	shalt  }

// kernel: sparse-core-data-format-call.cloned.1.call-start
scs
called_computation_lowered:
.L_overlay_start_0:
0x0: {  	s2 =	sld [smem:$0x3FD9]  }
0x1: {  	s3 =	sld [smem:$0x3FFE];
	_ =	sdelay $0x1  }
0x2: {  	s1 =	srdreg.scid  }
0x3: {  	s0 =	sand.u32 $0x1, s1  }
0x4: {  	s18 =	sshll.u32 s0, $0xA;
	s2 =	sadd.s32 s3, s2  }
0x5: {  	s2 =	sadd.s32 s2, s18  }
0x6: {  	[smem:$0x3FC1] =	sst s2  }
0x7: {  	_ = 	snop  }
0x8: {  	s2 =	sld [smem:$0x3FD0];
	(tm) =	ssettm $0x1  }
0x9: {  	s19 =	sld [smem:$0x3FFB];
	_ =	sdelay $0x3  }
0xa: {  	_ =	strace s19  }
0xb: {  	s3 =	sld [smem:$0x3FFC];
	_ =	sdelay $0x3  }
0xc: {  	_ =	strace s3  }
0xd: {  	s3 =	sld [smem:$0x3FFD];
	_ =	sdelay $0x3  }
0xe: {  	_ =	strace s3  }
0xf: {  	_ =	strace $0x8FFFFFFF  }
0x10: {  	s20 =	sld [smem:$0x3FDB];
	_ =	sdelay $0x1  }
0x11: {  	s4 =	simm.s32 $_scs_section_size  }
0x12: {  	s5 =	simm.s32 $_size__tile_overlayer_lowered;
	s6 =	simm.s32 $_tile_overlayer_lowered  }
0x13: {  	s23 =	simm.s32 $0x1BFF;
	s22 =	sshll.u32 s6, $0x1;
	s3 =	sadd.s32 s4, s20  }
0x14: {  	s7 =	simm.s32 $0x0;
	s21 =	sshll.u32 s5, $0x1;
	s5 =	sadd.s32 s22, s3  }
0x15: {  	[timem:s7], [sflag:s23] =	dma.local [hbm:s5], s21  }
0x16: {  	_ =	swait.ge [sflag:s23], s21  }
0x17: {  	s4 =	ssub.s32 $0x0, s21;
	[sflag:s23] =	ssyncset.done $0x0  }
0x18: {  	[sflag:s23] =	ssyncadd.s32 s4;
	_ =	sdelay $0x1  }
0x19: {  	s24 =	simm.s32 $0x1B8B  }
0x1a: {  	_ =	swait.ge [sflag:s24], $0x1  }
0x1b: {  	[sflag:s24] =	ssyncset.done $0x0  }
0x1c: {  	s26 =	simm.s32 $0x1B8E;
	s25 =	sld [smem:$0x3FFE];
	[sflag:s24] =	ssyncadd.s32 $0xFFFFFFFF  }
0x1d: {  	s27 =	simm.s32 $execute0_lowered;
	[smem:$0x3FD2] =	sst s26  }
0x1e: {  	s5 =	sshll.u32 s27, $0x1;
	_ =	strace $0x80000049;
	[dreg:$0x1] =	wrdreg $0xFFFFFFFF  }
0x1f: {  	s28 =	simm.s32 $_size_execute0_lowered;
	s3 =	sadd.s32 s3, s5;
	[dreg:$0x0] =	wrdreg $0x0  }
0x20: {  	s5 =	sshll.u32 s28, $0x1;
	[dreg:$0x2] =	wrdreg s3  }
0x21: {  	[dreg:$0x3] =	wrdreg s5  }
0x22: {  	[dreg:$0x4] =	wrdreg $0xC0  }
0x23: {  	_ =	task [dreg:s7], $0x5FFFF  }
0x24: {  	[dreg:$0x1] =	wrdreg $0xFFFFFFFF  }
0x25: {  	[dreg:$0x0] =	wrdreg $0x60  }
0x26: {  	[dreg:$0x2] =	wrdreg s25  }
0x27: {  	[dreg:$0x3] =	wrdreg s2  }
0x28: {  	[dreg:$0x4] =	wrdreg $0x9  }
0x29: {  	_ =	task.clear_ibuf [dreg:s7], $0x5FFFF;
	_ =	strace $0x90000049  }
0x2a: {  	s29 =	simm.s32 $0x9;
	_ =	strace $0x8000004B  }
0x2b: {  	_ =	swait.ge [sflag:s29], $0x1  }
0x2c: {  	[sflag:s29] =	ssyncadd.s32 $0xFFFFFFFF  }
0x2d: {  	_ =	strace $0x9000004B  }
0x2e: {  	_ =	sfence  }
0x2f: {  	s30 =	sld [smem:$0x0];
	_ =	sdelay $0x2  }
0x30: {  	s31 =	sshll.u32 s1, $0xD;
	s1 =	sshrl.u32 s1, $0x2  }
0x31: {  	s3 =	sand.u32 $0x4000, s31;
	s1 =	sadd.s32 s1, s30  }
0x32: {  	s0 =	sor.u32 s3, s0;
	s1 =	sshll.u32 s1, $0x11  }
0x33: {  	s0 =	sor.u32 s1, s0  }
0x34: {  	s0 =	sadd.s32 $0x8F2B, s0  }
0x35: {  	[sflag:s0] =	ssyncadd.remote.s32 $0x1  }
0x36: {  	_ =	sfence.sel $0xFFFF  }
0x37: {  	[dreg:$0x0] =	wrdreg $0xFFFFFFFF;
	(pc) =	sbr.abs _section_cstart, $3  }
0x38: {  	[dreg:$0x1] =	wrdreg $0xFFFFFFFF  }
0x39: {  	_ =	task.clear_ibuf [dreg:s7], $0x2FFFF;
	_ =	strace $0x9FFFFFFF  }
0x3a: {  	(tm) =	ssettm $0x7FFFFFFF  }
0x3b: {  	_ =	shalt  }
tec
execute0_lowered:
.L_overlay_start_1:
0x0: {  	(tag) =	ssettag $0x1  }
0x1: {  	s0 =	srdreg.scid  }
0x2: {  	s5 =	rddreg [dreg:$0x0];
	s1 =	sshll.u32 s0, $0x4  }
0x3: {  	s2 =	rddreg [dreg:$0x1];
	s0 =	stileid.u32;
	s1 =	sand.u32 $0x10, s1  }
0x4: {  	s4 =	simm.s32 $0x1;
	s8 =	simm.s32 $0x2;
	s1 =	sor.u32 s0, s1  }
0x5: {  	s12 =	simm.s32 $0x0;
	s9 =	simm.s32 $0x0;
	s3 =	sshll.u32 s1, $0x7  }
0x6: {  	s11 =	simm.s32 $0x0;
	s5 =	sadd.s32 $0xE00, s5;
	s6 =	ssub.s32 $0x100000, s3  }
.Ltmp0:
0x7: {  	s1 =	rddreg [dreg:$0x2];
	s7 =	sand.u32 $0xF80, s6;
	(pc) =	sbr.rel .LBB1_1-.Ltmp0, $4  }
0x8: {  	_ =	strace $0x8000004A;
	p0 =	sne.s32 s7, $0x0;
	s7 =	simm.s32 $0x1  }
0x9: {  	[sflag:s4] =	ssyncpa.u1 $0x0;
	s6 =	sshrl.u32 s6, $0xC;
	s7 =	simm.s32 @!p0 $0x0  }
0xa: {  	s10 =	smov.u32 s3;
	[sflag:s8] =	ssyncpa.u1 $0x0;
	s6 =	sadd.s32 s7, s6  }
0xb: {  	s8 =	simm.s32 $0x800000;
	p0 =	por $0x0, $0x0;
	s7 =	sadd.s32 $0x1, s6  }
.LBB1_4:
0xc: {  	s15 =	sshll.u32 s9, $0x3  }
0xd: {  	p1 =	sgt.s32 s9, $0xFFF80;
	s18 =	smov.u32 s9;
	s16 =	sshrl.u32 s15, $0x14  }
0xe: {  	s19 =	sshra.s32 s9, $0x1F;
	s28 =	sand.u32 $0x78, s9;
	s17 =	smul.u32 $0xCCD, s16  }
0xf: {  	s29 =	sand.u32 $0x7, s9;
	s18 =	simm.s32 @!p1 $0xFFF80;
	s19 =	sand.u32 s19, s9  }
0x10: {  	s15 =	sand.u32 $0xFFC00, s15;
	s18 =	ssub.s32 s18, s19;
	s17 =	sshrl.u32 s17, $0x11  }
0x11: {  	s15 =	sor.u32 s28, s15;
	s20 =	ssub.s32 $0x100000, s18;
	s17 =	smul.u32 $0x28, s17  }
0x12: {  	s18 =	sadd.s32 $0xFFF00080, s18;
	s15 =	sshrl.u32 s15, $0x3;
	s20 =	smul.u32 $0xA0, s20  }
0x13: {  	[tilespmem:s14+$0x810 ss:$0x81] =	vst.msk $0xffff, v2;
	p1 =	sgt.s32 s18, $0x7F;
	s15 =	sadd.s32 s2, s15;
	s16 =	ssub.s32 s16, s17  }
0x14: {  	[tilespmem:s14+$0x1020 ss:$0x81] =	vst.msk $0xffff, v0;
	s18 =	sshll.u32 s29, $0x12;
	s17 =	sshrl.u32 s20, $0x2;
	s16 =	sshll.u32 s16, $0x11  }
0x15: {  	[tilespmem:s14+$0x0 ss:$0x81] =	vst.msk $0xffff, v1;
	s31 =	sor.u32 $0x400, s18;
	s17 =	simm.s32 @p1 $0x0;
	s30 =	sadd.s32 s16, s15  }
0x16: {  	[hbm4b:s30+s31] =	stream.strided.scatter [tilespmem:s13], [sflag:$0x2], s17, s8, s31, $0x20;
	[tilespmem:$0x8080] =	vst v63  }
.LBB1_5:
0x17: {  	p1 =	slt.u32 s11, $0x2  }
0x18: {  	p2 =	sgt.s32 @!p1 s12, $0xFFF80  }
0x19: {  	s13 =	smov.u32 s12;
	s14 =	sshra.s32 @!p1 s12, $0x1F;
	p2 =	por !p2, p1  }
0x1a: {  	s12 =	sand.u32 @!p1 s14, s12;
	s13 =	simm.s32 @p2 $0xFFF80  }
0x1b: {  	s12 =	ssub.s32 @!p1 s13, s12  }
0x1c: {  	s13 =	ssub.s32 @!p1 $0x100000, s12  }
0x1d: {  	s12 =	sadd.s32 @!p1 $0xFFF00080, s12;
	s13 =	smul.u32 @!p1 $0xA0, s13  }
0x1e: {  	p2 =	sgt.s32 @!p1 s12, $0x7F  }
0x1f: {  	s14 =	sadd.s32 $0x1000, s10;
	p2 =	por !p2, p1;
	s12 =	sshrl.u32 @!p1 s13, $0x2  }
0x20: {  	s12 =	simm.s32 @!p2 $0x0;
	p2 =	sgt.s32 s14, $0xFFFFF  }
0x21: {  	s14 =	smov.u32 @p2 s3;
	p2 =	sne.s32 s11, s7  }
.Ltmp1:
0x22: {  	_ = 	snop;
	(pc) =	sbr.rel @!p2 .LBB1_6-.Ltmp1, $4  }
0x23: {  	s13 =	simm.s32 @!p1 $0x2  }
0x24: {  	p0 =	por !p0, !p0;
	_ =	swait.ge @!p1 [sflag:s13], s12;
	s15 =	ssub.s32 @!p1 $0x0, s12  }
0x25: {  	s12 =	smov.u32 s9;
	s11 =	sadd.s32 $0x1, s11;
	[sflag:s13] =	ssyncset.done @!p1 $0x0  }
0x26: {  	s9 =	smov.u32 s10;
	s10 =	smov.u32 s14;
	[sflag:s13] =	ssyncadd.s32 @!p1 s15  }
.LBB1_1:
0x27: {  	p1 =	sge.u32 s11, s6  }
0x28: {  	s31 =	sadd.s32 $0xFFFFFFFF, s11;
	s13 =	sxor.u32 @!p1 $0xFFFFFFFF, s11;
	s14 =	sshll.u32 @!p1 s10, $0x4  }
0x29: {  	s15 =	simm.s32 @!p1 $0x40;
	s13 =	sshll.u32 @!p1 s13, $0xD;
	s14 =	sand.u32 @!p1 $0xFFFFF0, s14  }
0x2a: {  	s16 =	simm.s32 @!p1 $0x80;
	s13 =	sand.u32 @!p1 $0x2000, s13;
	s14 =	sadd.s32 @!p1 s5, s14  }
0x2b: {  	[tilespmem:s13], [sflag:$0x1] =	stream.strided.gather @!p1 [hbm4b:s14+s15], $0x2000, s16, s15, $0x38;
	[tilespmem:$0x8080] =	vst v63  }
0x2c: {  	p1 =	sge.u32 s31, s6  }
.Ltmp2:
0x2d: {  	_ = 	snop;
	(pc) =	sbr.rel @p1 .LBB1_5-.Ltmp2, $1  }
0x2e: {  	_ =	sdelay $0x3  }
0x2f: {  	s13 =	simm.s32 $0x1  }
0x30: {  	_ =	swait.ge [sflag:s4], $0x2000;
	s13 =	simm.s32 @!p0 $0x0  }
0x31: {  	[sflag:s4] =	ssyncset.done $0x0;
	s14 =	sshll.u32 s13, $0xD  }
0x32: {  	[sflag:s4] =	ssyncadd.s32 $0xFFFFE000;
	s17 =	sor.u32 $0x20, s14  }
0x33: {  	s13 =	smul.u32 $0x8100, s13;
	v3 =	vld [tilespmem:s17+$0x10]  }
0x34: {  	s30 =	sand.u32 $0x1, s11;
	v2 =	vld [tilespmem:s17+$0xFFFFFFF0]  }
0x35: {  	s14 =	smul.u32 $0x8100, s30;
	s13 =	sshrl.u32 s13, $0x2;
	v0 =	vld [tilespmem:s17+$0x0]  }
0x36: {  	v1 =	vld [tilespmem:s17+$0xFFFFFFE0];
	s15 =	sor.u32 $0x4000, s13  }
0x37: {  	s31 =	sshrl.u32 s14, $0x2;
	s14 =	sadd.s32 $0x0, s15  }
0x38: {  	s16 =	simm.s32 $0x4;
	s17 =	sadd.s32 $0x40, s17;
	s13 =	sor.u32 $0x4000, s31;
	[tilespmem:s14+$0x1830 ss:$0x81] =	vst.msk $0xffff, v3  }
.LBB1_3:
0x39: {  	v3 =	vld [tilespmem:s17+$0x10];
	p1 =	sne.s32 s16, $0x1FC;
	[tilespmem:s14+$0x810 ss:$0x81] =	vst.msk $0xffff, v2;
	s18 =	smov.u32 s16;
	s16 =	sadd.s32 $0x4, s16  }
.Ltmp3:
0x3a: {  	v2 =	vld [tilespmem:s17+$0xFFFFFFF0];
	[tilespmem:s14+$0x1020 ss:$0x81] =	vst.msk $0xffff, v0;
	(pc) =	sbr.rel @p1 .LBB1_3-.Ltmp3, $4  }
0x3b: {  	v0 =	vld [tilespmem:s17+$0x0];
	[tilespmem:s14+$0x0 ss:$0x81] =	vst.msk $0xffff, v1  }
0x3c: {  	s14 =	sshra.s32 s18, $0x2;
	v1 =	vld [tilespmem:s17+$0xFFFFFFE0]  }
0x3d: {  	s14 =	sadd.s32 s14, s15  }
0x3e: {  	s17 =	sadd.s32 $0x40, s17;
	[tilespmem:s14+$0x1830 ss:$0x81] =	vst.msk $0xffff, v3  }
.Ltmp4:
0x3f: {  	_ = 	snop;
	(pc) =	sbr.rel .LBB1_4-.Ltmp4, $1  }
0x40: {  	_ =	sdelay $0x3  }
.LBB1_6:
0x41: {  	_ =	sfence.sel $0x180000  }
0x42: {  	s2 =	simm.s32 $0x1;
	[bflag:$0x0] =	sbarrier.arrive $0xFFFF  }
0x43: {  	s31 =	simm.s32 $0x2;
	[sflag:s2] =	ssyncpa.u1 $0x1  }
0x44: {  	[sflag:s31] =	ssyncpa.u1 $0x1  }
0x45: {  	p0 =	sne.s32 s0, $0x0;
	_ =	strace $0x9000004A  }
0x46: {  	s0 =	sadd.s32 @!p0 $0x100000, s1;
	[bflag:$0x2] =	sbarrier.arrive $0xFFFF  }
0x47: {  	[sflag:s0] =	ssyncadd.tile.s32 @!p0 $0x1;
	_ =	shalt  }
.Lfunc_end1:
_tile_overlayer_lowered:
.L_overlay_start_2:
0x48: {  	(tag) =	ssettag $0x2  }
0x49: {  	s0 =	rddreg [dreg:$0x0];
	s2 =	stileid.u32  }
0x4a: {  	s1 =	rddreg [dreg:$0x1];
	p0 =	sne.s32 s2, $0x0  }
0x4b: {  	s3 =	rddreg [dreg:$0x2];
	[bflag:$0x3] =	sbarrier.arrive $0xFFFF;
	s2 =	simm.s32 @!p0 $0x1C01  }
0x4c: {  	[timem:s3], [sflag:s2] =	dma.local @!p0 [hbm:s0], s1  }
0x4d: {  	s0 =	simm.s32 @!p0 $0x1  }
0x4e: {  	_ =	swait.ge @!p0 [sflag:s0], s1  }
0x4f: {  	s1 =	ssub.s32 @!p0 $0x0, s1;
	[sflag:s0] =	ssyncset.done @!p0 $0x0  }
0x50: {  	[sflag:s0] =	ssyncadd.s32 @!p0 s1  }
0x51: {  	[bflag:$0x3] =	sbarrier.arrive $0xFFFF  }
0x52: {  	_ =	shalt  }

</sc_bundles>
